<compile_context>
chip_gen: v7x
topology: tpu7x:2x2x1
jax: 0.10.2.dev20260603
libtpu: 0.0.44.dev20260713+nightly
codegen_flags: <defaults>
</compile_context>

<pallas_src>
import functools

import jax
import jax.numpy as jnp
from jax import lax
from jax.experimental import pallas as pl
from jax.experimental.pallas import tpu as pltpu
from jax.experimental.pallas import tpu_sc as plsc


_NW = 32
_K = 80
_LANES = 16
_PAD = 17


def _pack_rows(y):
    w = y.shape[1] // 2
    u = lax.bitcast_convert_type(y.astype(jnp.bfloat16), jnp.uint16)
    lo = u[:, :w].astype(jnp.uint32)
    hi = u[:, w:].astype(jnp.uint32) << 16
    return lax.bitcast_convert_type(lo | hi, jnp.int32)


def _prep_body(x_ref, r_ref, xn_ref, rb_ref):
    xv = x_ref[...]
    n = jnp.sqrt(jnp.sum(xv * xv, axis=1, keepdims=True))
    xn_ref[...] = _pack_rows(xv / jnp.maximum(n, 1e-12))
    rb_ref[...] = _pack_rows(r_ref[...])


def _dot3(s_buf, o_buf, r_buf, e, j):
    sb, ob, rb = (
        plsc.bitcast(buf[e, pl.ds(j * _LANES, _LANES)], jnp.bfloat16)
        for buf in (s_buf, o_buf, r_buf))
    ta, tb = plsc.unpack(sb * ob * rb, format=plsc.PackFormat.INTERLEAVED,
                         preferred_element_type=jnp.float32)
    return ta + tb


def _score_body(n_w, e_w, xn_hbm, r_hbm, ei_hbm, et_hbm, out_hbm,
                src_v, dst_v, et_v, sA, oA, rA, sB, oB, rB, tmp_v, out_v,
                semA, semB):
    wid = lax.axis_index("s") * 2 + lax.axis_index("c")
    base = wid * e_w
    pltpu.sync_copy(ei_hbm.at[0, pl.ds(base, e_w)], src_v)
    pltpu.sync_copy(ei_hbm.at[1, pl.ds(base, e_w)], dst_v)
    pltpu.sync_copy(et_hbm.at[pl.ds(base, e_w)], et_v)
    n_chunks = e_w // _K
    lane17 = lax.iota(jnp.int32, _LANES) * _PAD
    bufs = {0: (sA, oA, rA, semA), 1: (sB, oB, rB, semB)}

    def copies(i, p):
        s_buf, o_buf, r_buf, sem = bufs[p]
        off = i * _K
        return (
            pltpu.make_async_copy(
                xn_hbm.at[src_v.at[pl.ds(off, _K)]], s_buf, sem),
            pltpu.make_async_copy(
                xn_hbm.at[dst_v.at[pl.ds(off, _K)]], o_buf, sem),
            pltpu.make_async_copy(
                r_hbm.at[et_v.at[pl.ds(off, _K)]], r_buf, sem),
        )

    def compute(i, p):
        s_buf, o_buf, r_buf, _ = bufs[p]
        off = i * _K

        @pl.loop(0, _K // _LANES)
        def _group(g):
            for l in range(_LANES):
                e = g * _LANES + l
                acc = _dot3(s_buf, o_buf, r_buf, e, 0)
                for j in range(1, n_w // _LANES):
                    acc = acc + _dot3(s_buf, o_buf, r_buf, e, j)
                tmp_v[pl.ds(l * _PAD, _LANES)] = acc
            scores = plsc.load_gather(tmp_v, [lane17])
            for k in range(1, _LANES):
                scores = scores + plsc.load_gather(tmp_v, [lane17 + k])
            out_v[pl.ds(off + g * _LANES, _LANES)] = scores

    for c in copies(0, 0):
        c.start()

    @pl.loop(0, (n_chunks + 1) // 2)
    def _pair(h):
        i0 = 2 * h
        i1 = i0 + 1

        @pl.when(i1 < n_chunks)
        def _():
            for c in copies(i1, 1):
                c.start()

        for c in copies(i0, 0):
            c.wait()
        compute(i0, 0)

        @pl.when(i1 < n_chunks)
        def _():
            @pl.when(i1 + 1 < n_chunks)
            def _():
                for c in copies(i1 + 1, 0):
                    c.start()

            for c in copies(i1, 1):
                c.wait()
            compute(i1, 1)

    pltpu.sync_copy(out_v, out_hbm.at[pl.ds(base, e_w)])


def kernel(x, edge_index, edge_type, R_diagonal):
    n_nodes, n_ch = x.shape
    n_rel = R_diagonal.shape[0]
    n_edges = edge_index.shape[1]
    n_w = n_ch // 2

    xn_w, r_w = pl.pallas_call(
        _prep_body,
        out_shape=(
            jax.ShapeDtypeStruct((n_nodes, n_w), jnp.int32),
            jax.ShapeDtypeStruct((n_rel, n_w), jnp.int32),
        ),
    )(x, R_diagonal)

    ei = edge_index.astype(jnp.int32)
    et = edge_type.astype(jnp.int32)

    e_w = n_edges // _NW
    mesh = plsc.VectorSubcoreMesh(core_axis_name="c", subcore_axis_name="s")
    score = pl.kernel(
        functools.partial(_score_body, n_w, e_w),
        out_type=jax.ShapeDtypeStruct((n_edges,), jnp.float32),
        mesh=mesh,
        compiler_params=pltpu.CompilerParams(needs_layout_passes=False,
                                             use_tc_tiling_on_sc=False),
        scratch_types=[
            pltpu.VMEM((e_w,), jnp.int32),
            pltpu.VMEM((e_w,), jnp.int32),
            pltpu.VMEM((e_w,), jnp.int32),
            pltpu.VMEM((_K, n_w), jnp.int32),
            pltpu.VMEM((_K, n_w), jnp.int32),
            pltpu.VMEM((_K, n_w), jnp.int32),
            pltpu.VMEM((_K, n_w), jnp.int32),
            pltpu.VMEM((_K, n_w), jnp.int32),
            pltpu.VMEM((_K, n_w), jnp.int32),
            pltpu.VMEM((_LANES * _PAD,), jnp.float32),
            pltpu.VMEM((e_w,), jnp.float32),
            pltpu.SemaphoreType.DMA,
            pltpu.SemaphoreType.DMA,
        ],
    )(xn_w, r_w, ei, et)
    return score

# --- scband reference (transcript-rebuilt; emitter-appended) ---
"""Pipeline reference for scband-dist-mult-decoder-84885733638364 (READ-ONLY COPY).

The authoritative reference and input builder live on the scoring server;
editing this copy changes nothing except your own understanding.
"""

import jax, jax.numpy as jnp
import numpy as np


def _normalize(v, axis=1, eps=1e-12):
    # Faithful to torch.nn.functional.normalize(p=2, dim=axis, eps=eps)
    n = jnp.linalg.norm(v, ord=2, axis=axis, keepdims=True)
    return v / jnp.maximum(n, eps)


def setup_inputs(seed: int = 0) -> dict:
    key = jax.random.key(seed)
    k1, k2, k3, k4 = jax.random.split(key, 4)
    n_nodes = 10000
    n_edges = 320000
    n_relations = 1024
    n_channels = 128
    x = jax.random.normal(k1, (n_nodes, n_channels), dtype=jnp.float32)
    edge_index = jax.random.randint(k2, (2, n_edges), 0, n_nodes, dtype=jnp.int64)
    edge_type = jax.random.randint(k3, (n_edges,), 0, n_relations, dtype=jnp.int64)
    R_diagonal = jax.random.normal(k4, (n_relations, n_channels), dtype=jnp.float32)
    return {"x": x, "edge_index": edge_index, "edge_type": edge_type, "R_diagonal": R_diagonal}


def reference(x, edge_index, edge_type, R_diagonal):
    s = _normalize(jnp.take(x, edge_index[0, :], axis=0), axis=1)
    r = jnp.take(R_diagonal, edge_type, axis=0)
    o = _normalize(jnp.take(x, edge_index[1, :], axis=0), axis=1)
    score = jnp.sum(s * r * o, axis=1)
    return score

if __name__ == "__main__":
    import jax
    _d = setup_inputs()
    print(jax.jit(kernel)(*tuple(_d.values())))

</pallas_src>

<mosaic_0001>
#map = affine_map<(d0, d1) -> (0, 0)>
#map1 = affine_map<(d0, d1) -> (0)>
module attributes {stable_mosaic.version = 14 : i64} {
  func.func @_score_body(%arg0: i32, %arg1: i32, %arg2: memref<10000x64xi32, #tpu.memory_space<hbm>>, %arg3: memref<1024x64xi32, #tpu.memory_space<hbm>>, %arg4: memref<2x320000xi32, #tpu.memory_space<hbm>>, %arg5: memref<320000xi32, #tpu.memory_space<hbm>>, %arg6: memref<320000xf32, #tpu.memory_space<hbm>>, %arg7: memref<10000xi32, #tpu.memory_space<vmem>>, %arg8: memref<10000xi32, #tpu.memory_space<vmem>>, %arg9: memref<10000xi32, #tpu.memory_space<vmem>>, %arg10: memref<80x64xi32, #tpu.memory_space<vmem>>, %arg11: memref<80x64xi32, #tpu.memory_space<vmem>>, %arg12: memref<80x64xi32, #tpu.memory_space<vmem>>, %arg13: memref<80x64xi32, #tpu.memory_space<vmem>>, %arg14: memref<80x64xi32, #tpu.memory_space<vmem>>, %arg15: memref<80x64xi32, #tpu.memory_space<vmem>>, %arg16: memref<272xf32, #tpu.memory_space<vmem>>, %arg17: memref<10000xf32, #tpu.memory_space<vmem>>, %arg18: memref<!tpu.dma_semaphore, #tpu.memory_space<semaphore_mem>>, %arg19: memref<!tpu.dma_semaphore, #tpu.memory_space<semaphore_mem>>) attributes {dimension_semantics = [#tpu.dimension_semantics<core_parallel>, #tpu.dimension_semantics<subcore_parallel>], iteration_bounds = array<i64: 2, 16>, scalar_prefetch = 0 : i64, scratch_operands = 13 : i64, tpu.core_type = #tpu.core_type<sc_vector_subcore>, window_params = [{transform_indices = #map}, {transform_indices = #map}, {transform_indices = #map}, {transform_indices = #map1}, {transform_indices = #map1}]} {
    %mul3A = arith.constant 2 : i32
    %mul3A_0 = arith.muli %arg1, %mul3A : i32
    %add3A = arith.addi %mul3A_0, %arg0 : i32
    %mul3A_1 = arith.constant 10000 : i32
    %mul3A_2 = arith.muli %add3A, %mul3A_1 : i32
    %run_scoped3A = arith.constant 0 : i32
    "tpu.region"() ({
      %run_scoped3A_25 = tpu.sem_alloc : memref<!tpu.dma_semaphore, #tpu.memory_space<semaphore_mem>>
      %dma_start3A_26 = tpu.memref_slice %arg4[%run_scoped3A, %mul3A_2] : memref<2x320000xi32, #tpu.memory_space<hbm>> -> memref<1x10000xi32, #tpu.memory_space<hbm>>
      %dma_start3A_27 = tpu.memref_squeeze %dma_start3A_26 : memref<1x10000xi32, #tpu.memory_space<hbm>> -> memref<10000xi32, #tpu.memory_space<hbm>>
      %dma_start3A_28 = tpu.memref_slice %arg4[%run_scoped3A, %mul3A_2] : memref<2x320000xi32, #tpu.memory_space<hbm>> -> memref<1x10000xi32, #tpu.memory_space<hbm>>
      %dma_start3A_29 = tpu.memref_squeeze %dma_start3A_28 : memref<1x10000xi32, #tpu.memory_space<hbm>> -> memref<10000xi32, #tpu.memory_space<hbm>>
      tpu.enqueue_dma source(%dma_start3A_29 : memref<10000xi32, #tpu.memory_space<hbm>>) target(%arg7 : memref<10000xi32, #tpu.memory_space<vmem>>) target_semaphore(%run_scoped3A_25 : memref<!tpu.dma_semaphore, #tpu.memory_space<semaphore_mem>>)
      %dma_wait3A = tpu.memref_slice %arg4[%run_scoped3A, %mul3A_2] : memref<2x320000xi32, #tpu.memory_space<hbm>> -> memref<1x10000xi32, #tpu.memory_space<hbm>>
      %dma_wait3A_30 = tpu.memref_squeeze %dma_wait3A : memref<1x10000xi32, #tpu.memory_space<hbm>> -> memref<10000xi32, #tpu.memory_space<hbm>>
      %dma_wait3A_31 = tpu.memref_slice %arg4[%run_scoped3A, %mul3A_2] : memref<2x320000xi32, #tpu.memory_space<hbm>> -> memref<1x10000xi32, #tpu.memory_space<hbm>>
      %dma_wait3A_32 = tpu.memref_squeeze %dma_wait3A_31 : memref<1x10000xi32, #tpu.memory_space<hbm>> -> memref<10000xi32, #tpu.memory_space<hbm>>
      tpu.wait_dma2 semaphore(%run_scoped3A_25 : memref<!tpu.dma_semaphore, #tpu.memory_space<semaphore_mem>>) src(%dma_wait3A_32 : memref<10000xi32, #tpu.memory_space<hbm>>) dst(%arg7 : memref<10000xi32, #tpu.memory_space<vmem>>)
      tpu.yield
    }) : () -> ()
    %run_scoped3A_3 = arith.constant 1 : i32
    "tpu.region"() ({
      %run_scoped3A_25 = tpu.sem_alloc : memref<!tpu.dma_semaphore, #tpu.memory_space<semaphore_mem>>
      %dma_start3A_26 = tpu.memref_slice %arg4[%run_scoped3A_3, %mul3A_2] : memref<2x320000xi32, #tpu.memory_space<hbm>> -> memref<1x10000xi32, #tpu.memory_space<hbm>>
      %dma_start3A_27 = tpu.memref_squeeze %dma_start3A_26 : memref<1x10000xi32, #tpu.memory_space<hbm>> -> memref<10000xi32, #tpu.memory_space<hbm>>
      %dma_start3A_28 = tpu.memref_slice %arg4[%run_scoped3A_3, %mul3A_2] : memref<2x320000xi32, #tpu.memory_space<hbm>> -> memref<1x10000xi32, #tpu.memory_space<hbm>>
      %dma_start3A_29 = tpu.memref_squeeze %dma_start3A_28 : memref<1x10000xi32, #tpu.memory_space<hbm>> -> memref<10000xi32, #tpu.memory_space<hbm>>
      tpu.enqueue_dma source(%dma_start3A_29 : memref<10000xi32, #tpu.memory_space<hbm>>) target(%arg8 : memref<10000xi32, #tpu.memory_space<vmem>>) target_semaphore(%run_scoped3A_25 : memref<!tpu.dma_semaphore, #tpu.memory_space<semaphore_mem>>)
      %dma_wait3A = tpu.memref_slice %arg4[%run_scoped3A_3, %mul3A_2] : memref<2x320000xi32, #tpu.memory_space<hbm>> -> memref<1x10000xi32, #tpu.memory_space<hbm>>
      %dma_wait3A_30 = tpu.memref_squeeze %dma_wait3A : memref<1x10000xi32, #tpu.memory_space<hbm>> -> memref<10000xi32, #tpu.memory_space<hbm>>
      %dma_wait3A_31 = tpu.memref_slice %arg4[%run_scoped3A_3, %mul3A_2] : memref<2x320000xi32, #tpu.memory_space<hbm>> -> memref<1x10000xi32, #tpu.memory_space<hbm>>
      %dma_wait3A_32 = tpu.memref_squeeze %dma_wait3A_31 : memref<1x10000xi32, #tpu.memory_space<hbm>> -> memref<10000xi32, #tpu.memory_space<hbm>>
      tpu.wait_dma2 semaphore(%run_scoped3A_25 : memref<!tpu.dma_semaphore, #tpu.memory_space<semaphore_mem>>) src(%dma_wait3A_32 : memref<10000xi32, #tpu.memory_space<hbm>>) dst(%arg8 : memref<10000xi32, #tpu.memory_space<vmem>>)
      tpu.yield
    }) : () -> ()
    "tpu.region"() ({
      %run_scoped3A_25 = tpu.sem_alloc : memref<!tpu.dma_semaphore, #tpu.memory_space<semaphore_mem>>
      %dma_start3A_26 = tpu.memref_slice %arg5[%mul3A_2] : memref<320000xi32, #tpu.memory_space<hbm>> -> memref<10000xi32, #tpu.memory_space<hbm>>
      %dma_start3A_27 = tpu.memref_slice %arg5[%mul3A_2] : memref<320000xi32, #tpu.memory_space<hbm>> -> memref<10000xi32, #tpu.memory_space<hbm>>
      tpu.enqueue_dma source(%dma_start3A_27 : memref<10000xi32, #tpu.memory_space<hbm>>) target(%arg9 : memref<10000xi32, #tpu.memory_space<vmem>>) target_semaphore(%run_scoped3A_25 : memref<!tpu.dma_semaphore, #tpu.memory_space<semaphore_mem>>)
      %dma_wait3A = tpu.memref_slice %arg5[%mul3A_2] : memref<320000xi32, #tpu.memory_space<hbm>> -> memref<10000xi32, #tpu.memory_space<hbm>>
      %dma_wait3A_28 = tpu.memref_slice %arg5[%mul3A_2] : memref<320000xi32, #tpu.memory_space<hbm>> -> memref<10000xi32, #tpu.memory_space<hbm>>
      tpu.wait_dma2 semaphore(%run_scoped3A_25 : memref<!tpu.dma_semaphore, #tpu.memory_space<semaphore_mem>>) src(%dma_wait3A_28 : memref<10000xi32, #tpu.memory_space<hbm>>) dst(%arg9 : memref<10000xi32, #tpu.memory_space<vmem>>)
      tpu.yield
    }) : () -> ()
    %iota3A = tpu.iota {dimensions = array<i32: 0>} : vector<16xi32>
    %mul3A_4 = arith.constant 17 : i32
    %mul3A_5 = vector.broadcast %mul3A_4 : i32 to vector<16xi32>
    %mul3A_6 = arith.muli %iota3A, %mul3A_5 : vector<16xi32>
    %dma_start3A = arith.constant 0 : i32
    %dma_start3A_7 = tpu.memref_slice %arg7[%dma_start3A] : memref<10000xi32, #tpu.memory_space<vmem>> -> memref<80xi32, #tpu.memory_space<vmem>>
    %dma_start3A_8 = arith.constant 0 : i32
    %dma_start3A_9 = arith.constant 0 : i32
    %dma_start3A_10 = tpu.memref_slice %arg2[%dma_start3A_8, %dma_start3A_9] : memref<10000x64xi32, #tpu.memory_space<hbm>> -> memref<10000x64xi32, #tpu.memory_space<hbm>>
    tpu.enqueue_indirect_dma source(%dma_start3A_10 : memref<10000x64xi32, #tpu.memory_space<hbm>>) target(%arg10 : memref<80x64xi32, #tpu.memory_space<vmem>>) offsets(%dma_start3A_7 : memref<80xi32, #tpu.memory_space<vmem>>) semaphore(%arg18 : memref<!tpu.dma_semaphore, #tpu.memory_space<semaphore_mem>>)
    %dma_start3A_11 = arith.constant 0 : i32
    %dma_start3A_12 = tpu.memref_slice %arg8[%dma_start3A_11] : memref<10000xi32, #tpu.memory_space<vmem>> -> memref<80xi32, #tpu.memory_space<vmem>>
    %dma_start3A_13 = arith.constant 0 : i32
    %dma_start3A_14 = arith.constant 0 : i32
    %dma_start3A_15 = tpu.memref_slice %arg2[%dma_start3A_13, %dma_start3A_14] : memref<10000x64xi32, #tpu.memory_space<hbm>> -> memref<10000x64xi32, #tpu.memory_space<hbm>>
    tpu.enqueue_indirect_dma source(%dma_start3A_15 : memref<10000x64xi32, #tpu.memory_space<hbm>>) target(%arg11 : memref<80x64xi32, #tpu.memory_space<vmem>>) offsets(%dma_start3A_12 : memref<80xi32, #tpu.memory_space<vmem>>) semaphore(%arg18 : memref<!tpu.dma_semaphore, #tpu.memory_space<semaphore_mem>>)
    %dma_start3A_16 = arith.constant 0 : i32
    %dma_start3A_17 = tpu.memref_slice %arg9[%dma_start3A_16] : memref<10000xi32, #tpu.memory_space<vmem>> -> memref<80xi32, #tpu.memory_space<vmem>>
    %dma_start3A_18 = arith.constant 0 : i32
    %dma_start3A_19 = arith.constant 0 : i32
    %dma_start3A_20 = tpu.memref_slice %arg3[%dma_start3A_18, %dma_start3A_19] : memref<1024x64xi32, #tpu.memory_space<hbm>> -> memref<1024x64xi32, #tpu.memory_space<hbm>>
    tpu.enqueue_indirect_dma source(%dma_start3A_20 : memref<1024x64xi32, #tpu.memory_space<hbm>>) target(%arg12 : memref<80x64xi32, #tpu.memory_space<vmem>>) offsets(%dma_start3A_17 : memref<80xi32, #tpu.memory_space<vmem>>) semaphore(%arg18 : memref<!tpu.dma_semaphore, #tpu.memory_space<semaphore_mem>>)
    %scan3A = arith.constant 0 : i32
    %scan3A_21 = arith.constant 63 : i32
    %scan3A_22 = arith.addi %scan3A, %scan3A_21 : i32
    %scan3A_23 = arith.constant 1 : i32
    scf.for %scan3A_25 = %scan3A to %scan3A_22 step %scan3A_23  : i32 {
      %mul3A_26 = arith.constant 1 : i32
      %mul3A_27 = arith.muli %scan3A_25, %mul3A_26 : i32
      %add3A_28 = arith.constant 0 : i32
      %add3A_29 = arith.addi %add3A_28, %mul3A_27 : i32
      %mul3A_30 = arith.constant 2 : i32
      %mul3A_31 = arith.muli %mul3A_30, %add3A_29 : i32
      %add3A_32 = arith.constant 1 : i32
      %add3A_33 = arith.addi %mul3A_31, %add3A_32 : i32
      %lt3A = arith.constant 125 : i32
      %lt3A_34 = arith.cmpi slt, %add3A_33, %lt3A : i32
      %convert_element_type3A = arith.extui %lt3A_34 : i1 to i32
      %cond3A = arith.constant 0 : i32
      %cond3A_35 = arith.cmpi ne, %convert_element_type3A, %cond3A : i32
      scf.if %cond3A_35 {
        %mul3A_61 = arith.constant 80 : i32
        %mul3A_62 = arith.muli %add3A_33, %mul3A_61 : i32
        %dma_start3A_63 = tpu.memref_slice %arg7[%mul3A_62] : memref<10000xi32, #tpu.memory_space<vmem>> -> memref<80xi32, #tpu.memory_space<vmem>>
        %dma_start3A_64 = arith.constant 0 : i32
        %dma_start3A_65 = arith.constant 0 : i32
        %dma_start3A_66 = tpu.memref_slice %arg2[%dma_start3A_64, %dma_start3A_65] : memref<10000x64xi32, #tpu.memory_space<hbm>> -> memref<10000x64xi32, #tpu.memory_space<hbm>>
        tpu.enqueue_indirect_dma source(%dma_start3A_66 : memref<10000x64xi32, #tpu.memory_space<hbm>>) target(%arg13 : memref<80x64xi32, #tpu.memory_space<vmem>>) offsets(%dma_start3A_63 : memref<80xi32, #tpu.memory_space<vmem>>) semaphore(%arg19 : memref<!tpu.dma_semaphore, #tpu.memory_space<semaphore_mem>>)
        %dma_start3A_67 = tpu.memref_slice %arg8[%mul3A_62] : memref<10000xi32, #tpu.memory_space<vmem>> -> memref<80xi32, #tpu.memory_space<vmem>>
        %dma_start3A_68 = arith.constant 0 : i32
        %dma_start3A_69 = arith.constant 0 : i32
        %dma_start3A_70 = tpu.memref_slice %arg2[%dma_start3A_68, %dma_start3A_69] : memref<10000x64xi32, #tpu.memory_space<hbm>> -> memref<10000x64xi32, #tpu.memory_space<hbm>>
        tpu.enqueue_indirect_dma source(%dma_start3A_70 : memref<10000x64xi32, #tpu.memory_space<hbm>>) target(%arg14 : memref<80x64xi32, #tpu.memory_space<vmem>>) offsets(%dma_start3A_67 : memref<80xi32, #tpu.memory_space<vmem>>) semaphore(%arg19 : memref<!tpu.dma_semaphore, #tpu.memory_space<semaphore_mem>>)
        %dma_start3A_71 = tpu.memref_slice %arg9[%mul3A_62] : memref<10000xi32, #tpu.memory_space<vmem>> -> memref<80xi32, #tpu.memory_space<vmem>>
        %dma_start3A_72 = arith.constant 0 : i32
        %dma_start3A_73 = arith.constant 0 : i32
        %dma_start3A_74 = tpu.memref_slice %arg3[%dma_start3A_72, %dma_start3A_73] : memref<1024x64xi32, #tpu.memory_space<hbm>> -> memref<1024x64xi32, #tpu.memory_space<hbm>>
        tpu.enqueue_indirect_dma source(%dma_start3A_74 : memref<1024x64xi32, #tpu.memory_space<hbm>>) target(%arg15 : memref<80x64xi32, #tpu.memory_space<vmem>>) offsets(%dma_start3A_71 : memref<80xi32, #tpu.memory_space<vmem>>) semaphore(%arg19 : memref<!tpu.dma_semaphore, #tpu.memory_space<semaphore_mem>>)
      } else {
      }
      %mul3A_36 = arith.constant 80 : i32
      %mul3A_37 = arith.muli %mul3A_31, %mul3A_36 : i32
      %dma_wait3A = tpu.memref_slice %arg7[%mul3A_37] : memref<10000xi32, #tpu.memory_space<vmem>> -> memref<80xi32, #tpu.memory_space<vmem>>
      %dma_wait3A_38 = arith.constant 0 : i32
      %dma_wait3A_39 = arith.constant 0 : i32
      %dma_wait3A_40 = tpu.memref_slice %arg2[%dma_wait3A_38, %dma_wait3A_39] : memref<10000x64xi32, #tpu.memory_space<hbm>> -> memref<10000x64xi32, #tpu.memory_space<hbm>>
      tpu.wait_indirect_dma semaphore(%arg18 : memref<!tpu.dma_semaphore, #tpu.memory_space<semaphore_mem>>) src(%dma_wait3A_40 : memref<10000x64xi32, #tpu.memory_space<hbm>>) dst(%arg10 : memref<80x64xi32, #tpu.memory_space<vmem>>)
      %dma_wait3A_41 = tpu.memref_slice %arg8[%mul3A_37] : memref<10000xi32, #tpu.memory_space<vmem>> -> memref<80xi32, #tpu.memory_space<vmem>>
      %dma_wait3A_42 = arith.constant 0 : i32
      %dma_wait3A_43 = arith.constant 0 : i32
      %dma_wait3A_44 = tpu.memref_slice %arg2[%dma_wait3A_42, %dma_wait3A_43] : memref<10000x64xi32, #tpu.memory_space<hbm>> -> memref<10000x64xi32, #tpu.memory_space<hbm>>
      tpu.wait_indirect_dma semaphore(%arg18 : memref<!tpu.dma_semaphore, #tpu.memory_space<semaphore_mem>>) src(%dma_wait3A_44 : memref<10000x64xi32, #tpu.memory_space<hbm>>) dst(%arg11 : memref<80x64xi32, #tpu.memory_space<vmem>>)
      %dma_wait3A_45 = tpu.memref_slice %arg9[%mul3A_37] : memref<10000xi32, #tpu.memory_space<vmem>> -> memref<80xi32, #tpu.memory_space<vmem>>
      %dma_wait3A_46 = arith.constant 0 : i32
      %dma_wait3A_47 = arith.constant 0 : i32
      %dma_wait3A_48 = tpu.memref_slice %arg3[%dma_wait3A_46, %dma_wait3A_47] : memref<1024x64xi32, #tpu.memory_space<hbm>> -> memref<1024x64xi32, #tpu.memory_space<hbm>>
      tpu.wait_indirect_dma semaphore(%arg18 : memref<!tpu.dma_semaphore, #tpu.memory_space<semaphore_mem>>) src(%dma_wait3A_48 : memref<1024x64xi32, #tpu.memory_space<hbm>>) dst(%arg12 : memref<80x64xi32, #tpu.memory_space<vmem>>)
      %mul3A_49 = arith.constant 80 : i32
      %mul3A_50 = arith.muli %mul3A_31, %mul3A_49 : i32
      %scan3A_51 = arith.constant 0 : i32
      %scan3A_52 = arith.constant 5 : i32
      %scan3A_53 = arith.addi %scan3A_51, %scan3A_52 : i32
      %scan3A_54 = arith.constant 1 : i32
      scf.for %scan3A_61 = %scan3A_51 to %scan3A_53 step %scan3A_54  : i32 {
        %mul3A_62 = arith.constant 1 : i32
        %mul3A_63 = arith.muli %scan3A_61, %mul3A_62 : i32
        %add3A_64 = arith.constant 0 : i32
        %add3A_65 = arith.addi %add3A_64, %mul3A_63 : i32
        %mul3A_66 = arith.constant 16 : i32
        %mul3A_67 = arith.muli %add3A_65, %mul3A_66 : i32
        %add3A_68 = arith.constant 0 : i32
        %add3A_69 = arith.addi %mul3A_67, %add3A_68 : i32
        %get3A = arith.index_cast %add3A_69 : i32 to index
        %get3A_70 = arith.constant 0 : index
        %get3A_71 = tpu.vector_load %arg10[%get3A, %get3A_70] {strides = array<i32>} : memref<80x64xi32, #tpu.memory_space<vmem>>, vector<16xi32>,
        %bitcast3A = vector.bitcast %get3A_71 : vector<16xi32> to vector<32xbf16>
        %get3A_72 = arith.index_cast %add3A_69 : i32 to index
        %get3A_73 = arith.constant 0 : index
        %get3A_74 = tpu.vector_load %arg11[%get3A_72, %get3A_73] {strides = array<i32>} : memref<80x64xi32, #tpu.memory_space<vmem>>, vector<16xi32>,
        %bitcast3A_75 = vector.bitcast %get3A_74 : vector<16xi32> to vector<32xbf16>
        %get3A_76 = arith.index_cast %add3A_69 : i32 to index
        %get3A_77 = arith.constant 0 : index
        %get3A_78 = tpu.vector_load %arg12[%get3A_76, %get3A_77] {strides = array<i32>} : memref<80x64xi32, #tpu.memory_space<vmem>>, vector<16xi32>,
        %bitcast3A_79 = vector.bitcast %get3A_78 : vector<16xi32> to vector<32xbf16>
        %mul3A_80 = arith.mulf %bitcast3A, %bitcast3A_75 : vector<32xbf16>
        %mul3A_81 = arith.mulf %mul3A_80, %bitcast3A_79 : vector<32xbf16>
        %unpack3A = tpu.unpack_subelements %mul3A_81, 0 {pack_format = #tpu.pack_format<interleaved>} : vector<32xbf16> -> vector<16xf32>
        %unpack3A_82 = tpu.unpack_subelements %mul3A_81, 1 {pack_format = #tpu.pack_format<interleaved>} : vector<32xbf16> -> vector<16xf32>
        %add3A_83 = arith.addf %unpack3A, %unpack3A_82 : vector<16xf32>
        %get3A_84 = arith.index_cast %add3A_69 : i32 to index
        %get3A_85 = arith.constant 16 : index
        %get3A_86 = tpu.vector_load %arg10[%get3A_84, %get3A_85] {strides = array<i32>} : memref<80x64xi32, #tpu.memory_space<vmem>>, vector<16xi32>,
        %bitcast3A_87 = vector.bitcast %get3A_86 : vector<16xi32> to vector<32xbf16>
        %get3A_88 = arith.index_cast %add3A_69 : i32 to index
        %get3A_89 = arith.constant 16 : index
        %get3A_90 = tpu.vector_load %arg11[%get3A_88, %get3A_89] {strides = array<i32>} : memref<80x64xi32, #tpu.memory_space<vmem>>, vector<16xi32>,
        %bitcast3A_91 = vector.bitcast %get3A_90 : vector<16xi32> to vector<32xbf16>
        %get3A_92 = arith.index_cast %add3A_69 : i32 to index
        %get3A_93 = arith.constant 16 : index
        %get3A_94 = tpu.vector_load %arg12[%get3A_92, %get3A_93] {strides = array<i32>} : memref<80x64xi32, #tpu.memory_space<vmem>>, vector<16xi32>,
        %bitcast3A_95 = vector.bitcast %get3A_94 : vector<16xi32> to vector<32xbf16>
        %mul3A_96 = arith.mulf %bitcast3A_87, %bitcast3A_91 : vector<32xbf16>
        %mul3A_97 = arith.mulf %mul3A_96, %bitcast3A_95 : vector<32xbf16>
        %unpack3A_98 = tpu.unpack_subelements %mul3A_97, 0 {pack_format = #tpu.pack_format<interleaved>} : vector<32xbf16> -> vector<16xf32>
        %unpack3A_99 = tpu.unpack_subelements %mul3A_97, 1 {pack_format = #tpu.pack_format<interleaved>} : vector<32xbf16> -> vector<16xf32>
        %add3A_100 = arith.addf %unpack3A_98, %unpack3A_99 : vector<16xf32>
        %add3A_101 = arith.addf %add3A_83, %add3A_100 : vector<16xf32>
        %get3A_102 = arith.index_cast %add3A_69 : i32 to index
        %get3A_103 = arith.constant 32 : index
        %get3A_104 = tpu.vector_load %arg10[%get3A_102, %get3A_103] {strides = array<i32>} : memref<80x64xi32, #tpu.memory_space<vmem>>, vector<16xi32>,
        %bitcast3A_105 = vector.bitcast %get3A_104 : vector<16xi32> to vector<32xbf16>
        %get3A_106 = arith.index_cast %add3A_69 : i32 to index
        %get3A_107 = arith.constant 32 : index
        %get3A_108 = tpu.vector_load %arg11[%get3A_106, %get3A_107] {strides = array<i32>} : memref<80x64xi32, #tpu.memory_space<vmem>>, vector<16xi32>,
        %bitcast3A_109 = vector.bitcast %get3A_108 : vector<16xi32> to vector<32xbf16>
        %get3A_110 = arith.index_cast %add3A_69 : i32 to index
        %get3A_111 = arith.constant 32 : index
        %get3A_112 = tpu.vector_load %arg12[%get3A_110, %get3A_111] {strides = array<i32>} : memref<80x64xi32, #tpu.memory_space<vmem>>, vector<16xi32>,
        %bitcast3A_113 = vector.bitcast %get3A_112 : vector<16xi32> to vector<32xbf16>
        %mul3A_114 = arith.mulf %bitcast3A_105, %bitcast3A_109 : vector<32xbf16>
        %mul3A_115 = arith.mulf %mul3A_114, %bitcast3A_113 : vector<32xbf16>
        %unpack3A_116 = tpu.unpack_subelements %mul3A_115, 0 {pack_format = #tpu.pack_format<interleaved>} : vector<32xbf16> -> vector<16xf32>
        %unpack3A_117 = tpu.unpack_subelements %mul3A_115, 1 {pack_format = #tpu.pack_format<interleaved>} : vector<32xbf16> -> vector<16xf32>
        %add3A_118 = arith.addf %unpack3A_116, %unpack3A_117 : vector<16xf32>
        %add3A_119 = arith.addf %add3A_101, %add3A_118 : vector<16xf32>
        %get3A_120 = arith.index_cast %add3A_69 : i32 to index
        %get3A_121 = arith.constant 48 : index
        %get3A_122 = tpu.vector_load %arg10[%get3A_120, %get3A_121] {strides = array<i32>} : memref<80x64xi32, #tpu.memory_space<vmem>>, vector<16xi32>,
        %bitcast3A_123 = vector.bitcast %get3A_122 : vector<16xi32> to vector<32xbf16>
        %get3A_124 = arith.index_cast %add3A_69 : i32 to index
        %get3A_125 = arith.constant 48 : index
        %get3A_126 = tpu.vector_load %arg11[%get3A_124, %get3A_125] {strides = array<i32>} : memref<80x64xi32, #tpu.memory_space<vmem>>, vector<16xi32>,
        %bitcast3A_127 = vector.bitcast %get3A_126 : vector<16xi32> to vector<32xbf16>
        %get3A_128 = arith.index_cast %add3A_69 : i32 to index
        %get3A_129 = arith.constant 48 : index
        %get3A_130 = tpu.vector_load %arg12[%get3A_128, %get3A_129] {strides = array<i32>} : memref<80x64xi32, #tpu.memory_space<vmem>>, vector<16xi32>,
        %bitcast3A_131 = vector.bitcast %get3A_130 : vector<16xi32> to vector<32xbf16>
        %mul3A_132 = arith.mulf %bitcast3A_123, %bitcast3A_127 : vector<32xbf16>
        %mul3A_133 = arith.mulf %mul3A_132, %bitcast3A_131 : vector<32xbf16>
        %unpack3A_134 = tpu.unpack_subelements %mul3A_133, 0 {pack_format = #tpu.pack_format<interleaved>} : vector<32xbf16> -> vector<16xf32>
        %unpack3A_135 = tpu.unpack_subelements %mul3A_133, 1 {pack_format = #tpu.pack_format<interleaved>} : vector<32xbf16> -> vector<16xf32>
        %add3A_136 = arith.addf %unpack3A_134, %unpack3A_135 : vector<16xf32>
        %add3A_137 = arith.addf %add3A_119, %add3A_136 : vector<16xf32>
        %swap3A = arith.constant 0 : index
        %swap3A_138 = tpu.vector_load %arg16[%swap3A] {strides = array<i32>} : memref<272xf32, #tpu.memory_space<vmem>>, vector<16xf32>,
        tpu.vector_store %arg16[%swap3A], %add3A_137 {strides = array<i32>} : memref<272xf32, #tpu.memory_space<vmem>>, vector<16xf32>,
        %mul3A_139 = arith.constant 16 : i32
        %mul3A_140 = arith.muli %add3A_65, %mul3A_139 : i32
        %add3A_141 = arith.constant 1 : i32
        %add3A_142 = arith.addi %mul3A_140, %add3A_141 : i32
        %get3A_143 = arith.index_cast %add3A_142 : i32 to index
        %get3A_144 = arith.constant 0 : index
        %get3A_145 = tpu.vector_load %arg10[%get3A_143, %get3A_144] {strides = array<i32>} : memref<80x64xi32, #tpu.memory_space<vmem>>, vector<16xi32>,
        %bitcast3A_146 = vector.bitcast %get3A_145 : vector<16xi32> to vector<32xbf16>
        %get3A_147 = arith.index_cast %add3A_142 : i32 to index
        %get3A_148 = arith.constant 0 : index
        %get3A_149 = tpu.vector_load %arg11[%get3A_147, %get3A_148] {strides = array<i32>} : memref<80x64xi32, #tpu.memory_space<vmem>>, vector<16xi32>,
        %bitcast3A_150 = vector.bitcast %get3A_149 : vector<16xi32> to vector<32xbf16>
        %get3A_151 = arith.index_cast %add3A_142 : i32 to index
        %get3A_152 = arith.constant 0 : index
        %get3A_153 = tpu.vector_load %arg12[%get3A_151, %get3A_152] {strides = array<i32>} : memref<80x64xi32, #tpu.memory_space<vmem>>, vector<16xi32>,
        %bitcast3A_154 = vector.bitcast %get3A_153 : vector<16xi32> to vector<32xbf16>
        %mul3A_155 = arith.mulf %bitcast3A_146, %bitcast3A_150 : vector<32xbf16>
        %mul3A_156 = arith.mulf %mul3A_155, %bitcast3A_154 : vector<32xbf16>
        %unpack3A_157 = tpu.unpack_subelements %mul3A_156, 0 {pack_format = #tpu.pack_format<interleaved>} : vector<32xbf16> -> vector<16xf32>
        %unpack3A_158 = tpu.unpack_subelements %mul3A_156, 1 {pack_format = #tpu.pack_format<interleaved>} : vector<32xbf16> -> vector<16xf32>
        %add3A_159 = arith.addf %unpack3A_157, %unpack3A_158 : vector<16xf32>
        %get3A_160 = arith.index_cast %add3A_142 : i32 to index
        %get3A_161 = arith.constant 16 : index
        %get3A_162 = tpu.vector_load %arg10[%get3A_160, %get3A_161] {strides = array<i32>} : memref<80x64xi32, #tpu.memory_space<vmem>>, vector<16xi32>,
        %bitcast3A_163 = vector.bitcast %get3A_162 : vector<16xi32> to vector<32xbf16>
        %get3A_164 = arith.index_cast %add3A_142 : i32 to index
        %get3A_165 = arith.constant 16 : index
        %get3A_166 = tpu.vector_load %arg11[%get3A_164, %get3A_165] {strides = array<i32>} : memref<80x64xi32, #tpu.memory_space<vmem>>, vector<16xi32>,
        %bitcast3A_167 = vector.bitcast %get3A_166 : vector<16xi32> to vector<32xbf16>
        %get3A_168 = arith.index_cast %add3A_142 : i32 to index
        %get3A_169 = arith.constant 16 : index
        %get3A_170 = tpu.vector_load %arg12[%get3A_168, %get3A_169] {strides = array<i32>} : memref<80x64xi32, #tpu.memory_space<vmem>>, vector<16xi32>,
        %bitcast3A_171 = vector.bitcast %get3A_170 : vector<16xi32> to vector<32xbf16>
        %mul3A_172 = arith.mulf %bitcast3A_163, %bitcast3A_167 : vector<32xbf16>
        %mul3A_173 = arith.mulf %mul3A_172, %bitcast3A_171 : vector<32xbf16>
        %unpack3A_174 = tpu.unpack_subelements %mul3A_173, 0 {pack_format = #tpu.pack_format<interleaved>} : vector<32xbf16> -> vector<16xf32>
        %unpack3A_175 = tpu.unpack_subelements %mul3A_173, 1 {pack_format = #tpu.pack_format<interleaved>} : vector<32xbf16> -> vector<16xf32>
        %add3A_176 = arith.addf %unpack3A_174, %unpack3A_175 : vector<16xf32>
        %add3A_177 = arith.addf %add3A_159, %add3A_176 : vector<16xf32>
        %get3A_178 = arith.index_cast %add3A_142 : i32 to index
        %get3A_179 = arith.constant 32 : index
        %get3A_180 = tpu.vector_load %arg10[%get3A_178, %get3A_179] {strides = array<i32>} : memref<80x64xi32, #tpu.memory_space<vmem>>, vector<16xi32>,
        %bitcast3A_181 = vector.bitcast %get3A_180 : vector<16xi32> to vector<32xbf16>
        %get3A_182 = arith.index_cast %add3A_142 : i32 to index
        %get3A_183 = arith.constant 32 : index
        %get3A_184 = tpu.vector_load %arg11[%get3A_182, %get3A_183] {strides = array<i32>} : memref<80x64xi32, #tpu.memory_space<vmem>>, vector<16xi32>,
        %bitcast3A_185 = vector.bitcast %get3A_184 : vector<16xi32> to vector<32xbf16>
        %get3A_186 = arith.index_cast %add3A_142 : i32 to index
        %get3A_187 = arith.constant 32 : index
        %get3A_188 = tpu.vector_load %arg12[%get3A_186, %get3A_187] {strides = array<i32>} : memref<80x64xi32, #tpu.memory_space<vmem>>, vector<16xi32>,
        %bitcast3A_189 = vector.bitcast %get3A_188 : vector<16xi32> to vector<32xbf16>
        %mul3A_190 = arith.mulf %bitcast3A_181, %bitcast3A_185 : vector<32xbf16>
        %mul3A_191 = arith.mulf %mul3A_190, %bitcast3A_189 : vector<32xbf16>
        %unpack3A_192 = tpu.unpack_subelements %mul3A_191, 0 {pack_format = #tpu.pack_format<interleaved>} : vector<32xbf16> -> vector<16xf32>
        %unpack3A_193 = tpu.unpack_subelements %mul3A_191, 1 {pack_format = #tpu.pack_format<interleaved>} : vector<32xbf16> -> vector<16xf32>
        %add3A_194 = arith.addf %unpack3A_192, %unpack3A_193 : vector<16xf32>
        %add3A_195 = arith.addf %add3A_177, %add3A_194 : vector<16xf32>
        %get3A_196 = arith.index_cast %add3A_142 : i32 to index
        %get3A_197 = arith.constant 48 : index
        %get3A_198 = tpu.vector_load %arg10[%get3A_196, %get3A_197] {strides = array<i32>} : memref<80x64xi32, #tpu.memory_space<vmem>>, vector<16xi32>,
        %bitcast3A_199 = vector.bitcast %get3A_198 : vector<16xi32> to vector<32xbf16>
        %get3A_200 = arith.index_cast %add3A_142 : i32 to index
        %get3A_201 = arith.constant 48 : index
        %get3A_202 = tpu.vector_load %arg11[%get3A_200, %get3A_201] {strides = array<i32>} : memref<80x64xi32, #tpu.memory_space<vmem>>, vector<16xi32>,
        %bitcast3A_203 = vector.bitcast %get3A_202 : vector<16xi32> to vector<32xbf16>
        %get3A_204 = arith.index_cast %add3A_142 : i32 to index
        %get3A_205 = arith.constant 48 : index
        %get3A_206 = tpu.vector_load %arg12[%get3A_204, %get3A_205] {strides = array<i32>} : memref<80x64xi32, #tpu.memory_space<vmem>>, vector<16xi32>,
        %bitcast3A_207 = vector.bitcast %get3A_206 : vector<16xi32> to vector<32xbf16>
        %mul3A_208 = arith.mulf %bitcast3A_199, %bitcast3A_203 : vector<32xbf16>
        %mul3A_209 = arith.mulf %mul3A_208, %bitcast3A_207 : vector<32xbf16>
        %unpack3A_210 = tpu.unpack_subelements %mul3A_209, 0 {pack_format = #tpu.pack_format<interleaved>} : vector<32xbf16> -> vector<16xf32>
        %unpack3A_211 = tpu.unpack_subelements %mul3A_209, 1 {pack_format = #tpu.pack_format<interleaved>} : vector<32xbf16> -> vector<16xf32>
        %add3A_212 = arith.addf %unpack3A_210, %unpack3A_211 : vector<16xf32>
        %add3A_213 = arith.addf %add3A_195, %add3A_212 : vector<16xf32>
        %swap3A_214 = arith.constant 17 : index
        %swap3A_215 = tpu.vector_load %arg16[%swap3A_214] {strides = array<i32>} : memref<272xf32, #tpu.memory_space<vmem>>, vector<16xf32>,
        tpu.vector_store %arg16[%swap3A_214], %add3A_213 {strides = array<i32>} : memref<272xf32, #tpu.memory_space<vmem>>, vector<16xf32>,
        %mul3A_216 = arith.constant 16 : i32
        %mul3A_217 = arith.muli %add3A_65, %mul3A_216 : i32
        %add3A_218 = arith.constant 2 : i32
        %add3A_219 = arith.addi %mul3A_217, %add3A_218 : i32
        %get3A_220 = arith.index_cast %add3A_219 : i32 to index
        %get3A_221 = arith.constant 0 : index
        %get3A_222 = tpu.vector_load %arg10[%get3A_220, %get3A_221] {strides = array<i32>} : memref<80x64xi32, #tpu.memory_space<vmem>>, vector<16xi32>,
        %bitcast3A_223 = vector.bitcast %get3A_222 : vector<16xi32> to vector<32xbf16>
        %get3A_224 = arith.index_cast %add3A_219 : i32 to index
        %get3A_225 = arith.constant 0 : index
        %get3A_226 = tpu.vector_load %arg11[%get3A_224, %get3A_225] {strides = array<i32>} : memref<80x64xi32, #tpu.memory_space<vmem>>, vector<16xi32>,
        %bitcast3A_227 = vector.bitcast %get3A_226 : vector<16xi32> to vector<32xbf16>
        %get3A_228 = arith.index_cast %add3A_219 : i32 to index
        %get3A_229 = arith.constant 0 : index
        %get3A_230 = tpu.vector_load %arg12[%get3A_228, %get3A_229] {strides = array<i32>} : memref<80x64xi32, #tpu.memory_space<vmem>>, vector<16xi32>,
        %bitcast3A_231 = vector.bitcast %get3A_230 : vector<16xi32> to vector<32xbf16>
        %mul3A_232 = arith.mulf %bitcast3A_223, %bitcast3A_227 : vector<32xbf16>
        %mul3A_233 = arith.mulf %mul3A_232, %bitcast3A_231 : vector<32xbf16>
        %unpack3A_234 = tpu.unpack_subelements %mul3A_233, 0 {pack_format = #tpu.pack_format<interleaved>} : vector<32xbf16> -> vector<16xf32>
        %unpack3A_235 = tpu.unpack_subelements %mul3A_233, 1 {pack_format = #tpu.pack_format<interleaved>} : vector<32xbf16> -> vector<16xf32>
        %add3A_236 = arith.addf %unpack3A_234, %unpack3A_235 : vector<16xf32>
        %get3A_237 = arith.index_cast %add3A_219 : i32 to index
        %get3A_238 = arith.constant 16 : index
        %get3A_239 = tpu.vector_load %arg10[%get3A_237, %get3A_238] {strides = array<i32>} : memref<80x64xi32, #tpu.memory_space<vmem>>, vector<16xi32>,
        %bitcast3A_240 = vector.bitcast %get3A_239 : vector<16xi32> to vector<32xbf16>
        %get3A_241 = arith.index_cast %add3A_219 : i32 to index
        %get3A_242 = arith.constant 16 : index
        %get3A_243 = tpu.vector_load %arg11[%get3A_241, %get3A_242] {strides = array<i32>} : memref<80x64xi32, #tpu.memory_space<vmem>>, vector<16xi32>,
        %bitcast3A_244 = vector.bitcast %get3A_243 : vector<16xi32> to vector<32xbf16>
        %get3A_245 = arith.index_cast %add3A_219 : i32 to index
        %get3A_246 = arith.constant 16 : index
        %get3A_247 = tpu.vector_load %arg12[%get3A_245, %get3A_246] {strides = array<i32>} : memref<80x64xi32, #tpu.memory_space<vmem>>, vector<16xi32>,
        %bitcast3A_248 = vector.bitcast %get3A_247 : vector<16xi32> to vector<32xbf16>
        %mul3A_249 = arith.mulf %bitcast3A_240, %bitcast3A_244 : vector<32xbf16>
        %mul3A_250 = arith.mulf %mul3A_249, %bitcast3A_248 : vector<32xbf16>
        %unpack3A_251 = tpu.unpack_subelements %mul3A_250, 0 {pack_format = #tpu.pack_format<interleaved>} : vector<32xbf16> -> vector<16xf32>
        %unpack3A_252 = tpu.unpack_subelements %mul3A_250, 1 {pack_format = #tpu.pack_format<interleaved>} : vector<32xbf16> -> vector<16xf32>
        %add3A_253 = arith.addf %unpack3A_251, %unpack3A_252 : vector<16xf32>
        %add3A_254 = arith.addf %add3A_236, %add3A_253 : vector<16xf32>
        %get3A_255 = arith.index_cast %add3A_219 : i32 to index
        %get3A_256 = arith.constant 32 : index
        %get3A_257 = tpu.vector_load %arg10[%get3A_255, %get3A_256] {strides = array<i32>} : memref<80x64xi32, #tpu.memory_space<vmem>>, vector<16xi32>,
        %bitcast3A_258 = vector.bitcast %get3A_257 : vector<16xi32> to vector<32xbf16>
        %get3A_259 = arith.index_cast %add3A_219 : i32 to index
        %get3A_260 = arith.constant 32 : index
        %get3A_261 = tpu.vector_load %arg11[%get3A_259, %get3A_260] {strides = array<i32>} : memref<80x64xi32, #tpu.memory_space<vmem>>, vector<16xi32>,
        %bitcast3A_262 = vector.bitcast %get3A_261 : vector<16xi32> to vector<32xbf16>
        %get3A_263 = arith.index_cast %add3A_219 : i32 to index
        %get3A_264 = arith.constant 32 : index
        %get3A_265 = tpu.vector_load %arg12[%get3A_263, %get3A_264] {strides = array<i32>} : memref<80x64xi32, #tpu.memory_space<vmem>>, vector<16xi32>,
        %bitcast3A_266 = vector.bitcast %get3A_265 : vector<16xi32> to vector<32xbf16>
        %mul3A_267 = arith.mulf %bitcast3A_258, %bitcast3A_262 : vector<32xbf16>
        %mul3A_268 = arith.mulf %mul3A_267, %bitcast3A_266 : vector<32xbf16>
        %unpack3A_269 = tpu.unpack_subelements %mul3A_268, 0 {pack_format = #tpu.pack_format<interleaved>} : vector<32xbf16> -> vector<16xf32>
        %unpack3A_270 = tpu.unpack_subelements %mul3A_268, 1 {pack_format = #tpu.pack_format<interleaved>} : vector<32xbf16> -> vector<16xf32>
        %add3A_271 = arith.addf %unpack3A_269, %unpack3A_270 : vector<16xf32>
        %add3A_272 = arith.addf %add3A_254, %add3A_271 : vector<16xf32>
        %get3A_273 = arith.index_cast %add3A_219 : i32 to index
        %get3A_274 = arith.constant 48 : index
        %get3A_275 = tpu.vector_load %arg10[%get3A_273, %get3A_274] {strides = array<i32>} : memref<80x64xi32, #tpu.memory_space<vmem>>, vector<16xi32>,
        %bitcast3A_276 = vector.bitcast %get3A_275 : vector<16xi32> to vector<32xbf16>
        %get3A_277 = arith.index_cast %add3A_219 : i32 to index
        %get3A_278 = arith.constant 48 : index
        %get3A_279 = tpu.vector_load %arg11[%get3A_277, %get3A_278] {strides = array<i32>} : memref<80x64xi32, #tpu.memory_space<vmem>>, vector<16xi32>,
        %bitcast3A_280 = vector.bitcast %get3A_279 : vector<16xi32> to vector<32xbf16>
        %get3A_281 = arith.index_cast %add3A_219 : i32 to index
        %get3A_282 = arith.constant 48 : index
        %get3A_283 = tpu.vector_load %arg12[%get3A_281, %get3A_282] {strides = array<i32>} : memref<80x64xi32, #tpu.memory_space<vmem>>, vector<16xi32>,
        %bitcast3A_284 = vector.bitcast %get3A_283 : vector<16xi32> to vector<32xbf16>
        %mul3A_285 = arith.mulf %bitcast3A_276, %bitcast3A_280 : vector<32xbf16>
        %mul3A_286 = arith.mulf %mul3A_285, %bitcast3A_284 : vector<32xbf16>
        %unpack3A_287 = tpu.unpack_subelements %mul3A_286, 0 {pack_format = #tpu.pack_format<interleaved>} : vector<32xbf16> -> vector<16xf32>
        %unpack3A_288 = tpu.unpack_subelements %mul3A_286, 1 {pack_format = #tpu.pack_format<interleaved>} : vector<32xbf16> -> vector<16xf32>
        %add3A_289 = arith.addf %unpack3A_287, %unpack3A_288 : vector<16xf32>
        %add3A_290 = arith.addf %add3A_272, %add3A_289 : vector<16xf32>
        %swap3A_291 = arith.constant 34 : index
        %swap3A_292 = tpu.vector_load %arg16[%swap3A_291] {strides = array<i32>} : memref<272xf32, #tpu.memory_space<vmem>>, vector<16xf32>,
        tpu.vector_store %arg16[%swap3A_291], %add3A_290 {strides = array<i32>} : memref<272xf32, #tpu.memory_space<vmem>>, vector<16xf32>,
        %mul3A_293 = arith.constant 16 : i32
        %mul3A_294 = arith.muli %add3A_65, %mul3A_293 : i32
        %add3A_295 = arith.constant 3 : i32
        %add3A_296 = arith.addi %mul3A_294, %add3A_295 : i32
        %get3A_297 = arith.index_cast %add3A_296 : i32 to index
        %get3A_298 = arith.constant 0 : index
        %get3A_299 = tpu.vector_load %arg10[%get3A_297, %get3A_298] {strides = array<i32>} : memref<80x64xi32, #tpu.memory_space<vmem>>, vector<16xi32>,
        %bitcast3A_300 = vector.bitcast %get3A_299 : vector<16xi32> to vector<32xbf16>
        %get3A_301 = arith.index_cast %add3A_296 : i32 to index
        %get3A_302 = arith.constant 0 : index
        %get3A_303 = tpu.vector_load %arg11[%get3A_301, %get3A_302] {strides = array<i32>} : memref<80x64xi32, #tpu.memory_space<vmem>>, vector<16xi32>,
        %bitcast3A_304 = vector.bitcast %get3A_303 : vector<16xi32> to vector<32xbf16>
        %get3A_305 = arith.index_cast %add3A_296 : i32 to index
        %get3A_306 = arith.constant 0 : index
        %get3A_307 = tpu.vector_load %arg12[%get3A_305, %get3A_306] {strides = array<i32>} : memref<80x64xi32, #tpu.memory_space<vmem>>, vector<16xi32>,
        %bitcast3A_308 = vector.bitcast %get3A_307 : vector<16xi32> to vector<32xbf16>
        %mul3A_309 = arith.mulf %bitcast3A_300, %bitcast3A_304 : vector<32xbf16>
        %mul3A_310 = arith.mulf %mul3A_309, %bitcast3A_308 : vector<32xbf16>
        %unpack3A_311 = tpu.unpack_subelements %mul3A_310, 0 {pack_format = #tpu.pack_format<interleaved>} : vector<32xbf16> -> vector<16xf32>
        %unpack3A_312 = tpu.unpack_subelements %mul3A_310, 1 {pack_format = #tpu.pack_format<interleaved>} : vector<32xbf16> -> vector<16xf32>
        %add3A_313 = arith.addf %unpack3A_311, %unpack3A_312 : vector<16xf32>
        %get3A_314 = arith.index_cast %add3A_296 : i32 to index
        %get3A_315 = arith.constant 16 : index
        %get3A_316 = tpu.vector_load %arg10[%get3A_314, %get3A_315] {strides = array<i32>} : memref<80x64xi32, #tpu.memory_space<vmem>>, vector<16xi32>,
        %bitcast3A_317 = vector.bitcast %get3A_316 : vector<16xi32> to vector<32xbf16>
        %get3A_318 = arith.index_cast %add3A_296 : i32 to index
        %get3A_319 = arith.constant 16 : index
        %get3A_320 = tpu.vector_load %arg11[%get3A_318, %get3A_319] {strides = array<i32>} : memref<80x64xi32, #tpu.memory_space<vmem>>, vector<16xi32>,
        %bitcast3A_321 = vector.bitcast %get3A_320 : vector<16xi32> to vector<32xbf16>
        %get3A_322 = arith.index_cast %add3A_296 : i32 to index
        %get3A_323 = arith.constant 16 : index
        %get3A_324 = tpu.vector_load %arg12[%get3A_322, %get3A_323] {strides = array<i32>} : memref<80x64xi32, #tpu.memory_space<vmem>>, vector<16xi32>,
        %bitcast3A_325 = vector.bitcast %get3A_324 : vector<16xi32> to vector<32xbf16>
        %mul3A_326 = arith.mulf %bitcast3A_317, %bitcast3A_321 : vector<32xbf16>
        %mul3A_327 = arith.mulf %mul3A_326, %bitcast3A_325 : vector<32xbf16>
        %unpack3A_328 = tpu.unpack_subelements %mul3A_327, 0 {pack_format = #tpu.pack_format<interleaved>} : vector<32xbf16> -> vector<16xf32>
        %unpack3A_329 = tpu.unpack_subelements %mul3A_327, 1 {pack_format = #tpu.pack_format<interleaved>} : vector<32xbf16> -> vector<16xf32>
        %add3A_330 = arith.addf %unpack3A_328, %unpack3A_329 : vector<16xf32>
        %add3A_331 = arith.addf %add3A_313, %add3A_330 : vector<16xf32>
        %get3A_332 = arith.index_cast %add3A_296 : i32 to index
        %get3A_333 = arith.constant 32 : index
        %get3A_334 = tpu.vector_load %arg10[%get3A_332, %get3A_333] {strides = array<i32>} : memref<80x64xi32, #tpu.memory_space<vmem>>, vector<16xi32>,
        %bitcast3A_335 = vector.bitcast %get3A_334 : vector<16xi32> to vector<32xbf16>
        %get3A_336 = arith.index_cast %add3A_296 : i32 to index
        %get3A_337 = arith.constant 32 : index
        %get3A_338 = tpu.vector_load %arg11[%get3A_336, %get3A_337] {strides = array<i32>} : memref<80x64xi32, #tpu.memory_space<vmem>>, vector<16xi32>,
        %bitcast3A_339 = vector.bitcast %get3A_338 : vector<16xi32> to vector<32xbf16>
        %get3A_340 = arith.index_cast %add3A_296 : i32 to index
        %get3A_341 = arith.constant 32 : index
        %get3A_342 = tpu.vector_load %arg12[%get3A_340, %get3A_341] {strides = array<i32>} : memref<80x64xi32, #tpu.memory_space<vmem>>, vector<16xi32>,
        %bitcast3A_343 = vector.bitcast %get3A_342 : vector<16xi32> to vector<32xbf16>
        %mul3A_344 = arith.mulf %bitcast3A_335, %bitcast3A_339 : vector<32xbf16>
        %mul3A_345 = arith.mulf %mul3A_344, %bitcast3A_343 : vector<32xbf16>
        %unpack3A_346 = tpu.unpack_subelements %mul3A_345, 0 {pack_format = #tpu.pack_format<interleaved>} : vector<32xbf16> -> vector<16xf32>
        %unpack3A_347 = tpu.unpack_subelements %mul3A_345, 1 {pack_format = #tpu.pack_format<interleaved>} : vector<32xbf16> -> vector<16xf32>
        %add3A_348 = arith.addf %unpack3A_346, %unpack3A_347 : vector<16xf32>
        %add3A_349 = arith.addf %add3A_331, %add3A_348 : vector<16xf32>
        %get3A_350 = arith.index_cast %add3A_296 : i32 to index
        %get3A_351 = arith.constant 48 : index
        %get3A_352 = tpu.vector_load %arg10[%get3A_350, %get3A_351] {strides = array<i32>} : memref<80x64xi32, #tpu.memory_space<vmem>>, vector<16xi32>,
        %bitcast3A_353 = vector.bitcast %get3A_352 : vector<16xi32> to vector<32xbf16>
        %get3A_354 = arith.index_cast %add3A_296 : i32 to index
        %get3A_355 = arith.constant 48 : index
        %get3A_356 = tpu.vector_load %arg11[%get3A_354, %get3A_355] {strides = array<i32>} : memref<80x64xi32, #tpu.memory_space<vmem>>, vector<16xi32>,
        %bitcast3A_357 = vector.bitcast %get3A_356 : vector<16xi32> to vector<32xbf16>
        %get3A_358 = arith.index_cast %add3A_296 : i32 to index
        %get3A_359 = arith.constant 48 : index
        %get3A_360 = tpu.vector_load %arg12[%get3A_358, %get3A_359] {strides = array<i32>} : memref<80x64xi32, #tpu.memory_space<vmem>>, vector<16xi32>,
        %bitcast3A_361 = vector.bitcast %get3A_360 : vector<16xi32> to vector<32xbf16>
        %mul3A_362 = arith.mulf %bitcast3A_353, %bitcast3A_357 : vector<32xbf16>
        %mul3A_363 = arith.mulf %mul3A_362, %bitcast3A_361 : vector<32xbf16>
        %unpack3A_364 = tpu.unpack_subelements %mul3A_363, 0 {pack_format = #tpu.pack_format<interleaved>} : vector<32xbf16> -> vector<16xf32>
        %unpack3A_365 = tpu.unpack_subelements %mul3A_363, 1 {pack_format = #tpu.pack_format<interleaved>} : vector<32xbf16> -> vector<16xf32>
        %add3A_366 = arith.addf %unpack3A_364, %unpack3A_365 : vector<16xf32>
        %add3A_367 = arith.addf %add3A_349, %add3A_366 : vector<16xf32>
        %swap3A_368 = arith.constant 51 : index
        %swap3A_369 = tpu.vector_load %arg16[%swap3A_368] {strides = array<i32>} : memref<272xf32, #tpu.memory_space<vmem>>, vector<16xf32>,
        tpu.vector_store %arg16[%swap3A_368], %add3A_367 {strides = array<i32>} : memref<272xf32, #tpu.memory_space<vmem>>, vector<16xf32>,
        %mul3A_370 = arith.constant 16 : i32
        %mul3A_371 = arith.muli %add3A_65, %mul3A_370 : i32
        %add3A_372 = arith.constant 4 : i32
        %add3A_373 = arith.addi %mul3A_371, %add3A_372 : i32
        %get3A_374 = arith.index_cast %add3A_373 : i32 to index
        %get3A_375 = arith.constant 0 : index
        %get3A_376 = tpu.vector_load %arg10[%get3A_374, %get3A_375] {strides = array<i32>} : memref<80x64xi32, #tpu.memory_space<vmem>>, vector<16xi32>,
        %bitcast3A_377 = vector.bitcast %get3A_376 : vector<16xi32> to vector<32xbf16>
        %get3A_378 = arith.index_cast %add3A_373 : i32 to index
        %get3A_379 = arith.constant 0 : index
        %get3A_380 = tpu.vector_load %arg11[%get3A_378, %get3A_379] {strides = array<i32>} : memref<80x64xi32, #tpu.memory_space<vmem>>, vector<16xi32>,
        %bitcast3A_381 = vector.bitcast %get3A_380 : vector<16xi32> to vector<32xbf16>
        %get3A_382 = arith.index_cast %add3A_373 : i32 to index
        %get3A_383 = arith.constant 0 : index
        %get3A_384 = tpu.vector_load %arg12[%get3A_382, %get3A_383] {strides = array<i32>} : memref<80x64xi32, #tpu.memory_space<vmem>>, vector<16xi32>,
        %bitcast3A_385 = vector.bitcast %get3A_384 : vector<16xi32> to vector<32xbf16>
        %mul3A_386 = arith.mulf %bitcast3A_377, %bitcast3A_381 : vector<32xbf16>
        %mul3A_387 = arith.mulf %mul3A_386, %bitcast3A_385 : vector<32xbf16>
        %unpack3A_388 = tpu.unpack_subelements %mul3A_387, 0 {pack_format = #tpu.pack_format<interleaved>} : vector<32xbf16> -> vector<16xf32>
        %unpack3A_389 = tpu.unpack_subelements %mul3A_387, 1 {pack_format = #tpu.pack_format<interleaved>} : vector<32xbf16> -> vector<16xf32>
        %add3A_390 = arith.addf %unpack3A_388, %unpack3A_389 : vector<16xf32>
        %get3A_391 = arith.index_cast %add3A_373 : i32 to index
        %get3A_392 = arith.constant 16 : index
        %get3A_393 = tpu.vector_load %arg10[%get3A_391, %get3A_392] {strides = array<i32>} : memref<80x64xi32, #tpu.memory_space<vmem>>, vector<16xi32>,
        %bitcast3A_394 = vector.bitcast %get3A_393 : vector<16xi32> to vector<32xbf16>
        %get3A_395 = arith.index_cast %add3A_373 : i32 to index
        %get3A_396 = arith.constant 16 : index
        %get3A_397 = tpu.vector_load %arg11[%get3A_395, %get3A_396] {strides = array<i32>} : memref<80x64xi32, #tpu.memory_space<vmem>>, vector<16xi32>,
        %bitcast3A_398 = vector.bitcast %get3A_397 : vector<16xi32> to vector<32xbf16>
        %get3A_399 = arith.index_cast %add3A_373 : i32 to index
        %get3A_400 = arith.constant 16 : index
        %get3A_401 = tpu.vector_load %arg12[%get3A_399, %get3A_400] {strides = array<i32>} : memref<80x64xi32, #tpu.memory_space<vmem>>, vector<16xi32>,
        %bitcast3A_402 = vector.bitcast %get3A_401 : vector<16xi32> to vector<32xbf16>
        %mul3A_403 = arith.mulf %bitcast3A_394, %bitcast3A_398 : vector<32xbf16>
        %mul3A_404 = arith.mulf %mul3A_403, %bitcast3A_402 : vector<32xbf16>
        %unpack3A_405 = tpu.unpack_subelements %mul3A_404, 0 {pack_format = #tpu.pack_format<interleaved>} : vector<32xbf16> -> vector<16xf32>
        %unpack3A_406 = tpu.unpack_subelements %mul3A_404, 1 {pack_format = #tpu.pack_format<interleaved>} : vector<32xbf16> -> vector<16xf32>
        %add3A_407 = arith.addf %unpack3A_405, %unpack3A_406 : vector<16xf32>
        %add3A_408 = arith.addf %add3A_390, %add3A_407 : vector<16xf32>
        %get3A_409 = arith.index_cast %add3A_373 : i32 to index
        %get3A_410 = arith.constant 32 : index
        %get3A_411 = tpu.vector_load %arg10[%get3A_409, %get3A_410] {strides = array<i32>} : memref<80x64xi32, #tpu.memory_space<vmem>>, vector<16xi32>,
        %bitcast3A_412 = vector.bitcast %get3A_411 : vector<16xi32> to vector<32xbf16>
        %get3A_413 = arith.index_cast %add3A_373 : i32 to index
        %get3A_414 = arith.constant 32 : index
        %get3A_415 = tpu.vector_load %arg11[%get3A_413, %get3A_414] {strides = array<i32>} : memref<80x64xi32, #tpu.memory_space<vmem>>, vector<16xi32>,
        %bitcast3A_416 = vector.bitcast %get3A_415 : vector<16xi32> to vector<32xbf16>
        %get3A_417 = arith.index_cast %add3A_373 : i32 to index
        %get3A_418 = arith.constant 32 : index
        %get3A_419 = tpu.vector_load %arg12[%get3A_417, %get3A_418] {strides = array<i32>} : memref<80x64xi32, #tpu.memory_space<vmem>>, vector<16xi32>,
        %bitcast3A_420 = vector.bitcast %get3A_419 : vector<16xi32> to vector<32xbf16>
        %mul3A_421 = arith.mulf %bitcast3A_412, %bitcast3A_416 : vector<32xbf16>
        %mul3A_422 = arith.mulf %mul3A_421, %bitcast3A_420 : vector<32xbf16>
        %unpack3A_423 = tpu.unpack_subelements %mul3A_422, 0 {pack_format = #tpu.pack_format<interleaved>} : vector<32xbf16> -> vector<16xf32>
        %unpack3A_424 = tpu.unpack_subelements %mul3A_422, 1 {pack_format = #tpu.pack_format<interleaved>} : vector<32xbf16> -> vector<16xf32>
        %add3A_425 = arith.addf %unpack3A_423, %unpack3A_424 : vector<16xf32>
        %add3A_426 = arith.addf %add3A_408, %add3A_425 : vector<16xf32>
        %get3A_427 = arith.index_cast %add3A_373 : i32 to index
        %get3A_428 = arith.constant 48 : index
        %get3A_429 = tpu.vector_load %arg10[%get3A_427, %get3A_428] {strides = array<i32>} : memref<80x64xi32, #tpu.memory_space<vmem>>, vector<16xi32>,
        %bitcast3A_430 = vector.bitcast %get3A_429 : vector<16xi32> to vector<32xbf16>
        %get3A_431 = arith.index_cast %add3A_373 : i32 to index
        %get3A_432 = arith.constant 48 : index
        %get3A_433 = tpu.vector_load %arg11[%get3A_431, %get3A_432] {strides = array<i32>} : memref<80x64xi32, #tpu.memory_space<vmem>>, vector<16xi32>,
        %bitcast3A_434 = vector.bitcast %get3A_433 : vector<16xi32> to vector<32xbf16>
        %get3A_435 = arith.index_cast %add3A_373 : i32 to index
        %get3A_436 = arith.constant 48 : index
        %get3A_437 = tpu.vector_load %arg12[%get3A_435, %get3A_436] {strides = array<i32>} : memref<80x64xi32, #tpu.memory_space<vmem>>, vector<16xi32>,
        %bitcast3A_438 = vector.bitcast %get3A_437 : vector<16xi32> to vector<32xbf16>
        %mul3A_439 = arith.mulf %bitcast3A_430, %bitcast3A_434 : vector<32xbf16>
        %mul3A_440 = arith.mulf %mul3A_439, %bitcast3A_438 : vector<32xbf16>
        %unpack3A_441 = tpu.unpack_subelements %mul3A_440, 0 {pack_format = #tpu.pack_format<interleaved>} : vector<32xbf16> -> vector<16xf32>
        %unpack3A_442 = tpu.unpack_subelements %mul3A_440, 1 {pack_format = #tpu.pack_format<interleaved>} : vector<32xbf16> -> vector<16xf32>
        %add3A_443 = arith.addf %unpack3A_441, %unpack3A_442 : vector<16xf32>
        %add3A_444 = arith.addf %add3A_426, %add3A_443 : vector<16xf32>
        %swap3A_445 = arith.constant 68 : index
        %swap3A_446 = tpu.vector_load %arg16[%swap3A_445] {strides = array<i32>} : memref<272xf32, #tpu.memory_space<vmem>>, vector<16xf32>,
        tpu.vector_store %arg16[%swap3A_445], %add3A_444 {strides = array<i32>} : memref<272xf32, #tpu.memory_space<vmem>>, vector<16xf32>,
        %mul3A_447 = arith.constant 16 : i32
        %mul3A_448 = arith.muli %add3A_65, %mul3A_447 : i32
        %add3A_449 = arith.constant 5 : i32
        %add3A_450 = arith.addi %mul3A_448, %add3A_449 : i32
        %get3A_451 = arith.index_cast %add3A_450 : i32 to index
        %get3A_452 = arith.constant 0 : index
        %get3A_453 = tpu.vector_load %arg10[%get3A_451, %get3A_452] {strides = array<i32>} : memref<80x64xi32, #tpu.memory_space<vmem>>, vector<16xi32>,
        %bitcast3A_454 = vector.bitcast %get3A_453 : vector<16xi32> to vector<32xbf16>
        %get3A_455 = arith.index_cast %add3A_450 : i32 to index
        %get3A_456 = arith.constant 0 : index
        %get3A_457 = tpu.vector_load %arg11[%get3A_455, %get3A_456] {strides = array<i32>} : memref<80x64xi32, #tpu.memory_space<vmem>>, vector<16xi32>,
        %bitcast3A_458 = vector.bitcast %get3A_457 : vector<16xi32> to vector<32xbf16>
        %get3A_459 = arith.index_cast %add3A_450 : i32 to index
        %get3A_460 = arith.constant 0 : index
        %get3A_461 = tpu.vector_load %arg12[%get3A_459, %get3A_460] {strides = array<i32>} : memref<80x64xi32, #tpu.memory_space<vmem>>, vector<16xi32>,
        %bitcast3A_462 = vector.bitcast %get3A_461 : vector<16xi32> to vector<32xbf16>
        %mul3A_463 = arith.mulf %bitcast3A_454, %bitcast3A_458 : vector<32xbf16>
        %mul3A_464 = arith.mulf %mul3A_463, %bitcast3A_462 : vector<32xbf16>
        %unpack3A_465 = tpu.unpack_subelements %mul3A_464, 0 {pack_format = #tpu.pack_format<interleaved>} : vector<32xbf16> -> vector<16xf32>
        %unpack3A_466 = tpu.unpack_subelements %mul3A_464, 1 {pack_format = #tpu.pack_format<interleaved>} : vector<32xbf16> -> vector<16xf32>
        %add3A_467 = arith.addf %unpack3A_465, %unpack3A_466 : vector<16xf32>
        %get3A_468 = arith.index_cast %add3A_450 : i32 to index
        %get3A_469 = arith.constant 16 : index
        %get3A_470 = tpu.vector_load %arg10[%get3A_468, %get3A_469] {strides = array<i32>} : memref<80x64xi32, #tpu.memory_space<vmem>>, vector<16xi32>,
        %bitcast3A_471 = vector.bitcast %get3A_470 : vector<16xi32> to vector<32xbf16>
        %get3A_472 = arith.index_cast %add3A_450 : i32 to index
        %get3A_473 = arith.constant 16 : index
        %get3A_474 = tpu.vector_load %arg11[%get3A_472, %get3A_473] {strides = array<i32>} : memref<80x64xi32, #tpu.memory_space<vmem>>, vector<16xi32>,
        %bitcast3A_475 = vector.bitcast %get3A_474 : vector<16xi32> to vector<32xbf16>
        %get3A_476 = arith.index_cast %add3A_450 : i32 to index
        %get3A_477 = arith.constant 16 : index
        %get3A_478 = tpu.vector_load %arg12[%get3A_476, %get3A_477] {strides = array<i32>} : memref<80x64xi32, #tpu.memory_space<vmem>>, vector<16xi32>,
        %bitcast3A_479 = vector.bitcast %get3A_478 : vector<16xi32> to vector<32xbf16>
        %mul3A_480 = arith.mulf %bitcast3A_471, %bitcast3A_475 : vector<32xbf16>
        %mul3A_481 = arith.mulf %mul3A_480, %bitcast3A_479 : vector<32xbf16>
        %unpack3A_482 = tpu.unpack_subelements %mul3A_481, 0 {pack_format = #tpu.pack_format<interleaved>} : vector<32xbf16> -> vector<16xf32>
        %unpack3A_483 = tpu.unpack_subelements %mul3A_481, 1 {pack_format = #tpu.pack_format<interleaved>} : vector<32xbf16> -> vector<16xf32>
        %add3A_484 = arith.addf %unpack3A_482, %unpack3A_483 : vector<16xf32>
        %add3A_485 = arith.addf %add3A_467, %add3A_484 : vector<16xf32>
        %get3A_486 = arith.index_cast %add3A_450 : i32 to index
        %get3A_487 = arith.constant 32 : index
        %get3A_488 = tpu.vector_load %arg10[%get3A_486, %get3A_487] {strides = array<i32>} : memref<80x64xi32, #tpu.memory_space<vmem>>, vector<16xi32>,
        %bitcast3A_489 = vector.bitcast %get3A_488 : vector<16xi32> to vector<32xbf16>
        %get3A_490 = arith.index_cast %add3A_450 : i32 to index
        %get3A_491 = arith.constant 32 : index
        %get3A_492 = tpu.vector_load %arg11[%get3A_490, %get3A_491] {strides = array<i32>} : memref<80x64xi32, #tpu.memory_space<vmem>>, vector<16xi32>,
        %bitcast3A_493 = vector.bitcast %get3A_492 : vector<16xi32> to vector<32xbf16>
        %get3A_494 = arith.index_cast %add3A_450 : i32 to index
        %get3A_495 = arith.constant 32 : index
        %get3A_496 = tpu.vector_load %arg12[%get3A_494, %get3A_495] {strides = array<i32>} : memref<80x64xi32, #tpu.memory_space<vmem>>, vector<16xi32>,
        %bitcast3A_497 = vector.bitcast %get3A_496 : vector<16xi32> to vector<32xbf16>
        %mul3A_498 = arith.mulf %bitcast3A_489, %bitcast3A_493 : vector<32xbf16>
        %mul3A_499 = arith.mulf %mul3A_498, %bitcast3A_497 : vector<32xbf16>
        %unpack3A_500 = tpu.unpack_subelements %mul3A_499, 0 {pack_format = #tpu.pack_format<interleaved>} : vector<32xbf16> -> vector<16xf32>
        %unpack3A_501 = tpu.unpack_subelements %mul3A_499, 1 {pack_format = #tpu.pack_format<interleaved>} : vector<32xbf16> -> vector<16xf32>
        %add3A_502 = arith.addf %unpack3A_500, %unpack3A_501 : vector<16xf32>
        %add3A_503 = arith.addf %add3A_485, %add3A_502 : vector<16xf32>
        %get3A_504 = arith.index_cast %add3A_450 : i32 to index
        %get3A_505 = arith.constant 48 : index
        %get3A_506 = tpu.vector_load %arg10[%get3A_504, %get3A_505] {strides = array<i32>} : memref<80x64xi32, #tpu.memory_space<vmem>>, vector<16xi32>,
        %bitcast3A_507 = vector.bitcast %get3A_506 : vector<16xi32> to vector<32xbf16>
        %get3A_508 = arith.index_cast %add3A_450 : i32 to index
        %get3A_509 = arith.constant 48 : index
        %get3A_510 = tpu.vector_load %arg11[%get3A_508, %get3A_509] {strides = array<i32>} : memref<80x64xi32, #tpu.memory_space<vmem>>, vector<16xi32>,
        %bitcast3A_511 = vector.bitcast %get3A_510 : vector<16xi32> to vector<32xbf16>
        %get3A_512 = arith.index_cast %add3A_450 : i32 to index
        %get3A_513 = arith.constant 48 : index
        %get3A_514 = tpu.vector_load %arg12[%get3A_512, %get3A_513] {strides = array<i32>} : memref<80x64xi32, #tpu.memory_space<vmem>>, vector<16xi32>,
        %bitcast3A_515 = vector.bitcast %get3A_514 : vector<16xi32> to vector<32xbf16>
        %mul3A_516 = arith.mulf %bitcast3A_507, %bitcast3A_511 : vector<32xbf16>
        %mul3A_517 = arith.mulf %mul3A_516, %bitcast3A_515 : vector<32xbf16>
        %unpack3A_518 = tpu.unpack_subelements %mul3A_517, 0 {pack_format = #tpu.pack_format<interleaved>} : vector<32xbf16> -> vector<16xf32>
        %unpack3A_519 = tpu.unpack_subelements %mul3A_517, 1 {pack_format = #tpu.pack_format<interleaved>} : vector<32xbf16> -> vector<16xf32>
        %add3A_520 = arith.addf %unpack3A_518, %unpack3A_519 : vector<16xf32>
        %add3A_521 = arith.addf %add3A_503, %add3A_520 : vector<16xf32>
        %swap3A_522 = arith.constant 85 : index
        %swap3A_523 = tpu.vector_load %arg16[%swap3A_522] {strides = array<i32>} : memref<272xf32, #tpu.memory_space<vmem>>, vector<16xf32>,
        tpu.vector_store %arg16[%swap3A_522], %add3A_521 {strides = array<i32>} : memref<272xf32, #tpu.memory_space<vmem>>, vector<16xf32>,
        %mul3A_524 = arith.constant 16 : i32
        %mul3A_525 = arith.muli %add3A_65, %mul3A_524 : i32
        %add3A_526 = arith.constant 6 : i32
        %add3A_527 = arith.addi %mul3A_525, %add3A_526 : i32
        %get3A_528 = arith.index_cast %add3A_527 : i32 to index
        %get3A_529 = arith.constant 0 : index
        %get3A_530 = tpu.vector_load %arg10[%get3A_528, %get3A_529] {strides = array<i32>} : memref<80x64xi32, #tpu.memory_space<vmem>>, vector<16xi32>,
        %bitcast3A_531 = vector.bitcast %get3A_530 : vector<16xi32> to vector<32xbf16>
        %get3A_532 = arith.index_cast %add3A_527 : i32 to index
        %get3A_533 = arith.constant 0 : index
        %get3A_534 = tpu.vector_load %arg11[%get3A_532, %get3A_533] {strides = array<i32>} : memref<80x64xi32, #tpu.memory_space<vmem>>, vector<16xi32>,
        %bitcast3A_535 = vector.bitcast %get3A_534 : vector<16xi32> to vector<32xbf16>
        %get3A_536 = arith.index_cast %add3A_527 : i32 to index
        %get3A_537 = arith.constant 0 : index
        %get3A_538 = tpu.vector_load %arg12[%get3A_536, %get3A_537] {strides = array<i32>} : memref<80x64xi32, #tpu.memory_space<vmem>>, vector<16xi32>,
        %bitcast3A_539 = vector.bitcast %get3A_538 : vector<16xi32> to vector<32xbf16>
        %mul3A_540 = arith.mulf %bitcast3A_531, %bitcast3A_535 : vector<32xbf16>
        %mul3A_541 = arith.mulf %mul3A_540, %bitcast3A_539 : vector<32xbf16>
        %unpack3A_542 = tpu.unpack_subelements %mul3A_541, 0 {pack_format = #tpu.pack_format<interleaved>} : vector<32xbf16> -> vector<16xf32>
        %unpack3A_543 = tpu.unpack_subelements %mul3A_541, 1 {pack_format = #tpu.pack_format<interleaved>} : vector<32xbf16> -> vector<16xf32>
        %add3A_544 = arith.addf %unpack3A_542, %unpack3A_543 : vector<16xf32>
        %get3A_545 = arith.index_cast %add3A_527 : i32 to index
        %get3A_546 = arith.constant 16 : index
        %get3A_547 = tpu.vector_load %arg10[%get3A_545, %get3A_546] {strides = array<i32>} : memref<80x64xi32, #tpu.memory_space<vmem>>, vector<16xi32>,
        %bitcast3A_548 = vector.bitcast %get3A_547 : vector<16xi32> to vector<32xbf16>
        %get3A_549 = arith.index_cast %add3A_527 : i32 to index
        %get3A_550 = arith.constant 16 : index
        %get3A_551 = tpu.vector_load %arg11[%get3A_549, %get3A_550] {strides = array<i32>} : memref<80x64xi32, #tpu.memory_space<vmem>>, vector<16xi32>,
        %bitcast3A_552 = vector.bitcast %get3A_551 : vector<16xi32> to vector<32xbf16>
        %get3A_553 = arith.index_cast %add3A_527 : i32 to index
        %get3A_554 = arith.constant 16 : index
        %get3A_555 = tpu.vector_load %arg12[%get3A_553, %get3A_554] {strides = array<i32>} : memref<80x64xi32, #tpu.memory_space<vmem>>, vector<16xi32>,
        %bitcast3A_556 = vector.bitcast %get3A_555 : vector<16xi32> to vector<32xbf16>
        %mul3A_557 = arith.mulf %bitcast3A_548, %bitcast3A_552 : vector<32xbf16>
        %mul3A_558 = arith.mulf %mul3A_557, %bitcast3A_556 : vector<32xbf16>
        %unpack3A_559 = tpu.unpack_subelements %mul3A_558, 0 {pack_format = #tpu.pack_format<interleaved>} : vector<32xbf16> -> vector<16xf32>
        %unpack3A_560 = tpu.unpack_subelements %mul3A_558, 1 {pack_format = #tpu.pack_format<interleaved>} : vector<32xbf16> -> vector<16xf32>
        %add3A_561 = arith.addf %unpack3A_559, %unpack3A_560 : vector<16xf32>
        %add3A_562 = arith.addf %add3A_544, %add3A_561 : vector<16xf32>
        %get3A_563 = arith.index_cast %add3A_527 : i32 to index
        %get3A_564 = arith.constant 32 : index
        %get3A_565 = tpu.vector_load %arg10[%get3A_563, %get3A_564] {strides = array<i32>} : memref<80x64xi32, #tpu.memory_space<vmem>>, vector<16xi32>,
        %bitcast3A_566 = vector.bitcast %get3A_565 : vector<16xi32> to vector<32xbf16>
        %get3A_567 = arith.index_cast %add3A_527 : i32 to index
        %get3A_568 = arith.constant 32 : index
        %get3A_569 = tpu.vector_load %arg11[%get3A_567, %get3A_568] {strides = array<i32>} : memref<80x64xi32, #tpu.memory_space<vmem>>, vector<16xi32>,
        %bitcast3A_570 = vector.bitcast %get3A_569 : vector<16xi32> to vector<32xbf16>
        %get3A_571 = arith.index_cast %add3A_527 : i32 to index
        %get3A_572 = arith.constant 32 : index
        %get3A_573 = tpu.vector_load %arg12[%get3A_571, %get3A_572] {strides = array<i32>} : memref<80x64xi32, #tpu.memory_space<vmem>>, vector<16xi32>,
        %bitcast3A_574 = vector.bitcast %get3A_573 : vector<16xi32> to vector<32xbf16>
        %mul3A_575 = arith.mulf %bitcast3A_566, %bitcast3A_570 : vector<32xbf16>
        %mul3A_576 = arith.mulf %mul3A_575, %bitcast3A_574 : vector<32xbf16>
        %unpack3A_577 = tpu.unpack_subelements %mul3A_576, 0 {pack_format = #tpu.pack_format<interleaved>} : vector<32xbf16> -> vector<16xf32>
        %unpack3A_578 = tpu.unpack_subelements %mul3A_576, 1 {pack_format = #tpu.pack_format<interleaved>} : vector<32xbf16> -> vector<16xf32>
        %add3A_579 = arith.addf %unpack3A_577, %unpack3A_578 : vector<16xf32>
        %add3A_580 = arith.addf %add3A_562, %add3A_579 : vector<16xf32>
        %get3A_581 = arith.index_cast %add3A_527 : i32 to index
        %get3A_582 = arith.constant 48 : index
        %get3A_583 = tpu.vector_load %arg10[%get3A_581, %get3A_582] {strides = array<i32>} : memref<80x64xi32, #tpu.memory_space<vmem>>, vector<16xi32>,
        %bitcast3A_584 = vector.bitcast %get3A_583 : vector<16xi32> to vector<32xbf16>
        %get3A_585 = arith.index_cast %add3A_527 : i32 to index
        %get3A_586 = arith.constant 48 : index
        %get3A_587 = tpu.vector_load %arg11[%get3A_585, %get3A_586] {strides = array<i32>} : memref<80x64xi32, #tpu.memory_space<vmem>>, vector<16xi32>,
        %bitcast3A_588 = vector.bitcast %get3A_587 : vector<16xi32> to vector<32xbf16>
        %get3A_589 = arith.index_cast %add3A_527 : i32 to index
        %get3A_590 = arith.constant 48 : index
        %get3A_591 = tpu.vector_load %arg12[%get3A_589, %get3A_590] {strides = array<i32>} : memref<80x64xi32, #tpu.memory_space<vmem>>, vector<16xi32>,
        %bitcast3A_592 = vector.bitcast %get3A_591 : vector<16xi32> to vector<32xbf16>
        %mul3A_593 = arith.mulf %bitcast3A_584, %bitcast3A_588 : vector<32xbf16>
        %mul3A_594 = arith.mulf %mul3A_593, %bitcast3A_592 : vector<32xbf16>
        %unpack3A_595 = tpu.unpack_subelements %mul3A_594, 0 {pack_format = #tpu.pack_format<interleaved>} : vector<32xbf16> -> vector<16xf32>
        %unpack3A_596 = tpu.unpack_subelements %mul3A_594, 1 {pack_format = #tpu.pack_format<interleaved>} : vector<32xbf16> -> vector<16xf32>
        %add3A_597 = arith.addf %unpack3A_595, %unpack3A_596 : vector<16xf32>
        %add3A_598 = arith.addf %add3A_580, %add3A_597 : vector<16xf32>
        %swap3A_599 = arith.constant 102 : index
        %swap3A_600 = tpu.vector_load %arg16[%swap3A_599] {strides = array<i32>} : memref<272xf32, #tpu.memory_space<vmem>>, vector<16xf32>,
        tpu.vector_store %arg16[%swap3A_599], %add3A_598 {strides = array<i32>} : memref<272xf32, #tpu.memory_space<vmem>>, vector<16xf32>,
        %mul3A_601 = arith.constant 16 : i32
        %mul3A_602 = arith.muli %add3A_65, %mul3A_601 : i32
        %add3A_603 = arith.constant 7 : i32
        %add3A_604 = arith.addi %mul3A_602, %add3A_603 : i32
        %get3A_605 = arith.index_cast %add3A_604 : i32 to index
        %get3A_606 = arith.constant 0 : index
        %get3A_607 = tpu.vector_load %arg10[%get3A_605, %get3A_606] {strides = array<i32>} : memref<80x64xi32, #tpu.memory_space<vmem>>, vector<16xi32>,
        %bitcast3A_608 = vector.bitcast %get3A_607 : vector<16xi32> to vector<32xbf16>
        %get3A_609 = arith.index_cast %add3A_604 : i32 to index
        %get3A_610 = arith.constant 0 : index
        %get3A_611 = tpu.vector_load %arg11[%get3A_609, %get3A_610] {strides = array<i32>} : memref<80x64xi32, #tpu.memory_space<vmem>>, vector<16xi32>,
        %bitcast3A_612 = vector.bitcast %get3A_611 : vector<16xi32> to vector<32xbf16>
        %get3A_613 = arith.index_cast %add3A_604 : i32 to index
        %get3A_614 = arith.constant 0 : index
        %get3A_615 = tpu.vector_load %arg12[%get3A_613, %get3A_614] {strides = array<i32>} : memref<80x64xi32, #tpu.memory_space<vmem>>, vector<16xi32>,
        %bitcast3A_616 = vector.bitcast %get3A_615 : vector<16xi32> to vector<32xbf16>
        %mul3A_617 = arith.mulf %bitcast3A_608, %bitcast3A_612 : vector<32xbf16>
        %mul3A_618 = arith.mulf %mul3A_617, %bitcast3A_616 : vector<32xbf16>
        %unpack3A_619 = tpu.unpack_subelements %mul3A_618, 0 {pack_format = #tpu.pack_format<interleaved>} : vector<32xbf16> -> vector<16xf32>
        %unpack3A_620 = tpu.unpack_subelements %mul3A_618, 1 {pack_format = #tpu.pack_format<interleaved>} : vector<32xbf16> -> vector<16xf32>
        %add3A_621 = arith.addf %unpack3A_619, %unpack3A_620 : vector<16xf32>
        %get3A_622 = arith.index_cast %add3A_604 : i32 to index
        %get3A_623 = arith.constant 16 : index
        %get3A_624 = tpu.vector_load %arg10[%get3A_622, %get3A_623] {strides = array<i32>} : memref<80x64xi32, #tpu.memory_space<vmem>>, vector<16xi32>,
        %bitcast3A_625 = vector.bitcast %get3A_624 : vector<16xi32> to vector<32xbf16>
        %get3A_626 = arith.index_cast %add3A_604 : i32 to index
        %get3A_627 = arith.constant 16 : index
        %get3A_628 = tpu.vector_load %arg11[%get3A_626, %get3A_627] {strides = array<i32>} : memref<80x64xi32, #tpu.memory_space<vmem>>, vector<16xi32>,
        %bitcast3A_629 = vector.bitcast %get3A_628 : vector<16xi32> to vector<32xbf16>
        %get3A_630 = arith.index_cast %add3A_604 : i32 to index
        %get3A_631 = arith.constant 16 : index
        %get3A_632 = tpu.vector_load %arg12[%get3A_630, %get3A_631] {strides = array<i32>} : memref<80x64xi32, #tpu.memory_space<vmem>>, vector<16xi32>,
        %bitcast3A_633 = vector.bitcast %get3A_632 : vector<16xi32> to vector<32xbf16>
        %mul3A_634 = arith.mulf %bitcast3A_625, %bitcast3A_629 : vector<32xbf16>
        %mul3A_635 = arith.mulf %mul3A_634, %bitcast3A_633 : vector<32xbf16>
        %unpack3A_636 = tpu.unpack_subelements %mul3A_635, 0 {pack_format = #tpu.pack_format<interleaved>} : vector<32xbf16> -> vector<16xf32>
        %unpack3A_637 = tpu.unpack_subelements %mul3A_635, 1 {pack_format = #tpu.pack_format<interleaved>} : vector<32xbf16> -> vector<16xf32>
        %add3A_638 = arith.addf %unpack3A_636, %unpack3A_637 : vector<16xf32>
        %add3A_639 = arith.addf %add3A_621, %add3A_638 : vector<16xf32>
        %get3A_640 = arith.index_cast %add3A_604 : i32 to index
        %get3A_641 = arith.constant 32 : index
        %get3A_642 = tpu.vector_load %arg10[%get3A_640, %get3A_641] {strides = array<i32>} : memref<80x64xi32, #tpu.memory_space<vmem>>, vector<16xi32>,
        %bitcast3A_643 = vector.bitcast %get3A_642 : vector<16xi32> to vector<32xbf16>
        %get3A_644 = arith.index_cast %add3A_604 : i32 to index
        %get3A_645 = arith.constant 32 : index
        %get3A_646 = tpu.vector_load %arg11[%get3A_644, %get3A_645] {strides = array<i32>} : memref<80x64xi32, #tpu.memory_space<vmem>>, vector<16xi32>,
        %bitcast3A_647 = vector.bitcast %get3A_646 : vector<16xi32> to vector<32xbf16>
        %get3A_648 = arith.index_cast %add3A_604 : i32 to index
        %get3A_649 = arith.constant 32 : index
        %get3A_650 = tpu.vector_load %arg12[%get3A_648, %get3A_649] {strides = array<i32>} : memref<80x64xi32, #tpu.memory_space<vmem>>, vector<16xi32>,
        %bitcast3A_651 = vector.bitcast %get3A_650 : vector<16xi32> to vector<32xbf16>
        %mul3A_652 = arith.mulf %bitcast3A_643, %bitcast3A_647 : vector<32xbf16>
        %mul3A_653 = arith.mulf %mul3A_652, %bitcast3A_651 : vector<32xbf16>
        %unpack3A_654 = tpu.unpack_subelements %mul3A_653, 0 {pack_format = #tpu.pack_format<interleaved>} : vector<32xbf16> -> vector<16xf32>
        %unpack3A_655 = tpu.unpack_subelements %mul3A_653, 1 {pack_format = #tpu.pack_format<interleaved>} : vector<32xbf16> -> vector<16xf32>
        %add3A_656 = arith.addf %unpack3A_654, %unpack3A_655 : vector<16xf32>
        %add3A_657 = arith.addf %add3A_639, %add3A_656 : vector<16xf32>
        %get3A_658 = arith.index_cast %add3A_604 : i32 to index
        %get3A_659 = arith.constant 48 : index
        %get3A_660 = tpu.vector_load %arg10[%get3A_658, %get3A_659] {strides = array<i32>} : memref<80x64xi32, #tpu.memory_space<vmem>>, vector<16xi32>,
        %bitcast3A_661 = vector.bitcast %get3A_660 : vector<16xi32> to vector<32xbf16>
        %get3A_662 = arith.index_cast %add3A_604 : i32 to index
        %get3A_663 = arith.constant 48 : index
        %get3A_664 = tpu.vector_load %arg11[%get3A_662, %get3A_663] {strides = array<i32>} : memref<80x64xi32, #tpu.memory_space<vmem>>, vector<16xi32>,
        %bitcast3A_665 = vector.bitcast %get3A_664 : vector<16xi32> to vector<32xbf16>
        %get3A_666 = arith.index_cast %add3A_604 : i32 to index
        %get3A_667 = arith.constant 48 : index
        %get3A_668 = tpu.vector_load %arg12[%get3A_666, %get3A_667] {strides = array<i32>} : memref<80x64xi32, #tpu.memory_space<vmem>>, vector<16xi32>,
        %bitcast3A_669 = vector.bitcast %get3A_668 : vector<16xi32> to vector<32xbf16>
        %mul3A_670 = arith.mulf %bitcast3A_661, %bitcast3A_665 : vector<32xbf16>
        %mul3A_671 = arith.mulf %mul3A_670, %bitcast3A_669 : vector<32xbf16>
        %unpack3A_672 = tpu.unpack_subelements %mul3A_671, 0 {pack_format = #tpu.pack_format<interleaved>} : vector<32xbf16> -> vector<16xf32>
        %unpack3A_673 = tpu.unpack_subelements %mul3A_671, 1 {pack_format = #tpu.pack_format<interleaved>} : vector<32xbf16> -> vector<16xf32>
        %add3A_674 = arith.addf %unpack3A_672, %unpack3A_673 : vector<16xf32>
        %add3A_675 = arith.addf %add3A_657, %add3A_674 : vector<16xf32>
        %swap3A_676 = arith.constant 119 : index
        %swap3A_677 = tpu.vector_load %arg16[%swap3A_676] {strides = array<i32>} : memref<272xf32, #tpu.memory_space<vmem>>, vector<16xf32>,
        tpu.vector_store %arg16[%swap3A_676], %add3A_675 {strides = array<i32>} : memref<272xf32, #tpu.memory_space<vmem>>, vector<16xf32>,
        %mul3A_678 = arith.constant 16 : i32
        %mul3A_679 = arith.muli %add3A_65, %mul3A_678 : i32
        %add3A_680 = arith.constant 8 : i32
        %add3A_681 = arith.addi %mul3A_679, %add3A_680 : i32
        %get3A_682 = arith.index_cast %add3A_681 : i32 to index
        %get3A_683 = arith.constant 0 : index
        %get3A_684 = tpu.vector_load %arg10[%get3A_682, %get3A_683] {strides = array<i32>} : memref<80x64xi32, #tpu.memory_space<vmem>>, vector<16xi32>,
        %bitcast3A_685 = vector.bitcast %get3A_684 : vector<16xi32> to vector<32xbf16>
        %get3A_686 = arith.index_cast %add3A_681 : i32 to index
        %get3A_687 = arith.constant 0 : index
        %get3A_688 = tpu.vector_load %arg11[%get3A_686, %get3A_687] {strides = array<i32>} : memref<80x64xi32, #tpu.memory_space<vmem>>, vector<16xi32>,
        %bitcast3A_689 = vector.bitcast %get3A_688 : vector<16xi32> to vector<32xbf16>
        %get3A_690 = arith.index_cast %add3A_681 : i32 to index
        %get3A_691 = arith.constant 0 : index
        %get3A_692 = tpu.vector_load %arg12[%get3A_690, %get3A_691] {strides = array<i32>} : memref<80x64xi32, #tpu.memory_space<vmem>>, vector<16xi32>,
        %bitcast3A_693 = vector.bitcast %get3A_692 : vector<16xi32> to vector<32xbf16>
        %mul3A_694 = arith.mulf %bitcast3A_685, %bitcast3A_689 : vector<32xbf16>
        %mul3A_695 = arith.mulf %mul3A_694, %bitcast3A_693 : vector<32xbf16>
        %unpack3A_696 = tpu.unpack_subelements %mul3A_695, 0 {pack_format = #tpu.pack_format<interleaved>} : vector<32xbf16> -> vector<16xf32>
        %unpack3A_697 = tpu.unpack_subelements %mul3A_695, 1 {pack_format = #tpu.pack_format<interleaved>} : vector<32xbf16> -> vector<16xf32>
        %add3A_698 = arith.addf %unpack3A_696, %unpack3A_697 : vector<16xf32>
        %get3A_699 = arith.index_cast %add3A_681 : i32 to index
        %get3A_700 = arith.constant 16 : index
        %get3A_701 = tpu.vector_load %arg10[%get3A_699, %get3A_700] {strides = array<i32>} : memref<80x64xi32, #tpu.memory_space<vmem>>, vector<16xi32>,
        %bitcast3A_702 = vector.bitcast %get3A_701 : vector<16xi32> to vector<32xbf16>
        %get3A_703 = arith.index_cast %add3A_681 : i32 to index
        %get3A_704 = arith.constant 16 : index
        %get3A_705 = tpu.vector_load %arg11[%get3A_703, %get3A_704] {strides = array<i32>} : memref<80x64xi32, #tpu.memory_space<vmem>>, vector<16xi32>,
        %bitcast3A_706 = vector.bitcast %get3A_705 : vector<16xi32> to vector<32xbf16>
        %get3A_707 = arith.index_cast %add3A_681 : i32 to index
        %get3A_708 = arith.constant 16 : index
        %get3A_709 = tpu.vector_load %arg12[%get3A_707, %get3A_708] {strides = array<i32>} : memref<80x64xi32, #tpu.memory_space<vmem>>, vector<16xi32>,
        %bitcast3A_710 = vector.bitcast %get3A_709 : vector<16xi32> to vector<32xbf16>
        %mul3A_711 = arith.mulf %bitcast3A_702, %bitcast3A_706 : vector<32xbf16>
        %mul3A_712 = arith.mulf %mul3A_711, %bitcast3A_710 : vector<32xbf16>
        %unpack3A_713 = tpu.unpack_subelements %mul3A_712, 0 {pack_format = #tpu.pack_format<interleaved>} : vector<32xbf16> -> vector<16xf32>
        %unpack3A_714 = tpu.unpack_subelements %mul3A_712, 1 {pack_format = #tpu.pack_format<interleaved>} : vector<32xbf16> -> vector<16xf32>
        %add3A_715 = arith.addf %unpack3A_713, %unpack3A_714 : vector<16xf32>
        %add3A_716 = arith.addf %add3A_698, %add3A_715 : vector<16xf32>
        %get3A_717 = arith.index_cast %add3A_681 : i32 to index
        %get3A_718 = arith.constant 32 : index
        %get3A_719 = tpu.vector_load %arg10[%get3A_717, %get3A_718] {strides = array<i32>} : memref<80x64xi32, #tpu.memory_space<vmem>>, vector<16xi32>,
        %bitcast3A_720 = vector.bitcast %get3A_719 : vector<16xi32> to vector<32xbf16>
        %get3A_721 = arith.index_cast %add3A_681 : i32 to index
        %get3A_722 = arith.constant 32 : index
        %get3A_723 = tpu.vector_load %arg11[%get3A_721, %get3A_722] {strides = array<i32>} : memref<80x64xi32, #tpu.memory_space<vmem>>, vector<16xi32>,
        %bitcast3A_724 = vector.bitcast %get3A_723 : vector<16xi32> to vector<32xbf16>
        %get3A_725 = arith.index_cast %add3A_681 : i32 to index
        %get3A_726 = arith.constant 32 : index
        %get3A_727 = tpu.vector_load %arg12[%get3A_725, %get3A_726] {strides = array<i32>} : memref<80x64xi32, #tpu.memory_space<vmem>>, vector<16xi32>,
        %bitcast3A_728 = vector.bitcast %get3A_727 : vector<16xi32> to vector<32xbf16>
        %mul3A_729 = arith.mulf %bitcast3A_720, %bitcast3A_724 : vector<32xbf16>
        %mul3A_730 = arith.mulf %mul3A_729, %bitcast3A_728 : vector<32xbf16>
        %unpack3A_731 = tpu.unpack_subelements %mul3A_730, 0 {pack_format = #tpu.pack_format<interleaved>} : vector<32xbf16> -> vector<16xf32>
        %unpack3A_732 = tpu.unpack_subelements %mul3A_730, 1 {pack_format = #tpu.pack_format<interleaved>} : vector<32xbf16> -> vector<16xf32>
        %add3A_733 = arith.addf %unpack3A_731, %unpack3A_732 : vector<16xf32>
        %add3A_734 = arith.addf %add3A_716, %add3A_733 : vector<16xf32>
        %get3A_735 = arith.index_cast %add3A_681 : i32 to index
        %get3A_736 = arith.constant 48 : index
        %get3A_737 = tpu.vector_load %arg10[%get3A_735, %get3A_736] {strides = array<i32>} : memref<80x64xi32, #tpu.memory_space<vmem>>, vector<16xi32>,
        %bitcast3A_738 = vector.bitcast %get3A_737 : vector<16xi32> to vector<32xbf16>
        %get3A_739 = arith.index_cast %add3A_681 : i32 to index
        %get3A_740 = arith.constant 48 : index
        %get3A_741 = tpu.vector_load %arg11[%get3A_739, %get3A_740] {strides = array<i32>} : memref<80x64xi32, #tpu.memory_space<vmem>>, vector<16xi32>,
        %bitcast3A_742 = vector.bitcast %get3A_741 : vector<16xi32> to vector<32xbf16>
        %get3A_743 = arith.index_cast %add3A_681 : i32 to index
        %get3A_744 = arith.constant 48 : index
        %get3A_745 = tpu.vector_load %arg12[%get3A_743, %get3A_744] {strides = array<i32>} : memref<80x64xi32, #tpu.memory_space<vmem>>, vector<16xi32>,
        %bitcast3A_746 = vector.bitcast %get3A_745 : vector<16xi32> to vector<32xbf16>
        %mul3A_747 = arith.mulf %bitcast3A_738, %bitcast3A_742 : vector<32xbf16>
        %mul3A_748 = arith.mulf %mul3A_747, %bitcast3A_746 : vector<32xbf16>
        %unpack3A_749 = tpu.unpack_subelements %mul3A_748, 0 {pack_format = #tpu.pack_format<interleaved>} : vector<32xbf16> -> vector<16xf32>
        %unpack3A_750 = tpu.unpack_subelements %mul3A_748, 1 {pack_format = #tpu.pack_format<interleaved>} : vector<32xbf16> -> vector<16xf32>
        %add3A_751 = arith.addf %unpack3A_749, %unpack3A_750 : vector<16xf32>
        %add3A_752 = arith.addf %add3A_734, %add3A_751 : vector<16xf32>
        %swap3A_753 = arith.constant 136 : index
        %swap3A_754 = tpu.vector_load %arg16[%swap3A_753] {strides = array<i32>} : memref<272xf32, #tpu.memory_space<vmem>>, vector<16xf32>,
        tpu.vector_store %arg16[%swap3A_753], %add3A_752 {strides = array<i32>} : memref<272xf32, #tpu.memory_space<vmem>>, vector<16xf32>,
        %mul3A_755 = arith.constant 16 : i32
        %mul3A_756 = arith.muli %add3A_65, %mul3A_755 : i32
        %add3A_757 = arith.constant 9 : i32
        %add3A_758 = arith.addi %mul3A_756, %add3A_757 : i32
        %get3A_759 = arith.index_cast %add3A_758 : i32 to index
        %get3A_760 = arith.constant 0 : index
        %get3A_761 = tpu.vector_load %arg10[%get3A_759, %get3A_760] {strides = array<i32>} : memref<80x64xi32, #tpu.memory_space<vmem>>, vector<16xi32>,
        %bitcast3A_762 = vector.bitcast %get3A_761 : vector<16xi32> to vector<32xbf16>
        %get3A_763 = arith.index_cast %add3A_758 : i32 to index
        %get3A_764 = arith.constant 0 : index
        %get3A_765 = tpu.vector_load %arg11[%get3A_763, %get3A_764] {strides = array<i32>} : memref<80x64xi32, #tpu.memory_space<vmem>>, vector<16xi32>,
        %bitcast3A_766 = vector.bitcast %get3A_765 : vector<16xi32> to vector<32xbf16>
        %get3A_767 = arith.index_cast %add3A_758 : i32 to index
        %get3A_768 = arith.constant 0 : index
        %get3A_769 = tpu.vector_load %arg12[%get3A_767, %get3A_768] {strides = array<i32>} : memref<80x64xi32, #tpu.memory_space<vmem>>, vector<16xi32>,
        %bitcast3A_770 = vector.bitcast %get3A_769 : vector<16xi32> to vector<32xbf16>
        %mul3A_771 = arith.mulf %bitcast3A_762, %bitcast3A_766 : vector<32xbf16>
        %mul3A_772 = arith.mulf %mul3A_771, %bitcast3A_770 : vector<32xbf16>
        %unpack3A_773 = tpu.unpack_subelements %mul3A_772, 0 {pack_format = #tpu.pack_format<interleaved>} : vector<32xbf16> -> vector<16xf32>
        %unpack3A_774 = tpu.unpack_subelements %mul3A_772, 1 {pack_format = #tpu.pack_format<interleaved>} : vector<32xbf16> -> vector<16xf32>
        %add3A_775 = arith.addf %unpack3A_773, %unpack3A_774 : vector<16xf32>
        %get3A_776 = arith.index_cast %add3A_758 : i32 to index
        %get3A_777 = arith.constant 16 : index
        %get3A_778 = tpu.vector_load %arg10[%get3A_776, %get3A_777] {strides = array<i32>} : memref<80x64xi32, #tpu.memory_space<vmem>>, vector<16xi32>,
        %bitcast3A_779 = vector.bitcast %get3A_778 : vector<16xi32> to vector<32xbf16>
        %get3A_780 = arith.index_cast %add3A_758 : i32 to index
        %get3A_781 = arith.constant 16 : index
        %get3A_782 = tpu.vector_load %arg11[%get3A_780, %get3A_781] {strides = array<i32>} : memref<80x64xi32, #tpu.memory_space<vmem>>, vector<16xi32>,
        %bitcast3A_783 = vector.bitcast %get3A_782 : vector<16xi32> to vector<32xbf16>
        %get3A_784 = arith.index_cast %add3A_758 : i32 to index
        %get3A_785 = arith.constant 16 : index
        %get3A_786 = tpu.vector_load %arg12[%get3A_784, %get3A_785] {strides = array<i32>} : memref<80x64xi32, #tpu.memory_space<vmem>>, vector<16xi32>,
        %bitcast3A_787 = vector.bitcast %get3A_786 : vector<16xi32> to vector<32xbf16>
        %mul3A_788 = arith.mulf %bitcast3A_779, %bitcast3A_783 : vector<32xbf16>
        %mul3A_789 = arith.mulf %mul3A_788, %bitcast3A_787 : vector<32xbf16>
        %unpack3A_790 = tpu.unpack_subelements %mul3A_789, 0 {pack_format = #tpu.pack_format<interleaved>} : vector<32xbf16> -> vector<16xf32>
        %unpack3A_791 = tpu.unpack_subelements %mul3A_789, 1 {pack_format = #tpu.pack_format<interleaved>} : vector<32xbf16> -> vector<16xf32>
        %add3A_792 = arith.addf %unpack3A_790, %unpack3A_791 : vector<16xf32>
        %add3A_793 = arith.addf %add3A_775, %add3A_792 : vector<16xf32>
        %get3A_794 = arith.index_cast %add3A_758 : i32 to index
        %get3A_795 = arith.constant 32 : index
        %get3A_796 = tpu.vector_load %arg10[%get3A_794, %get3A_795] {strides = array<i32>} : memref<80x64xi32, #tpu.memory_space<vmem>>, vector<16xi32>,
        %bitcast3A_797 = vector.bitcast %get3A_796 : vector<16xi32> to vector<32xbf16>
        %get3A_798 = arith.index_cast %add3A_758 : i32 to index
        %get3A_799 = arith.constant 32 : index
        %get3A_800 = tpu.vector_load %arg11[%get3A_798, %get3A_799] {strides = array<i32>} : memref<80x64xi32, #tpu.memory_space<vmem>>, vector<16xi32>,
        %bitcast3A_801 = vector.bitcast %get3A_800 : vector<16xi32> to vector<32xbf16>
        %get3A_802 = arith.index_cast %add3A_758 : i32 to index
        %get3A_803 = arith.constant 32 : index
        %get3A_804 = tpu.vector_load %arg12[%get3A_802, %get3A_803] {strides = array<i32>} : memref<80x64xi32, #tpu.memory_space<vmem>>, vector<16xi32>,
        %bitcast3A_805 = vector.bitcast %get3A_804 : vector<16xi32> to vector<32xbf16>
        %mul3A_806 = arith.mulf %bitcast3A_797, %bitcast3A_801 : vector<32xbf16>
        %mul3A_807 = arith.mulf %mul3A_806, %bitcast3A_805 : vector<32xbf16>
        %unpack3A_808 = tpu.unpack_subelements %mul3A_807, 0 {pack_format = #tpu.pack_format<interleaved>} : vector<32xbf16> -> vector<16xf32>
        %unpack3A_809 = tpu.unpack_subelements %mul3A_807, 1 {pack_format = #tpu.pack_format<interleaved>} : vector<32xbf16> -> vector<16xf32>
        %add3A_810 = arith.addf %unpack3A_808, %unpack3A_809 : vector<16xf32>
        %add3A_811 = arith.addf %add3A_793, %add3A_810 : vector<16xf32>
        %get3A_812 = arith.index_cast %add3A_758 : i32 to index
        %get3A_813 = arith.constant 48 : index
        %get3A_814 = tpu.vector_load %arg10[%get3A_812, %get3A_813] {strides = array<i32>} : memref<80x64xi32, #tpu.memory_space<vmem>>, vector<16xi32>,
        %bitcast3A_815 = vector.bitcast %get3A_814 : vector<16xi32> to vector<32xbf16>
        %get3A_816 = arith.index_cast %add3A_758 : i32 to index
        %get3A_817 = arith.constant 48 : index
        %get3A_818 = tpu.vector_load %arg11[%get3A_816, %get3A_817] {strides = array<i32>} : memref<80x64xi32, #tpu.memory_space<vmem>>, vector<16xi32>,
        %bitcast3A_819 = vector.bitcast %get3A_818 : vector<16xi32> to vector<32xbf16>
        %get3A_820 = arith.index_cast %add3A_758 : i32 to index
        %get3A_821 = arith.constant 48 : index
        %get3A_822 = tpu.vector_load %arg12[%get3A_820, %get3A_821] {strides = array<i32>} : memref<80x64xi32, #tpu.memory_space<vmem>>, vector<16xi32>,
        %bitcast3A_823 = vector.bitcast %get3A_822 : vector<16xi32> to vector<32xbf16>
        %mul3A_824 = arith.mulf %bitcast3A_815, %bitcast3A_819 : vector<32xbf16>
        %mul3A_825 = arith.mulf %mul3A_824, %bitcast3A_823 : vector<32xbf16>
        %unpack3A_826 = tpu.unpack_subelements %mul3A_825, 0 {pack_format = #tpu.pack_format<interleaved>} : vector<32xbf16> -> vector<16xf32>
        %unpack3A_827 = tpu.unpack_subelements %mul3A_825, 1 {pack_format = #tpu.pack_format<interleaved>} : vector<32xbf16> -> vector<16xf32>
        %add3A_828 = arith.addf %unpack3A_826, %unpack3A_827 : vector<16xf32>
        %add3A_829 = arith.addf %add3A_811, %add3A_828 : vector<16xf32>
        %swap3A_830 = arith.constant 153 : index
        %swap3A_831 = tpu.vector_load %arg16[%swap3A_830] {strides = array<i32>} : memref<272xf32, #tpu.memory_space<vmem>>, vector<16xf32>,
        tpu.vector_store %arg16[%swap3A_830], %add3A_829 {strides = array<i32>} : memref<272xf32, #tpu.memory_space<vmem>>, vector<16xf32>,
        %mul3A_832 = arith.constant 16 : i32
        %mul3A_833 = arith.muli %add3A_65, %mul3A_832 : i32
        %add3A_834 = arith.constant 10 : i32
        %add3A_835 = arith.addi %mul3A_833, %add3A_834 : i32
        %get3A_836 = arith.index_cast %add3A_835 : i32 to index
        %get3A_837 = arith.constant 0 : index
        %get3A_838 = tpu.vector_load %arg10[%get3A_836, %get3A_837] {strides = array<i32>} : memref<80x64xi32, #tpu.memory_space<vmem>>, vector<16xi32>,
        %bitcast3A_839 = vector.bitcast %get3A_838 : vector<16xi32> to vector<32xbf16>
        %get3A_840 = arith.index_cast %add3A_835 : i32 to index
        %get3A_841 = arith.constant 0 : index
        %get3A_842 = tpu.vector_load %arg11[%get3A_840, %get3A_841] {strides = array<i32>} : memref<80x64xi32, #tpu.memory_space<vmem>>, vector<16xi32>,
        %bitcast3A_843 = vector.bitcast %get3A_842 : vector<16xi32> to vector<32xbf16>
        %get3A_844 = arith.index_cast %add3A_835 : i32 to index
        %get3A_845 = arith.constant 0 : index
        %get3A_846 = tpu.vector_load %arg12[%get3A_844, %get3A_845] {strides = array<i32>} : memref<80x64xi32, #tpu.memory_space<vmem>>, vector<16xi32>,
        %bitcast3A_847 = vector.bitcast %get3A_846 : vector<16xi32> to vector<32xbf16>
        %mul3A_848 = arith.mulf %bitcast3A_839, %bitcast3A_843 : vector<32xbf16>
        %mul3A_849 = arith.mulf %mul3A_848, %bitcast3A_847 : vector<32xbf16>
        %unpack3A_850 = tpu.unpack_subelements %mul3A_849, 0 {pack_format = #tpu.pack_format<interleaved>} : vector<32xbf16> -> vector<16xf32>
        %unpack3A_851 = tpu.unpack_subelements %mul3A_849, 1 {pack_format = #tpu.pack_format<interleaved>} : vector<32xbf16> -> vector<16xf32>
        %add3A_852 = arith.addf %unpack3A_850, %unpack3A_851 : vector<16xf32>
        %get3A_853 = arith.index_cast %add3A_835 : i32 to index
        %get3A_854 = arith.constant 16 : index
        %get3A_855 = tpu.vector_load %arg10[%get3A_853, %get3A_854] {strides = array<i32>} : memref<80x64xi32, #tpu.memory_space<vmem>>, vector<16xi32>,
        %bitcast3A_856 = vector.bitcast %get3A_855 : vector<16xi32> to vector<32xbf16>
        %get3A_857 = arith.index_cast %add3A_835 : i32 to index
        %get3A_858 = arith.constant 16 : index
        %get3A_859 = tpu.vector_load %arg11[%get3A_857, %get3A_858] {strides = array<i32>} : memref<80x64xi32, #tpu.memory_space<vmem>>, vector<16xi32>,
        %bitcast3A_860 = vector.bitcast %get3A_859 : vector<16xi32> to vector<32xbf16>
        %get3A_861 = arith.index_cast %add3A_835 : i32 to index
        %get3A_862 = arith.constant 16 : index
        %get3A_863 = tpu.vector_load %arg12[%get3A_861, %get3A_862] {strides = array<i32>} : memref<80x64xi32, #tpu.memory_space<vmem>>, vector<16xi32>,
        %bitcast3A_864 = vector.bitcast %get3A_863 : vector<16xi32> to vector<32xbf16>
        %mul3A_865 = arith.mulf %bitcast3A_856, %bitcast3A_860 : vector<32xbf16>
        %mul3A_866 = arith.mulf %mul3A_865, %bitcast3A_864 : vector<32xbf16>
        %unpack3A_867 = tpu.unpack_subelements %mul3A_866, 0 {pack_format = #tpu.pack_format<interleaved>} : vector<32xbf16> -> vector<16xf32>
        %unpack3A_868 = tpu.unpack_subelements %mul3A_866, 1 {pack_format = #tpu.pack_format<interleaved>} : vector<32xbf16> -> vector<16xf32>
        %add3A_869 = arith.addf %unpack3A_867, %unpack3A_868 : vector<16xf32>
        %add3A_870 = arith.addf %add3A_852, %add3A_869 : vector<16xf32>
        %get3A_871 = arith.index_cast %add3A_835 : i32 to index
        %get3A_872 = arith.constant 32 : index
        %get3A_873 = tpu.vector_load %arg10[%get3A_871, %get3A_872] {strides = array<i32>} : memref<80x64xi32, #tpu.memory_space<vmem>>, vector<16xi32>,
        %bitcast3A_874 = vector.bitcast %get3A_873 : vector<16xi32> to vector<32xbf16>
        %get3A_875 = arith.index_cast %add3A_835 : i32 to index
        %get3A_876 = arith.constant 32 : index
        %get3A_877 = tpu.vector_load %arg11[%get3A_875, %get3A_876] {strides = array<i32>} : memref<80x64xi32, #tpu.memory_space<vmem>>, vector<16xi32>,
        %bitcast3A_878 = vector.bitcast %get3A_877 : vector<16xi32> to vector<32xbf16>
        %get3A_879 = arith.index_cast %add3A_835 : i32 to index
        %get3A_880 = arith.constant 32 : index
        %get3A_881 = tpu.vector_load %arg12[%get3A_879, %get3A_880] {strides = array<i32>} : memref<80x64xi32, #tpu.memory_space<vmem>>, vector<16xi32>,
        %bitcast3A_882 = vector.bitcast %get3A_881 : vector<16xi32> to vector<32xbf16>
        %mul3A_883 = arith.mulf %bitcast3A_874, %bitcast3A_878 : vector<32xbf16>
        %mul3A_884 = arith.mulf %mul3A_883, %bitcast3A_882 : vector<32xbf16>
        %unpack3A_885 = tpu.unpack_subelements %mul3A_884, 0 {pack_format = #tpu.pack_format<interleaved>} : vector<32xbf16> -> vector<16xf32>
        %unpack3A_886 = tpu.unpack_subelements %mul3A_884, 1 {pack_format = #tpu.pack_format<interleaved>} : vector<32xbf16> -> vector<16xf32>
        %add3A_887 = arith.addf %unpack3A_885, %unpack3A_886 : vector<16xf32>
        %add3A_888 = arith.addf %add3A_870, %add3A_887 : vector<16xf32>
        %get3A_889 = arith.index_cast %add3A_835 : i32 to index
        %get3A_890 = arith.constant 48 : index
        %get3A_891 = tpu.vector_load %arg10[%get3A_889, %get3A_890] {strides = array<i32>} : memref<80x64xi32, #tpu.memory_space<vmem>>, vector<16xi32>,
        %bitcast3A_892 = vector.bitcast %get3A_891 : vector<16xi32> to vector<32xbf16>
        %get3A_893 = arith.index_cast %add3A_835 : i32 to index
        %get3A_894 = arith.constant 48 : index
        %get3A_895 = tpu.vector_load %arg11[%get3A_893, %get3A_894] {strides = array<i32>} : memref<80x64xi32, #tpu.memory_space<vmem>>, vector<16xi32>,
        %bitcast3A_896 = vector.bitcast %get3A_895 : vector<16xi32> to vector<32xbf16>
        %get3A_897 = arith.index_cast %add3A_835 : i32 to index
        %get3A_898 = arith.constant 48 : index
        %get3A_899 = tpu.vector_load %arg12[%get3A_897, %get3A_898] {strides = array<i32>} : memref<80x64xi32, #tpu.memory_space<vmem>>, vector<16xi32>,
        %bitcast3A_900 = vector.bitcast %get3A_899 : vector<16xi32> to vector<32xbf16>
        %mul3A_901 = arith.mulf %bitcast3A_892, %bitcast3A_896 : vector<32xbf16>
        %mul3A_902 = arith.mulf %mul3A_901, %bitcast3A_900 : vector<32xbf16>
        %unpack3A_903 = tpu.unpack_subelements %mul3A_902, 0 {pack_format = #tpu.pack_format<interleaved>} : vector<32xbf16> -> vector<16xf32>
        %unpack3A_904 = tpu.unpack_subelements %mul3A_902, 1 {pack_format = #tpu.pack_format<interleaved>} : vector<32xbf16> -> vector<16xf32>
        %add3A_905 = arith.addf %unpack3A_903, %unpack3A_904 : vector<16xf32>
        %add3A_906 = arith.addf %add3A_888, %add3A_905 : vector<16xf32>
        %swap3A_907 = arith.constant 170 : index
        %swap3A_908 = tpu.vector_load %arg16[%swap3A_907] {strides = array<i32>} : memref<272xf32, #tpu.memory_space<vmem>>, vector<16xf32>,
        tpu.vector_store %arg16[%swap3A_907], %add3A_906 {strides = array<i32>} : memref<272xf32, #tpu.memory_space<vmem>>, vector<16xf32>,
        %mul3A_909 = arith.constant 16 : i32
        %mul3A_910 = arith.muli %add3A_65, %mul3A_909 : i32
        %add3A_911 = arith.constant 11 : i32
        %add3A_912 = arith.addi %mul3A_910, %add3A_911 : i32
        %get3A_913 = arith.index_cast %add3A_912 : i32 to index
        %get3A_914 = arith.constant 0 : index
        %get3A_915 = tpu.vector_load %arg10[%get3A_913, %get3A_914] {strides = array<i32>} : memref<80x64xi32, #tpu.memory_space<vmem>>, vector<16xi32>,
        %bitcast3A_916 = vector.bitcast %get3A_915 : vector<16xi32> to vector<32xbf16>
        %get3A_917 = arith.index_cast %add3A_912 : i32 to index
        %get3A_918 = arith.constant 0 : index
        %get3A_919 = tpu.vector_load %arg11[%get3A_917, %get3A_918] {strides = array<i32>} : memref<80x64xi32, #tpu.memory_space<vmem>>, vector<16xi32>,
        %bitcast3A_920 = vector.bitcast %get3A_919 : vector<16xi32> to vector<32xbf16>
        %get3A_921 = arith.index_cast %add3A_912 : i32 to index
        %get3A_922 = arith.constant 0 : index
        %get3A_923 = tpu.vector_load %arg12[%get3A_921, %get3A_922] {strides = array<i32>} : memref<80x64xi32, #tpu.memory_space<vmem>>, vector<16xi32>,
        %bitcast3A_924 = vector.bitcast %get3A_923 : vector<16xi32> to vector<32xbf16>
        %mul3A_925 = arith.mulf %bitcast3A_916, %bitcast3A_920 : vector<32xbf16>
        %mul3A_926 = arith.mulf %mul3A_925, %bitcast3A_924 : vector<32xbf16>
        %unpack3A_927 = tpu.unpack_subelements %mul3A_926, 0 {pack_format = #tpu.pack_format<interleaved>} : vector<32xbf16> -> vector<16xf32>
        %unpack3A_928 = tpu.unpack_subelements %mul3A_926, 1 {pack_format = #tpu.pack_format<interleaved>} : vector<32xbf16> -> vector<16xf32>
        %add3A_929 = arith.addf %unpack3A_927, %unpack3A_928 : vector<16xf32>
        %get3A_930 = arith.index_cast %add3A_912 : i32 to index
        %get3A_931 = arith.constant 16 : index
        %get3A_932 = tpu.vector_load %arg10[%get3A_930, %get3A_931] {strides = array<i32>} : memref<80x64xi32, #tpu.memory_space<vmem>>, vector<16xi32>,
        %bitcast3A_933 = vector.bitcast %get3A_932 : vector<16xi32> to vector<32xbf16>
        %get3A_934 = arith.index_cast %add3A_912 : i32 to index
        %get3A_935 = arith.constant 16 : index
        %get3A_936 = tpu.vector_load %arg11[%get3A_934, %get3A_935] {strides = array<i32>} : memref<80x64xi32, #tpu.memory_space<vmem>>, vector<16xi32>,
        %bitcast3A_937 = vector.bitcast %get3A_936 : vector<16xi32> to vector<32xbf16>
        %get3A_938 = arith.index_cast %add3A_912 : i32 to index
        %get3A_939 = arith.constant 16 : index
        %get3A_940 = tpu.vector_load %arg12[%get3A_938, %get3A_939] {strides = array<i32>} : memref<80x64xi32, #tpu.memory_space<vmem>>, vector<16xi32>,
        %bitcast3A_941 = vector.bitcast %get3A_940 : vector<16xi32> to vector<32xbf16>
        %mul3A_942 = arith.mulf %bitcast3A_933, %bitcast3A_937 : vector<32xbf16>
        %mul3A_943 = arith.mulf %mul3A_942, %bitcast3A_941 : vector<32xbf16>
        %unpack3A_944 = tpu.unpack_subelements %mul3A_943, 0 {pack_format = #tpu.pack_format<interleaved>} : vector<32xbf16> -> vector<16xf32>
        %unpack3A_945 = tpu.unpack_subelements %mul3A_943, 1 {pack_format = #tpu.pack_format<interleaved>} : vector<32xbf16> -> vector<16xf32>
        %add3A_946 = arith.addf %unpack3A_944, %unpack3A_945 : vector<16xf32>
        %add3A_947 = arith.addf %add3A_929, %add3A_946 : vector<16xf32>
        %get3A_948 = arith.index_cast %add3A_912 : i32 to index
        %get3A_949 = arith.constant 32 : index
        %get3A_950 = tpu.vector_load %arg10[%get3A_948, %get3A_949] {strides = array<i32>} : memref<80x64xi32, #tpu.memory_space<vmem>>, vector<16xi32>,
        %bitcast3A_951 = vector.bitcast %get3A_950 : vector<16xi32> to vector<32xbf16>
        %get3A_952 = arith.index_cast %add3A_912 : i32 to index
        %get3A_953 = arith.constant 32 : index
        %get3A_954 = tpu.vector_load %arg11[%get3A_952, %get3A_953] {strides = array<i32>} : memref<80x64xi32, #tpu.memory_space<vmem>>, vector<16xi32>,
        %bitcast3A_955 = vector.bitcast %get3A_954 : vector<16xi32> to vector<32xbf16>
        %get3A_956 = arith.index_cast %add3A_912 : i32 to index
        %get3A_957 = arith.constant 32 : index
        %get3A_958 = tpu.vector_load %arg12[%get3A_956, %get3A_957] {strides = array<i32>} : memref<80x64xi32, #tpu.memory_space<vmem>>, vector<16xi32>,
        %bitcast3A_959 = vector.bitcast %get3A_958 : vector<16xi32> to vector<32xbf16>
        %mul3A_960 = arith.mulf %bitcast3A_951, %bitcast3A_955 : vector<32xbf16>
        %mul3A_961 = arith.mulf %mul3A_960, %bitcast3A_959 : vector<32xbf16>
        %unpack3A_962 = tpu.unpack_subelements %mul3A_961, 0 {pack_format = #tpu.pack_format<interleaved>} : vector<32xbf16> -> vector<16xf32>
        %unpack3A_963 = tpu.unpack_subelements %mul3A_961, 1 {pack_format = #tpu.pack_format<interleaved>} : vector<32xbf16> -> vector<16xf32>
        %add3A_964 = arith.addf %unpack3A_962, %unpack3A_963 : vector<16xf32>
        %add3A_965 = arith.addf %add3A_947, %add3A_964 : vector<16xf32>
        %get3A_966 = arith.index_cast %add3A_912 : i32 to index
        %get3A_967 = arith.constant 48 : index
        %get3A_968 = tpu.vector_load %arg10[%get3A_966, %get3A_967] {strides = array<i32>} : memref<80x64xi32, #tpu.memory_space<vmem>>, vector<16xi32>,
        %bitcast3A_969 = vector.bitcast %get3A_968 : vector<16xi32> to vector<32xbf16>
        %get3A_970 = arith.index_cast %add3A_912 : i32 to index
        %get3A_971 = arith.constant 48 : index
        %get3A_972 = tpu.vector_load %arg11[%get3A_970, %get3A_971] {strides = array<i32>} : memref<80x64xi32, #tpu.memory_space<vmem>>, vector<16xi32>,
        %bitcast3A_973 = vector.bitcast %get3A_972 : vector<16xi32> to vector<32xbf16>
        %get3A_974 = arith.index_cast %add3A_912 : i32 to index
        %get3A_975 = arith.constant 48 : index
        %get3A_976 = tpu.vector_load %arg12[%get3A_974, %get3A_975] {strides = array<i32>} : memref<80x64xi32, #tpu.memory_space<vmem>>, vector<16xi32>,
        %bitcast3A_977 = vector.bitcast %get3A_976 : vector<16xi32> to vector<32xbf16>
        %mul3A_978 = arith.mulf %bitcast3A_969, %bitcast3A_973 : vector<32xbf16>
        %mul3A_979 = arith.mulf %mul3A_978, %bitcast3A_977 : vector<32xbf16>
        %unpack3A_980 = tpu.unpack_subelements %mul3A_979, 0 {pack_format = #tpu.pack_format<interleaved>} : vector<32xbf16> -> vector<16xf32>
        %unpack3A_981 = tpu.unpack_subelements %mul3A_979, 1 {pack_format = #tpu.pack_format<interleaved>} : vector<32xbf16> -> vector<16xf32>
        %add3A_982 = arith.addf %unpack3A_980, %unpack3A_981 : vector<16xf32>
        %add3A_983 = arith.addf %add3A_965, %add3A_982 : vector<16xf32>
        %swap3A_984 = arith.constant 187 : index
        %swap3A_985 = tpu.vector_load %arg16[%swap3A_984] {strides = array<i32>} : memref<272xf32, #tpu.memory_space<vmem>>, vector<16xf32>,
        tpu.vector_store %arg16[%swap3A_984], %add3A_983 {strides = array<i32>} : memref<272xf32, #tpu.memory_space<vmem>>, vector<16xf32>,
        %mul3A_986 = arith.constant 16 : i32
        %mul3A_987 = arith.muli %add3A_65, %mul3A_986 : i32
        %add3A_988 = arith.constant 12 : i32
        %add3A_989 = arith.addi %mul3A_987, %add3A_988 : i32
        %get3A_990 = arith.index_cast %add3A_989 : i32 to index
        %get3A_991 = arith.constant 0 : index
        %get3A_992 = tpu.vector_load %arg10[%get3A_990, %get3A_991] {strides = array<i32>} : memref<80x64xi32, #tpu.memory_space<vmem>>, vector<16xi32>,
        %bitcast3A_993 = vector.bitcast %get3A_992 : vector<16xi32> to vector<32xbf16>
        %get3A_994 = arith.index_cast %add3A_989 : i32 to index
        %get3A_995 = arith.constant 0 : index
        %get3A_996 = tpu.vector_load %arg11[%get3A_994, %get3A_995] {strides = array<i32>} : memref<80x64xi32, #tpu.memory_space<vmem>>, vector<16xi32>,
        %bitcast3A_997 = vector.bitcast %get3A_996 : vector<16xi32> to vector<32xbf16>
        %get3A_998 = arith.index_cast %add3A_989 : i32 to index
        %get3A_999 = arith.constant 0 : index
        %get3A_1000 = tpu.vector_load %arg12[%get3A_998, %get3A_999] {strides = array<i32>} : memref<80x64xi32, #tpu.memory_space<vmem>>, vector<16xi32>,
        %bitcast3A_1001 = vector.bitcast %get3A_1000 : vector<16xi32> to vector<32xbf16>
        %mul3A_1002 = arith.mulf %bitcast3A_993, %bitcast3A_997 : vector<32xbf16>
        %mul3A_1003 = arith.mulf %mul3A_1002, %bitcast3A_1001 : vector<32xbf16>
        %unpack3A_1004 = tpu.unpack_subelements %mul3A_1003, 0 {pack_format = #tpu.pack_format<interleaved>} : vector<32xbf16> -> vector<16xf32>
        %unpack3A_1005 = tpu.unpack_subelements %mul3A_1003, 1 {pack_format = #tpu.pack_format<interleaved>} : vector<32xbf16> -> vector<16xf32>
        %add3A_1006 = arith.addf %unpack3A_1004, %unpack3A_1005 : vector<16xf32>
        %get3A_1007 = arith.index_cast %add3A_989 : i32 to index
        %get3A_1008 = arith.constant 16 : index
        %get3A_1009 = tpu.vector_load %arg10[%get3A_1007, %get3A_1008] {strides = array<i32>} : memref<80x64xi32, #tpu.memory_space<vmem>>, vector<16xi32>,
        %bitcast3A_1010 = vector.bitcast %get3A_1009 : vector<16xi32> to vector<32xbf16>
        %get3A_1011 = arith.index_cast %add3A_989 : i32 to index
        %get3A_1012 = arith.constant 16 : index
        %get3A_1013 = tpu.vector_load %arg11[%get3A_1011, %get3A_1012] {strides = array<i32>} : memref<80x64xi32, #tpu.memory_space<vmem>>, vector<16xi32>,
        %bitcast3A_1014 = vector.bitcast %get3A_1013 : vector<16xi32> to vector<32xbf16>
        %get3A_1015 = arith.index_cast %add3A_989 : i32 to index
        %get3A_1016 = arith.constant 16 : index
        %get3A_1017 = tpu.vector_load %arg12[%get3A_1015, %get3A_1016] {strides = array<i32>} : memref<80x64xi32, #tpu.memory_space<vmem>>, vector<16xi32>,
        %bitcast3A_1018 = vector.bitcast %get3A_1017 : vector<16xi32> to vector<32xbf16>
        %mul3A_1019 = arith.mulf %bitcast3A_1010, %bitcast3A_1014 : vector<32xbf16>
        %mul3A_1020 = arith.mulf %mul3A_1019, %bitcast3A_1018 : vector<32xbf16>
        %unpack3A_1021 = tpu.unpack_subelements %mul3A_1020, 0 {pack_format = #tpu.pack_format<interleaved>} : vector<32xbf16> -> vector<16xf32>
        %unpack3A_1022 = tpu.unpack_subelements %mul3A_1020, 1 {pack_format = #tpu.pack_format<interleaved>} : vector<32xbf16> -> vector<16xf32>
        %add3A_1023 = arith.addf %unpack3A_1021, %unpack3A_1022 : vector<16xf32>
        %add3A_1024 = arith.addf %add3A_1006, %add3A_1023 : vector<16xf32>
        %get3A_1025 = arith.index_cast %add3A_989 : i32 to index
        %get3A_1026 = arith.constant 32 : index
        %get3A_1027 = tpu.vector_load %arg10[%get3A_1025, %get3A_1026] {strides = array<i32>} : memref<80x64xi32, #tpu.memory_space<vmem>>, vector<16xi32>,
        %bitcast3A_1028 = vector.bitcast %get3A_1027 : vector<16xi32> to vector<32xbf16>
        %get3A_1029 = arith.index_cast %add3A_989 : i32 to index
        %get3A_1030 = arith.constant 32 : index
        %get3A_1031 = tpu.vector_load %arg11[%get3A_1029, %get3A_1030] {strides = array<i32>} : memref<80x64xi32, #tpu.memory_space<vmem>>, vector<16xi32>,
        %bitcast3A_1032 = vector.bitcast %get3A_1031 : vector<16xi32> to vector<32xbf16>
        %get3A_1033 = arith.index_cast %add3A_989 : i32 to index
        %get3A_1034 = arith.constant 32 : index
        %get3A_1035 = tpu.vector_load %arg12[%get3A_1033, %get3A_1034] {strides = array<i32>} : memref<80x64xi32, #tpu.memory_space<vmem>>, vector<16xi32>,
        %bitcast3A_1036 = vector.bitcast %get3A_1035 : vector<16xi32> to vector<32xbf16>
        %mul3A_1037 = arith.mulf %bitcast3A_1028, %bitcast3A_1032 : vector<32xbf16>
        %mul3A_1038 = arith.mulf %mul3A_1037, %bitcast3A_1036 : vector<32xbf16>
        %unpack3A_1039 = tpu.unpack_subelements %mul3A_1038, 0 {pack_format = #tpu.pack_format<interleaved>} : vector<32xbf16> -> vector<16xf32>
        %unpack3A_1040 = tpu.unpack_subelements %mul3A_1038, 1 {pack_format = #tpu.pack_format<interleaved>} : vector<32xbf16> -> vector<16xf32>
        %add3A_1041 = arith.addf %unpack3A_1039, %unpack3A_1040 : vector<16xf32>
        %add3A_1042 = arith.addf %add3A_1024, %add3A_1041 : vector<16xf32>
        %get3A_1043 = arith.index_cast %add3A_989 : i32 to index
        %get3A_1044 = arith.constant 48 : index
        %get3A_1045 = tpu.vector_load %arg10[%get3A_1043, %get3A_1044] {strides = array<i32>} : memref<80x64xi32, #tpu.memory_space<vmem>>, vector<16xi32>,
        %bitcast3A_1046 = vector.bitcast %get3A_1045 : vector<16xi32> to vector<32xbf16>
        %get3A_1047 = arith.index_cast %add3A_989 : i32 to index
        %get3A_1048 = arith.constant 48 : index
        %get3A_1049 = tpu.vector_load %arg11[%get3A_1047, %get3A_1048] {strides = array<i32>} : memref<80x64xi32, #tpu.memory_space<vmem>>, vector<16xi32>,
        %bitcast3A_1050 = vector.bitcast %get3A_1049 : vector<16xi32> to vector<32xbf16>
        %get3A_1051 = arith.index_cast %add3A_989 : i32 to index
        %get3A_1052 = arith.constant 48 : index
        %get3A_1053 = tpu.vector_load %arg12[%get3A_1051, %get3A_1052] {strides = array<i32>} : memref<80x64xi32, #tpu.memory_space<vmem>>, vector<16xi32>,
        %bitcast3A_1054 = vector.bitcast %get3A_1053 : vector<16xi32> to vector<32xbf16>
        %mul3A_1055 = arith.mulf %bitcast3A_1046, %bitcast3A_1050 : vector<32xbf16>
        %mul3A_1056 = arith.mulf %mul3A_1055, %bitcast3A_1054 : vector<32xbf16>
        %unpack3A_1057 = tpu.unpack_subelements %mul3A_1056, 0 {pack_format = #tpu.pack_format<interleaved>} : vector<32xbf16> -> vector<16xf32>
        %unpack3A_1058 = tpu.unpack_subelements %mul3A_1056, 1 {pack_format = #tpu.pack_format<interleaved>} : vector<32xbf16> -> vector<16xf32>
        %add3A_1059 = arith.addf %unpack3A_1057, %unpack3A_1058 : vector<16xf32>
        %add3A_1060 = arith.addf %add3A_1042, %add3A_1059 : vector<16xf32>
        %swap3A_1061 = arith.constant 204 : index
        %swap3A_1062 = tpu.vector_load %arg16[%swap3A_1061] {strides = array<i32>} : memref<272xf32, #tpu.memory_space<vmem>>, vector<16xf32>,
        tpu.vector_store %arg16[%swap3A_1061], %add3A_1060 {strides = array<i32>} : memref<272xf32, #tpu.memory_space<vmem>>, vector<16xf32>,
        %mul3A_1063 = arith.constant 16 : i32
        %mul3A_1064 = arith.muli %add3A_65, %mul3A_1063 : i32
        %add3A_1065 = arith.constant 13 : i32
        %add3A_1066 = arith.addi %mul3A_1064, %add3A_1065 : i32
        %get3A_1067 = arith.index_cast %add3A_1066 : i32 to index
        %get3A_1068 = arith.constant 0 : index
        %get3A_1069 = tpu.vector_load %arg10[%get3A_1067, %get3A_1068] {strides = array<i32>} : memref<80x64xi32, #tpu.memory_space<vmem>>, vector<16xi32>,
        %bitcast3A_1070 = vector.bitcast %get3A_1069 : vector<16xi32> to vector<32xbf16>
        %get3A_1071 = arith.index_cast %add3A_1066 : i32 to index
        %get3A_1072 = arith.constant 0 : index
        %get3A_1073 = tpu.vector_load %arg11[%get3A_1071, %get3A_1072] {strides = array<i32>} : memref<80x64xi32, #tpu.memory_space<vmem>>, vector<16xi32>,
        %bitcast3A_1074 = vector.bitcast %get3A_1073 : vector<16xi32> to vector<32xbf16>
        %get3A_1075 = arith.index_cast %add3A_1066 : i32 to index
        %get3A_1076 = arith.constant 0 : index
        %get3A_1077 = tpu.vector_load %arg12[%get3A_1075, %get3A_1076] {strides = array<i32>} : memref<80x64xi32, #tpu.memory_space<vmem>>, vector<16xi32>,
        %bitcast3A_1078 = vector.bitcast %get3A_1077 : vector<16xi32> to vector<32xbf16>
        %mul3A_1079 = arith.mulf %bitcast3A_1070, %bitcast3A_1074 : vector<32xbf16>
        %mul3A_1080 = arith.mulf %mul3A_1079, %bitcast3A_1078 : vector<32xbf16>
        %unpack3A_1081 = tpu.unpack_subelements %mul3A_1080, 0 {pack_format = #tpu.pack_format<interleaved>} : vector<32xbf16> -> vector<16xf32>
        %unpack3A_1082 = tpu.unpack_subelements %mul3A_1080, 1 {pack_format = #tpu.pack_format<interleaved>} : vector<32xbf16> -> vector<16xf32>
        %add3A_1083 = arith.addf %unpack3A_1081, %unpack3A_1082 : vector<16xf32>
        %get3A_1084 = arith.index_cast %add3A_1066 : i32 to index
        %get3A_1085 = arith.constant 16 : index
        %get3A_1086 = tpu.vector_load %arg10[%get3A_1084, %get3A_1085] {strides = array<i32>} : memref<80x64xi32, #tpu.memory_space<vmem>>, vector<16xi32>,
        %bitcast3A_1087 = vector.bitcast %get3A_1086 : vector<16xi32> to vector<32xbf16>
        %get3A_1088 = arith.index_cast %add3A_1066 : i32 to index
        %get3A_1089 = arith.constant 16 : index
        %get3A_1090 = tpu.vector_load %arg11[%get3A_1088, %get3A_1089] {strides = array<i32>} : memref<80x64xi32, #tpu.memory_space<vmem>>, vector<16xi32>,
        %bitcast3A_1091 = vector.bitcast %get3A_1090 : vector<16xi32> to vector<32xbf16>
        %get3A_1092 = arith.index_cast %add3A_1066 : i32 to index
        %get3A_1093 = arith.constant 16 : index
        %get3A_1094 = tpu.vector_load %arg12[%get3A_1092, %get3A_1093] {strides = array<i32>} : memref<80x64xi32, #tpu.memory_space<vmem>>, vector<16xi32>,
        %bitcast3A_1095 = vector.bitcast %get3A_1094 : vector<16xi32> to vector<32xbf16>
        %mul3A_1096 = arith.mulf %bitcast3A_1087, %bitcast3A_1091 : vector<32xbf16>
        %mul3A_1097 = arith.mulf %mul3A_1096, %bitcast3A_1095 : vector<32xbf16>
        %unpack3A_1098 = tpu.unpack_subelements %mul3A_1097, 0 {pack_format = #tpu.pack_format<interleaved>} : vector<32xbf16> -> vector<16xf32>
        %unpack3A_1099 = tpu.unpack_subelements %mul3A_1097, 1 {pack_format = #tpu.pack_format<interleaved>} : vector<32xbf16> -> vector<16xf32>
        %add3A_1100 = arith.addf %unpack3A_1098, %unpack3A_1099 : vector<16xf32>
        %add3A_1101 = arith.addf %add3A_1083, %add3A_1100 : vector<16xf32>
        %get3A_1102 = arith.index_cast %add3A_1066 : i32 to index
        %get3A_1103 = arith.constant 32 : index
        %get3A_1104 = tpu.vector_load %arg10[%get3A_1102, %get3A_1103] {strides = array<i32>} : memref<80x64xi32, #tpu.memory_space<vmem>>, vector<16xi32>,
        %bitcast3A_1105 = vector.bitcast %get3A_1104 : vector<16xi32> to vector<32xbf16>
        %get3A_1106 = arith.index_cast %add3A_1066 : i32 to index
        %get3A_1107 = arith.constant 32 : index
        %get3A_1108 = tpu.vector_load %arg11[%get3A_1106, %get3A_1107] {strides = array<i32>} : memref<80x64xi32, #tpu.memory_space<vmem>>, vector<16xi32>,
        %bitcast3A_1109 = vector.bitcast %get3A_1108 : vector<16xi32> to vector<32xbf16>
        %get3A_1110 = arith.index_cast %add3A_1066 : i32 to index
        %get3A_1111 = arith.constant 32 : index
        %get3A_1112 = tpu.vector_load %arg12[%get3A_1110, %get3A_1111] {strides = array<i32>} : memref<80x64xi32, #tpu.memory_space<vmem>>, vector<16xi32>,
        %bitcast3A_1113 = vector.bitcast %get3A_1112 : vector<16xi32> to vector<32xbf16>
        %mul3A_1114 = arith.mulf %bitcast3A_1105, %bitcast3A_1109 : vector<32xbf16>
        %mul3A_1115 = arith.mulf %mul3A_1114, %bitcast3A_1113 : vector<32xbf16>
        %unpack3A_1116 = tpu.unpack_subelements %mul3A_1115, 0 {pack_format = #tpu.pack_format<interleaved>} : vector<32xbf16> -> vector<16xf32>
        %unpack3A_1117 = tpu.unpack_subelements %mul3A_1115, 1 {pack_format = #tpu.pack_format<interleaved>} : vector<32xbf16> -> vector<16xf32>
        %add3A_1118 = arith.addf %unpack3A_1116, %unpack3A_1117 : vector<16xf32>
        %add3A_1119 = arith.addf %add3A_1101, %add3A_1118 : vector<16xf32>
        %get3A_1120 = arith.index_cast %add3A_1066 : i32 to index
        %get3A_1121 = arith.constant 48 : index
        %get3A_1122 = tpu.vector_load %arg10[%get3A_1120, %get3A_1121] {strides = array<i32>} : memref<80x64xi32, #tpu.memory_space<vmem>>, vector<16xi32>,
        %bitcast3A_1123 = vector.bitcast %get3A_1122 : vector<16xi32> to vector<32xbf16>
        %get3A_1124 = arith.index_cast %add3A_1066 : i32 to index
        %get3A_1125 = arith.constant 48 : index
        %get3A_1126 = tpu.vector_load %arg11[%get3A_1124, %get3A_1125] {strides = array<i32>} : memref<80x64xi32, #tpu.memory_space<vmem>>, vector<16xi32>,
        %bitcast3A_1127 = vector.bitcast %get3A_1126 : vector<16xi32> to vector<32xbf16>
        %get3A_1128 = arith.index_cast %add3A_1066 : i32 to index
        %get3A_1129 = arith.constant 48 : index
        %get3A_1130 = tpu.vector_load %arg12[%get3A_1128, %get3A_1129] {strides = array<i32>} : memref<80x64xi32, #tpu.memory_space<vmem>>, vector<16xi32>,
        %bitcast3A_1131 = vector.bitcast %get3A_1130 : vector<16xi32> to vector<32xbf16>
        %mul3A_1132 = arith.mulf %bitcast3A_1123, %bitcast3A_1127 : vector<32xbf16>
        %mul3A_1133 = arith.mulf %mul3A_1132, %bitcast3A_1131 : vector<32xbf16>
        %unpack3A_1134 = tpu.unpack_subelements %mul3A_1133, 0 {pack_format = #tpu.pack_format<interleaved>} : vector<32xbf16> -> vector<16xf32>
        %unpack3A_1135 = tpu.unpack_subelements %mul3A_1133, 1 {pack_format = #tpu.pack_format<interleaved>} : vector<32xbf16> -> vector<16xf32>
        %add3A_1136 = arith.addf %unpack3A_1134, %unpack3A_1135 : vector<16xf32>
        %add3A_1137 = arith.addf %add3A_1119, %add3A_1136 : vector<16xf32>
        %swap3A_1138 = arith.constant 221 : index
        %swap3A_1139 = tpu.vector_load %arg16[%swap3A_1138] {strides = array<i32>} : memref<272xf32, #tpu.memory_space<vmem>>, vector<16xf32>,
        tpu.vector_store %arg16[%swap3A_1138], %add3A_1137 {strides = array<i32>} : memref<272xf32, #tpu.memory_space<vmem>>, vector<16xf32>,
        %mul3A_1140 = arith.constant 16 : i32
        %mul3A_1141 = arith.muli %add3A_65, %mul3A_1140 : i32
        %add3A_1142 = arith.constant 14 : i32
        %add3A_1143 = arith.addi %mul3A_1141, %add3A_1142 : i32
        %get3A_1144 = arith.index_cast %add3A_1143 : i32 to index
        %get3A_1145 = arith.constant 0 : index
        %get3A_1146 = tpu.vector_load %arg10[%get3A_1144, %get3A_1145] {strides = array<i32>} : memref<80x64xi32, #tpu.memory_space<vmem>>, vector<16xi32>,
        %bitcast3A_1147 = vector.bitcast %get3A_1146 : vector<16xi32> to vector<32xbf16>
        %get3A_1148 = arith.index_cast %add3A_1143 : i32 to index
        %get3A_1149 = arith.constant 0 : index
        %get3A_1150 = tpu.vector_load %arg11[%get3A_1148, %get3A_1149] {strides = array<i32>} : memref<80x64xi32, #tpu.memory_space<vmem>>, vector<16xi32>,
        %bitcast3A_1151 = vector.bitcast %get3A_1150 : vector<16xi32> to vector<32xbf16>
        %get3A_1152 = arith.index_cast %add3A_1143 : i32 to index
        %get3A_1153 = arith.constant 0 : index
        %get3A_1154 = tpu.vector_load %arg12[%get3A_1152, %get3A_1153] {strides = array<i32>} : memref<80x64xi32, #tpu.memory_space<vmem>>, vector<16xi32>,
        %bitcast3A_1155 = vector.bitcast %get3A_1154 : vector<16xi32> to vector<32xbf16>
        %mul3A_1156 = arith.mulf %bitcast3A_1147, %bitcast3A_1151 : vector<32xbf16>
        %mul3A_1157 = arith.mulf %mul3A_1156, %bitcast3A_1155 : vector<32xbf16>
        %unpack3A_1158 = tpu.unpack_subelements %mul3A_1157, 0 {pack_format = #tpu.pack_format<interleaved>} : vector<32xbf16> -> vector<16xf32>
        %unpack3A_1159 = tpu.unpack_subelements %mul3A_1157, 1 {pack_format = #tpu.pack_format<interleaved>} : vector<32xbf16> -> vector<16xf32>
        %add3A_1160 = arith.addf %unpack3A_1158, %unpack3A_1159 : vector<16xf32>
        %get3A_1161 = arith.index_cast %add3A_1143 : i32 to index
        %get3A_1162 = arith.constant 16 : index
        %get3A_1163 = tpu.vector_load %arg10[%get3A_1161, %get3A_1162] {strides = array<i32>} : memref<80x64xi32, #tpu.memory_space<vmem>>, vector<16xi32>,
        %bitcast3A_1164 = vector.bitcast %get3A_1163 : vector<16xi32> to vector<32xbf16>
        %get3A_1165 = arith.index_cast %add3A_1143 : i32 to index
        %get3A_1166 = arith.constant 16 : index
        %get3A_1167 = tpu.vector_load %arg11[%get3A_1165, %get3A_1166] {strides = array<i32>} : memref<80x64xi32, #tpu.memory_space<vmem>>, vector<16xi32>,
        %bitcast3A_1168 = vector.bitcast %get3A_1167 : vector<16xi32> to vector<32xbf16>
        %get3A_1169 = arith.index_cast %add3A_1143 : i32 to index
        %get3A_1170 = arith.constant 16 : index
        %get3A_1171 = tpu.vector_load %arg12[%get3A_1169, %get3A_1170] {strides = array<i32>} : memref<80x64xi32, #tpu.memory_space<vmem>>, vector<16xi32>,
        %bitcast3A_1172 = vector.bitcast %get3A_1171 : vector<16xi32> to vector<32xbf16>
        %mul3A_1173 = arith.mulf %bitcast3A_1164, %bitcast3A_1168 : vector<32xbf16>
        %mul3A_1174 = arith.mulf %mul3A_1173, %bitcast3A_1172 : vector<32xbf16>
        %unpack3A_1175 = tpu.unpack_subelements %mul3A_1174, 0 {pack_format = #tpu.pack_format<interleaved>} : vector<32xbf16> -> vector<16xf32>
        %unpack3A_1176 = tpu.unpack_subelements %mul3A_1174, 1 {pack_format = #tpu.pack_format<interleaved>} : vector<32xbf16> -> vector<16xf32>
        %add3A_1177 = arith.addf %unpack3A_1175, %unpack3A_1176 : vector<16xf32>
        %add3A_1178 = arith.addf %add3A_1160, %add3A_1177 : vector<16xf32>
        %get3A_1179 = arith.index_cast %add3A_1143 : i32 to index
        %get3A_1180 = arith.constant 32 : index
        %get3A_1181 = tpu.vector_load %arg10[%get3A_1179, %get3A_1180] {strides = array<i32>} : memref<80x64xi32, #tpu.memory_space<vmem>>, vector<16xi32>,
        %bitcast3A_1182 = vector.bitcast %get3A_1181 : vector<16xi32> to vector<32xbf16>
        %get3A_1183 = arith.index_cast %add3A_1143 : i32 to index
        %get3A_1184 = arith.constant 32 : index
        %get3A_1185 = tpu.vector_load %arg11[%get3A_1183, %get3A_1184] {strides = array<i32>} : memref<80x64xi32, #tpu.memory_space<vmem>>, vector<16xi32>,
        %bitcast3A_1186 = vector.bitcast %get3A_1185 : vector<16xi32> to vector<32xbf16>
        %get3A_1187 = arith.index_cast %add3A_1143 : i32 to index
        %get3A_1188 = arith.constant 32 : index
        %get3A_1189 = tpu.vector_load %arg12[%get3A_1187, %get3A_1188] {strides = array<i32>} : memref<80x64xi32, #tpu.memory_space<vmem>>, vector<16xi32>,
        %bitcast3A_1190 = vector.bitcast %get3A_1189 : vector<16xi32> to vector<32xbf16>
        %mul3A_1191 = arith.mulf %bitcast3A_1182, %bitcast3A_1186 : vector<32xbf16>
        %mul3A_1192 = arith.mulf %mul3A_1191, %bitcast3A_1190 : vector<32xbf16>
        %unpack3A_1193 = tpu.unpack_subelements %mul3A_1192, 0 {pack_format = #tpu.pack_format<interleaved>} : vector<32xbf16> -> vector<16xf32>
        %unpack3A_1194 = tpu.unpack_subelements %mul3A_1192, 1 {pack_format = #tpu.pack_format<interleaved>} : vector<32xbf16> -> vector<16xf32>
        %add3A_1195 = arith.addf %unpack3A_1193, %unpack3A_1194 : vector<16xf32>
        %add3A_1196 = arith.addf %add3A_1178, %add3A_1195 : vector<16xf32>
        %get3A_1197 = arith.index_cast %add3A_1143 : i32 to index
        %get3A_1198 = arith.constant 48 : index
        %get3A_1199 = tpu.vector_load %arg10[%get3A_1197, %get3A_1198] {strides = array<i32>} : memref<80x64xi32, #tpu.memory_space<vmem>>, vector<16xi32>,
        %bitcast3A_1200 = vector.bitcast %get3A_1199 : vector<16xi32> to vector<32xbf16>
        %get3A_1201 = arith.index_cast %add3A_1143 : i32 to index
        %get3A_1202 = arith.constant 48 : index
        %get3A_1203 = tpu.vector_load %arg11[%get3A_1201, %get3A_1202] {strides = array<i32>} : memref<80x64xi32, #tpu.memory_space<vmem>>, vector<16xi32>,
        %bitcast3A_1204 = vector.bitcast %get3A_1203 : vector<16xi32> to vector<32xbf16>
        %get3A_1205 = arith.index_cast %add3A_1143 : i32 to index
        %get3A_1206 = arith.constant 48 : index
        %get3A_1207 = tpu.vector_load %arg12[%get3A_1205, %get3A_1206] {strides = array<i32>} : memref<80x64xi32, #tpu.memory_space<vmem>>, vector<16xi32>,
        %bitcast3A_1208 = vector.bitcast %get3A_1207 : vector<16xi32> to vector<32xbf16>
        %mul3A_1209 = arith.mulf %bitcast3A_1200, %bitcast3A_1204 : vector<32xbf16>
        %mul3A_1210 = arith.mulf %mul3A_1209, %bitcast3A_1208 : vector<32xbf16>
        %unpack3A_1211 = tpu.unpack_subelements %mul3A_1210, 0 {pack_format = #tpu.pack_format<interleaved>} : vector<32xbf16> -> vector<16xf32>
        %unpack3A_1212 = tpu.unpack_subelements %mul3A_1210, 1 {pack_format = #tpu.pack_format<interleaved>} : vector<32xbf16> -> vector<16xf32>
        %add3A_1213 = arith.addf %unpack3A_1211, %unpack3A_1212 : vector<16xf32>
        %add3A_1214 = arith.addf %add3A_1196, %add3A_1213 : vector<16xf32>
        %swap3A_1215 = arith.constant 238 : index
        %swap3A_1216 = tpu.vector_load %arg16[%swap3A_1215] {strides = array<i32>} : memref<272xf32, #tpu.memory_space<vmem>>, vector<16xf32>,
        tpu.vector_store %arg16[%swap3A_1215], %add3A_1214 {strides = array<i32>} : memref<272xf32, #tpu.memory_space<vmem>>, vector<16xf32>,
        %mul3A_1217 = arith.constant 16 : i32
        %mul3A_1218 = arith.muli %add3A_65, %mul3A_1217 : i32
        %add3A_1219 = arith.constant 15 : i32
        %add3A_1220 = arith.addi %mul3A_1218, %add3A_1219 : i32
        %get3A_1221 = arith.index_cast %add3A_1220 : i32 to index
        %get3A_1222 = arith.constant 0 : index
        %get3A_1223 = tpu.vector_load %arg10[%get3A_1221, %get3A_1222] {strides = array<i32>} : memref<80x64xi32, #tpu.memory_space<vmem>>, vector<16xi32>,
        %bitcast3A_1224 = vector.bitcast %get3A_1223 : vector<16xi32> to vector<32xbf16>
        %get3A_1225 = arith.index_cast %add3A_1220 : i32 to index
        %get3A_1226 = arith.constant 0 : index
        %get3A_1227 = tpu.vector_load %arg11[%get3A_1225, %get3A_1226] {strides = array<i32>} : memref<80x64xi32, #tpu.memory_space<vmem>>, vector<16xi32>,
        %bitcast3A_1228 = vector.bitcast %get3A_1227 : vector<16xi32> to vector<32xbf16>
        %get3A_1229 = arith.index_cast %add3A_1220 : i32 to index
        %get3A_1230 = arith.constant 0 : index
        %get3A_1231 = tpu.vector_load %arg12[%get3A_1229, %get3A_1230] {strides = array<i32>} : memref<80x64xi32, #tpu.memory_space<vmem>>, vector<16xi32>,
        %bitcast3A_1232 = vector.bitcast %get3A_1231 : vector<16xi32> to vector<32xbf16>
        %mul3A_1233 = arith.mulf %bitcast3A_1224, %bitcast3A_1228 : vector<32xbf16>
        %mul3A_1234 = arith.mulf %mul3A_1233, %bitcast3A_1232 : vector<32xbf16>
        %unpack3A_1235 = tpu.unpack_subelements %mul3A_1234, 0 {pack_format = #tpu.pack_format<interleaved>} : vector<32xbf16> -> vector<16xf32>
        %unpack3A_1236 = tpu.unpack_subelements %mul3A_1234, 1 {pack_format = #tpu.pack_format<interleaved>} : vector<32xbf16> -> vector<16xf32>
        %add3A_1237 = arith.addf %unpack3A_1235, %unpack3A_1236 : vector<16xf32>
        %get3A_1238 = arith.index_cast %add3A_1220 : i32 to index
        %get3A_1239 = arith.constant 16 : index
        %get3A_1240 = tpu.vector_load %arg10[%get3A_1238, %get3A_1239] {strides = array<i32>} : memref<80x64xi32, #tpu.memory_space<vmem>>, vector<16xi32>,
        %bitcast3A_1241 = vector.bitcast %get3A_1240 : vector<16xi32> to vector<32xbf16>
        %get3A_1242 = arith.index_cast %add3A_1220 : i32 to index
        %get3A_1243 = arith.constant 16 : index
        %get3A_1244 = tpu.vector_load %arg11[%get3A_1242, %get3A_1243] {strides = array<i32>} : memref<80x64xi32, #tpu.memory_space<vmem>>, vector<16xi32>,
        %bitcast3A_1245 = vector.bitcast %get3A_1244 : vector<16xi32> to vector<32xbf16>
        %get3A_1246 = arith.index_cast %add3A_1220 : i32 to index
        %get3A_1247 = arith.constant 16 : index
        %get3A_1248 = tpu.vector_load %arg12[%get3A_1246, %get3A_1247] {strides = array<i32>} : memref<80x64xi32, #tpu.memory_space<vmem>>, vector<16xi32>,
        %bitcast3A_1249 = vector.bitcast %get3A_1248 : vector<16xi32> to vector<32xbf16>
        %mul3A_1250 = arith.mulf %bitcast3A_1241, %bitcast3A_1245 : vector<32xbf16>
        %mul3A_1251 = arith.mulf %mul3A_1250, %bitcast3A_1249 : vector<32xbf16>
        %unpack3A_1252 = tpu.unpack_subelements %mul3A_1251, 0 {pack_format = #tpu.pack_format<interleaved>} : vector<32xbf16> -> vector<16xf32>
        %unpack3A_1253 = tpu.unpack_subelements %mul3A_1251, 1 {pack_format = #tpu.pack_format<interleaved>} : vector<32xbf16> -> vector<16xf32>
        %add3A_1254 = arith.addf %unpack3A_1252, %unpack3A_1253 : vector<16xf32>
        %add3A_1255 = arith.addf %add3A_1237, %add3A_1254 : vector<16xf32>
        %get3A_1256 = arith.index_cast %add3A_1220 : i32 to index
        %get3A_1257 = arith.constant 32 : index
        %get3A_1258 = tpu.vector_load %arg10[%get3A_1256, %get3A_1257] {strides = array<i32>} : memref<80x64xi32, #tpu.memory_space<vmem>>, vector<16xi32>,
        %bitcast3A_1259 = vector.bitcast %get3A_1258 : vector<16xi32> to vector<32xbf16>
        %get3A_1260 = arith.index_cast %add3A_1220 : i32 to index
        %get3A_1261 = arith.constant 32 : index
        %get3A_1262 = tpu.vector_load %arg11[%get3A_1260, %get3A_1261] {strides = array<i32>} : memref<80x64xi32, #tpu.memory_space<vmem>>, vector<16xi32>,
        %bitcast3A_1263 = vector.bitcast %get3A_1262 : vector<16xi32> to vector<32xbf16>
        %get3A_1264 = arith.index_cast %add3A_1220 : i32 to index
        %get3A_1265 = arith.constant 32 : index
        %get3A_1266 = tpu.vector_load %arg12[%get3A_1264, %get3A_1265] {strides = array<i32>} : memref<80x64xi32, #tpu.memory_space<vmem>>, vector<16xi32>,
        %bitcast3A_1267 = vector.bitcast %get3A_1266 : vector<16xi32> to vector<32xbf16>
        %mul3A_1268 = arith.mulf %bitcast3A_1259, %bitcast3A_1263 : vector<32xbf16>
        %mul3A_1269 = arith.mulf %mul3A_1268, %bitcast3A_1267 : vector<32xbf16>
        %unpack3A_1270 = tpu.unpack_subelements %mul3A_1269, 0 {pack_format = #tpu.pack_format<interleaved>} : vector<32xbf16> -> vector<16xf32>
        %unpack3A_1271 = tpu.unpack_subelements %mul3A_1269, 1 {pack_format = #tpu.pack_format<interleaved>} : vector<32xbf16> -> vector<16xf32>
        %add3A_1272 = arith.addf %unpack3A_1270, %unpack3A_1271 : vector<16xf32>
        %add3A_1273 = arith.addf %add3A_1255, %add3A_1272 : vector<16xf32>
        %get3A_1274 = arith.index_cast %add3A_1220 : i32 to index
        %get3A_1275 = arith.constant 48 : index
        %get3A_1276 = tpu.vector_load %arg10[%get3A_1274, %get3A_1275] {strides = array<i32>} : memref<80x64xi32, #tpu.memory_space<vmem>>, vector<16xi32>,
        %bitcast3A_1277 = vector.bitcast %get3A_1276 : vector<16xi32> to vector<32xbf16>
        %get3A_1278 = arith.index_cast %add3A_1220 : i32 to index
        %get3A_1279 = arith.constant 48 : index
        %get3A_1280 = tpu.vector_load %arg11[%get3A_1278, %get3A_1279] {strides = array<i32>} : memref<80x64xi32, #tpu.memory_space<vmem>>, vector<16xi32>,
        %bitcast3A_1281 = vector.bitcast %get3A_1280 : vector<16xi32> to vector<32xbf16>
        %get3A_1282 = arith.index_cast %add3A_1220 : i32 to index
        %get3A_1283 = arith.constant 48 : index
        %get3A_1284 = tpu.vector_load %arg12[%get3A_1282, %get3A_1283] {strides = array<i32>} : memref<80x64xi32, #tpu.memory_space<vmem>>, vector<16xi32>,
        %bitcast3A_1285 = vector.bitcast %get3A_1284 : vector<16xi32> to vector<32xbf16>
        %mul3A_1286 = arith.mulf %bitcast3A_1277, %bitcast3A_1281 : vector<32xbf16>
        %mul3A_1287 = arith.mulf %mul3A_1286, %bitcast3A_1285 : vector<32xbf16>
        %unpack3A_1288 = tpu.unpack_subelements %mul3A_1287, 0 {pack_format = #tpu.pack_format<interleaved>} : vector<32xbf16> -> vector<16xf32>
        %unpack3A_1289 = tpu.unpack_subelements %mul3A_1287, 1 {pack_format = #tpu.pack_format<interleaved>} : vector<32xbf16> -> vector<16xf32>
        %add3A_1290 = arith.addf %unpack3A_1288, %unpack3A_1289 : vector<16xf32>
        %add3A_1291 = arith.addf %add3A_1273, %add3A_1290 : vector<16xf32>
        %swap3A_1292 = arith.constant 255 : index
        %swap3A_1293 = tpu.vector_load %arg16[%swap3A_1292] {strides = array<i32>} : memref<272xf32, #tpu.memory_space<vmem>>, vector<16xf32>,
        tpu.vector_store %arg16[%swap3A_1292], %add3A_1291 {strides = array<i32>} : memref<272xf32, #tpu.memory_space<vmem>>, vector<16xf32>,
        %gather3A = tpu.vector_load_idx %arg16[%mul3A_6] : memref<272xf32, #tpu.memory_space<vmem>>[vector<16xi32>], vector<16xf32>,
        %add3A_1294 = arith.constant 1 : i32
        %add3A_1295 = vector.broadcast %add3A_1294 : i32 to vector<16xi32>
        %add3A_1296 = arith.addi %mul3A_6, %add3A_1295 : vector<16xi32>
        %gather3A_1297 = tpu.vector_load_idx %arg16[%add3A_1296] : memref<272xf32, #tpu.memory_space<vmem>>[vector<16xi32>], vector<16xf32>,
        %add3A_1298 = arith.addf %gather3A, %gather3A_1297 : vector<16xf32>
        %add3A_1299 = arith.constant 2 : i32
        %add3A_1300 = vector.broadcast %add3A_1299 : i32 to vector<16xi32>
        %add3A_1301 = arith.addi %mul3A_6, %add3A_1300 : vector<16xi32>
        %gather3A_1302 = tpu.vector_load_idx %arg16[%add3A_1301] : memref<272xf32, #tpu.memory_space<vmem>>[vector<16xi32>], vector<16xf32>,
        %add3A_1303 = arith.addf %add3A_1298, %gather3A_1302 : vector<16xf32>
        %add3A_1304 = arith.constant 3 : i32
        %add3A_1305 = vector.broadcast %add3A_1304 : i32 to vector<16xi32>
        %add3A_1306 = arith.addi %mul3A_6, %add3A_1305 : vector<16xi32>
        %gather3A_1307 = tpu.vector_load_idx %arg16[%add3A_1306] : memref<272xf32, #tpu.memory_space<vmem>>[vector<16xi32>], vector<16xf32>,
        %add3A_1308 = arith.addf %add3A_1303, %gather3A_1307 : vector<16xf32>
        %add3A_1309 = arith.constant 4 : i32
        %add3A_1310 = vector.broadcast %add3A_1309 : i32 to vector<16xi32>
        %add3A_1311 = arith.addi %mul3A_6, %add3A_1310 : vector<16xi32>
        %gather3A_1312 = tpu.vector_load_idx %arg16[%add3A_1311] : memref<272xf32, #tpu.memory_space<vmem>>[vector<16xi32>], vector<16xf32>,
        %add3A_1313 = arith.addf %add3A_1308, %gather3A_1312 : vector<16xf32>
        %add3A_1314 = arith.constant 5 : i32
        %add3A_1315 = vector.broadcast %add3A_1314 : i32 to vector<16xi32>
        %add3A_1316 = arith.addi %mul3A_6, %add3A_1315 : vector<16xi32>
        %gather3A_1317 = tpu.vector_load_idx %arg16[%add3A_1316] : memref<272xf32, #tpu.memory_space<vmem>>[vector<16xi32>], vector<16xf32>,
        %add3A_1318 = arith.addf %add3A_1313, %gather3A_1317 : vector<16xf32>
        %add3A_1319 = arith.constant 6 : i32
        %add3A_1320 = vector.broadcast %add3A_1319 : i32 to vector<16xi32>
        %add3A_1321 = arith.addi %mul3A_6, %add3A_1320 : vector<16xi32>
        %gather3A_1322 = tpu.vector_load_idx %arg16[%add3A_1321] : memref<272xf32, #tpu.memory_space<vmem>>[vector<16xi32>], vector<16xf32>,
        %add3A_1323 = arith.addf %add3A_1318, %gather3A_1322 : vector<16xf32>
        %add3A_1324 = arith.constant 7 : i32
        %add3A_1325 = vector.broadcast %add3A_1324 : i32 to vector<16xi32>
        %add3A_1326 = arith.addi %mul3A_6, %add3A_1325 : vector<16xi32>
        %gather3A_1327 = tpu.vector_load_idx %arg16[%add3A_1326] : memref<272xf32, #tpu.memory_space<vmem>>[vector<16xi32>], vector<16xf32>,
        %add3A_1328 = arith.addf %add3A_1323, %gather3A_1327 : vector<16xf32>
        %add3A_1329 = arith.constant 8 : i32
        %add3A_1330 = vector.broadcast %add3A_1329 : i32 to vector<16xi32>
        %add3A_1331 = arith.addi %mul3A_6, %add3A_1330 : vector<16xi32>
        %gather3A_1332 = tpu.vector_load_idx %arg16[%add3A_1331] : memref<272xf32, #tpu.memory_space<vmem>>[vector<16xi32>], vector<16xf32>,
        %add3A_1333 = arith.addf %add3A_1328, %gather3A_1332 : vector<16xf32>
        %add3A_1334 = arith.constant 9 : i32
        %add3A_1335 = vector.broadcast %add3A_1334 : i32 to vector<16xi32>
        %add3A_1336 = arith.addi %mul3A_6, %add3A_1335 : vector<16xi32>
        %gather3A_1337 = tpu.vector_load_idx %arg16[%add3A_1336] : memref<272xf32, #tpu.memory_space<vmem>>[vector<16xi32>], vector<16xf32>,
        %add3A_1338 = arith.addf %add3A_1333, %gather3A_1337 : vector<16xf32>
        %add3A_1339 = arith.constant 10 : i32
        %add3A_1340 = vector.broadcast %add3A_1339 : i32 to vector<16xi32>
        %add3A_1341 = arith.addi %mul3A_6, %add3A_1340 : vector<16xi32>
        %gather3A_1342 = tpu.vector_load_idx %arg16[%add3A_1341] : memref<272xf32, #tpu.memory_space<vmem>>[vector<16xi32>], vector<16xf32>,
        %add3A_1343 = arith.addf %add3A_1338, %gather3A_1342 : vector<16xf32>
        %add3A_1344 = arith.constant 11 : i32
        %add3A_1345 = vector.broadcast %add3A_1344 : i32 to vector<16xi32>
        %add3A_1346 = arith.addi %mul3A_6, %add3A_1345 : vector<16xi32>
        %gather3A_1347 = tpu.vector_load_idx %arg16[%add3A_1346] : memref<272xf32, #tpu.memory_space<vmem>>[vector<16xi32>], vector<16xf32>,
        %add3A_1348 = arith.addf %add3A_1343, %gather3A_1347 : vector<16xf32>
        %add3A_1349 = arith.constant 12 : i32
        %add3A_1350 = vector.broadcast %add3A_1349 : i32 to vector<16xi32>
        %add3A_1351 = arith.addi %mul3A_6, %add3A_1350 : vector<16xi32>
        %gather3A_1352 = tpu.vector_load_idx %arg16[%add3A_1351] : memref<272xf32, #tpu.memory_space<vmem>>[vector<16xi32>], vector<16xf32>,
        %add3A_1353 = arith.addf %add3A_1348, %gather3A_1352 : vector<16xf32>
        %add3A_1354 = arith.constant 13 : i32
        %add3A_1355 = vector.broadcast %add3A_1354 : i32 to vector<16xi32>
        %add3A_1356 = arith.addi %mul3A_6, %add3A_1355 : vector<16xi32>
        %gather3A_1357 = tpu.vector_load_idx %arg16[%add3A_1356] : memref<272xf32, #tpu.memory_space<vmem>>[vector<16xi32>], vector<16xf32>,
        %add3A_1358 = arith.addf %add3A_1353, %gather3A_1357 : vector<16xf32>
        %add3A_1359 = arith.constant 14 : i32
        %add3A_1360 = vector.broadcast %add3A_1359 : i32 to vector<16xi32>
        %add3A_1361 = arith.addi %mul3A_6, %add3A_1360 : vector<16xi32>
        %gather3A_1362 = tpu.vector_load_idx %arg16[%add3A_1361] : memref<272xf32, #tpu.memory_space<vmem>>[vector<16xi32>], vector<16xf32>,
        %add3A_1363 = arith.addf %add3A_1358, %gather3A_1362 : vector<16xf32>
        %add3A_1364 = arith.constant 15 : i32
        %add3A_1365 = vector.broadcast %add3A_1364 : i32 to vector<16xi32>
        %add3A_1366 = arith.addi %mul3A_6, %add3A_1365 : vector<16xi32>
        %gather3A_1367 = tpu.vector_load_idx %arg16[%add3A_1366] : memref<272xf32, #tpu.memory_space<vmem>>[vector<16xi32>], vector<16xf32>,
        %add3A_1368 = arith.addf %add3A_1363, %gather3A_1367 : vector<16xf32>
        %mul3A_1369 = arith.constant 16 : i32
        %mul3A_1370 = arith.muli %add3A_65, %mul3A_1369 : i32
        %add3A_1371 = arith.addi %mul3A_50, %mul3A_1370 : i32
        %swap3A_1372 = arith.index_cast %add3A_1371 : i32 to index
        %swap3A_1373 = tpu.vector_load %arg17[%swap3A_1372] {strides = array<i32>} : memref<10000xf32, #tpu.memory_space<vmem>>, vector<16xf32>,
        tpu.vector_store %arg17[%swap3A_1372], %add3A_1368 {strides = array<i32>} : memref<10000xf32, #tpu.memory_space<vmem>>, vector<16xf32>,
      }
      %scan3A_55 = arith.constant 5 : i32
      %lt3A_56 = arith.constant 125 : i32
      %lt3A_57 = arith.cmpi slt, %add3A_33, %lt3A_56 : i32
      %convert_element_type3A_58 = arith.extui %lt3A_57 : i1 to i32
      %cond3A_59 = arith.constant 0 : i32
      %cond3A_60 = arith.cmpi ne, %convert_element_type3A_58, %cond3A_59 : i32
      scf.if %cond3A_60 {
        %add3A_61 = arith.constant 1 : i32
        %add3A_62 = arith.addi %add3A_33, %add3A_61 : i32
        %lt3A_63 = arith.constant 125 : i32
        %lt3A_64 = arith.cmpi slt, %add3A_62, %lt3A_63 : i32
        %convert_element_type3A_65 = arith.extui %lt3A_64 : i1 to i32
        %cond3A_66 = arith.constant 0 : i32
        %cond3A_67 = arith.cmpi ne, %convert_element_type3A_65, %cond3A_66 : i32
        scf.if %cond3A_67 {
          %add3A_89 = arith.constant 1 : i32
          %add3A_90 = arith.addi %add3A_33, %add3A_89 : i32
          %mul3A_91 = arith.constant 80 : i32
          %mul3A_92 = arith.muli %add3A_90, %mul3A_91 : i32
          %dma_start3A_93 = tpu.memref_slice %arg7[%mul3A_92] : memref<10000xi32, #tpu.memory_space<vmem>> -> memref<80xi32, #tpu.memory_space<vmem>>
          %dma_start3A_94 = arith.constant 0 : i32
          %dma_start3A_95 = arith.constant 0 : i32
          %dma_start3A_96 = tpu.memref_slice %arg2[%dma_start3A_94, %dma_start3A_95] : memref<10000x64xi32, #tpu.memory_space<hbm>> -> memref<10000x64xi32, #tpu.memory_space<hbm>>
          tpu.enqueue_indirect_dma source(%dma_start3A_96 : memref<10000x64xi32, #tpu.memory_space<hbm>>) target(%arg10 : memref<80x64xi32, #tpu.memory_space<vmem>>) offsets(%dma_start3A_93 : memref<80xi32, #tpu.memory_space<vmem>>) semaphore(%arg18 : memref<!tpu.dma_semaphore, #tpu.memory_space<semaphore_mem>>)
          %dma_start3A_97 = tpu.memref_slice %arg8[%mul3A_92] : memref<10000xi32, #tpu.memory_space<vmem>> -> memref<80xi32, #tpu.memory_space<vmem>>
          %dma_start3A_98 = arith.constant 0 : i32
          %dma_start3A_99 = arith.constant 0 : i32
          %dma_start3A_100 = tpu.memref_slice %arg2[%dma_start3A_98, %dma_start3A_99] : memref<10000x64xi32, #tpu.memory_space<hbm>> -> memref<10000x64xi32, #tpu.memory_space<hbm>>
          tpu.enqueue_indirect_dma source(%dma_start3A_100 : memref<10000x64xi32, #tpu.memory_space<hbm>>) target(%arg11 : memref<80x64xi32, #tpu.memory_space<vmem>>) offsets(%dma_start3A_97 : memref<80xi32, #tpu.memory_space<vmem>>) semaphore(%arg18 : memref<!tpu.dma_semaphore, #tpu.memory_space<semaphore_mem>>)
          %dma_start3A_101 = tpu.memref_slice %arg9[%mul3A_92] : memref<10000xi32, #tpu.memory_space<vmem>> -> memref<80xi32, #tpu.memory_space<vmem>>
          %dma_start3A_102 = arith.constant 0 : i32
          %dma_start3A_103 = arith.constant 0 : i32
          %dma_start3A_104 = tpu.memref_slice %arg3[%dma_start3A_102, %dma_start3A_103] : memref<1024x64xi32, #tpu.memory_space<hbm>> -> memref<1024x64xi32, #tpu.memory_space<hbm>>
          tpu.enqueue_indirect_dma source(%dma_start3A_104 : memref<1024x64xi32, #tpu.memory_space<hbm>>) target(%arg12 : memref<80x64xi32, #tpu.memory_space<vmem>>) offsets(%dma_start3A_101 : memref<80xi32, #tpu.memory_space<vmem>>) semaphore(%arg18 : memref<!tpu.dma_semaphore, #tpu.memory_space<semaphore_mem>>)
        } else {
        }
        %mul3A_68 = arith.constant 80 : i32
        %mul3A_69 = arith.muli %add3A_33, %mul3A_68 : i32
        %dma_wait3A_70 = tpu.memref_slice %arg7[%mul3A_69] : memref<10000xi32, #tpu.memory_space<vmem>> -> memref<80xi32, #tpu.memory_space<vmem>>
        %dma_wait3A_71 = arith.constant 0 : i32
        %dma_wait3A_72 = arith.constant 0 : i32
        %dma_wait3A_73 = tpu.memref_slice %arg2[%dma_wait3A_71, %dma_wait3A_72] : memref<10000x64xi32, #tpu.memory_space<hbm>> -> memref<10000x64xi32, #tpu.memory_space<hbm>>
        tpu.wait_indirect_dma semaphore(%arg19 : memref<!tpu.dma_semaphore, #tpu.memory_space<semaphore_mem>>) src(%dma_wait3A_73 : memref<10000x64xi32, #tpu.memory_space<hbm>>) dst(%arg13 : memref<80x64xi32, #tpu.memory_space<vmem>>)
        %dma_wait3A_74 = tpu.memref_slice %arg8[%mul3A_69] : memref<10000xi32, #tpu.memory_space<vmem>> -> memref<80xi32, #tpu.memory_space<vmem>>
        %dma_wait3A_75 = arith.constant 0 : i32
        %dma_wait3A_76 = arith.constant 0 : i32
        %dma_wait3A_77 = tpu.memref_slice %arg2[%dma_wait3A_75, %dma_wait3A_76] : memref<10000x64xi32, #tpu.memory_space<hbm>> -> memref<10000x64xi32, #tpu.memory_space<hbm>>
        tpu.wait_indirect_dma semaphore(%arg19 : memref<!tpu.dma_semaphore, #tpu.memory_space<semaphore_mem>>) src(%dma_wait3A_77 : memref<10000x64xi32, #tpu.memory_space<hbm>>) dst(%arg14 : memref<80x64xi32, #tpu.memory_space<vmem>>)
        %dma_wait3A_78 = tpu.memref_slice %arg9[%mul3A_69] : memref<10000xi32, #tpu.memory_space<vmem>> -> memref<80xi32, #tpu.memory_space<vmem>>
        %dma_wait3A_79 = arith.constant 0 : i32
        %dma_wait3A_80 = arith.constant 0 : i32
        %dma_wait3A_81 = tpu.memref_slice %arg3[%dma_wait3A_79, %dma_wait3A_80] : memref<1024x64xi32, #tpu.memory_space<hbm>> -> memref<1024x64xi32, #tpu.memory_space<hbm>>
        tpu.wait_indirect_dma semaphore(%arg19 : memref<!tpu.dma_semaphore, #tpu.memory_space<semaphore_mem>>) src(%dma_wait3A_81 : memref<1024x64xi32, #tpu.memory_space<hbm>>) dst(%arg15 : memref<80x64xi32, #tpu.memory_space<vmem>>)
        %mul3A_82 = arith.constant 80 : i32
        %mul3A_83 = arith.muli %add3A_33, %mul3A_82 : i32
        %scan3A_84 = arith.constant 0 : i32
        %scan3A_85 = arith.constant 5 : i32
        %scan3A_86 = arith.addi %scan3A_84, %scan3A_85 : i32
        %scan3A_87 = arith.constant 1 : i32
        scf.for %scan3A_89 = %scan3A_84 to %scan3A_86 step %scan3A_87  : i32 {
          %mul3A_90 = arith.constant 1 : i32
          %mul3A_91 = arith.muli %scan3A_89, %mul3A_90 : i32
          %add3A_92 = arith.constant 0 : i32
          %add3A_93 = arith.addi %add3A_92, %mul3A_91 : i32
          %mul3A_94 = arith.constant 16 : i32
          %mul3A_95 = arith.muli %add3A_93, %mul3A_94 : i32
          %add3A_96 = arith.constant 0 : i32
          %add3A_97 = arith.addi %mul3A_95, %add3A_96 : i32
          %get3A = arith.index_cast %add3A_97 : i32 to index
          %get3A_98 = arith.constant 0 : index
          %get3A_99 = tpu.vector_load %arg13[%get3A, %get3A_98] {strides = array<i32>} : memref<80x64xi32, #tpu.memory_space<vmem>>, vector<16xi32>,
          %bitcast3A = vector.bitcast %get3A_99 : vector<16xi32> to vector<32xbf16>
          %get3A_100 = arith.index_cast %add3A_97 : i32 to index
          %get3A_101 = arith.constant 0 : index
          %get3A_102 = tpu.vector_load %arg14[%get3A_100, %get3A_101] {strides = array<i32>} : memref<80x64xi32, #tpu.memory_space<vmem>>, vector<16xi32>,
          %bitcast3A_103 = vector.bitcast %get3A_102 : vector<16xi32> to vector<32xbf16>
          %get3A_104 = arith.index_cast %add3A_97 : i32 to index
          %get3A_105 = arith.constant 0 : index
          %get3A_106 = tpu.vector_load %arg15[%get3A_104, %get3A_105] {strides = array<i32>} : memref<80x64xi32, #tpu.memory_space<vmem>>, vector<16xi32>,
          %bitcast3A_107 = vector.bitcast %get3A_106 : vector<16xi32> to vector<32xbf16>
          %mul3A_108 = arith.mulf %bitcast3A, %bitcast3A_103 : vector<32xbf16>
          %mul3A_109 = arith.mulf %mul3A_108, %bitcast3A_107 : vector<32xbf16>
          %unpack3A = tpu.unpack_subelements %mul3A_109, 0 {pack_format = #tpu.pack_format<interleaved>} : vector<32xbf16> -> vector<16xf32>
          %unpack3A_110 = tpu.unpack_subelements %mul3A_109, 1 {pack_format = #tpu.pack_format<interleaved>} : vector<32xbf16> -> vector<16xf32>
          %add3A_111 = arith.addf %unpack3A, %unpack3A_110 : vector<16xf32>
          %get3A_112 = arith.index_cast %add3A_97 : i32 to index
          %get3A_113 = arith.constant 16 : index
          %get3A_114 = tpu.vector_load %arg13[%get3A_112, %get3A_113] {strides = array<i32>} : memref<80x64xi32, #tpu.memory_space<vmem>>, vector<16xi32>,
          %bitcast3A_115 = vector.bitcast %get3A_114 : vector<16xi32> to vector<32xbf16>
          %get3A_116 = arith.index_cast %add3A_97 : i32 to index
          %get3A_117 = arith.constant 16 : index
          %get3A_118 = tpu.vector_load %arg14[%get3A_116, %get3A_117] {strides = array<i32>} : memref<80x64xi32, #tpu.memory_space<vmem>>, vector<16xi32>,
          %bitcast3A_119 = vector.bitcast %get3A_118 : vector<16xi32> to vector<32xbf16>
          %get3A_120 = arith.index_cast %add3A_97 : i32 to index
          %get3A_121 = arith.constant 16 : index
          %get3A_122 = tpu.vector_load %arg15[%get3A_120, %get3A_121] {strides = array<i32>} : memref<80x64xi32, #tpu.memory_space<vmem>>, vector<16xi32>,
          %bitcast3A_123 = vector.bitcast %get3A_122 : vector<16xi32> to vector<32xbf16>
          %mul3A_124 = arith.mulf %bitcast3A_115, %bitcast3A_119 : vector<32xbf16>
          %mul3A_125 = arith.mulf %mul3A_124, %bitcast3A_123 : vector<32xbf16>
          %unpack3A_126 = tpu.unpack_subelements %mul3A_125, 0 {pack_format = #tpu.pack_format<interleaved>} : vector<32xbf16> -> vector<16xf32>
          %unpack3A_127 = tpu.unpack_subelements %mul3A_125, 1 {pack_format = #tpu.pack_format<interleaved>} : vector<32xbf16> -> vector<16xf32>
          %add3A_128 = arith.addf %unpack3A_126, %unpack3A_127 : vector<16xf32>
          %add3A_129 = arith.addf %add3A_111, %add3A_128 : vector<16xf32>
          %get3A_130 = arith.index_cast %add3A_97 : i32 to index
          %get3A_131 = arith.constant 32 : index
          %get3A_132 = tpu.vector_load %arg13[%get3A_130, %get3A_131] {strides = array<i32>} : memref<80x64xi32, #tpu.memory_space<vmem>>, vector<16xi32>,
          %bitcast3A_133 = vector.bitcast %get3A_132 : vector<16xi32> to vector<32xbf16>
          %get3A_134 = arith.index_cast %add3A_97 : i32 to index
          %get3A_135 = arith.constant 32 : index
          %get3A_136 = tpu.vector_load %arg14[%get3A_134, %get3A_135] {strides = array<i32>} : memref<80x64xi32, #tpu.memory_space<vmem>>, vector<16xi32>,
          %bitcast3A_137 = vector.bitcast %get3A_136 : vector<16xi32> to vector<32xbf16>
          %get3A_138 = arith.index_cast %add3A_97 : i32 to index
          %get3A_139 = arith.constant 32 : index
          %get3A_140 = tpu.vector_load %arg15[%get3A_138, %get3A_139] {strides = array<i32>} : memref<80x64xi32, #tpu.memory_space<vmem>>, vector<16xi32>,
          %bitcast3A_141 = vector.bitcast %get3A_140 : vector<16xi32> to vector<32xbf16>
          %mul3A_142 = arith.mulf %bitcast3A_133, %bitcast3A_137 : vector<32xbf16>
          %mul3A_143 = arith.mulf %mul3A_142, %bitcast3A_141 : vector<32xbf16>
          %unpack3A_144 = tpu.unpack_subelements %mul3A_143, 0 {pack_format = #tpu.pack_format<interleaved>} : vector<32xbf16> -> vector<16xf32>
          %unpack3A_145 = tpu.unpack_subelements %mul3A_143, 1 {pack_format = #tpu.pack_format<interleaved>} : vector<32xbf16> -> vector<16xf32>
          %add3A_146 = arith.addf %unpack3A_144, %unpack3A_145 : vector<16xf32>
          %add3A_147 = arith.addf %add3A_129, %add3A_146 : vector<16xf32>
          %get3A_148 = arith.index_cast %add3A_97 : i32 to index
          %get3A_149 = arith.constant 48 : index
          %get3A_150 = tpu.vector_load %arg13[%get3A_148, %get3A_149] {strides = array<i32>} : memref<80x64xi32, #tpu.memory_space<vmem>>, vector<16xi32>,
          %bitcast3A_151 = vector.bitcast %get3A_150 : vector<16xi32> to vector<32xbf16>
          %get3A_152 = arith.index_cast %add3A_97 : i32 to index
          %get3A_153 = arith.constant 48 : index
          %get3A_154 = tpu.vector_load %arg14[%get3A_152, %get3A_153] {strides = array<i32>} : memref<80x64xi32, #tpu.memory_space<vmem>>, vector<16xi32>,
          %bitcast3A_155 = vector.bitcast %get3A_154 : vector<16xi32> to vector<32xbf16>
          %get3A_156 = arith.index_cast %add3A_97 : i32 to index
          %get3A_157 = arith.constant 48 : index
          %get3A_158 = tpu.vector_load %arg15[%get3A_156, %get3A_157] {strides = array<i32>} : memref<80x64xi32, #tpu.memory_space<vmem>>, vector<16xi32>,
          %bitcast3A_159 = vector.bitcast %get3A_158 : vector<16xi32> to vector<32xbf16>
          %mul3A_160 = arith.mulf %bitcast3A_151, %bitcast3A_155 : vector<32xbf16>
          %mul3A_161 = arith.mulf %mul3A_160, %bitcast3A_159 : vector<32xbf16>
          %unpack3A_162 = tpu.unpack_subelements %mul3A_161, 0 {pack_format = #tpu.pack_format<interleaved>} : vector<32xbf16> -> vector<16xf32>
          %unpack3A_163 = tpu.unpack_subelements %mul3A_161, 1 {pack_format = #tpu.pack_format<interleaved>} : vector<32xbf16> -> vector<16xf32>
          %add3A_164 = arith.addf %unpack3A_162, %unpack3A_163 : vector<16xf32>
          %add3A_165 = arith.addf %add3A_147, %add3A_164 : vector<16xf32>
          %swap3A = arith.constant 0 : index
          %swap3A_166 = tpu.vector_load %arg16[%swap3A] {strides = array<i32>} : memref<272xf32, #tpu.memory_space<vmem>>, vector<16xf32>,
          tpu.vector_store %arg16[%swap3A], %add3A_165 {strides = array<i32>} : memref<272xf32, #tpu.memory_space<vmem>>, vector<16xf32>,
          %mul3A_167 = arith.constant 16 : i32
          %mul3A_168 = arith.muli %add3A_93, %mul3A_167 : i32
          %add3A_169 = arith.constant 1 : i32
          %add3A_170 = arith.addi %mul3A_168, %add3A_169 : i32
          %get3A_171 = arith.index_cast %add3A_170 : i32 to index
          %get3A_172 = arith.constant 0 : index
          %get3A_173 = tpu.vector_load %arg13[%get3A_171, %get3A_172] {strides = array<i32>} : memref<80x64xi32, #tpu.memory_space<vmem>>, vector<16xi32>,
          %bitcast3A_174 = vector.bitcast %get3A_173 : vector<16xi32> to vector<32xbf16>
          %get3A_175 = arith.index_cast %add3A_170 : i32 to index
          %get3A_176 = arith.constant 0 : index
          %get3A_177 = tpu.vector_load %arg14[%get3A_175, %get3A_176] {strides = array<i32>} : memref<80x64xi32, #tpu.memory_space<vmem>>, vector<16xi32>,
          %bitcast3A_178 = vector.bitcast %get3A_177 : vector<16xi32> to vector<32xbf16>
          %get3A_179 = arith.index_cast %add3A_170 : i32 to index
          %get3A_180 = arith.constant 0 : index
          %get3A_181 = tpu.vector_load %arg15[%get3A_179, %get3A_180] {strides = array<i32>} : memref<80x64xi32, #tpu.memory_space<vmem>>, vector<16xi32>,
          %bitcast3A_182 = vector.bitcast %get3A_181 : vector<16xi32> to vector<32xbf16>
          %mul3A_183 = arith.mulf %bitcast3A_174, %bitcast3A_178 : vector<32xbf16>
          %mul3A_184 = arith.mulf %mul3A_183, %bitcast3A_182 : vector<32xbf16>
          %unpack3A_185 = tpu.unpack_subelements %mul3A_184, 0 {pack_format = #tpu.pack_format<interleaved>} : vector<32xbf16> -> vector<16xf32>
          %unpack3A_186 = tpu.unpack_subelements %mul3A_184, 1 {pack_format = #tpu.pack_format<interleaved>} : vector<32xbf16> -> vector<16xf32>
          %add3A_187 = arith.addf %unpack3A_185, %unpack3A_186 : vector<16xf32>
          %get3A_188 = arith.index_cast %add3A_170 : i32 to index
          %get3A_189 = arith.constant 16 : index
          %get3A_190 = tpu.vector_load %arg13[%get3A_188, %get3A_189] {strides = array<i32>} : memref<80x64xi32, #tpu.memory_space<vmem>>, vector<16xi32>,
          %bitcast3A_191 = vector.bitcast %get3A_190 : vector<16xi32> to vector<32xbf16>
          %get3A_192 = arith.index_cast %add3A_170 : i32 to index
          %get3A_193 = arith.constant 16 : index
          %get3A_194 = tpu.vector_load %arg14[%get3A_192, %get3A_193] {strides = array<i32>} : memref<80x64xi32, #tpu.memory_space<vmem>>, vector<16xi32>,
          %bitcast3A_195 = vector.bitcast %get3A_194 : vector<16xi32> to vector<32xbf16>
          %get3A_196 = arith.index_cast %add3A_170 : i32 to index
          %get3A_197 = arith.constant 16 : index
          %get3A_198 = tpu.vector_load %arg15[%get3A_196, %get3A_197] {strides = array<i32>} : memref<80x64xi32, #tpu.memory_space<vmem>>, vector<16xi32>,
          %bitcast3A_199 = vector.bitcast %get3A_198 : vector<16xi32> to vector<32xbf16>
          %mul3A_200 = arith.mulf %bitcast3A_191, %bitcast3A_195 : vector<32xbf16>
          %mul3A_201 = arith.mulf %mul3A_200, %bitcast3A_199 : vector<32xbf16>
          %unpack3A_202 = tpu.unpack_subelements %mul3A_201, 0 {pack_format = #tpu.pack_format<interleaved>} : vector<32xbf16> -> vector<16xf32>
          %unpack3A_203 = tpu.unpack_subelements %mul3A_201, 1 {pack_format = #tpu.pack_format<interleaved>} : vector<32xbf16> -> vector<16xf32>
          %add3A_204 = arith.addf %unpack3A_202, %unpack3A_203 : vector<16xf32>
          %add3A_205 = arith.addf %add3A_187, %add3A_204 : vector<16xf32>
          %get3A_206 = arith.index_cast %add3A_170 : i32 to index
          %get3A_207 = arith.constant 32 : index
          %get3A_208 = tpu.vector_load %arg13[%get3A_206, %get3A_207] {strides = array<i32>} : memref<80x64xi32, #tpu.memory_space<vmem>>, vector<16xi32>,
          %bitcast3A_209 = vector.bitcast %get3A_208 : vector<16xi32> to vector<32xbf16>
          %get3A_210 = arith.index_cast %add3A_170 : i32 to index
          %get3A_211 = arith.constant 32 : index
          %get3A_212 = tpu.vector_load %arg14[%get3A_210, %get3A_211] {strides = array<i32>} : memref<80x64xi32, #tpu.memory_space<vmem>>, vector<16xi32>,
          %bitcast3A_213 = vector.bitcast %get3A_212 : vector<16xi32> to vector<32xbf16>
          %get3A_214 = arith.index_cast %add3A_170 : i32 to index
          %get3A_215 = arith.constant 32 : index
          %get3A_216 = tpu.vector_load %arg15[%get3A_214, %get3A_215] {strides = array<i32>} : memref<80x64xi32, #tpu.memory_space<vmem>>, vector<16xi32>,
          %bitcast3A_217 = vector.bitcast %get3A_216 : vector<16xi32> to vector<32xbf16>
          %mul3A_218 = arith.mulf %bitcast3A_209, %bitcast3A_213 : vector<32xbf16>
          %mul3A_219 = arith.mulf %mul3A_218, %bitcast3A_217 : vector<32xbf16>
          %unpack3A_220 = tpu.unpack_subelements %mul3A_219, 0 {pack_format = #tpu.pack_format<interleaved>} : vector<32xbf16> -> vector<16xf32>
          %unpack3A_221 = tpu.unpack_subelements %mul3A_219, 1 {pack_format = #tpu.pack_format<interleaved>} : vector<32xbf16> -> vector<16xf32>
          %add3A_222 = arith.addf %unpack3A_220, %unpack3A_221 : vector<16xf32>
          %add3A_223 = arith.addf %add3A_205, %add3A_222 : vector<16xf32>
          %get3A_224 = arith.index_cast %add3A_170 : i32 to index
          %get3A_225 = arith.constant 48 : index
          %get3A_226 = tpu.vector_load %arg13[%get3A_224, %get3A_225] {strides = array<i32>} : memref<80x64xi32, #tpu.memory_space<vmem>>, vector<16xi32>,
          %bitcast3A_227 = vector.bitcast %get3A_226 : vector<16xi32> to vector<32xbf16>
          %get3A_228 = arith.index_cast %add3A_170 : i32 to index
          %get3A_229 = arith.constant 48 : index
          %get3A_230 = tpu.vector_load %arg14[%get3A_228, %get3A_229] {strides = array<i32>} : memref<80x64xi32, #tpu.memory_space<vmem>>, vector<16xi32>,
          %bitcast3A_231 = vector.bitcast %get3A_230 : vector<16xi32> to vector<32xbf16>
          %get3A_232 = arith.index_cast %add3A_170 : i32 to index
          %get3A_233 = arith.constant 48 : index
          %get3A_234 = tpu.vector_load %arg15[%get3A_232, %get3A_233] {strides = array<i32>} : memref<80x64xi32, #tpu.memory_space<vmem>>, vector<16xi32>,
          %bitcast3A_235 = vector.bitcast %get3A_234 : vector<16xi32> to vector<32xbf16>
          %mul3A_236 = arith.mulf %bitcast3A_227, %bitcast3A_231 : vector<32xbf16>
          %mul3A_237 = arith.mulf %mul3A_236, %bitcast3A_235 : vector<32xbf16>
          %unpack3A_238 = tpu.unpack_subelements %mul3A_237, 0 {pack_format = #tpu.pack_format<interleaved>} : vector<32xbf16> -> vector<16xf32>
          %unpack3A_239 = tpu.unpack_subelements %mul3A_237, 1 {pack_format = #tpu.pack_format<interleaved>} : vector<32xbf16> -> vector<16xf32>
          %add3A_240 = arith.addf %unpack3A_238, %unpack3A_239 : vector<16xf32>
          %add3A_241 = arith.addf %add3A_223, %add3A_240 : vector<16xf32>
          %swap3A_242 = arith.constant 17 : index
          %swap3A_243 = tpu.vector_load %arg16[%swap3A_242] {strides = array<i32>} : memref<272xf32, #tpu.memory_space<vmem>>, vector<16xf32>,
          tpu.vector_store %arg16[%swap3A_242], %add3A_241 {strides = array<i32>} : memref<272xf32, #tpu.memory_space<vmem>>, vector<16xf32>,
          %mul3A_244 = arith.constant 16 : i32
          %mul3A_245 = arith.muli %add3A_93, %mul3A_244 : i32
          %add3A_246 = arith.constant 2 : i32
          %add3A_247 = arith.addi %mul3A_245, %add3A_246 : i32
          %get3A_248 = arith.index_cast %add3A_247 : i32 to index
          %get3A_249 = arith.constant 0 : index
          %get3A_250 = tpu.vector_load %arg13[%get3A_248, %get3A_249] {strides = array<i32>} : memref<80x64xi32, #tpu.memory_space<vmem>>, vector<16xi32>,
          %bitcast3A_251 = vector.bitcast %get3A_250 : vector<16xi32> to vector<32xbf16>
          %get3A_252 = arith.index_cast %add3A_247 : i32 to index
          %get3A_253 = arith.constant 0 : index
          %get3A_254 = tpu.vector_load %arg14[%get3A_252, %get3A_253] {strides = array<i32>} : memref<80x64xi32, #tpu.memory_space<vmem>>, vector<16xi32>,
          %bitcast3A_255 = vector.bitcast %get3A_254 : vector<16xi32> to vector<32xbf16>
          %get3A_256 = arith.index_cast %add3A_247 : i32 to index
          %get3A_257 = arith.constant 0 : index
          %get3A_258 = tpu.vector_load %arg15[%get3A_256, %get3A_257] {strides = array<i32>} : memref<80x64xi32, #tpu.memory_space<vmem>>, vector<16xi32>,
          %bitcast3A_259 = vector.bitcast %get3A_258 : vector<16xi32> to vector<32xbf16>
          %mul3A_260 = arith.mulf %bitcast3A_251, %bitcast3A_255 : vector<32xbf16>
          %mul3A_261 = arith.mulf %mul3A_260, %bitcast3A_259 : vector<32xbf16>
          %unpack3A_262 = tpu.unpack_subelements %mul3A_261, 0 {pack_format = #tpu.pack_format<interleaved>} : vector<32xbf16> -> vector<16xf32>
          %unpack3A_263 = tpu.unpack_subelements %mul3A_261, 1 {pack_format = #tpu.pack_format<interleaved>} : vector<32xbf16> -> vector<16xf32>
          %add3A_264 = arith.addf %unpack3A_262, %unpack3A_263 : vector<16xf32>
          %get3A_265 = arith.index_cast %add3A_247 : i32 to index
          %get3A_266 = arith.constant 16 : index
          %get3A_267 = tpu.vector_load %arg13[%get3A_265, %get3A_266] {strides = array<i32>} : memref<80x64xi32, #tpu.memory_space<vmem>>, vector<16xi32>,
          %bitcast3A_268 = vector.bitcast %get3A_267 : vector<16xi32> to vector<32xbf16>
          %get3A_269 = arith.index_cast %add3A_247 : i32 to index
          %get3A_270 = arith.constant 16 : index
          %get3A_271 = tpu.vector_load %arg14[%get3A_269, %get3A_270] {strides = array<i32>} : memref<80x64xi32, #tpu.memory_space<vmem>>, vector<16xi32>,
          %bitcast3A_272 = vector.bitcast %get3A_271 : vector<16xi32> to vector<32xbf16>
          %get3A_273 = arith.index_cast %add3A_247 : i32 to index
          %get3A_274 = arith.constant 16 : index
          %get3A_275 = tpu.vector_load %arg15[%get3A_273, %get3A_274] {strides = array<i32>} : memref<80x64xi32, #tpu.memory_space<vmem>>, vector<16xi32>,
          %bitcast3A_276 = vector.bitcast %get3A_275 : vector<16xi32> to vector<32xbf16>
          %mul3A_277 = arith.mulf %bitcast3A_268, %bitcast3A_272 : vector<32xbf16>
          %mul3A_278 = arith.mulf %mul3A_277, %bitcast3A_276 : vector<32xbf16>
          %unpack3A_279 = tpu.unpack_subelements %mul3A_278, 0 {pack_format = #tpu.pack_format<interleaved>} : vector<32xbf16> -> vector<16xf32>
          %unpack3A_280 = tpu.unpack_subelements %mul3A_278, 1 {pack_format = #tpu.pack_format<interleaved>} : vector<32xbf16> -> vector<16xf32>
          %add3A_281 = arith.addf %unpack3A_279, %unpack3A_280 : vector<16xf32>
          %add3A_282 = arith.addf %add3A_264, %add3A_281 : vector<16xf32>
          %get3A_283 = arith.index_cast %add3A_247 : i32 to index
          %get3A_284 = arith.constant 32 : index
          %get3A_285 = tpu.vector_load %arg13[%get3A_283, %get3A_284] {strides = array<i32>} : memref<80x64xi32, #tpu.memory_space<vmem>>, vector<16xi32>,
          %bitcast3A_286 = vector.bitcast %get3A_285 : vector<16xi32> to vector<32xbf16>
          %get3A_287 = arith.index_cast %add3A_247 : i32 to index
          %get3A_288 = arith.constant 32 : index
          %get3A_289 = tpu.vector_load %arg14[%get3A_287, %get3A_288] {strides = array<i32>} : memref<80x64xi32, #tpu.memory_space<vmem>>, vector<16xi32>,
          %bitcast3A_290 = vector.bitcast %get3A_289 : vector<16xi32> to vector<32xbf16>
          %get3A_291 = arith.index_cast %add3A_247 : i32 to index
          %get3A_292 = arith.constant 32 : index
          %get3A_293 = tpu.vector_load %arg15[%get3A_291, %get3A_292] {strides = array<i32>} : memref<80x64xi32, #tpu.memory_space<vmem>>, vector<16xi32>,
          %bitcast3A_294 = vector.bitcast %get3A_293 : vector<16xi32> to vector<32xbf16>
          %mul3A_295 = arith.mulf %bitcast3A_286, %bitcast3A_290 : vector<32xbf16>
          %mul3A_296 = arith.mulf %mul3A_295, %bitcast3A_294 : vector<32xbf16>
          %unpack3A_297 = tpu.unpack_subelements %mul3A_296, 0 {pack_format = #tpu.pack_format<interleaved>} : vector<32xbf16> -> vector<16xf32>
          %unpack3A_298 = tpu.unpack_subelements %mul3A_296, 1 {pack_format = #tpu.pack_format<interleaved>} : vector<32xbf16> -> vector<16xf32>
          %add3A_299 = arith.addf %unpack3A_297, %unpack3A_298 : vector<16xf32>
          %add3A_300 = arith.addf %add3A_282, %add3A_299 : vector<16xf32>
          %get3A_301 = arith.index_cast %add3A_247 : i32 to index
          %get3A_302 = arith.constant 48 : index
          %get3A_303 = tpu.vector_load %arg13[%get3A_301, %get3A_302] {strides = array<i32>} : memref<80x64xi32, #tpu.memory_space<vmem>>, vector<16xi32>,
          %bitcast3A_304 = vector.bitcast %get3A_303 : vector<16xi32> to vector<32xbf16>
          %get3A_305 = arith.index_cast %add3A_247 : i32 to index
          %get3A_306 = arith.constant 48 : index
          %get3A_307 = tpu.vector_load %arg14[%get3A_305, %get3A_306] {strides = array<i32>} : memref<80x64xi32, #tpu.memory_space<vmem>>, vector<16xi32>,
          %bitcast3A_308 = vector.bitcast %get3A_307 : vector<16xi32> to vector<32xbf16>
          %get3A_309 = arith.index_cast %add3A_247 : i32 to index
          %get3A_310 = arith.constant 48 : index
          %get3A_311 = tpu.vector_load %arg15[%get3A_309, %get3A_310] {strides = array<i32>} : memref<80x64xi32, #tpu.memory_space<vmem>>, vector<16xi32>,
          %bitcast3A_312 = vector.bitcast %get3A_311 : vector<16xi32> to vector<32xbf16>
          %mul3A_313 = arith.mulf %bitcast3A_304, %bitcast3A_308 : vector<32xbf16>
          %mul3A_314 = arith.mulf %mul3A_313, %bitcast3A_312 : vector<32xbf16>
          %unpack3A_315 = tpu.unpack_subelements %mul3A_314, 0 {pack_format = #tpu.pack_format<interleaved>} : vector<32xbf16> -> vector<16xf32>
          %unpack3A_316 = tpu.unpack_subelements %mul3A_314, 1 {pack_format = #tpu.pack_format<interleaved>} : vector<32xbf16> -> vector<16xf32>
          %add3A_317 = arith.addf %unpack3A_315, %unpack3A_316 : vector<16xf32>
          %add3A_318 = arith.addf %add3A_300, %add3A_317 : vector<16xf32>
          %swap3A_319 = arith.constant 34 : index
          %swap3A_320 = tpu.vector_load %arg16[%swap3A_319] {strides = array<i32>} : memref<272xf32, #tpu.memory_space<vmem>>, vector<16xf32>,
          tpu.vector_store %arg16[%swap3A_319], %add3A_318 {strides = array<i32>} : memref<272xf32, #tpu.memory_space<vmem>>, vector<16xf32>,
          %mul3A_321 = arith.constant 16 : i32
          %mul3A_322 = arith.muli %add3A_93, %mul3A_321 : i32
          %add3A_323 = arith.constant 3 : i32
          %add3A_324 = arith.addi %mul3A_322, %add3A_323 : i32
          %get3A_325 = arith.index_cast %add3A_324 : i32 to index
          %get3A_326 = arith.constant 0 : index
          %get3A_327 = tpu.vector_load %arg13[%get3A_325, %get3A_326] {strides = array<i32>} : memref<80x64xi32, #tpu.memory_space<vmem>>, vector<16xi32>,
          %bitcast3A_328 = vector.bitcast %get3A_327 : vector<16xi32> to vector<32xbf16>
          %get3A_329 = arith.index_cast %add3A_324 : i32 to index
          %get3A_330 = arith.constant 0 : index
          %get3A_331 = tpu.vector_load %arg14[%get3A_329, %get3A_330] {strides = array<i32>} : memref<80x64xi32, #tpu.memory_space<vmem>>, vector<16xi32>,
          %bitcast3A_332 = vector.bitcast %get3A_331 : vector<16xi32> to vector<32xbf16>
          %get3A_333 = arith.index_cast %add3A_324 : i32 to index
          %get3A_334 = arith.constant 0 : index
          %get3A_335 = tpu.vector_load %arg15[%get3A_333, %get3A_334] {strides = array<i32>} : memref<80x64xi32, #tpu.memory_space<vmem>>, vector<16xi32>,
          %bitcast3A_336 = vector.bitcast %get3A_335 : vector<16xi32> to vector<32xbf16>
          %mul3A_337 = arith.mulf %bitcast3A_328, %bitcast3A_332 : vector<32xbf16>
          %mul3A_338 = arith.mulf %mul3A_337, %bitcast3A_336 : vector<32xbf16>
          %unpack3A_339 = tpu.unpack_subelements %mul3A_338, 0 {pack_format = #tpu.pack_format<interleaved>} : vector<32xbf16> -> vector<16xf32>
          %unpack3A_340 = tpu.unpack_subelements %mul3A_338, 1 {pack_format = #tpu.pack_format<interleaved>} : vector<32xbf16> -> vector<16xf32>
          %add3A_341 = arith.addf %unpack3A_339, %unpack3A_340 : vector<16xf32>
          %get3A_342 = arith.index_cast %add3A_324 : i32 to index
          %get3A_343 = arith.constant 16 : index
          %get3A_344 = tpu.vector_load %arg13[%get3A_342, %get3A_343] {strides = array<i32>} : memref<80x64xi32, #tpu.memory_space<vmem>>, vector<16xi32>,
          %bitcast3A_345 = vector.bitcast %get3A_344 : vector<16xi32> to vector<32xbf16>
          %get3A_346 = arith.index_cast %add3A_324 : i32 to index
          %get3A_347 = arith.constant 16 : index
          %get3A_348 = tpu.vector_load %arg14[%get3A_346, %get3A_347] {strides = array<i32>} : memref<80x64xi32, #tpu.memory_space<vmem>>, vector<16xi32>,
          %bitcast3A_349 = vector.bitcast %get3A_348 : vector<16xi32> to vector<32xbf16>
          %get3A_350 = arith.index_cast %add3A_324 : i32 to index
          %get3A_351 = arith.constant 16 : index
          %get3A_352 = tpu.vector_load %arg15[%get3A_350, %get3A_351] {strides = array<i32>} : memref<80x64xi32, #tpu.memory_space<vmem>>, vector<16xi32>,
          %bitcast3A_353 = vector.bitcast %get3A_352 : vector<16xi32> to vector<32xbf16>
          %mul3A_354 = arith.mulf %bitcast3A_345, %bitcast3A_349 : vector<32xbf16>
          %mul3A_355 = arith.mulf %mul3A_354, %bitcast3A_353 : vector<32xbf16>
          %unpack3A_356 = tpu.unpack_subelements %mul3A_355, 0 {pack_format = #tpu.pack_format<interleaved>} : vector<32xbf16> -> vector<16xf32>
          %unpack3A_357 = tpu.unpack_subelements %mul3A_355, 1 {pack_format = #tpu.pack_format<interleaved>} : vector<32xbf16> -> vector<16xf32>
          %add3A_358 = arith.addf %unpack3A_356, %unpack3A_357 : vector<16xf32>
          %add3A_359 = arith.addf %add3A_341, %add3A_358 : vector<16xf32>
          %get3A_360 = arith.index_cast %add3A_324 : i32 to index
          %get3A_361 = arith.constant 32 : index
          %get3A_362 = tpu.vector_load %arg13[%get3A_360, %get3A_361] {strides = array<i32>} : memref<80x64xi32, #tpu.memory_space<vmem>>, vector<16xi32>,
          %bitcast3A_363 = vector.bitcast %get3A_362 : vector<16xi32> to vector<32xbf16>
          %get3A_364 = arith.index_cast %add3A_324 : i32 to index
          %get3A_365 = arith.constant 32 : index
          %get3A_366 = tpu.vector_load %arg14[%get3A_364, %get3A_365] {strides = array<i32>} : memref<80x64xi32, #tpu.memory_space<vmem>>, vector<16xi32>,
          %bitcast3A_367 = vector.bitcast %get3A_366 : vector<16xi32> to vector<32xbf16>
          %get3A_368 = arith.index_cast %add3A_324 : i32 to index
          %get3A_369 = arith.constant 32 : index
          %get3A_370 = tpu.vector_load %arg15[%get3A_368, %get3A_369] {strides = array<i32>} : memref<80x64xi32, #tpu.memory_space<vmem>>, vector<16xi32>,
          %bitcast3A_371 = vector.bitcast %get3A_370 : vector<16xi32> to vector<32xbf16>
          %mul3A_372 = arith.mulf %bitcast3A_363, %bitcast3A_367 : vector<32xbf16>
          %mul3A_373 = arith.mulf %mul3A_372, %bitcast3A_371 : vector<32xbf16>
          %unpack3A_374 = tpu.unpack_subelements %mul3A_373, 0 {pack_format = #tpu.pack_format<interleaved>} : vector<32xbf16> -> vector<16xf32>
          %unpack3A_375 = tpu.unpack_subelements %mul3A_373, 1 {pack_format = #tpu.pack_format<interleaved>} : vector<32xbf16> -> vector<16xf32>
          %add3A_376 = arith.addf %unpack3A_374, %unpack3A_375 : vector<16xf32>
          %add3A_377 = arith.addf %add3A_359, %add3A_376 : vector<16xf32>
          %get3A_378 = arith.index_cast %add3A_324 : i32 to index
          %get3A_379 = arith.constant 48 : index
          %get3A_380 = tpu.vector_load %arg13[%get3A_378, %get3A_379] {strides = array<i32>} : memref<80x64xi32, #tpu.memory_space<vmem>>, vector<16xi32>,
          %bitcast3A_381 = vector.bitcast %get3A_380 : vector<16xi32> to vector<32xbf16>
          %get3A_382 = arith.index_cast %add3A_324 : i32 to index
          %get3A_383 = arith.constant 48 : index
          %get3A_384 = tpu.vector_load %arg14[%get3A_382, %get3A_383] {strides = array<i32>} : memref<80x64xi32, #tpu.memory_space<vmem>>, vector<16xi32>,
          %bitcast3A_385 = vector.bitcast %get3A_384 : vector<16xi32> to vector<32xbf16>
          %get3A_386 = arith.index_cast %add3A_324 : i32 to index
          %get3A_387 = arith.constant 48 : index
          %get3A_388 = tpu.vector_load %arg15[%get3A_386, %get3A_387] {strides = array<i32>} : memref<80x64xi32, #tpu.memory_space<vmem>>, vector<16xi32>,
          %bitcast3A_389 = vector.bitcast %get3A_388 : vector<16xi32> to vector<32xbf16>
          %mul3A_390 = arith.mulf %bitcast3A_381, %bitcast3A_385 : vector<32xbf16>
          %mul3A_391 = arith.mulf %mul3A_390, %bitcast3A_389 : vector<32xbf16>
          %unpack3A_392 = tpu.unpack_subelements %mul3A_391, 0 {pack_format = #tpu.pack_format<interleaved>} : vector<32xbf16> -> vector<16xf32>
          %unpack3A_393 = tpu.unpack_subelements %mul3A_391, 1 {pack_format = #tpu.pack_format<interleaved>} : vector<32xbf16> -> vector<16xf32>
          %add3A_394 = arith.addf %unpack3A_392, %unpack3A_393 : vector<16xf32>
          %add3A_395 = arith.addf %add3A_377, %add3A_394 : vector<16xf32>
          %swap3A_396 = arith.constant 51 : index
          %swap3A_397 = tpu.vector_load %arg16[%swap3A_396] {strides = array<i32>} : memref<272xf32, #tpu.memory_space<vmem>>, vector<16xf32>,
          tpu.vector_store %arg16[%swap3A_396], %add3A_395 {strides = array<i32>} : memref<272xf32, #tpu.memory_space<vmem>>, vector<16xf32>,
          %mul3A_398 = arith.constant 16 : i32
          %mul3A_399 = arith.muli %add3A_93, %mul3A_398 : i32
          %add3A_400 = arith.constant 4 : i32
          %add3A_401 = arith.addi %mul3A_399, %add3A_400 : i32
          %get3A_402 = arith.index_cast %add3A_401 : i32 to index
          %get3A_403 = arith.constant 0 : index
          %get3A_404 = tpu.vector_load %arg13[%get3A_402, %get3A_403] {strides = array<i32>} : memref<80x64xi32, #tpu.memory_space<vmem>>, vector<16xi32>,
          %bitcast3A_405 = vector.bitcast %get3A_404 : vector<16xi32> to vector<32xbf16>
          %get3A_406 = arith.index_cast %add3A_401 : i32 to index
          %get3A_407 = arith.constant 0 : index
          %get3A_408 = tpu.vector_load %arg14[%get3A_406, %get3A_407] {strides = array<i32>} : memref<80x64xi32, #tpu.memory_space<vmem>>, vector<16xi32>,
          %bitcast3A_409 = vector.bitcast %get3A_408 : vector<16xi32> to vector<32xbf16>
          %get3A_410 = arith.index_cast %add3A_401 : i32 to index
          %get3A_411 = arith.constant 0 : index
          %get3A_412 = tpu.vector_load %arg15[%get3A_410, %get3A_411] {strides = array<i32>} : memref<80x64xi32, #tpu.memory_space<vmem>>, vector<16xi32>,
          %bitcast3A_413 = vector.bitcast %get3A_412 : vector<16xi32> to vector<32xbf16>
          %mul3A_414 = arith.mulf %bitcast3A_405, %bitcast3A_409 : vector<32xbf16>
          %mul3A_415 = arith.mulf %mul3A_414, %bitcast3A_413 : vector<32xbf16>
          %unpack3A_416 = tpu.unpack_subelements %mul3A_415, 0 {pack_format = #tpu.pack_format<interleaved>} : vector<32xbf16> -> vector<16xf32>
          %unpack3A_417 = tpu.unpack_subelements %mul3A_415, 1 {pack_format = #tpu.pack_format<interleaved>} : vector<32xbf16> -> vector<16xf32>
          %add3A_418 = arith.addf %unpack3A_416, %unpack3A_417 : vector<16xf32>
          %get3A_419 = arith.index_cast %add3A_401 : i32 to index
          %get3A_420 = arith.constant 16 : index
          %get3A_421 = tpu.vector_load %arg13[%get3A_419, %get3A_420] {strides = array<i32>} : memref<80x64xi32, #tpu.memory_space<vmem>>, vector<16xi32>,
          %bitcast3A_422 = vector.bitcast %get3A_421 : vector<16xi32> to vector<32xbf16>
          %get3A_423 = arith.index_cast %add3A_401 : i32 to index
          %get3A_424 = arith.constant 16 : index
          %get3A_425 = tpu.vector_load %arg14[%get3A_423, %get3A_424] {strides = array<i32>} : memref<80x64xi32, #tpu.memory_space<vmem>>, vector<16xi32>,
          %bitcast3A_426 = vector.bitcast %get3A_425 : vector<16xi32> to vector<32xbf16>
          %get3A_427 = arith.index_cast %add3A_401 : i32 to index
          %get3A_428 = arith.constant 16 : index
          %get3A_429 = tpu.vector_load %arg15[%get3A_427, %get3A_428] {strides = array<i32>} : memref<80x64xi32, #tpu.memory_space<vmem>>, vector<16xi32>,
          %bitcast3A_430 = vector.bitcast %get3A_429 : vector<16xi32> to vector<32xbf16>
          %mul3A_431 = arith.mulf %bitcast3A_422, %bitcast3A_426 : vector<32xbf16>
          %mul3A_432 = arith.mulf %mul3A_431, %bitcast3A_430 : vector<32xbf16>
          %unpack3A_433 = tpu.unpack_subelements %mul3A_432, 0 {pack_format = #tpu.pack_format<interleaved>} : vector<32xbf16> -> vector<16xf32>
          %unpack3A_434 = tpu.unpack_subelements %mul3A_432, 1 {pack_format = #tpu.pack_format<interleaved>} : vector<32xbf16> -> vector<16xf32>
          %add3A_435 = arith.addf %unpack3A_433, %unpack3A_434 : vector<16xf32>
          %add3A_436 = arith.addf %add3A_418, %add3A_435 : vector<16xf32>
          %get3A_437 = arith.index_cast %add3A_401 : i32 to index
          %get3A_438 = arith.constant 32 : index
          %get3A_439 = tpu.vector_load %arg13[%get3A_437, %get3A_438] {strides = array<i32>} : memref<80x64xi32, #tpu.memory_space<vmem>>, vector<16xi32>,
          %bitcast3A_440 = vector.bitcast %get3A_439 : vector<16xi32> to vector<32xbf16>
          %get3A_441 = arith.index_cast %add3A_401 : i32 to index
          %get3A_442 = arith.constant 32 : index
          %get3A_443 = tpu.vector_load %arg14[%get3A_441, %get3A_442] {strides = array<i32>} : memref<80x64xi32, #tpu.memory_space<vmem>>, vector<16xi32>,
          %bitcast3A_444 = vector.bitcast %get3A_443 : vector<16xi32> to vector<32xbf16>
          %get3A_445 = arith.index_cast %add3A_401 : i32 to index
          %get3A_446 = arith.constant 32 : index
          %get3A_447 = tpu.vector_load %arg15[%get3A_445, %get3A_446] {strides = array<i32>} : memref<80x64xi32, #tpu.memory_space<vmem>>, vector<16xi32>,
          %bitcast3A_448 = vector.bitcast %get3A_447 : vector<16xi32> to vector<32xbf16>
          %mul3A_449 = arith.mulf %bitcast3A_440, %bitcast3A_444 : vector<32xbf16>
          %mul3A_450 = arith.mulf %mul3A_449, %bitcast3A_448 : vector<32xbf16>
          %unpack3A_451 = tpu.unpack_subelements %mul3A_450, 0 {pack_format = #tpu.pack_format<interleaved>} : vector<32xbf16> -> vector<16xf32>
          %unpack3A_452 = tpu.unpack_subelements %mul3A_450, 1 {pack_format = #tpu.pack_format<interleaved>} : vector<32xbf16> -> vector<16xf32>
          %add3A_453 = arith.addf %unpack3A_451, %unpack3A_452 : vector<16xf32>
          %add3A_454 = arith.addf %add3A_436, %add3A_453 : vector<16xf32>
          %get3A_455 = arith.index_cast %add3A_401 : i32 to index
          %get3A_456 = arith.constant 48 : index
          %get3A_457 = tpu.vector_load %arg13[%get3A_455, %get3A_456] {strides = array<i32>} : memref<80x64xi32, #tpu.memory_space<vmem>>, vector<16xi32>,
          %bitcast3A_458 = vector.bitcast %get3A_457 : vector<16xi32> to vector<32xbf16>
          %get3A_459 = arith.index_cast %add3A_401 : i32 to index
          %get3A_460 = arith.constant 48 : index
          %get3A_461 = tpu.vector_load %arg14[%get3A_459, %get3A_460] {strides = array<i32>} : memref<80x64xi32, #tpu.memory_space<vmem>>, vector<16xi32>,
          %bitcast3A_462 = vector.bitcast %get3A_461 : vector<16xi32> to vector<32xbf16>
          %get3A_463 = arith.index_cast %add3A_401 : i32 to index
          %get3A_464 = arith.constant 48 : index
          %get3A_465 = tpu.vector_load %arg15[%get3A_463, %get3A_464] {strides = array<i32>} : memref<80x64xi32, #tpu.memory_space<vmem>>, vector<16xi32>,
          %bitcast3A_466 = vector.bitcast %get3A_465 : vector<16xi32> to vector<32xbf16>
          %mul3A_467 = arith.mulf %bitcast3A_458, %bitcast3A_462 : vector<32xbf16>
          %mul3A_468 = arith.mulf %mul3A_467, %bitcast3A_466 : vector<32xbf16>
          %unpack3A_469 = tpu.unpack_subelements %mul3A_468, 0 {pack_format = #tpu.pack_format<interleaved>} : vector<32xbf16> -> vector<16xf32>
          %unpack3A_470 = tpu.unpack_subelements %mul3A_468, 1 {pack_format = #tpu.pack_format<interleaved>} : vector<32xbf16> -> vector<16xf32>
          %add3A_471 = arith.addf %unpack3A_469, %unpack3A_470 : vector<16xf32>
          %add3A_472 = arith.addf %add3A_454, %add3A_471 : vector<16xf32>
          %swap3A_473 = arith.constant 68 : index
          %swap3A_474 = tpu.vector_load %arg16[%swap3A_473] {strides = array<i32>} : memref<272xf32, #tpu.memory_space<vmem>>, vector<16xf32>,
          tpu.vector_store %arg16[%swap3A_473], %add3A_472 {strides = array<i32>} : memref<272xf32, #tpu.memory_space<vmem>>, vector<16xf32>,
          %mul3A_475 = arith.constant 16 : i32
          %mul3A_476 = arith.muli %add3A_93, %mul3A_475 : i32
          %add3A_477 = arith.constant 5 : i32
          %add3A_478 = arith.addi %mul3A_476, %add3A_477 : i32
          %get3A_479 = arith.index_cast %add3A_478 : i32 to index
          %get3A_480 = arith.constant 0 : index
          %get3A_481 = tpu.vector_load %arg13[%get3A_479, %get3A_480] {strides = array<i32>} : memref<80x64xi32, #tpu.memory_space<vmem>>, vector<16xi32>,
          %bitcast3A_482 = vector.bitcast %get3A_481 : vector<16xi32> to vector<32xbf16>
          %get3A_483 = arith.index_cast %add3A_478 : i32 to index
          %get3A_484 = arith.constant 0 : index
          %get3A_485 = tpu.vector_load %arg14[%get3A_483, %get3A_484] {strides = array<i32>} : memref<80x64xi32, #tpu.memory_space<vmem>>, vector<16xi32>,
          %bitcast3A_486 = vector.bitcast %get3A_485 : vector<16xi32> to vector<32xbf16>
          %get3A_487 = arith.index_cast %add3A_478 : i32 to index
          %get3A_488 = arith.constant 0 : index
          %get3A_489 = tpu.vector_load %arg15[%get3A_487, %get3A_488] {strides = array<i32>} : memref<80x64xi32, #tpu.memory_space<vmem>>, vector<16xi32>,
          %bitcast3A_490 = vector.bitcast %get3A_489 : vector<16xi32> to vector<32xbf16>
          %mul3A_491 = arith.mulf %bitcast3A_482, %bitcast3A_486 : vector<32xbf16>
          %mul3A_492 = arith.mulf %mul3A_491, %bitcast3A_490 : vector<32xbf16>
          %unpack3A_493 = tpu.unpack_subelements %mul3A_492, 0 {pack_format = #tpu.pack_format<interleaved>} : vector<32xbf16> -> vector<16xf32>
          %unpack3A_494 = tpu.unpack_subelements %mul3A_492, 1 {pack_format = #tpu.pack_format<interleaved>} : vector<32xbf16> -> vector<16xf32>
          %add3A_495 = arith.addf %unpack3A_493, %unpack3A_494 : vector<16xf32>
          %get3A_496 = arith.index_cast %add3A_478 : i32 to index
          %get3A_497 = arith.constant 16 : index
          %get3A_498 = tpu.vector_load %arg13[%get3A_496, %get3A_497] {strides = array<i32>} : memref<80x64xi32, #tpu.memory_space<vmem>>, vector<16xi32>,
          %bitcast3A_499 = vector.bitcast %get3A_498 : vector<16xi32> to vector<32xbf16>
          %get3A_500 = arith.index_cast %add3A_478 : i32 to index
          %get3A_501 = arith.constant 16 : index
          %get3A_502 = tpu.vector_load %arg14[%get3A_500, %get3A_501] {strides = array<i32>} : memref<80x64xi32, #tpu.memory_space<vmem>>, vector<16xi32>,
          %bitcast3A_503 = vector.bitcast %get3A_502 : vector<16xi32> to vector<32xbf16>
          %get3A_504 = arith.index_cast %add3A_478 : i32 to index
          %get3A_505 = arith.constant 16 : index
          %get3A_506 = tpu.vector_load %arg15[%get3A_504, %get3A_505] {strides = array<i32>} : memref<80x64xi32, #tpu.memory_space<vmem>>, vector<16xi32>,
          %bitcast3A_507 = vector.bitcast %get3A_506 : vector<16xi32> to vector<32xbf16>
          %mul3A_508 = arith.mulf %bitcast3A_499, %bitcast3A_503 : vector<32xbf16>
          %mul3A_509 = arith.mulf %mul3A_508, %bitcast3A_507 : vector<32xbf16>
          %unpack3A_510 = tpu.unpack_subelements %mul3A_509, 0 {pack_format = #tpu.pack_format<interleaved>} : vector<32xbf16> -> vector<16xf32>
          %unpack3A_511 = tpu.unpack_subelements %mul3A_509, 1 {pack_format = #tpu.pack_format<interleaved>} : vector<32xbf16> -> vector<16xf32>
          %add3A_512 = arith.addf %unpack3A_510, %unpack3A_511 : vector<16xf32>
          %add3A_513 = arith.addf %add3A_495, %add3A_512 : vector<16xf32>
          %get3A_514 = arith.index_cast %add3A_478 : i32 to index
          %get3A_515 = arith.constant 32 : index
          %get3A_516 = tpu.vector_load %arg13[%get3A_514, %get3A_515] {strides = array<i32>} : memref<80x64xi32, #tpu.memory_space<vmem>>, vector<16xi32>,
          %bitcast3A_517 = vector.bitcast %get3A_516 : vector<16xi32> to vector<32xbf16>
          %get3A_518 = arith.index_cast %add3A_478 : i32 to index
          %get3A_519 = arith.constant 32 : index
          %get3A_520 = tpu.vector_load %arg14[%get3A_518, %get3A_519] {strides = array<i32>} : memref<80x64xi32, #tpu.memory_space<vmem>>, vector<16xi32>,
          %bitcast3A_521 = vector.bitcast %get3A_520 : vector<16xi32> to vector<32xbf16>
          %get3A_522 = arith.index_cast %add3A_478 : i32 to index
          %get3A_523 = arith.constant 32 : index
          %get3A_524 = tpu.vector_load %arg15[%get3A_522, %get3A_523] {strides = array<i32>} : memref<80x64xi32, #tpu.memory_space<vmem>>, vector<16xi32>,
          %bitcast3A_525 = vector.bitcast %get3A_524 : vector<16xi32> to vector<32xbf16>
          %mul3A_526 = arith.mulf %bitcast3A_517, %bitcast3A_521 : vector<32xbf16>
          %mul3A_527 = arith.mulf %mul3A_526, %bitcast3A_525 : vector<32xbf16>
          %unpack3A_528 = tpu.unpack_subelements %mul3A_527, 0 {pack_format = #tpu.pack_format<interleaved>} : vector<32xbf16> -> vector<16xf32>
          %unpack3A_529 = tpu.unpack_subelements %mul3A_527, 1 {pack_format = #tpu.pack_format<interleaved>} : vector<32xbf16> -> vector<16xf32>
          %add3A_530 = arith.addf %unpack3A_528, %unpack3A_529 : vector<16xf32>
          %add3A_531 = arith.addf %add3A_513, %add3A_530 : vector<16xf32>
          %get3A_532 = arith.index_cast %add3A_478 : i32 to index
          %get3A_533 = arith.constant 48 : index
          %get3A_534 = tpu.vector_load %arg13[%get3A_532, %get3A_533] {strides = array<i32>} : memref<80x64xi32, #tpu.memory_space<vmem>>, vector<16xi32>,
          %bitcast3A_535 = vector.bitcast %get3A_534 : vector<16xi32> to vector<32xbf16>
          %get3A_536 = arith.index_cast %add3A_478 : i32 to index
          %get3A_537 = arith.constant 48 : index
          %get3A_538 = tpu.vector_load %arg14[%get3A_536, %get3A_537] {strides = array<i32>} : memref<80x64xi32, #tpu.memory_space<vmem>>, vector<16xi32>,
          %bitcast3A_539 = vector.bitcast %get3A_538 : vector<16xi32> to vector<32xbf16>
          %get3A_540 = arith.index_cast %add3A_478 : i32 to index
          %get3A_541 = arith.constant 48 : index
          %get3A_542 = tpu.vector_load %arg15[%get3A_540, %get3A_541] {strides = array<i32>} : memref<80x64xi32, #tpu.memory_space<vmem>>, vector<16xi32>,
          %bitcast3A_543 = vector.bitcast %get3A_542 : vector<16xi32> to vector<32xbf16>
          %mul3A_544 = arith.mulf %bitcast3A_535, %bitcast3A_539 : vector<32xbf16>
          %mul3A_545 = arith.mulf %mul3A_544, %bitcast3A_543 : vector<32xbf16>
          %unpack3A_546 = tpu.unpack_subelements %mul3A_545, 0 {pack_format = #tpu.pack_format<interleaved>} : vector<32xbf16> -> vector<16xf32>
          %unpack3A_547 = tpu.unpack_subelements %mul3A_545, 1 {pack_format = #tpu.pack_format<interleaved>} : vector<32xbf16> -> vector<16xf32>
          %add3A_548 = arith.addf %unpack3A_546, %unpack3A_547 : vector<16xf32>
          %add3A_549 = arith.addf %add3A_531, %add3A_548 : vector<16xf32>
          %swap3A_550 = arith.constant 85 : index
          %swap3A_551 = tpu.vector_load %arg16[%swap3A_550] {strides = array<i32>} : memref<272xf32, #tpu.memory_space<vmem>>, vector<16xf32>,
          tpu.vector_store %arg16[%swap3A_550], %add3A_549 {strides = array<i32>} : memref<272xf32, #tpu.memory_space<vmem>>, vector<16xf32>,
          %mul3A_552 = arith.constant 16 : i32
          %mul3A_553 = arith.muli %add3A_93, %mul3A_552 : i32
          %add3A_554 = arith.constant 6 : i32
          %add3A_555 = arith.addi %mul3A_553, %add3A_554 : i32
          %get3A_556 = arith.index_cast %add3A_555 : i32 to index
          %get3A_557 = arith.constant 0 : index
          %get3A_558 = tpu.vector_load %arg13[%get3A_556, %get3A_557] {strides = array<i32>} : memref<80x64xi32, #tpu.memory_space<vmem>>, vector<16xi32>,
          %bitcast3A_559 = vector.bitcast %get3A_558 : vector<16xi32> to vector<32xbf16>
          %get3A_560 = arith.index_cast %add3A_555 : i32 to index
          %get3A_561 = arith.constant 0 : index
          %get3A_562 = tpu.vector_load %arg14[%get3A_560, %get3A_561] {strides = array<i32>} : memref<80x64xi32, #tpu.memory_space<vmem>>, vector<16xi32>,
          %bitcast3A_563 = vector.bitcast %get3A_562 : vector<16xi32> to vector<32xbf16>
          %get3A_564 = arith.index_cast %add3A_555 : i32 to index
          %get3A_565 = arith.constant 0 : index
          %get3A_566 = tpu.vector_load %arg15[%get3A_564, %get3A_565] {strides = array<i32>} : memref<80x64xi32, #tpu.memory_space<vmem>>, vector<16xi32>,
          %bitcast3A_567 = vector.bitcast %get3A_566 : vector<16xi32> to vector<32xbf16>
          %mul3A_568 = arith.mulf %bitcast3A_559, %bitcast3A_563 : vector<32xbf16>
          %mul3A_569 = arith.mulf %mul3A_568, %bitcast3A_567 : vector<32xbf16>
          %unpack3A_570 = tpu.unpack_subelements %mul3A_569, 0 {pack_format = #tpu.pack_format<interleaved>} : vector<32xbf16> -> vector<16xf32>
          %unpack3A_571 = tpu.unpack_subelements %mul3A_569, 1 {pack_format = #tpu.pack_format<interleaved>} : vector<32xbf16> -> vector<16xf32>
          %add3A_572 = arith.addf %unpack3A_570, %unpack3A_571 : vector<16xf32>
          %get3A_573 = arith.index_cast %add3A_555 : i32 to index
          %get3A_574 = arith.constant 16 : index
          %get3A_575 = tpu.vector_load %arg13[%get3A_573, %get3A_574] {strides = array<i32>} : memref<80x64xi32, #tpu.memory_space<vmem>>, vector<16xi32>,
          %bitcast3A_576 = vector.bitcast %get3A_575 : vector<16xi32> to vector<32xbf16>
          %get3A_577 = arith.index_cast %add3A_555 : i32 to index
          %get3A_578 = arith.constant 16 : index
          %get3A_579 = tpu.vector_load %arg14[%get3A_577, %get3A_578] {strides = array<i32>} : memref<80x64xi32, #tpu.memory_space<vmem>>, vector<16xi32>,
          %bitcast3A_580 = vector.bitcast %get3A_579 : vector<16xi32> to vector<32xbf16>
          %get3A_581 = arith.index_cast %add3A_555 : i32 to index
          %get3A_582 = arith.constant 16 : index
          %get3A_583 = tpu.vector_load %arg15[%get3A_581, %get3A_582] {strides = array<i32>} : memref<80x64xi32, #tpu.memory_space<vmem>>, vector<16xi32>,
          %bitcast3A_584 = vector.bitcast %get3A_583 : vector<16xi32> to vector<32xbf16>
          %mul3A_585 = arith.mulf %bitcast3A_576, %bitcast3A_580 : vector<32xbf16>
          %mul3A_586 = arith.mulf %mul3A_585, %bitcast3A_584 : vector<32xbf16>
          %unpack3A_587 = tpu.unpack_subelements %mul3A_586, 0 {pack_format = #tpu.pack_format<interleaved>} : vector<32xbf16> -> vector<16xf32>
          %unpack3A_588 = tpu.unpack_subelements %mul3A_586, 1 {pack_format = #tpu.pack_format<interleaved>} : vector<32xbf16> -> vector<16xf32>
          %add3A_589 = arith.addf %unpack3A_587, %unpack3A_588 : vector<16xf32>
          %add3A_590 = arith.addf %add3A_572, %add3A_589 : vector<16xf32>
          %get3A_591 = arith.index_cast %add3A_555 : i32 to index
          %get3A_592 = arith.constant 32 : index
          %get3A_593 = tpu.vector_load %arg13[%get3A_591, %get3A_592] {strides = array<i32>} : memref<80x64xi32, #tpu.memory_space<vmem>>, vector<16xi32>,
          %bitcast3A_594 = vector.bitcast %get3A_593 : vector<16xi32> to vector<32xbf16>
          %get3A_595 = arith.index_cast %add3A_555 : i32 to index
          %get3A_596 = arith.constant 32 : index
          %get3A_597 = tpu.vector_load %arg14[%get3A_595, %get3A_596] {strides = array<i32>} : memref<80x64xi32, #tpu.memory_space<vmem>>, vector<16xi32>,
          %bitcast3A_598 = vector.bitcast %get3A_597 : vector<16xi32> to vector<32xbf16>
          %get3A_599 = arith.index_cast %add3A_555 : i32 to index
          %get3A_600 = arith.constant 32 : index
          %get3A_601 = tpu.vector_load %arg15[%get3A_599, %get3A_600] {strides = array<i32>} : memref<80x64xi32, #tpu.memory_space<vmem>>, vector<16xi32>,
          %bitcast3A_602 = vector.bitcast %get3A_601 : vector<16xi32> to vector<32xbf16>
          %mul3A_603 = arith.mulf %bitcast3A_594, %bitcast3A_598 : vector<32xbf16>
          %mul3A_604 = arith.mulf %mul3A_603, %bitcast3A_602 : vector<32xbf16>
          %unpack3A_605 = tpu.unpack_subelements %mul3A_604, 0 {pack_format = #tpu.pack_format<interleaved>} : vector<32xbf16> -> vector<16xf32>
          %unpack3A_606 = tpu.unpack_subelements %mul3A_604, 1 {pack_format = #tpu.pack_format<interleaved>} : vector<32xbf16> -> vector<16xf32>
          %add3A_607 = arith.addf %unpack3A_605, %unpack3A_606 : vector<16xf32>
          %add3A_608 = arith.addf %add3A_590, %add3A_607 : vector<16xf32>
          %get3A_609 = arith.index_cast %add3A_555 : i32 to index
          %get3A_610 = arith.constant 48 : index
          %get3A_611 = tpu.vector_load %arg13[%get3A_609, %get3A_610] {strides = array<i32>} : memref<80x64xi32, #tpu.memory_space<vmem>>, vector<16xi32>,
          %bitcast3A_612 = vector.bitcast %get3A_611 : vector<16xi32> to vector<32xbf16>
          %get3A_613 = arith.index_cast %add3A_555 : i32 to index
          %get3A_614 = arith.constant 48 : index
          %get3A_615 = tpu.vector_load %arg14[%get3A_613, %get3A_614] {strides = array<i32>} : memref<80x64xi32, #tpu.memory_space<vmem>>, vector<16xi32>,
          %bitcast3A_616 = vector.bitcast %get3A_615 : vector<16xi32> to vector<32xbf16>
          %get3A_617 = arith.index_cast %add3A_555 : i32 to index
          %get3A_618 = arith.constant 48 : index
          %get3A_619 = tpu.vector_load %arg15[%get3A_617, %get3A_618] {strides = array<i32>} : memref<80x64xi32, #tpu.memory_space<vmem>>, vector<16xi32>,
          %bitcast3A_620 = vector.bitcast %get3A_619 : vector<16xi32> to vector<32xbf16>
          %mul3A_621 = arith.mulf %bitcast3A_612, %bitcast3A_616 : vector<32xbf16>
          %mul3A_622 = arith.mulf %mul3A_621, %bitcast3A_620 : vector<32xbf16>
          %unpack3A_623 = tpu.unpack_subelements %mul3A_622, 0 {pack_format = #tpu.pack_format<interleaved>} : vector<32xbf16> -> vector<16xf32>
          %unpack3A_624 = tpu.unpack_subelements %mul3A_622, 1 {pack_format = #tpu.pack_format<interleaved>} : vector<32xbf16> -> vector<16xf32>
          %add3A_625 = arith.addf %unpack3A_623, %unpack3A_624 : vector<16xf32>
          %add3A_626 = arith.addf %add3A_608, %add3A_625 : vector<16xf32>
          %swap3A_627 = arith.constant 102 : index
          %swap3A_628 = tpu.vector_load %arg16[%swap3A_627] {strides = array<i32>} : memref<272xf32, #tpu.memory_space<vmem>>, vector<16xf32>,
          tpu.vector_store %arg16[%swap3A_627], %add3A_626 {strides = array<i32>} : memref<272xf32, #tpu.memory_space<vmem>>, vector<16xf32>,
          %mul3A_629 = arith.constant 16 : i32
          %mul3A_630 = arith.muli %add3A_93, %mul3A_629 : i32
          %add3A_631 = arith.constant 7 : i32
          %add3A_632 = arith.addi %mul3A_630, %add3A_631 : i32
          %get3A_633 = arith.index_cast %add3A_632 : i32 to index
          %get3A_634 = arith.constant 0 : index
          %get3A_635 = tpu.vector_load %arg13[%get3A_633, %get3A_634] {strides = array<i32>} : memref<80x64xi32, #tpu.memory_space<vmem>>, vector<16xi32>,
          %bitcast3A_636 = vector.bitcast %get3A_635 : vector<16xi32> to vector<32xbf16>
          %get3A_637 = arith.index_cast %add3A_632 : i32 to index
          %get3A_638 = arith.constant 0 : index
          %get3A_639 = tpu.vector_load %arg14[%get3A_637, %get3A_638] {strides = array<i32>} : memref<80x64xi32, #tpu.memory_space<vmem>>, vector<16xi32>,
          %bitcast3A_640 = vector.bitcast %get3A_639 : vector<16xi32> to vector<32xbf16>
          %get3A_641 = arith.index_cast %add3A_632 : i32 to index
          %get3A_642 = arith.constant 0 : index
          %get3A_643 = tpu.vector_load %arg15[%get3A_641, %get3A_642] {strides = array<i32>} : memref<80x64xi32, #tpu.memory_space<vmem>>, vector<16xi32>,
          %bitcast3A_644 = vector.bitcast %get3A_643 : vector<16xi32> to vector<32xbf16>
          %mul3A_645 = arith.mulf %bitcast3A_636, %bitcast3A_640 : vector<32xbf16>
          %mul3A_646 = arith.mulf %mul3A_645, %bitcast3A_644 : vector<32xbf16>
          %unpack3A_647 = tpu.unpack_subelements %mul3A_646, 0 {pack_format = #tpu.pack_format<interleaved>} : vector<32xbf16> -> vector<16xf32>
          %unpack3A_648 = tpu.unpack_subelements %mul3A_646, 1 {pack_format = #tpu.pack_format<interleaved>} : vector<32xbf16> -> vector<16xf32>
          %add3A_649 = arith.addf %unpack3A_647, %unpack3A_648 : vector<16xf32>
          %get3A_650 = arith.index_cast %add3A_632 : i32 to index
          %get3A_651 = arith.constant 16 : index
          %get3A_652 = tpu.vector_load %arg13[%get3A_650, %get3A_651] {strides = array<i32>} : memref<80x64xi32, #tpu.memory_space<vmem>>, vector<16xi32>,
          %bitcast3A_653 = vector.bitcast %get3A_652 : vector<16xi32> to vector<32xbf16>
          %get3A_654 = arith.index_cast %add3A_632 : i32 to index
          %get3A_655 = arith.constant 16 : index
          %get3A_656 = tpu.vector_load %arg14[%get3A_654, %get3A_655] {strides = array<i32>} : memref<80x64xi32, #tpu.memory_space<vmem>>, vector<16xi32>,
          %bitcast3A_657 = vector.bitcast %get3A_656 : vector<16xi32> to vector<32xbf16>
          %get3A_658 = arith.index_cast %add3A_632 : i32 to index
          %get3A_659 = arith.constant 16 : index
          %get3A_660 = tpu.vector_load %arg15[%get3A_658, %get3A_659] {strides = array<i32>} : memref<80x64xi32, #tpu.memory_space<vmem>>, vector<16xi32>,
          %bitcast3A_661 = vector.bitcast %get3A_660 : vector<16xi32> to vector<32xbf16>
          %mul3A_662 = arith.mulf %bitcast3A_653, %bitcast3A_657 : vector<32xbf16>
          %mul3A_663 = arith.mulf %mul3A_662, %bitcast3A_661 : vector<32xbf16>
          %unpack3A_664 = tpu.unpack_subelements %mul3A_663, 0 {pack_format = #tpu.pack_format<interleaved>} : vector<32xbf16> -> vector<16xf32>
          %unpack3A_665 = tpu.unpack_subelements %mul3A_663, 1 {pack_format = #tpu.pack_format<interleaved>} : vector<32xbf16> -> vector<16xf32>
          %add3A_666 = arith.addf %unpack3A_664, %unpack3A_665 : vector<16xf32>
          %add3A_667 = arith.addf %add3A_649, %add3A_666 : vector<16xf32>
          %get3A_668 = arith.index_cast %add3A_632 : i32 to index
          %get3A_669 = arith.constant 32 : index
          %get3A_670 = tpu.vector_load %arg13[%get3A_668, %get3A_669] {strides = array<i32>} : memref<80x64xi32, #tpu.memory_space<vmem>>, vector<16xi32>,
          %bitcast3A_671 = vector.bitcast %get3A_670 : vector<16xi32> to vector<32xbf16>
          %get3A_672 = arith.index_cast %add3A_632 : i32 to index
          %get3A_673 = arith.constant 32 : index
          %get3A_674 = tpu.vector_load %arg14[%get3A_672, %get3A_673] {strides = array<i32>} : memref<80x64xi32, #tpu.memory_space<vmem>>, vector<16xi32>,
          %bitcast3A_675 = vector.bitcast %get3A_674 : vector<16xi32> to vector<32xbf16>
          %get3A_676 = arith.index_cast %add3A_632 : i32 to index
          %get3A_677 = arith.constant 32 : index
          %get3A_678 = tpu.vector_load %arg15[%get3A_676, %get3A_677] {strides = array<i32>} : memref<80x64xi32, #tpu.memory_space<vmem>>, vector<16xi32>,
          %bitcast3A_679 = vector.bitcast %get3A_678 : vector<16xi32> to vector<32xbf16>
          %mul3A_680 = arith.mulf %bitcast3A_671, %bitcast3A_675 : vector<32xbf16>
          %mul3A_681 = arith.mulf %mul3A_680, %bitcast3A_679 : vector<32xbf16>
          %unpack3A_682 = tpu.unpack_subelements %mul3A_681, 0 {pack_format = #tpu.pack_format<interleaved>} : vector<32xbf16> -> vector<16xf32>
          %unpack3A_683 = tpu.unpack_subelements %mul3A_681, 1 {pack_format = #tpu.pack_format<interleaved>} : vector<32xbf16> -> vector<16xf32>
          %add3A_684 = arith.addf %unpack3A_682, %unpack3A_683 : vector<16xf32>
          %add3A_685 = arith.addf %add3A_667, %add3A_684 : vector<16xf32>
          %get3A_686 = arith.index_cast %add3A_632 : i32 to index
          %get3A_687 = arith.constant 48 : index
          %get3A_688 = tpu.vector_load %arg13[%get3A_686, %get3A_687] {strides = array<i32>} : memref<80x64xi32, #tpu.memory_space<vmem>>, vector<16xi32>,
          %bitcast3A_689 = vector.bitcast %get3A_688 : vector<16xi32> to vector<32xbf16>
          %get3A_690 = arith.index_cast %add3A_632 : i32 to index
          %get3A_691 = arith.constant 48 : index
          %get3A_692 = tpu.vector_load %arg14[%get3A_690, %get3A_691] {strides = array<i32>} : memref<80x64xi32, #tpu.memory_space<vmem>>, vector<16xi32>,
          %bitcast3A_693 = vector.bitcast %get3A_692 : vector<16xi32> to vector<32xbf16>
          %get3A_694 = arith.index_cast %add3A_632 : i32 to index
          %get3A_695 = arith.constant 48 : index
          %get3A_696 = tpu.vector_load %arg15[%get3A_694, %get3A_695] {strides = array<i32>} : memref<80x64xi32, #tpu.memory_space<vmem>>, vector<16xi32>,
          %bitcast3A_697 = vector.bitcast %get3A_696 : vector<16xi32> to vector<32xbf16>
          %mul3A_698 = arith.mulf %bitcast3A_689, %bitcast3A_693 : vector<32xbf16>
          %mul3A_699 = arith.mulf %mul3A_698, %bitcast3A_697 : vector<32xbf16>
          %unpack3A_700 = tpu.unpack_subelements %mul3A_699, 0 {pack_format = #tpu.pack_format<interleaved>} : vector<32xbf16> -> vector<16xf32>
          %unpack3A_701 = tpu.unpack_subelements %mul3A_699, 1 {pack_format = #tpu.pack_format<interleaved>} : vector<32xbf16> -> vector<16xf32>
          %add3A_702 = arith.addf %unpack3A_700, %unpack3A_701 : vector<16xf32>
          %add3A_703 = arith.addf %add3A_685, %add3A_702 : vector<16xf32>
          %swap3A_704 = arith.constant 119 : index
          %swap3A_705 = tpu.vector_load %arg16[%swap3A_704] {strides = array<i32>} : memref<272xf32, #tpu.memory_space<vmem>>, vector<16xf32>,
          tpu.vector_store %arg16[%swap3A_704], %add3A_703 {strides = array<i32>} : memref<272xf32, #tpu.memory_space<vmem>>, vector<16xf32>,
          %mul3A_706 = arith.constant 16 : i32
          %mul3A_707 = arith.muli %add3A_93, %mul3A_706 : i32
          %add3A_708 = arith.constant 8 : i32
          %add3A_709 = arith.addi %mul3A_707, %add3A_708 : i32
          %get3A_710 = arith.index_cast %add3A_709 : i32 to index
          %get3A_711 = arith.constant 0 : index
          %get3A_712 = tpu.vector_load %arg13[%get3A_710, %get3A_711] {strides = array<i32>} : memref<80x64xi32, #tpu.memory_space<vmem>>, vector<16xi32>,
          %bitcast3A_713 = vector.bitcast %get3A_712 : vector<16xi32> to vector<32xbf16>
          %get3A_714 = arith.index_cast %add3A_709 : i32 to index
          %get3A_715 = arith.constant 0 : index
          %get3A_716 = tpu.vector_load %arg14[%get3A_714, %get3A_715] {strides = array<i32>} : memref<80x64xi32, #tpu.memory_space<vmem>>, vector<16xi32>,
          %bitcast3A_717 = vector.bitcast %get3A_716 : vector<16xi32> to vector<32xbf16>
          %get3A_718 = arith.index_cast %add3A_709 : i32 to index
          %get3A_719 = arith.constant 0 : index
          %get3A_720 = tpu.vector_load %arg15[%get3A_718, %get3A_719] {strides = array<i32>} : memref<80x64xi32, #tpu.memory_space<vmem>>, vector<16xi32>,
          %bitcast3A_721 = vector.bitcast %get3A_720 : vector<16xi32> to vector<32xbf16>
          %mul3A_722 = arith.mulf %bitcast3A_713, %bitcast3A_717 : vector<32xbf16>
          %mul3A_723 = arith.mulf %mul3A_722, %bitcast3A_721 : vector<32xbf16>
          %unpack3A_724 = tpu.unpack_subelements %mul3A_723, 0 {pack_format = #tpu.pack_format<interleaved>} : vector<32xbf16> -> vector<16xf32>
          %unpack3A_725 = tpu.unpack_subelements %mul3A_723, 1 {pack_format = #tpu.pack_format<interleaved>} : vector<32xbf16> -> vector<16xf32>
          %add3A_726 = arith.addf %unpack3A_724, %unpack3A_725 : vector<16xf32>
          %get3A_727 = arith.index_cast %add3A_709 : i32 to index
          %get3A_728 = arith.constant 16 : index
          %get3A_729 = tpu.vector_load %arg13[%get3A_727, %get3A_728] {strides = array<i32>} : memref<80x64xi32, #tpu.memory_space<vmem>>, vector<16xi32>,
          %bitcast3A_730 = vector.bitcast %get3A_729 : vector<16xi32> to vector<32xbf16>
          %get3A_731 = arith.index_cast %add3A_709 : i32 to index
          %get3A_732 = arith.constant 16 : index
          %get3A_733 = tpu.vector_load %arg14[%get3A_731, %get3A_732] {strides = array<i32>} : memref<80x64xi32, #tpu.memory_space<vmem>>, vector<16xi32>,
          %bitcast3A_734 = vector.bitcast %get3A_733 : vector<16xi32> to vector<32xbf16>
          %get3A_735 = arith.index_cast %add3A_709 : i32 to index
          %get3A_736 = arith.constant 16 : index
          %get3A_737 = tpu.vector_load %arg15[%get3A_735, %get3A_736] {strides = array<i32>} : memref<80x64xi32, #tpu.memory_space<vmem>>, vector<16xi32>,
          %bitcast3A_738 = vector.bitcast %get3A_737 : vector<16xi32> to vector<32xbf16>
          %mul3A_739 = arith.mulf %bitcast3A_730, %bitcast3A_734 : vector<32xbf16>
          %mul3A_740 = arith.mulf %mul3A_739, %bitcast3A_738 : vector<32xbf16>
          %unpack3A_741 = tpu.unpack_subelements %mul3A_740, 0 {pack_format = #tpu.pack_format<interleaved>} : vector<32xbf16> -> vector<16xf32>
          %unpack3A_742 = tpu.unpack_subelements %mul3A_740, 1 {pack_format = #tpu.pack_format<interleaved>} : vector<32xbf16> -> vector<16xf32>
          %add3A_743 = arith.addf %unpack3A_741, %unpack3A_742 : vector<16xf32>
          %add3A_744 = arith.addf %add3A_726, %add3A_743 : vector<16xf32>
          %get3A_745 = arith.index_cast %add3A_709 : i32 to index
          %get3A_746 = arith.constant 32 : index
          %get3A_747 = tpu.vector_load %arg13[%get3A_745, %get3A_746] {strides = array<i32>} : memref<80x64xi32, #tpu.memory_space<vmem>>, vector<16xi32>,
          %bitcast3A_748 = vector.bitcast %get3A_747 : vector<16xi32> to vector<32xbf16>
          %get3A_749 = arith.index_cast %add3A_709 : i32 to index
          %get3A_750 = arith.constant 32 : index
          %get3A_751 = tpu.vector_load %arg14[%get3A_749, %get3A_750] {strides = array<i32>} : memref<80x64xi32, #tpu.memory_space<vmem>>, vector<16xi32>,
          %bitcast3A_752 = vector.bitcast %get3A_751 : vector<16xi32> to vector<32xbf16>
          %get3A_753 = arith.index_cast %add3A_709 : i32 to index
          %get3A_754 = arith.constant 32 : index
          %get3A_755 = tpu.vector_load %arg15[%get3A_753, %get3A_754] {strides = array<i32>} : memref<80x64xi32, #tpu.memory_space<vmem>>, vector<16xi32>,
          %bitcast3A_756 = vector.bitcast %get3A_755 : vector<16xi32> to vector<32xbf16>
          %mul3A_757 = arith.mulf %bitcast3A_748, %bitcast3A_752 : vector<32xbf16>
          %mul3A_758 = arith.mulf %mul3A_757, %bitcast3A_756 : vector<32xbf16>
          %unpack3A_759 = tpu.unpack_subelements %mul3A_758, 0 {pack_format = #tpu.pack_format<interleaved>} : vector<32xbf16> -> vector<16xf32>
          %unpack3A_760 = tpu.unpack_subelements %mul3A_758, 1 {pack_format = #tpu.pack_format<interleaved>} : vector<32xbf16> -> vector<16xf32>
          %add3A_761 = arith.addf %unpack3A_759, %unpack3A_760 : vector<16xf32>
          %add3A_762 = arith.addf %add3A_744, %add3A_761 : vector<16xf32>
          %get3A_763 = arith.index_cast %add3A_709 : i32 to index
          %get3A_764 = arith.constant 48 : index
          %get3A_765 = tpu.vector_load %arg13[%get3A_763, %get3A_764] {strides = array<i32>} : memref<80x64xi32, #tpu.memory_space<vmem>>, vector<16xi32>,
          %bitcast3A_766 = vector.bitcast %get3A_765 : vector<16xi32> to vector<32xbf16>
          %get3A_767 = arith.index_cast %add3A_709 : i32 to index
          %get3A_768 = arith.constant 48 : index
          %get3A_769 = tpu.vector_load %arg14[%get3A_767, %get3A_768] {strides = array<i32>} : memref<80x64xi32, #tpu.memory_space<vmem>>, vector<16xi32>,
          %bitcast3A_770 = vector.bitcast %get3A_769 : vector<16xi32> to vector<32xbf16>
          %get3A_771 = arith.index_cast %add3A_709 : i32 to index
          %get3A_772 = arith.constant 48 : index
          %get3A_773 = tpu.vector_load %arg15[%get3A_771, %get3A_772] {strides = array<i32>} : memref<80x64xi32, #tpu.memory_space<vmem>>, vector<16xi32>,
          %bitcast3A_774 = vector.bitcast %get3A_773 : vector<16xi32> to vector<32xbf16>
          %mul3A_775 = arith.mulf %bitcast3A_766, %bitcast3A_770 : vector<32xbf16>
          %mul3A_776 = arith.mulf %mul3A_775, %bitcast3A_774 : vector<32xbf16>
          %unpack3A_777 = tpu.unpack_subelements %mul3A_776, 0 {pack_format = #tpu.pack_format<interleaved>} : vector<32xbf16> -> vector<16xf32>
          %unpack3A_778 = tpu.unpack_subelements %mul3A_776, 1 {pack_format = #tpu.pack_format<interleaved>} : vector<32xbf16> -> vector<16xf32>
          %add3A_779 = arith.addf %unpack3A_777, %unpack3A_778 : vector<16xf32>
          %add3A_780 = arith.addf %add3A_762, %add3A_779 : vector<16xf32>
          %swap3A_781 = arith.constant 136 : index
          %swap3A_782 = tpu.vector_load %arg16[%swap3A_781] {strides = array<i32>} : memref<272xf32, #tpu.memory_space<vmem>>, vector<16xf32>,
          tpu.vector_store %arg16[%swap3A_781], %add3A_780 {strides = array<i32>} : memref<272xf32, #tpu.memory_space<vmem>>, vector<16xf32>,
          %mul3A_783 = arith.constant 16 : i32
          %mul3A_784 = arith.muli %add3A_93, %mul3A_783 : i32
          %add3A_785 = arith.constant 9 : i32
          %add3A_786 = arith.addi %mul3A_784, %add3A_785 : i32
          %get3A_787 = arith.index_cast %add3A_786 : i32 to index
          %get3A_788 = arith.constant 0 : index
          %get3A_789 = tpu.vector_load %arg13[%get3A_787, %get3A_788] {strides = array<i32>} : memref<80x64xi32, #tpu.memory_space<vmem>>, vector<16xi32>,
          %bitcast3A_790 = vector.bitcast %get3A_789 : vector<16xi32> to vector<32xbf16>
          %get3A_791 = arith.index_cast %add3A_786 : i32 to index
          %get3A_792 = arith.constant 0 : index
          %get3A_793 = tpu.vector_load %arg14[%get3A_791, %get3A_792] {strides = array<i32>} : memref<80x64xi32, #tpu.memory_space<vmem>>, vector<16xi32>,
          %bitcast3A_794 = vector.bitcast %get3A_793 : vector<16xi32> to vector<32xbf16>
          %get3A_795 = arith.index_cast %add3A_786 : i32 to index
          %get3A_796 = arith.constant 0 : index
          %get3A_797 = tpu.vector_load %arg15[%get3A_795, %get3A_796] {strides = array<i32>} : memref<80x64xi32, #tpu.memory_space<vmem>>, vector<16xi32>,
          %bitcast3A_798 = vector.bitcast %get3A_797 : vector<16xi32> to vector<32xbf16>
          %mul3A_799 = arith.mulf %bitcast3A_790, %bitcast3A_794 : vector<32xbf16>
          %mul3A_800 = arith.mulf %mul3A_799, %bitcast3A_798 : vector<32xbf16>
          %unpack3A_801 = tpu.unpack_subelements %mul3A_800, 0 {pack_format = #tpu.pack_format<interleaved>} : vector<32xbf16> -> vector<16xf32>
          %unpack3A_802 = tpu.unpack_subelements %mul3A_800, 1 {pack_format = #tpu.pack_format<interleaved>} : vector<32xbf16> -> vector<16xf32>
          %add3A_803 = arith.addf %unpack3A_801, %unpack3A_802 : vector<16xf32>
          %get3A_804 = arith.index_cast %add3A_786 : i32 to index
          %get3A_805 = arith.constant 16 : index
          %get3A_806 = tpu.vector_load %arg13[%get3A_804, %get3A_805] {strides = array<i32>} : memref<80x64xi32, #tpu.memory_space<vmem>>, vector<16xi32>,
          %bitcast3A_807 = vector.bitcast %get3A_806 : vector<16xi32> to vector<32xbf16>
          %get3A_808 = arith.index_cast %add3A_786 : i32 to index
          %get3A_809 = arith.constant 16 : index
          %get3A_810 = tpu.vector_load %arg14[%get3A_808, %get3A_809] {strides = array<i32>} : memref<80x64xi32, #tpu.memory_space<vmem>>, vector<16xi32>,
          %bitcast3A_811 = vector.bitcast %get3A_810 : vector<16xi32> to vector<32xbf16>
          %get3A_812 = arith.index_cast %add3A_786 : i32 to index
          %get3A_813 = arith.constant 16 : index
          %get3A_814 = tpu.vector_load %arg15[%get3A_812, %get3A_813] {strides = array<i32>} : memref<80x64xi32, #tpu.memory_space<vmem>>, vector<16xi32>,
          %bitcast3A_815 = vector.bitcast %get3A_814 : vector<16xi32> to vector<32xbf16>
          %mul3A_816 = arith.mulf %bitcast3A_807, %bitcast3A_811 : vector<32xbf16>
          %mul3A_817 = arith.mulf %mul3A_816, %bitcast3A_815 : vector<32xbf16>
          %unpack3A_818 = tpu.unpack_subelements %mul3A_817, 0 {pack_format = #tpu.pack_format<interleaved>} : vector<32xbf16> -> vector<16xf32>
          %unpack3A_819 = tpu.unpack_subelements %mul3A_817, 1 {pack_format = #tpu.pack_format<interleaved>} : vector<32xbf16> -> vector<16xf32>
          %add3A_820 = arith.addf %unpack3A_818, %unpack3A_819 : vector<16xf32>
          %add3A_821 = arith.addf %add3A_803, %add3A_820 : vector<16xf32>
          %get3A_822 = arith.index_cast %add3A_786 : i32 to index
          %get3A_823 = arith.constant 32 : index
          %get3A_824 = tpu.vector_load %arg13[%get3A_822, %get3A_823] {strides = array<i32>} : memref<80x64xi32, #tpu.memory_space<vmem>>, vector<16xi32>,
          %bitcast3A_825 = vector.bitcast %get3A_824 : vector<16xi32> to vector<32xbf16>
          %get3A_826 = arith.index_cast %add3A_786 : i32 to index
          %get3A_827 = arith.constant 32 : index
          %get3A_828 = tpu.vector_load %arg14[%get3A_826, %get3A_827] {strides = array<i32>} : memref<80x64xi32, #tpu.memory_space<vmem>>, vector<16xi32>,
          %bitcast3A_829 = vector.bitcast %get3A_828 : vector<16xi32> to vector<32xbf16>
          %get3A_830 = arith.index_cast %add3A_786 : i32 to index
          %get3A_831 = arith.constant 32 : index
          %get3A_832 = tpu.vector_load %arg15[%get3A_830, %get3A_831] {strides = array<i32>} : memref<80x64xi32, #tpu.memory_space<vmem>>, vector<16xi32>,
          %bitcast3A_833 = vector.bitcast %get3A_832 : vector<16xi32> to vector<32xbf16>
          %mul3A_834 = arith.mulf %bitcast3A_825, %bitcast3A_829 : vector<32xbf16>
          %mul3A_835 = arith.mulf %mul3A_834, %bitcast3A_833 : vector<32xbf16>
          %unpack3A_836 = tpu.unpack_subelements %mul3A_835, 0 {pack_format = #tpu.pack_format<interleaved>} : vector<32xbf16> -> vector<16xf32>
          %unpack3A_837 = tpu.unpack_subelements %mul3A_835, 1 {pack_format = #tpu.pack_format<interleaved>} : vector<32xbf16> -> vector<16xf32>
          %add3A_838 = arith.addf %unpack3A_836, %unpack3A_837 : vector<16xf32>
          %add3A_839 = arith.addf %add3A_821, %add3A_838 : vector<16xf32>
          %get3A_840 = arith.index_cast %add3A_786 : i32 to index
          %get3A_841 = arith.constant 48 : index
          %get3A_842 = tpu.vector_load %arg13[%get3A_840, %get3A_841] {strides = array<i32>} : memref<80x64xi32, #tpu.memory_space<vmem>>, vector<16xi32>,
          %bitcast3A_843 = vector.bitcast %get3A_842 : vector<16xi32> to vector<32xbf16>
          %get3A_844 = arith.index_cast %add3A_786 : i32 to index
          %get3A_845 = arith.constant 48 : index
          %get3A_846 = tpu.vector_load %arg14[%get3A_844, %get3A_845] {strides = array<i32>} : memref<80x64xi32, #tpu.memory_space<vmem>>, vector<16xi32>,
          %bitcast3A_847 = vector.bitcast %get3A_846 : vector<16xi32> to vector<32xbf16>
          %get3A_848 = arith.index_cast %add3A_786 : i32 to index
          %get3A_849 = arith.constant 48 : index
          %get3A_850 = tpu.vector_load %arg15[%get3A_848, %get3A_849] {strides = array<i32>} : memref<80x64xi32, #tpu.memory_space<vmem>>, vector<16xi32>,
          %bitcast3A_851 = vector.bitcast %get3A_850 : vector<16xi32> to vector<32xbf16>
          %mul3A_852 = arith.mulf %bitcast3A_843, %bitcast3A_847 : vector<32xbf16>
          %mul3A_853 = arith.mulf %mul3A_852, %bitcast3A_851 : vector<32xbf16>
          %unpack3A_854 = tpu.unpack_subelements %mul3A_853, 0 {pack_format = #tpu.pack_format<interleaved>} : vector<32xbf16> -> vector<16xf32>
          %unpack3A_855 = tpu.unpack_subelements %mul3A_853, 1 {pack_format = #tpu.pack_format<interleaved>} : vector<32xbf16> -> vector<16xf32>
          %add3A_856 = arith.addf %unpack3A_854, %unpack3A_855 : vector<16xf32>
          %add3A_857 = arith.addf %add3A_839, %add3A_856 : vector<16xf32>
          %swap3A_858 = arith.constant 153 : index
          %swap3A_859 = tpu.vector_load %arg16[%swap3A_858] {strides = array<i32>} : memref<272xf32, #tpu.memory_space<vmem>>, vector<16xf32>,
          tpu.vector_store %arg16[%swap3A_858], %add3A_857 {strides = array<i32>} : memref<272xf32, #tpu.memory_space<vmem>>, vector<16xf32>,
          %mul3A_860 = arith.constant 16 : i32
          %mul3A_861 = arith.muli %add3A_93, %mul3A_860 : i32
          %add3A_862 = arith.constant 10 : i32
          %add3A_863 = arith.addi %mul3A_861, %add3A_862 : i32
          %get3A_864 = arith.index_cast %add3A_863 : i32 to index
          %get3A_865 = arith.constant 0 : index
          %get3A_866 = tpu.vector_load %arg13[%get3A_864, %get3A_865] {strides = array<i32>} : memref<80x64xi32, #tpu.memory_space<vmem>>, vector<16xi32>,
          %bitcast3A_867 = vector.bitcast %get3A_866 : vector<16xi32> to vector<32xbf16>
          %get3A_868 = arith.index_cast %add3A_863 : i32 to index
          %get3A_869 = arith.constant 0 : index
          %get3A_870 = tpu.vector_load %arg14[%get3A_868, %get3A_869] {strides = array<i32>} : memref<80x64xi32, #tpu.memory_space<vmem>>, vector<16xi32>,
          %bitcast3A_871 = vector.bitcast %get3A_870 : vector<16xi32> to vector<32xbf16>
          %get3A_872 = arith.index_cast %add3A_863 : i32 to index
          %get3A_873 = arith.constant 0 : index
          %get3A_874 = tpu.vector_load %arg15[%get3A_872, %get3A_873] {strides = array<i32>} : memref<80x64xi32, #tpu.memory_space<vmem>>, vector<16xi32>,
          %bitcast3A_875 = vector.bitcast %get3A_874 : vector<16xi32> to vector<32xbf16>
          %mul3A_876 = arith.mulf %bitcast3A_867, %bitcast3A_871 : vector<32xbf16>
          %mul3A_877 = arith.mulf %mul3A_876, %bitcast3A_875 : vector<32xbf16>
          %unpack3A_878 = tpu.unpack_subelements %mul3A_877, 0 {pack_format = #tpu.pack_format<interleaved>} : vector<32xbf16> -> vector<16xf32>
          %unpack3A_879 = tpu.unpack_subelements %mul3A_877, 1 {pack_format = #tpu.pack_format<interleaved>} : vector<32xbf16> -> vector<16xf32>
          %add3A_880 = arith.addf %unpack3A_878, %unpack3A_879 : vector<16xf32>
          %get3A_881 = arith.index_cast %add3A_863 : i32 to index
          %get3A_882 = arith.constant 16 : index
          %get3A_883 = tpu.vector_load %arg13[%get3A_881, %get3A_882] {strides = array<i32>} : memref<80x64xi32, #tpu.memory_space<vmem>>, vector<16xi32>,
          %bitcast3A_884 = vector.bitcast %get3A_883 : vector<16xi32> to vector<32xbf16>
          %get3A_885 = arith.index_cast %add3A_863 : i32 to index
          %get3A_886 = arith.constant 16 : index
          %get3A_887 = tpu.vector_load %arg14[%get3A_885, %get3A_886] {strides = array<i32>} : memref<80x64xi32, #tpu.memory_space<vmem>>, vector<16xi32>,
          %bitcast3A_888 = vector.bitcast %get3A_887 : vector<16xi32> to vector<32xbf16>
          %get3A_889 = arith.index_cast %add3A_863 : i32 to index
          %get3A_890 = arith.constant 16 : index
          %get3A_891 = tpu.vector_load %arg15[%get3A_889, %get3A_890] {strides = array<i32>} : memref<80x64xi32, #tpu.memory_space<vmem>>, vector<16xi32>,
          %bitcast3A_892 = vector.bitcast %get3A_891 : vector<16xi32> to vector<32xbf16>
          %mul3A_893 = arith.mulf %bitcast3A_884, %bitcast3A_888 : vector<32xbf16>
          %mul3A_894 = arith.mulf %mul3A_893, %bitcast3A_892 : vector<32xbf16>
          %unpack3A_895 = tpu.unpack_subelements %mul3A_894, 0 {pack_format = #tpu.pack_format<interleaved>} : vector<32xbf16> -> vector<16xf32>
          %unpack3A_896 = tpu.unpack_subelements %mul3A_894, 1 {pack_format = #tpu.pack_format<interleaved>} : vector<32xbf16> -> vector<16xf32>
          %add3A_897 = arith.addf %unpack3A_895, %unpack3A_896 : vector<16xf32>
          %add3A_898 = arith.addf %add3A_880, %add3A_897 : vector<16xf32>
          %get3A_899 = arith.index_cast %add3A_863 : i32 to index
          %get3A_900 = arith.constant 32 : index
          %get3A_901 = tpu.vector_load %arg13[%get3A_899, %get3A_900] {strides = array<i32>} : memref<80x64xi32, #tpu.memory_space<vmem>>, vector<16xi32>,
          %bitcast3A_902 = vector.bitcast %get3A_901 : vector<16xi32> to vector<32xbf16>
          %get3A_903 = arith.index_cast %add3A_863 : i32 to index
          %get3A_904 = arith.constant 32 : index
          %get3A_905 = tpu.vector_load %arg14[%get3A_903, %get3A_904] {strides = array<i32>} : memref<80x64xi32, #tpu.memory_space<vmem>>, vector<16xi32>,
          %bitcast3A_906 = vector.bitcast %get3A_905 : vector<16xi32> to vector<32xbf16>
          %get3A_907 = arith.index_cast %add3A_863 : i32 to index
          %get3A_908 = arith.constant 32 : index
          %get3A_909 = tpu.vector_load %arg15[%get3A_907, %get3A_908] {strides = array<i32>} : memref<80x64xi32, #tpu.memory_space<vmem>>, vector<16xi32>,
          %bitcast3A_910 = vector.bitcast %get3A_909 : vector<16xi32> to vector<32xbf16>
          %mul3A_911 = arith.mulf %bitcast3A_902, %bitcast3A_906 : vector<32xbf16>
          %mul3A_912 = arith.mulf %mul3A_911, %bitcast3A_910 : vector<32xbf16>
          %unpack3A_913 = tpu.unpack_subelements %mul3A_912, 0 {pack_format = #tpu.pack_format<interleaved>} : vector<32xbf16> -> vector<16xf32>
          %unpack3A_914 = tpu.unpack_subelements %mul3A_912, 1 {pack_format = #tpu.pack_format<interleaved>} : vector<32xbf16> -> vector<16xf32>
          %add3A_915 = arith.addf %unpack3A_913, %unpack3A_914 : vector<16xf32>
          %add3A_916 = arith.addf %add3A_898, %add3A_915 : vector<16xf32>
          %get3A_917 = arith.index_cast %add3A_863 : i32 to index
          %get3A_918 = arith.constant 48 : index
          %get3A_919 = tpu.vector_load %arg13[%get3A_917, %get3A_918] {strides = array<i32>} : memref<80x64xi32, #tpu.memory_space<vmem>>, vector<16xi32>,
          %bitcast3A_920 = vector.bitcast %get3A_919 : vector<16xi32> to vector<32xbf16>
          %get3A_921 = arith.index_cast %add3A_863 : i32 to index
          %get3A_922 = arith.constant 48 : index
          %get3A_923 = tpu.vector_load %arg14[%get3A_921, %get3A_922] {strides = array<i32>} : memref<80x64xi32, #tpu.memory_space<vmem>>, vector<16xi32>,
          %bitcast3A_924 = vector.bitcast %get3A_923 : vector<16xi32> to vector<32xbf16>
          %get3A_925 = arith.index_cast %add3A_863 : i32 to index
          %get3A_926 = arith.constant 48 : index
          %get3A_927 = tpu.vector_load %arg15[%get3A_925, %get3A_926] {strides = array<i32>} : memref<80x64xi32, #tpu.memory_space<vmem>>, vector<16xi32>,
          %bitcast3A_928 = vector.bitcast %get3A_927 : vector<16xi32> to vector<32xbf16>
          %mul3A_929 = arith.mulf %bitcast3A_920, %bitcast3A_924 : vector<32xbf16>
          %mul3A_930 = arith.mulf %mul3A_929, %bitcast3A_928 : vector<32xbf16>
          %unpack3A_931 = tpu.unpack_subelements %mul3A_930, 0 {pack_format = #tpu.pack_format<interleaved>} : vector<32xbf16> -> vector<16xf32>
          %unpack3A_932 = tpu.unpack_subelements %mul3A_930, 1 {pack_format = #tpu.pack_format<interleaved>} : vector<32xbf16> -> vector<16xf32>
          %add3A_933 = arith.addf %unpack3A_931, %unpack3A_932 : vector<16xf32>
          %add3A_934 = arith.addf %add3A_916, %add3A_933 : vector<16xf32>
          %swap3A_935 = arith.constant 170 : index
          %swap3A_936 = tpu.vector_load %arg16[%swap3A_935] {strides = array<i32>} : memref<272xf32, #tpu.memory_space<vmem>>, vector<16xf32>,
          tpu.vector_store %arg16[%swap3A_935], %add3A_934 {strides = array<i32>} : memref<272xf32, #tpu.memory_space<vmem>>, vector<16xf32>,
          %mul3A_937 = arith.constant 16 : i32
          %mul3A_938 = arith.muli %add3A_93, %mul3A_937 : i32
          %add3A_939 = arith.constant 11 : i32
          %add3A_940 = arith.addi %mul3A_938, %add3A_939 : i32
          %get3A_941 = arith.index_cast %add3A_940 : i32 to index
          %get3A_942 = arith.constant 0 : index
          %get3A_943 = tpu.vector_load %arg13[%get3A_941, %get3A_942] {strides = array<i32>} : memref<80x64xi32, #tpu.memory_space<vmem>>, vector<16xi32>,
          %bitcast3A_944 = vector.bitcast %get3A_943 : vector<16xi32> to vector<32xbf16>
          %get3A_945 = arith.index_cast %add3A_940 : i32 to index
          %get3A_946 = arith.constant 0 : index
          %get3A_947 = tpu.vector_load %arg14[%get3A_945, %get3A_946] {strides = array<i32>} : memref<80x64xi32, #tpu.memory_space<vmem>>, vector<16xi32>,
          %bitcast3A_948 = vector.bitcast %get3A_947 : vector<16xi32> to vector<32xbf16>
          %get3A_949 = arith.index_cast %add3A_940 : i32 to index
          %get3A_950 = arith.constant 0 : index
          %get3A_951 = tpu.vector_load %arg15[%get3A_949, %get3A_950] {strides = array<i32>} : memref<80x64xi32, #tpu.memory_space<vmem>>, vector<16xi32>,
          %bitcast3A_952 = vector.bitcast %get3A_951 : vector<16xi32> to vector<32xbf16>
          %mul3A_953 = arith.mulf %bitcast3A_944, %bitcast3A_948 : vector<32xbf16>
          %mul3A_954 = arith.mulf %mul3A_953, %bitcast3A_952 : vector<32xbf16>
          %unpack3A_955 = tpu.unpack_subelements %mul3A_954, 0 {pack_format = #tpu.pack_format<interleaved>} : vector<32xbf16> -> vector<16xf32>
          %unpack3A_956 = tpu.unpack_subelements %mul3A_954, 1 {pack_format = #tpu.pack_format<interleaved>} : vector<32xbf16> -> vector<16xf32>
          %add3A_957 = arith.addf %unpack3A_955, %unpack3A_956 : vector<16xf32>
          %get3A_958 = arith.index_cast %add3A_940 : i32 to index
          %get3A_959 = arith.constant 16 : index
          %get3A_960 = tpu.vector_load %arg13[%get3A_958, %get3A_959] {strides = array<i32>} : memref<80x64xi32, #tpu.memory_space<vmem>>, vector<16xi32>,
          %bitcast3A_961 = vector.bitcast %get3A_960 : vector<16xi32> to vector<32xbf16>
          %get3A_962 = arith.index_cast %add3A_940 : i32 to index
          %get3A_963 = arith.constant 16 : index
          %get3A_964 = tpu.vector_load %arg14[%get3A_962, %get3A_963] {strides = array<i32>} : memref<80x64xi32, #tpu.memory_space<vmem>>, vector<16xi32>,
          %bitcast3A_965 = vector.bitcast %get3A_964 : vector<16xi32> to vector<32xbf16>
          %get3A_966 = arith.index_cast %add3A_940 : i32 to index
          %get3A_967 = arith.constant 16 : index
          %get3A_968 = tpu.vector_load %arg15[%get3A_966, %get3A_967] {strides = array<i32>} : memref<80x64xi32, #tpu.memory_space<vmem>>, vector<16xi32>,
          %bitcast3A_969 = vector.bitcast %get3A_968 : vector<16xi32> to vector<32xbf16>
          %mul3A_970 = arith.mulf %bitcast3A_961, %bitcast3A_965 : vector<32xbf16>
          %mul3A_971 = arith.mulf %mul3A_970, %bitcast3A_969 : vector<32xbf16>
          %unpack3A_972 = tpu.unpack_subelements %mul3A_971, 0 {pack_format = #tpu.pack_format<interleaved>} : vector<32xbf16> -> vector<16xf32>
          %unpack3A_973 = tpu.unpack_subelements %mul3A_971, 1 {pack_format = #tpu.pack_format<interleaved>} : vector<32xbf16> -> vector<16xf32>
          %add3A_974 = arith.addf %unpack3A_972, %unpack3A_973 : vector<16xf32>
          %add3A_975 = arith.addf %add3A_957, %add3A_974 : vector<16xf32>
          %get3A_976 = arith.index_cast %add3A_940 : i32 to index
          %get3A_977 = arith.constant 32 : index
          %get3A_978 = tpu.vector_load %arg13[%get3A_976, %get3A_977] {strides = array<i32>} : memref<80x64xi32, #tpu.memory_space<vmem>>, vector<16xi32>,
          %bitcast3A_979 = vector.bitcast %get3A_978 : vector<16xi32> to vector<32xbf16>
          %get3A_980 = arith.index_cast %add3A_940 : i32 to index
          %get3A_981 = arith.constant 32 : index
          %get3A_982 = tpu.vector_load %arg14[%get3A_980, %get3A_981] {strides = array<i32>} : memref<80x64xi32, #tpu.memory_space<vmem>>, vector<16xi32>,
          %bitcast3A_983 = vector.bitcast %get3A_982 : vector<16xi32> to vector<32xbf16>
          %get3A_984 = arith.index_cast %add3A_940 : i32 to index
          %get3A_985 = arith.constant 32 : index
          %get3A_986 = tpu.vector_load %arg15[%get3A_984, %get3A_985] {strides = array<i32>} : memref<80x64xi32, #tpu.memory_space<vmem>>, vector<16xi32>,
          %bitcast3A_987 = vector.bitcast %get3A_986 : vector<16xi32> to vector<32xbf16>
          %mul3A_988 = arith.mulf %bitcast3A_979, %bitcast3A_983 : vector<32xbf16>
          %mul3A_989 = arith.mulf %mul3A_988, %bitcast3A_987 : vector<32xbf16>
          %unpack3A_990 = tpu.unpack_subelements %mul3A_989, 0 {pack_format = #tpu.pack_format<interleaved>} : vector<32xbf16> -> vector<16xf32>
          %unpack3A_991 = tpu.unpack_subelements %mul3A_989, 1 {pack_format = #tpu.pack_format<interleaved>} : vector<32xbf16> -> vector<16xf32>
          %add3A_992 = arith.addf %unpack3A_990, %unpack3A_991 : vector<16xf32>
          %add3A_993 = arith.addf %add3A_975, %add3A_992 : vector<16xf32>
          %get3A_994 = arith.index_cast %add3A_940 : i32 to index
          %get3A_995 = arith.constant 48 : index
          %get3A_996 = tpu.vector_load %arg13[%get3A_994, %get3A_995] {strides = array<i32>} : memref<80x64xi32, #tpu.memory_space<vmem>>, vector<16xi32>,
          %bitcast3A_997 = vector.bitcast %get3A_996 : vector<16xi32> to vector<32xbf16>
          %get3A_998 = arith.index_cast %add3A_940 : i32 to index
          %get3A_999 = arith.constant 48 : index
          %get3A_1000 = tpu.vector_load %arg14[%get3A_998, %get3A_999] {strides = array<i32>} : memref<80x64xi32, #tpu.memory_space<vmem>>, vector<16xi32>,
          %bitcast3A_1001 = vector.bitcast %get3A_1000 : vector<16xi32> to vector<32xbf16>
          %get3A_1002 = arith.index_cast %add3A_940 : i32 to index
          %get3A_1003 = arith.constant 48 : index
          %get3A_1004 = tpu.vector_load %arg15[%get3A_1002, %get3A_1003] {strides = array<i32>} : memref<80x64xi32, #tpu.memory_space<vmem>>, vector<16xi32>,
          %bitcast3A_1005 = vector.bitcast %get3A_1004 : vector<16xi32> to vector<32xbf16>
          %mul3A_1006 = arith.mulf %bitcast3A_997, %bitcast3A_1001 : vector<32xbf16>
          %mul3A_1007 = arith.mulf %mul3A_1006, %bitcast3A_1005 : vector<32xbf16>
          %unpack3A_1008 = tpu.unpack_subelements %mul3A_1007, 0 {pack_format = #tpu.pack_format<interleaved>} : vector<32xbf16> -> vector<16xf32>
          %unpack3A_1009 = tpu.unpack_subelements %mul3A_1007, 1 {pack_format = #tpu.pack_format<interleaved>} : vector<32xbf16> -> vector<16xf32>
          %add3A_1010 = arith.addf %unpack3A_1008, %unpack3A_1009 : vector<16xf32>
          %add3A_1011 = arith.addf %add3A_993, %add3A_1010 : vector<16xf32>
          %swap3A_1012 = arith.constant 187 : index
          %swap3A_1013 = tpu.vector_load %arg16[%swap3A_1012] {strides = array<i32>} : memref<272xf32, #tpu.memory_space<vmem>>, vector<16xf32>,
          tpu.vector_store %arg16[%swap3A_1012], %add3A_1011 {strides = array<i32>} : memref<272xf32, #tpu.memory_space<vmem>>, vector<16xf32>,
          %mul3A_1014 = arith.constant 16 : i32
          %mul3A_1015 = arith.muli %add3A_93, %mul3A_1014 : i32
          %add3A_1016 = arith.constant 12 : i32
          %add3A_1017 = arith.addi %mul3A_1015, %add3A_1016 : i32
          %get3A_1018 = arith.index_cast %add3A_1017 : i32 to index
          %get3A_1019 = arith.constant 0 : index
          %get3A_1020 = tpu.vector_load %arg13[%get3A_1018, %get3A_1019] {strides = array<i32>} : memref<80x64xi32, #tpu.memory_space<vmem>>, vector<16xi32>,
          %bitcast3A_1021 = vector.bitcast %get3A_1020 : vector<16xi32> to vector<32xbf16>
          %get3A_1022 = arith.index_cast %add3A_1017 : i32 to index
          %get3A_1023 = arith.constant 0 : index
          %get3A_1024 = tpu.vector_load %arg14[%get3A_1022, %get3A_1023] {strides = array<i32>} : memref<80x64xi32, #tpu.memory_space<vmem>>, vector<16xi32>,
          %bitcast3A_1025 = vector.bitcast %get3A_1024 : vector<16xi32> to vector<32xbf16>
          %get3A_1026 = arith.index_cast %add3A_1017 : i32 to index
          %get3A_1027 = arith.constant 0 : index
          %get3A_1028 = tpu.vector_load %arg15[%get3A_1026, %get3A_1027] {strides = array<i32>} : memref<80x64xi32, #tpu.memory_space<vmem>>, vector<16xi32>,
          %bitcast3A_1029 = vector.bitcast %get3A_1028 : vector<16xi32> to vector<32xbf16>
          %mul3A_1030 = arith.mulf %bitcast3A_1021, %bitcast3A_1025 : vector<32xbf16>
          %mul3A_1031 = arith.mulf %mul3A_1030, %bitcast3A_1029 : vector<32xbf16>
          %unpack3A_1032 = tpu.unpack_subelements %mul3A_1031, 0 {pack_format = #tpu.pack_format<interleaved>} : vector<32xbf16> -> vector<16xf32>
          %unpack3A_1033 = tpu.unpack_subelements %mul3A_1031, 1 {pack_format = #tpu.pack_format<interleaved>} : vector<32xbf16> -> vector<16xf32>
          %add3A_1034 = arith.addf %unpack3A_1032, %unpack3A_1033 : vector<16xf32>
          %get3A_1035 = arith.index_cast %add3A_1017 : i32 to index
          %get3A_1036 = arith.constant 16 : index
          %get3A_1037 = tpu.vector_load %arg13[%get3A_1035, %get3A_1036] {strides = array<i32>} : memref<80x64xi32, #tpu.memory_space<vmem>>, vector<16xi32>,
          %bitcast3A_1038 = vector.bitcast %get3A_1037 : vector<16xi32> to vector<32xbf16>
          %get3A_1039 = arith.index_cast %add3A_1017 : i32 to index
          %get3A_1040 = arith.constant 16 : index
          %get3A_1041 = tpu.vector_load %arg14[%get3A_1039, %get3A_1040] {strides = array<i32>} : memref<80x64xi32, #tpu.memory_space<vmem>>, vector<16xi32>,
          %bitcast3A_1042 = vector.bitcast %get3A_1041 : vector<16xi32> to vector<32xbf16>
          %get3A_1043 = arith.index_cast %add3A_1017 : i32 to index
          %get3A_1044 = arith.constant 16 : index
          %get3A_1045 = tpu.vector_load %arg15[%get3A_1043, %get3A_1044] {strides = array<i32>} : memref<80x64xi32, #tpu.memory_space<vmem>>, vector<16xi32>,
          %bitcast3A_1046 = vector.bitcast %get3A_1045 : vector<16xi32> to vector<32xbf16>
          %mul3A_1047 = arith.mulf %bitcast3A_1038, %bitcast3A_1042 : vector<32xbf16>
          %mul3A_1048 = arith.mulf %mul3A_1047, %bitcast3A_1046 : vector<32xbf16>
          %unpack3A_1049 = tpu.unpack_subelements %mul3A_1048, 0 {pack_format = #tpu.pack_format<interleaved>} : vector<32xbf16> -> vector<16xf32>
          %unpack3A_1050 = tpu.unpack_subelements %mul3A_1048, 1 {pack_format = #tpu.pack_format<interleaved>} : vector<32xbf16> -> vector<16xf32>
          %add3A_1051 = arith.addf %unpack3A_1049, %unpack3A_1050 : vector<16xf32>
          %add3A_1052 = arith.addf %add3A_1034, %add3A_1051 : vector<16xf32>
          %get3A_1053 = arith.index_cast %add3A_1017 : i32 to index
          %get3A_1054 = arith.constant 32 : index
          %get3A_1055 = tpu.vector_load %arg13[%get3A_1053, %get3A_1054] {strides = array<i32>} : memref<80x64xi32, #tpu.memory_space<vmem>>, vector<16xi32>,
          %bitcast3A_1056 = vector.bitcast %get3A_1055 : vector<16xi32> to vector<32xbf16>
          %get3A_1057 = arith.index_cast %add3A_1017 : i32 to index
          %get3A_1058 = arith.constant 32 : index
          %get3A_1059 = tpu.vector_load %arg14[%get3A_1057, %get3A_1058] {strides = array<i32>} : memref<80x64xi32, #tpu.memory_space<vmem>>, vector<16xi32>,
          %bitcast3A_1060 = vector.bitcast %get3A_1059 : vector<16xi32> to vector<32xbf16>
          %get3A_1061 = arith.index_cast %add3A_1017 : i32 to index
          %get3A_1062 = arith.constant 32 : index
          %get3A_1063 = tpu.vector_load %arg15[%get3A_1061, %get3A_1062] {strides = array<i32>} : memref<80x64xi32, #tpu.memory_space<vmem>>, vector<16xi32>,
          %bitcast3A_1064 = vector.bitcast %get3A_1063 : vector<16xi32> to vector<32xbf16>
          %mul3A_1065 = arith.mulf %bitcast3A_1056, %bitcast3A_1060 : vector<32xbf16>
          %mul3A_1066 = arith.mulf %mul3A_1065, %bitcast3A_1064 : vector<32xbf16>
          %unpack3A_1067 = tpu.unpack_subelements %mul3A_1066, 0 {pack_format = #tpu.pack_format<interleaved>} : vector<32xbf16> -> vector<16xf32>
          %unpack3A_1068 = tpu.unpack_subelements %mul3A_1066, 1 {pack_format = #tpu.pack_format<interleaved>} : vector<32xbf16> -> vector<16xf32>
          %add3A_1069 = arith.addf %unpack3A_1067, %unpack3A_1068 : vector<16xf32>
          %add3A_1070 = arith.addf %add3A_1052, %add3A_1069 : vector<16xf32>
          %get3A_1071 = arith.index_cast %add3A_1017 : i32 to index
          %get3A_1072 = arith.constant 48 : index
          %get3A_1073 = tpu.vector_load %arg13[%get3A_1071, %get3A_1072] {strides = array<i32>} : memref<80x64xi32, #tpu.memory_space<vmem>>, vector<16xi32>,
          %bitcast3A_1074 = vector.bitcast %get3A_1073 : vector<16xi32> to vector<32xbf16>
          %get3A_1075 = arith.index_cast %add3A_1017 : i32 to index
          %get3A_1076 = arith.constant 48 : index
          %get3A_1077 = tpu.vector_load %arg14[%get3A_1075, %get3A_1076] {strides = array<i32>} : memref<80x64xi32, #tpu.memory_space<vmem>>, vector<16xi32>,
          %bitcast3A_1078 = vector.bitcast %get3A_1077 : vector<16xi32> to vector<32xbf16>
          %get3A_1079 = arith.index_cast %add3A_1017 : i32 to index
          %get3A_1080 = arith.constant 48 : index
          %get3A_1081 = tpu.vector_load %arg15[%get3A_1079, %get3A_1080] {strides = array<i32>} : memref<80x64xi32, #tpu.memory_space<vmem>>, vector<16xi32>,
          %bitcast3A_1082 = vector.bitcast %get3A_1081 : vector<16xi32> to vector<32xbf16>
          %mul3A_1083 = arith.mulf %bitcast3A_1074, %bitcast3A_1078 : vector<32xbf16>
          %mul3A_1084 = arith.mulf %mul3A_1083, %bitcast3A_1082 : vector<32xbf16>
          %unpack3A_1085 = tpu.unpack_subelements %mul3A_1084, 0 {pack_format = #tpu.pack_format<interleaved>} : vector<32xbf16> -> vector<16xf32>
          %unpack3A_1086 = tpu.unpack_subelements %mul3A_1084, 1 {pack_format = #tpu.pack_format<interleaved>} : vector<32xbf16> -> vector<16xf32>
          %add3A_1087 = arith.addf %unpack3A_1085, %unpack3A_1086 : vector<16xf32>
          %add3A_1088 = arith.addf %add3A_1070, %add3A_1087 : vector<16xf32>
          %swap3A_1089 = arith.constant 204 : index
          %swap3A_1090 = tpu.vector_load %arg16[%swap3A_1089] {strides = array<i32>} : memref<272xf32, #tpu.memory_space<vmem>>, vector<16xf32>,
          tpu.vector_store %arg16[%swap3A_1089], %add3A_1088 {strides = array<i32>} : memref<272xf32, #tpu.memory_space<vmem>>, vector<16xf32>,
          %mul3A_1091 = arith.constant 16 : i32
          %mul3A_1092 = arith.muli %add3A_93, %mul3A_1091 : i32
          %add3A_1093 = arith.constant 13 : i32
          %add3A_1094 = arith.addi %mul3A_1092, %add3A_1093 : i32
          %get3A_1095 = arith.index_cast %add3A_1094 : i32 to index
          %get3A_1096 = arith.constant 0 : index
          %get3A_1097 = tpu.vector_load %arg13[%get3A_1095, %get3A_1096] {strides = array<i32>} : memref<80x64xi32, #tpu.memory_space<vmem>>, vector<16xi32>,
          %bitcast3A_1098 = vector.bitcast %get3A_1097 : vector<16xi32> to vector<32xbf16>
          %get3A_1099 = arith.index_cast %add3A_1094 : i32 to index
          %get3A_1100 = arith.constant 0 : index
          %get3A_1101 = tpu.vector_load %arg14[%get3A_1099, %get3A_1100] {strides = array<i32>} : memref<80x64xi32, #tpu.memory_space<vmem>>, vector<16xi32>,
          %bitcast3A_1102 = vector.bitcast %get3A_1101 : vector<16xi32> to vector<32xbf16>
          %get3A_1103 = arith.index_cast %add3A_1094 : i32 to index
          %get3A_1104 = arith.constant 0 : index
          %get3A_1105 = tpu.vector_load %arg15[%get3A_1103, %get3A_1104] {strides = array<i32>} : memref<80x64xi32, #tpu.memory_space<vmem>>, vector<16xi32>,
          %bitcast3A_1106 = vector.bitcast %get3A_1105 : vector<16xi32> to vector<32xbf16>
          %mul3A_1107 = arith.mulf %bitcast3A_1098, %bitcast3A_1102 : vector<32xbf16>
          %mul3A_1108 = arith.mulf %mul3A_1107, %bitcast3A_1106 : vector<32xbf16>
          %unpack3A_1109 = tpu.unpack_subelements %mul3A_1108, 0 {pack_format = #tpu.pack_format<interleaved>} : vector<32xbf16> -> vector<16xf32>
          %unpack3A_1110 = tpu.unpack_subelements %mul3A_1108, 1 {pack_format = #tpu.pack_format<interleaved>} : vector<32xbf16> -> vector<16xf32>
          %add3A_1111 = arith.addf %unpack3A_1109, %unpack3A_1110 : vector<16xf32>
          %get3A_1112 = arith.index_cast %add3A_1094 : i32 to index
          %get3A_1113 = arith.constant 16 : index
          %get3A_1114 = tpu.vector_load %arg13[%get3A_1112, %get3A_1113] {strides = array<i32>} : memref<80x64xi32, #tpu.memory_space<vmem>>, vector<16xi32>,
          %bitcast3A_1115 = vector.bitcast %get3A_1114 : vector<16xi32> to vector<32xbf16>
          %get3A_1116 = arith.index_cast %add3A_1094 : i32 to index
          %get3A_1117 = arith.constant 16 : index
          %get3A_1118 = tpu.vector_load %arg14[%get3A_1116, %get3A_1117] {strides = array<i32>} : memref<80x64xi32, #tpu.memory_space<vmem>>, vector<16xi32>,
          %bitcast3A_1119 = vector.bitcast %get3A_1118 : vector<16xi32> to vector<32xbf16>
          %get3A_1120 = arith.index_cast %add3A_1094 : i32 to index
          %get3A_1121 = arith.constant 16 : index
          %get3A_1122 = tpu.vector_load %arg15[%get3A_1120, %get3A_1121] {strides = array<i32>} : memref<80x64xi32, #tpu.memory_space<vmem>>, vector<16xi32>,
          %bitcast3A_1123 = vector.bitcast %get3A_1122 : vector<16xi32> to vector<32xbf16>
          %mul3A_1124 = arith.mulf %bitcast3A_1115, %bitcast3A_1119 : vector<32xbf16>
          %mul3A_1125 = arith.mulf %mul3A_1124, %bitcast3A_1123 : vector<32xbf16>
          %unpack3A_1126 = tpu.unpack_subelements %mul3A_1125, 0 {pack_format = #tpu.pack_format<interleaved>} : vector<32xbf16> -> vector<16xf32>
          %unpack3A_1127 = tpu.unpack_subelements %mul3A_1125, 1 {pack_format = #tpu.pack_format<interleaved>} : vector<32xbf16> -> vector<16xf32>
          %add3A_1128 = arith.addf %unpack3A_1126, %unpack3A_1127 : vector<16xf32>
          %add3A_1129 = arith.addf %add3A_1111, %add3A_1128 : vector<16xf32>
          %get3A_1130 = arith.index_cast %add3A_1094 : i32 to index
          %get3A_1131 = arith.constant 32 : index
          %get3A_1132 = tpu.vector_load %arg13[%get3A_1130, %get3A_1131] {strides = array<i32>} : memref<80x64xi32, #tpu.memory_space<vmem>>, vector<16xi32>,
          %bitcast3A_1133 = vector.bitcast %get3A_1132 : vector<16xi32> to vector<32xbf16>
          %get3A_1134 = arith.index_cast %add3A_1094 : i32 to index
          %get3A_1135 = arith.constant 32 : index
          %get3A_1136 = tpu.vector_load %arg14[%get3A_1134, %get3A_1135] {strides = array<i32>} : memref<80x64xi32, #tpu.memory_space<vmem>>, vector<16xi32>,
          %bitcast3A_1137 = vector.bitcast %get3A_1136 : vector<16xi32> to vector<32xbf16>
          %get3A_1138 = arith.index_cast %add3A_1094 : i32 to index
          %get3A_1139 = arith.constant 32 : index
          %get3A_1140 = tpu.vector_load %arg15[%get3A_1138, %get3A_1139] {strides = array<i32>} : memref<80x64xi32, #tpu.memory_space<vmem>>, vector<16xi32>,
          %bitcast3A_1141 = vector.bitcast %get3A_1140 : vector<16xi32> to vector<32xbf16>
          %mul3A_1142 = arith.mulf %bitcast3A_1133, %bitcast3A_1137 : vector<32xbf16>
          %mul3A_1143 = arith.mulf %mul3A_1142, %bitcast3A_1141 : vector<32xbf16>
          %unpack3A_1144 = tpu.unpack_subelements %mul3A_1143, 0 {pack_format = #tpu.pack_format<interleaved>} : vector<32xbf16> -> vector<16xf32>
          %unpack3A_1145 = tpu.unpack_subelements %mul3A_1143, 1 {pack_format = #tpu.pack_format<interleaved>} : vector<32xbf16> -> vector<16xf32>
          %add3A_1146 = arith.addf %unpack3A_1144, %unpack3A_1145 : vector<16xf32>
          %add3A_1147 = arith.addf %add3A_1129, %add3A_1146 : vector<16xf32>
          %get3A_1148 = arith.index_cast %add3A_1094 : i32 to index
          %get3A_1149 = arith.constant 48 : index
          %get3A_1150 = tpu.vector_load %arg13[%get3A_1148, %get3A_1149] {strides = array<i32>} : memref<80x64xi32, #tpu.memory_space<vmem>>, vector<16xi32>,
          %bitcast3A_1151 = vector.bitcast %get3A_1150 : vector<16xi32> to vector<32xbf16>
          %get3A_1152 = arith.index_cast %add3A_1094 : i32 to index
          %get3A_1153 = arith.constant 48 : index
          %get3A_1154 = tpu.vector_load %arg14[%get3A_1152, %get3A_1153] {strides = array<i32>} : memref<80x64xi32, #tpu.memory_space<vmem>>, vector<16xi32>,
          %bitcast3A_1155 = vector.bitcast %get3A_1154 : vector<16xi32> to vector<32xbf16>
          %get3A_1156 = arith.index_cast %add3A_1094 : i32 to index
          %get3A_1157 = arith.constant 48 : index
          %get3A_1158 = tpu.vector_load %arg15[%get3A_1156, %get3A_1157] {strides = array<i32>} : memref<80x64xi32, #tpu.memory_space<vmem>>, vector<16xi32>,
          %bitcast3A_1159 = vector.bitcast %get3A_1158 : vector<16xi32> to vector<32xbf16>
          %mul3A_1160 = arith.mulf %bitcast3A_1151, %bitcast3A_1155 : vector<32xbf16>
          %mul3A_1161 = arith.mulf %mul3A_1160, %bitcast3A_1159 : vector<32xbf16>
          %unpack3A_1162 = tpu.unpack_subelements %mul3A_1161, 0 {pack_format = #tpu.pack_format<interleaved>} : vector<32xbf16> -> vector<16xf32>
          %unpack3A_1163 = tpu.unpack_subelements %mul3A_1161, 1 {pack_format = #tpu.pack_format<interleaved>} : vector<32xbf16> -> vector<16xf32>
          %add3A_1164 = arith.addf %unpack3A_1162, %unpack3A_1163 : vector<16xf32>
          %add3A_1165 = arith.addf %add3A_1147, %add3A_1164 : vector<16xf32>
          %swap3A_1166 = arith.constant 221 : index
          %swap3A_1167 = tpu.vector_load %arg16[%swap3A_1166] {strides = array<i32>} : memref<272xf32, #tpu.memory_space<vmem>>, vector<16xf32>,
          tpu.vector_store %arg16[%swap3A_1166], %add3A_1165 {strides = array<i32>} : memref<272xf32, #tpu.memory_space<vmem>>, vector<16xf32>,
          %mul3A_1168 = arith.constant 16 : i32
          %mul3A_1169 = arith.muli %add3A_93, %mul3A_1168 : i32
          %add3A_1170 = arith.constant 14 : i32
          %add3A_1171 = arith.addi %mul3A_1169, %add3A_1170 : i32
          %get3A_1172 = arith.index_cast %add3A_1171 : i32 to index
          %get3A_1173 = arith.constant 0 : index
          %get3A_1174 = tpu.vector_load %arg13[%get3A_1172, %get3A_1173] {strides = array<i32>} : memref<80x64xi32, #tpu.memory_space<vmem>>, vector<16xi32>,
          %bitcast3A_1175 = vector.bitcast %get3A_1174 : vector<16xi32> to vector<32xbf16>
          %get3A_1176 = arith.index_cast %add3A_1171 : i32 to index
          %get3A_1177 = arith.constant 0 : index
          %get3A_1178 = tpu.vector_load %arg14[%get3A_1176, %get3A_1177] {strides = array<i32>} : memref<80x64xi32, #tpu.memory_space<vmem>>, vector<16xi32>,
          %bitcast3A_1179 = vector.bitcast %get3A_1178 : vector<16xi32> to vector<32xbf16>
          %get3A_1180 = arith.index_cast %add3A_1171 : i32 to index
          %get3A_1181 = arith.constant 0 : index
          %get3A_1182 = tpu.vector_load %arg15[%get3A_1180, %get3A_1181] {strides = array<i32>} : memref<80x64xi32, #tpu.memory_space<vmem>>, vector<16xi32>,
          %bitcast3A_1183 = vector.bitcast %get3A_1182 : vector<16xi32> to vector<32xbf16>
          %mul3A_1184 = arith.mulf %bitcast3A_1175, %bitcast3A_1179 : vector<32xbf16>
          %mul3A_1185 = arith.mulf %mul3A_1184, %bitcast3A_1183 : vector<32xbf16>
          %unpack3A_1186 = tpu.unpack_subelements %mul3A_1185, 0 {pack_format = #tpu.pack_format<interleaved>} : vector<32xbf16> -> vector<16xf32>
          %unpack3A_1187 = tpu.unpack_subelements %mul3A_1185, 1 {pack_format = #tpu.pack_format<interleaved>} : vector<32xbf16> -> vector<16xf32>
          %add3A_1188 = arith.addf %unpack3A_1186, %unpack3A_1187 : vector<16xf32>
          %get3A_1189 = arith.index_cast %add3A_1171 : i32 to index
          %get3A_1190 = arith.constant 16 : index
          %get3A_1191 = tpu.vector_load %arg13[%get3A_1189, %get3A_1190] {strides = array<i32>} : memref<80x64xi32, #tpu.memory_space<vmem>>, vector<16xi32>,
          %bitcast3A_1192 = vector.bitcast %get3A_1191 : vector<16xi32> to vector<32xbf16>
          %get3A_1193 = arith.index_cast %add3A_1171 : i32 to index
          %get3A_1194 = arith.constant 16 : index
          %get3A_1195 = tpu.vector_load %arg14[%get3A_1193, %get3A_1194] {strides = array<i32>} : memref<80x64xi32, #tpu.memory_space<vmem>>, vector<16xi32>,
          %bitcast3A_1196 = vector.bitcast %get3A_1195 : vector<16xi32> to vector<32xbf16>
          %get3A_1197 = arith.index_cast %add3A_1171 : i32 to index
          %get3A_1198 = arith.constant 16 : index
          %get3A_1199 = tpu.vector_load %arg15[%get3A_1197, %get3A_1198] {strides = array<i32>} : memref<80x64xi32, #tpu.memory_space<vmem>>, vector<16xi32>,
          %bitcast3A_1200 = vector.bitcast %get3A_1199 : vector<16xi32> to vector<32xbf16>
          %mul3A_1201 = arith.mulf %bitcast3A_1192, %bitcast3A_1196 : vector<32xbf16>
          %mul3A_1202 = arith.mulf %mul3A_1201, %bitcast3A_1200 : vector<32xbf16>
          %unpack3A_1203 = tpu.unpack_subelements %mul3A_1202, 0 {pack_format = #tpu.pack_format<interleaved>} : vector<32xbf16> -> vector<16xf32>
          %unpack3A_1204 = tpu.unpack_subelements %mul3A_1202, 1 {pack_format = #tpu.pack_format<interleaved>} : vector<32xbf16> -> vector<16xf32>
          %add3A_1205 = arith.addf %unpack3A_1203, %unpack3A_1204 : vector<16xf32>
          %add3A_1206 = arith.addf %add3A_1188, %add3A_1205 : vector<16xf32>
          %get3A_1207 = arith.index_cast %add3A_1171 : i32 to index
          %get3A_1208 = arith.constant 32 : index
          %get3A_1209 = tpu.vector_load %arg13[%get3A_1207, %get3A_1208] {strides = array<i32>} : memref<80x64xi32, #tpu.memory_space<vmem>>, vector<16xi32>,
          %bitcast3A_1210 = vector.bitcast %get3A_1209 : vector<16xi32> to vector<32xbf16>
          %get3A_1211 = arith.index_cast %add3A_1171 : i32 to index
          %get3A_1212 = arith.constant 32 : index
          %get3A_1213 = tpu.vector_load %arg14[%get3A_1211, %get3A_1212] {strides = array<i32>} : memref<80x64xi32, #tpu.memory_space<vmem>>, vector<16xi32>,
          %bitcast3A_1214 = vector.bitcast %get3A_1213 : vector<16xi32> to vector<32xbf16>
          %get3A_1215 = arith.index_cast %add3A_1171 : i32 to index
          %get3A_1216 = arith.constant 32 : index
          %get3A_1217 = tpu.vector_load %arg15[%get3A_1215, %get3A_1216] {strides = array<i32>} : memref<80x64xi32, #tpu.memory_space<vmem>>, vector<16xi32>,
          %bitcast3A_1218 = vector.bitcast %get3A_1217 : vector<16xi32> to vector<32xbf16>
          %mul3A_1219 = arith.mulf %bitcast3A_1210, %bitcast3A_1214 : vector<32xbf16>
          %mul3A_1220 = arith.mulf %mul3A_1219, %bitcast3A_1218 : vector<32xbf16>
          %unpack3A_1221 = tpu.unpack_subelements %mul3A_1220, 0 {pack_format = #tpu.pack_format<interleaved>} : vector<32xbf16> -> vector<16xf32>
          %unpack3A_1222 = tpu.unpack_subelements %mul3A_1220, 1 {pack_format = #tpu.pack_format<interleaved>} : vector<32xbf16> -> vector<16xf32>
          %add3A_1223 = arith.addf %unpack3A_1221, %unpack3A_1222 : vector<16xf32>
          %add3A_1224 = arith.addf %add3A_1206, %add3A_1223 : vector<16xf32>
          %get3A_1225 = arith.index_cast %add3A_1171 : i32 to index
          %get3A_1226 = arith.constant 48 : index
          %get3A_1227 = tpu.vector_load %arg13[%get3A_1225, %get3A_1226] {strides = array<i32>} : memref<80x64xi32, #tpu.memory_space<vmem>>, vector<16xi32>,
          %bitcast3A_1228 = vector.bitcast %get3A_1227 : vector<16xi32> to vector<32xbf16>
          %get3A_1229 = arith.index_cast %add3A_1171 : i32 to index
          %get3A_1230 = arith.constant 48 : index
          %get3A_1231 = tpu.vector_load %arg14[%get3A_1229, %get3A_1230] {strides = array<i32>} : memref<80x64xi32, #tpu.memory_space<vmem>>, vector<16xi32>,
          %bitcast3A_1232 = vector.bitcast %get3A_1231 : vector<16xi32> to vector<32xbf16>
          %get3A_1233 = arith.index_cast %add3A_1171 : i32 to index
          %get3A_1234 = arith.constant 48 : index
          %get3A_1235 = tpu.vector_load %arg15[%get3A_1233, %get3A_1234] {strides = array<i32>} : memref<80x64xi32, #tpu.memory_space<vmem>>, vector<16xi32>,
          %bitcast3A_1236 = vector.bitcast %get3A_1235 : vector<16xi32> to vector<32xbf16>
          %mul3A_1237 = arith.mulf %bitcast3A_1228, %bitcast3A_1232 : vector<32xbf16>
          %mul3A_1238 = arith.mulf %mul3A_1237, %bitcast3A_1236 : vector<32xbf16>
          %unpack3A_1239 = tpu.unpack_subelements %mul3A_1238, 0 {pack_format = #tpu.pack_format<interleaved>} : vector<32xbf16> -> vector<16xf32>
          %unpack3A_1240 = tpu.unpack_subelements %mul3A_1238, 1 {pack_format = #tpu.pack_format<interleaved>} : vector<32xbf16> -> vector<16xf32>
          %add3A_1241 = arith.addf %unpack3A_1239, %unpack3A_1240 : vector<16xf32>
          %add3A_1242 = arith.addf %add3A_1224, %add3A_1241 : vector<16xf32>
          %swap3A_1243 = arith.constant 238 : index
          %swap3A_1244 = tpu.vector_load %arg16[%swap3A_1243] {strides = array<i32>} : memref<272xf32, #tpu.memory_space<vmem>>, vector<16xf32>,
          tpu.vector_store %arg16[%swap3A_1243], %add3A_1242 {strides = array<i32>} : memref<272xf32, #tpu.memory_space<vmem>>, vector<16xf32>,
          %mul3A_1245 = arith.constant 16 : i32
          %mul3A_1246 = arith.muli %add3A_93, %mul3A_1245 : i32
          %add3A_1247 = arith.constant 15 : i32
          %add3A_1248 = arith.addi %mul3A_1246, %add3A_1247 : i32
          %get3A_1249 = arith.index_cast %add3A_1248 : i32 to index
          %get3A_1250 = arith.constant 0 : index
          %get3A_1251 = tpu.vector_load %arg13[%get3A_1249, %get3A_1250] {strides = array<i32>} : memref<80x64xi32, #tpu.memory_space<vmem>>, vector<16xi32>,
          %bitcast3A_1252 = vector.bitcast %get3A_1251 : vector<16xi32> to vector<32xbf16>
          %get3A_1253 = arith.index_cast %add3A_1248 : i32 to index
          %get3A_1254 = arith.constant 0 : index
          %get3A_1255 = tpu.vector_load %arg14[%get3A_1253, %get3A_1254] {strides = array<i32>} : memref<80x64xi32, #tpu.memory_space<vmem>>, vector<16xi32>,
          %bitcast3A_1256 = vector.bitcast %get3A_1255 : vector<16xi32> to vector<32xbf16>
          %get3A_1257 = arith.index_cast %add3A_1248 : i32 to index
          %get3A_1258 = arith.constant 0 : index
          %get3A_1259 = tpu.vector_load %arg15[%get3A_1257, %get3A_1258] {strides = array<i32>} : memref<80x64xi32, #tpu.memory_space<vmem>>, vector<16xi32>,
          %bitcast3A_1260 = vector.bitcast %get3A_1259 : vector<16xi32> to vector<32xbf16>
          %mul3A_1261 = arith.mulf %bitcast3A_1252, %bitcast3A_1256 : vector<32xbf16>
          %mul3A_1262 = arith.mulf %mul3A_1261, %bitcast3A_1260 : vector<32xbf16>
          %unpack3A_1263 = tpu.unpack_subelements %mul3A_1262, 0 {pack_format = #tpu.pack_format<interleaved>} : vector<32xbf16> -> vector<16xf32>
          %unpack3A_1264 = tpu.unpack_subelements %mul3A_1262, 1 {pack_format = #tpu.pack_format<interleaved>} : vector<32xbf16> -> vector<16xf32>
          %add3A_1265 = arith.addf %unpack3A_1263, %unpack3A_1264 : vector<16xf32>
          %get3A_1266 = arith.index_cast %add3A_1248 : i32 to index
          %get3A_1267 = arith.constant 16 : index
          %get3A_1268 = tpu.vector_load %arg13[%get3A_1266, %get3A_1267] {strides = array<i32>} : memref<80x64xi32, #tpu.memory_space<vmem>>, vector<16xi32>,
          %bitcast3A_1269 = vector.bitcast %get3A_1268 : vector<16xi32> to vector<32xbf16>
          %get3A_1270 = arith.index_cast %add3A_1248 : i32 to index
          %get3A_1271 = arith.constant 16 : index
          %get3A_1272 = tpu.vector_load %arg14[%get3A_1270, %get3A_1271] {strides = array<i32>} : memref<80x64xi32, #tpu.memory_space<vmem>>, vector<16xi32>,
          %bitcast3A_1273 = vector.bitcast %get3A_1272 : vector<16xi32> to vector<32xbf16>
          %get3A_1274 = arith.index_cast %add3A_1248 : i32 to index
          %get3A_1275 = arith.constant 16 : index
          %get3A_1276 = tpu.vector_load %arg15[%get3A_1274, %get3A_1275] {strides = array<i32>} : memref<80x64xi32, #tpu.memory_space<vmem>>, vector<16xi32>,
          %bitcast3A_1277 = vector.bitcast %get3A_1276 : vector<16xi32> to vector<32xbf16>
          %mul3A_1278 = arith.mulf %bitcast3A_1269, %bitcast3A_1273 : vector<32xbf16>
          %mul3A_1279 = arith.mulf %mul3A_1278, %bitcast3A_1277 : vector<32xbf16>
          %unpack3A_1280 = tpu.unpack_subelements %mul3A_1279, 0 {pack_format = #tpu.pack_format<interleaved>} : vector<32xbf16> -> vector<16xf32>
          %unpack3A_1281 = tpu.unpack_subelements %mul3A_1279, 1 {pack_format = #tpu.pack_format<interleaved>} : vector<32xbf16> -> vector<16xf32>
          %add3A_1282 = arith.addf %unpack3A_1280, %unpack3A_1281 : vector<16xf32>
          %add3A_1283 = arith.addf %add3A_1265, %add3A_1282 : vector<16xf32>
          %get3A_1284 = arith.index_cast %add3A_1248 : i32 to index
          %get3A_1285 = arith.constant 32 : index
          %get3A_1286 = tpu.vector_load %arg13[%get3A_1284, %get3A_1285] {strides = array<i32>} : memref<80x64xi32, #tpu.memory_space<vmem>>, vector<16xi32>,
          %bitcast3A_1287 = vector.bitcast %get3A_1286 : vector<16xi32> to vector<32xbf16>
          %get3A_1288 = arith.index_cast %add3A_1248 : i32 to index
          %get3A_1289 = arith.constant 32 : index
          %get3A_1290 = tpu.vector_load %arg14[%get3A_1288, %get3A_1289] {strides = array<i32>} : memref<80x64xi32, #tpu.memory_space<vmem>>, vector<16xi32>,
          %bitcast3A_1291 = vector.bitcast %get3A_1290 : vector<16xi32> to vector<32xbf16>
          %get3A_1292 = arith.index_cast %add3A_1248 : i32 to index
          %get3A_1293 = arith.constant 32 : index
          %get3A_1294 = tpu.vector_load %arg15[%get3A_1292, %get3A_1293] {strides = array<i32>} : memref<80x64xi32, #tpu.memory_space<vmem>>, vector<16xi32>,
          %bitcast3A_1295 = vector.bitcast %get3A_1294 : vector<16xi32> to vector<32xbf16>
          %mul3A_1296 = arith.mulf %bitcast3A_1287, %bitcast3A_1291 : vector<32xbf16>
          %mul3A_1297 = arith.mulf %mul3A_1296, %bitcast3A_1295 : vector<32xbf16>
          %unpack3A_1298 = tpu.unpack_subelements %mul3A_1297, 0 {pack_format = #tpu.pack_format<interleaved>} : vector<32xbf16> -> vector<16xf32>
          %unpack3A_1299 = tpu.unpack_subelements %mul3A_1297, 1 {pack_format = #tpu.pack_format<interleaved>} : vector<32xbf16> -> vector<16xf32>
          %add3A_1300 = arith.addf %unpack3A_1298, %unpack3A_1299 : vector<16xf32>
          %add3A_1301 = arith.addf %add3A_1283, %add3A_1300 : vector<16xf32>
          %get3A_1302 = arith.index_cast %add3A_1248 : i32 to index
          %get3A_1303 = arith.constant 48 : index
          %get3A_1304 = tpu.vector_load %arg13[%get3A_1302, %get3A_1303] {strides = array<i32>} : memref<80x64xi32, #tpu.memory_space<vmem>>, vector<16xi32>,
          %bitcast3A_1305 = vector.bitcast %get3A_1304 : vector<16xi32> to vector<32xbf16>
          %get3A_1306 = arith.index_cast %add3A_1248 : i32 to index
          %get3A_1307 = arith.constant 48 : index
          %get3A_1308 = tpu.vector_load %arg14[%get3A_1306, %get3A_1307] {strides = array<i32>} : memref<80x64xi32, #tpu.memory_space<vmem>>, vector<16xi32>,
          %bitcast3A_1309 = vector.bitcast %get3A_1308 : vector<16xi32> to vector<32xbf16>
          %get3A_1310 = arith.index_cast %add3A_1248 : i32 to index
          %get3A_1311 = arith.constant 48 : index
          %get3A_1312 = tpu.vector_load %arg15[%get3A_1310, %get3A_1311] {strides = array<i32>} : memref<80x64xi32, #tpu.memory_space<vmem>>, vector<16xi32>,
          %bitcast3A_1313 = vector.bitcast %get3A_1312 : vector<16xi32> to vector<32xbf16>
          %mul3A_1314 = arith.mulf %bitcast3A_1305, %bitcast3A_1309 : vector<32xbf16>
          %mul3A_1315 = arith.mulf %mul3A_1314, %bitcast3A_1313 : vector<32xbf16>
          %unpack3A_1316 = tpu.unpack_subelements %mul3A_1315, 0 {pack_format = #tpu.pack_format<interleaved>} : vector<32xbf16> -> vector<16xf32>
          %unpack3A_1317 = tpu.unpack_subelements %mul3A_1315, 1 {pack_format = #tpu.pack_format<interleaved>} : vector<32xbf16> -> vector<16xf32>
          %add3A_1318 = arith.addf %unpack3A_1316, %unpack3A_1317 : vector<16xf32>
          %add3A_1319 = arith.addf %add3A_1301, %add3A_1318 : vector<16xf32>
          %swap3A_1320 = arith.constant 255 : index
          %swap3A_1321 = tpu.vector_load %arg16[%swap3A_1320] {strides = array<i32>} : memref<272xf32, #tpu.memory_space<vmem>>, vector<16xf32>,
          tpu.vector_store %arg16[%swap3A_1320], %add3A_1319 {strides = array<i32>} : memref<272xf32, #tpu.memory_space<vmem>>, vector<16xf32>,
          %gather3A = tpu.vector_load_idx %arg16[%mul3A_6] : memref<272xf32, #tpu.memory_space<vmem>>[vector<16xi32>], vector<16xf32>,
          %add3A_1322 = arith.constant 1 : i32
          %add3A_1323 = vector.broadcast %add3A_1322 : i32 to vector<16xi32>
          %add3A_1324 = arith.addi %mul3A_6, %add3A_1323 : vector<16xi32>
          %gather3A_1325 = tpu.vector_load_idx %arg16[%add3A_1324] : memref<272xf32, #tpu.memory_space<vmem>>[vector<16xi32>], vector<16xf32>,
          %add3A_1326 = arith.addf %gather3A, %gather3A_1325 : vector<16xf32>
          %add3A_1327 = arith.constant 2 : i32
          %add3A_1328 = vector.broadcast %add3A_1327 : i32 to vector<16xi32>
          %add3A_1329 = arith.addi %mul3A_6, %add3A_1328 : vector<16xi32>
          %gather3A_1330 = tpu.vector_load_idx %arg16[%add3A_1329] : memref<272xf32, #tpu.memory_space<vmem>>[vector<16xi32>], vector<16xf32>,
          %add3A_1331 = arith.addf %add3A_1326, %gather3A_1330 : vector<16xf32>
          %add3A_1332 = arith.constant 3 : i32
          %add3A_1333 = vector.broadcast %add3A_1332 : i32 to vector<16xi32>
          %add3A_1334 = arith.addi %mul3A_6, %add3A_1333 : vector<16xi32>
          %gather3A_1335 = tpu.vector_load_idx %arg16[%add3A_1334] : memref<272xf32, #tpu.memory_space<vmem>>[vector<16xi32>], vector<16xf32>,
          %add3A_1336 = arith.addf %add3A_1331, %gather3A_1335 : vector<16xf32>
          %add3A_1337 = arith.constant 4 : i32
          %add3A_1338 = vector.broadcast %add3A_1337 : i32 to vector<16xi32>
          %add3A_1339 = arith.addi %mul3A_6, %add3A_1338 : vector<16xi32>
          %gather3A_1340 = tpu.vector_load_idx %arg16[%add3A_1339] : memref<272xf32, #tpu.memory_space<vmem>>[vector<16xi32>], vector<16xf32>,
          %add3A_1341 = arith.addf %add3A_1336, %gather3A_1340 : vector<16xf32>
          %add3A_1342 = arith.constant 5 : i32
          %add3A_1343 = vector.broadcast %add3A_1342 : i32 to vector<16xi32>
          %add3A_1344 = arith.addi %mul3A_6, %add3A_1343 : vector<16xi32>
          %gather3A_1345 = tpu.vector_load_idx %arg16[%add3A_1344] : memref<272xf32, #tpu.memory_space<vmem>>[vector<16xi32>], vector<16xf32>,
          %add3A_1346 = arith.addf %add3A_1341, %gather3A_1345 : vector<16xf32>
          %add3A_1347 = arith.constant 6 : i32
          %add3A_1348 = vector.broadcast %add3A_1347 : i32 to vector<16xi32>
          %add3A_1349 = arith.addi %mul3A_6, %add3A_1348 : vector<16xi32>
          %gather3A_1350 = tpu.vector_load_idx %arg16[%add3A_1349] : memref<272xf32, #tpu.memory_space<vmem>>[vector<16xi32>], vector<16xf32>,
          %add3A_1351 = arith.addf %add3A_1346, %gather3A_1350 : vector<16xf32>
          %add3A_1352 = arith.constant 7 : i32
          %add3A_1353 = vector.broadcast %add3A_1352 : i32 to vector<16xi32>
          %add3A_1354 = arith.addi %mul3A_6, %add3A_1353 : vector<16xi32>
          %gather3A_1355 = tpu.vector_load_idx %arg16[%add3A_1354] : memref<272xf32, #tpu.memory_space<vmem>>[vector<16xi32>], vector<16xf32>,
          %add3A_1356 = arith.addf %add3A_1351, %gather3A_1355 : vector<16xf32>
          %add3A_1357 = arith.constant 8 : i32
          %add3A_1358 = vector.broadcast %add3A_1357 : i32 to vector<16xi32>
          %add3A_1359 = arith.addi %mul3A_6, %add3A_1358 : vector<16xi32>
          %gather3A_1360 = tpu.vector_load_idx %arg16[%add3A_1359] : memref<272xf32, #tpu.memory_space<vmem>>[vector<16xi32>], vector<16xf32>,
          %add3A_1361 = arith.addf %add3A_1356, %gather3A_1360 : vector<16xf32>
          %add3A_1362 = arith.constant 9 : i32
          %add3A_1363 = vector.broadcast %add3A_1362 : i32 to vector<16xi32>
          %add3A_1364 = arith.addi %mul3A_6, %add3A_1363 : vector<16xi32>
          %gather3A_1365 = tpu.vector_load_idx %arg16[%add3A_1364] : memref<272xf32, #tpu.memory_space<vmem>>[vector<16xi32>], vector<16xf32>,
          %add3A_1366 = arith.addf %add3A_1361, %gather3A_1365 : vector<16xf32>
          %add3A_1367 = arith.constant 10 : i32
          %add3A_1368 = vector.broadcast %add3A_1367 : i32 to vector<16xi32>
          %add3A_1369 = arith.addi %mul3A_6, %add3A_1368 : vector<16xi32>
          %gather3A_1370 = tpu.vector_load_idx %arg16[%add3A_1369] : memref<272xf32, #tpu.memory_space<vmem>>[vector<16xi32>], vector<16xf32>,
          %add3A_1371 = arith.addf %add3A_1366, %gather3A_1370 : vector<16xf32>
          %add3A_1372 = arith.constant 11 : i32
          %add3A_1373 = vector.broadcast %add3A_1372 : i32 to vector<16xi32>
          %add3A_1374 = arith.addi %mul3A_6, %add3A_1373 : vector<16xi32>
          %gather3A_1375 = tpu.vector_load_idx %arg16[%add3A_1374] : memref<272xf32, #tpu.memory_space<vmem>>[vector<16xi32>], vector<16xf32>,
          %add3A_1376 = arith.addf %add3A_1371, %gather3A_1375 : vector<16xf32>
          %add3A_1377 = arith.constant 12 : i32
          %add3A_1378 = vector.broadcast %add3A_1377 : i32 to vector<16xi32>
          %add3A_1379 = arith.addi %mul3A_6, %add3A_1378 : vector<16xi32>
          %gather3A_1380 = tpu.vector_load_idx %arg16[%add3A_1379] : memref<272xf32, #tpu.memory_space<vmem>>[vector<16xi32>], vector<16xf32>,
          %add3A_1381 = arith.addf %add3A_1376, %gather3A_1380 : vector<16xf32>
          %add3A_1382 = arith.constant 13 : i32
          %add3A_1383 = vector.broadcast %add3A_1382 : i32 to vector<16xi32>
          %add3A_1384 = arith.addi %mul3A_6, %add3A_1383 : vector<16xi32>
          %gather3A_1385 = tpu.vector_load_idx %arg16[%add3A_1384] : memref<272xf32, #tpu.memory_space<vmem>>[vector<16xi32>], vector<16xf32>,
          %add3A_1386 = arith.addf %add3A_1381, %gather3A_1385 : vector<16xf32>
          %add3A_1387 = arith.constant 14 : i32
          %add3A_1388 = vector.broadcast %add3A_1387 : i32 to vector<16xi32>
          %add3A_1389 = arith.addi %mul3A_6, %add3A_1388 : vector<16xi32>
          %gather3A_1390 = tpu.vector_load_idx %arg16[%add3A_1389] : memref<272xf32, #tpu.memory_space<vmem>>[vector<16xi32>], vector<16xf32>,
          %add3A_1391 = arith.addf %add3A_1386, %gather3A_1390 : vector<16xf32>
          %add3A_1392 = arith.constant 15 : i32
          %add3A_1393 = vector.broadcast %add3A_1392 : i32 to vector<16xi32>
          %add3A_1394 = arith.addi %mul3A_6, %add3A_1393 : vector<16xi32>
          %gather3A_1395 = tpu.vector_load_idx %arg16[%add3A_1394] : memref<272xf32, #tpu.memory_space<vmem>>[vector<16xi32>], vector<16xf32>,
          %add3A_1396 = arith.addf %add3A_1391, %gather3A_1395 : vector<16xf32>
          %mul3A_1397 = arith.constant 16 : i32
          %mul3A_1398 = arith.muli %add3A_93, %mul3A_1397 : i32
          %add3A_1399 = arith.addi %mul3A_83, %mul3A_1398 : i32
          %swap3A_1400 = arith.index_cast %add3A_1399 : i32 to index
          %swap3A_1401 = tpu.vector_load %arg17[%swap3A_1400] {strides = array<i32>} : memref<10000xf32, #tpu.memory_space<vmem>>, vector<16xf32>,
          tpu.vector_store %arg17[%swap3A_1400], %add3A_1396 {strides = array<i32>} : memref<10000xf32, #tpu.memory_space<vmem>>, vector<16xf32>,
        }
        %scan3A_88 = arith.constant 5 : i32
      } else {
      }
    }
    %scan3A_24 = arith.constant 63 : i32
    "tpu.region"() ({
      %run_scoped3A_25 = tpu.sem_alloc : memref<!tpu.dma_semaphore, #tpu.memory_space<semaphore_mem>>
      %dma_start3A_26 = tpu.memref_slice %arg6[%mul3A_2] : memref<320000xf32, #tpu.memory_space<hbm>> -> memref<10000xf32, #tpu.memory_space<hbm>>
      %dma_start3A_27 = tpu.memref_slice %arg6[%mul3A_2] : memref<320000xf32, #tpu.memory_space<hbm>> -> memref<10000xf32, #tpu.memory_space<hbm>>
      tpu.enqueue_dma source(%arg17 : memref<10000xf32, #tpu.memory_space<vmem>>) target(%dma_start3A_27 : memref<10000xf32, #tpu.memory_space<hbm>>) target_semaphore(%run_scoped3A_25 : memref<!tpu.dma_semaphore, #tpu.memory_space<semaphore_mem>>)
      %dma_wait3A = tpu.memref_slice %arg6[%mul3A_2] : memref<320000xf32, #tpu.memory_space<hbm>> -> memref<10000xf32, #tpu.memory_space<hbm>>
      %dma_wait3A_28 = tpu.memref_slice %arg6[%mul3A_2] : memref<320000xf32, #tpu.memory_space<hbm>> -> memref<10000xf32, #tpu.memory_space<hbm>>
      tpu.wait_dma2 semaphore(%run_scoped3A_25 : memref<!tpu.dma_semaphore, #tpu.memory_space<semaphore_mem>>) src(%arg17 : memref<10000xf32, #tpu.memory_space<vmem>>) dst(%dma_wait3A_28 : memref<10000xf32, #tpu.memory_space<hbm>>)
      tpu.yield
    }) : () -> ()
    return
  }
}

module attributes {stable_mosaic.version = 14 : i64} {
  func.func @_prep_body(%arg0: memref<10000x128xf32, #tpu.memory_space<vmem>>, %arg1: memref<1024x128xf32, #tpu.memory_space<vmem>>, %arg2: memref<10000x64xi32, #tpu.memory_space<vmem>>, %arg3: memref<1024x64xi32, #tpu.memory_space<vmem>>) attributes {dimension_semantics = [], scalar_prefetch = 0 : i64, scratch_operands = 0 : i64, tpu.core_type = #tpu.core_type<tc>} {
    %get3A = arith.constant 0 : index
    %get3A_0 = arith.constant 0 : index
    %get3A_1 = vector.load %arg0[%get3A, %get3A_0] : memref<10000x128xf32, #tpu.memory_space<vmem>>, vector<10000x128xf32>
    %mul3A = arith.mulf %get3A_1, %get3A_1 : vector<10000x128xf32>
    %reduce_sum3A = arith.constant dense<0.000000e+00> : vector<10000xf32>
    %reduce_sum3A_2 = vector.multi_reduction <add>, %mul3A, %reduce_sum3A [1] : vector<10000x128xf32> to vector<10000xf32>
    %broadcast_in_dim3A = vector.shape_cast %reduce_sum3A_2 : vector<10000xf32> to vector<10000x1xf32>
    %sqrt3A = math.sqrt %broadcast_in_dim3A : vector<10000x1xf32>
    %max3A = arith.constant 9.99999996E-13 : f32
    %max3A_3 = vector.broadcast %max3A : f32 to vector<10000x1xf32>
    %max3A_4 = arith.maximumf %sqrt3A, %max3A_3 : vector<10000x1xf32>
    %div3A = vector.broadcast %max3A_4 : vector<10000x1xf32> to vector<10000x128xf32>
    %div3A_5 = arith.divf %get3A_1, %div3A : vector<10000x128xf32>
    %convert_element_type3A = arith.truncf %div3A_5 : vector<10000x128xf32> to vector<10000x128xbf16>
    %bitcast_convert_type3A = tpu.bitcast %convert_element_type3A : vector<10000x128xbf16> -> vector<10000x128xi16>
    %slice3A = vector.extract_strided_slice %bitcast_convert_type3A {offsets = [0, 0], sizes = [10000, 64], strides = [1, 1]} : vector<10000x128xi16> to vector<10000x64xi16>
    %convert_element_type3A_6 = arith.extui %slice3A : vector<10000x64xi16> to vector<10000x64xi32>
    %slice3A_7 = vector.extract_strided_slice %bitcast_convert_type3A {offsets = [0, 64], sizes = [10000, 64], strides = [1, 1]} : vector<10000x128xi16> to vector<10000x64xi16>
    %convert_element_type3A_8 = arith.extui %slice3A_7 : vector<10000x64xi16> to vector<10000x64xi32>
    %shift_left3A = arith.constant 16 : i32
    %shift_left3A_9 = vector.broadcast %shift_left3A : i32 to vector<10000x64xi32>
    %shift_left3A_10 = arith.shli %convert_element_type3A_8, %shift_left3A_9 : vector<10000x64xi32>
    %or3A = arith.ori %convert_element_type3A_6, %shift_left3A_10 : vector<10000x64xi32>
    %bitcast_convert_type3A_11 = tpu.bitcast %or3A : vector<10000x64xi32> -> vector<10000x64xi32>
    %swap3A = arith.constant 0 : index
    %swap3A_12 = arith.constant 0 : index
    %swap3A_13 = vector.load %arg2[%swap3A, %swap3A_12] : memref<10000x64xi32, #tpu.memory_space<vmem>>, vector<10000x64xi32>
    tpu.vector_store %arg2[%swap3A, %swap3A_12], %bitcast_convert_type3A_11 {strides = array<i32>} : memref<10000x64xi32, #tpu.memory_space<vmem>>, vector<10000x64xi32>,
    %get3A_14 = arith.constant 0 : index
    %get3A_15 = arith.constant 0 : index
    %get3A_16 = vector.load %arg1[%get3A_14, %get3A_15] : memref<1024x128xf32, #tpu.memory_space<vmem>>, vector<1024x128xf32>
    %convert_element_type3A_17 = arith.truncf %get3A_16 : vector<1024x128xf32> to vector<1024x128xbf16>
    %bitcast_convert_type3A_18 = tpu.bitcast %convert_element_type3A_17 : vector<1024x128xbf16> -> vector<1024x128xi16>
    %slice3A_19 = vector.extract_strided_slice %bitcast_convert_type3A_18 {offsets = [0, 0], sizes = [1024, 64], strides = [1, 1]} : vector<1024x128xi16> to vector<1024x64xi16>
    %convert_element_type3A_20 = arith.extui %slice3A_19 : vector<1024x64xi16> to vector<1024x64xi32>
    %slice3A_21 = vector.extract_strided_slice %bitcast_convert_type3A_18 {offsets = [0, 64], sizes = [1024, 64], strides = [1, 1]} : vector<1024x128xi16> to vector<1024x64xi16>
    %convert_element_type3A_22 = arith.extui %slice3A_21 : vector<1024x64xi16> to vector<1024x64xi32>
    %shift_left3A_23 = arith.constant 16 : i32
    %shift_left3A_24 = vector.broadcast %shift_left3A_23 : i32 to vector<1024x64xi32>
    %shift_left3A_25 = arith.shli %convert_element_type3A_22, %shift_left3A_24 : vector<1024x64xi32>
    %or3A_26 = arith.ori %convert_element_type3A_20, %shift_left3A_25 : vector<1024x64xi32>
    %bitcast_convert_type3A_27 = tpu.bitcast %or3A_26 : vector<1024x64xi32> -> vector<1024x64xi32>
    %swap3A_28 = arith.constant 0 : index
    %swap3A_29 = arith.constant 0 : index
    %swap3A_30 = vector.load %arg3[%swap3A_28, %swap3A_29] : memref<1024x64xi32, #tpu.memory_space<vmem>>, vector<1024x64xi32>
    tpu.vector_store %arg3[%swap3A_28, %swap3A_29], %bitcast_convert_type3A_27 {strides = array<i32>} : memref<1024x64xi32, #tpu.memory_space<vmem>>, vector<1024x64xi32>,
    return
  }
}

</mosaic_0001>

<sc_bundles>
// kernel: kernel.4.cloned.1.call-start
scs
__scs_entry_jumppad:
0x0: {  	(pc) =	sbr.rel $0x88, $3  }
0x1: {  	(tag) =	ssettag $0x0;
	lr =	simm.s32 $0x1  }
0x2: {  	[smem:$0x3F9D] =	sst lr;
	_ =	strace $0xD0000000  }
0x3: {  	_ = 	snop  }
0x4: {  	_ = 	snop  }
0x5: {  	_ = 	snop  }
0x6: {  	_ = 	snop  }
0x7: {  	_ = 	snop  }
__scs_overlays_trampoline_lowered:
0x8: {  	[smem:$0x3FAC] =	sst s0  }
0x9: {  	[smem:$0x3FAD] =	sst s1  }
0xa: {  	[smem:$0x3FAE] =	sst s2  }
0xb: {  	[smem:$0x3FAF] =	sst s3  }
0xc: {  	[smem:$0x3FB0] =	sst s4  }
0xd: {  	[smem:$0x3FB1] =	sst s5  }
0xe: {  	[smem:$0x3FB2] =	sst s6  }
0xf: {  	[smem:$0x3FB3] =	sst s7  }
0x10: {  	[smem:$0x3FB4] =	sst s8  }
0x11: {  	[smem:$0x3FB5] =	sst s9;
	s0 =	simm.s32 @!p0 $0x0  }
0x12: {  	s1 =	sld [smem:$0x3F9B];
	s0 =	simm.s32 @p0 $0x1  }
0x13: {  	[smem:$0x3FB6] =	sst s0;
	s0 =	simm.s32 @!p1 $0x0  }
0x14: {  	s2 =	sld [smem:$0x3F9A];
	s0 =	simm.s32 @p1 $0x1  }
0x15: {  	[smem:$0x3FB7] =	sst s0;
	s0 =	simm.s32 @!p2 $0x0  }
0x16: {  	s3 =	sld [smem:$0x3FDB];
	s0 =	simm.s32 @p2 $0x1  }
0x17: {  	s4 =	simm.s32 $0x1BF5;
	[smem:$0x3FB9] =	sst s0  }
0x18: {  	s0 =	sld [smem:$0x3F9C];
	_ =	swait.ge [sflag:s4], $0x0  }
0x19: {  	s7 =	sld [smem:$0x3F9D]  }
0x1a: {  	s8 =	sadd.s32 $0xFFFFE003, lr  }
0x1b: {  	s9 =	sadd.s32 $0xFFFFFEF7, lr;
	s5 =	simm.s32 $0xFFFFFFFF;
	p2 =	slt.u32 s8, $0xFFFFF086  }
0x1c: {  	p1 =	slt.u32 s9, $0xF7A;
	s5 =	simm.s32 @!p2 $0x0  }
0x1d: {  	s5 =	simm.s32 @p1 $0x1;
	p0 =	seq.s32 s7, s2  }
0x1e: {  	s7 =	smul.u32 @!p0 $0xF7A, s2;
	p2 =	seq.s32 @!p0 s5, $0x0  }
0x1f: {  	s9 =	smul.u32 $0xF7A, s1;
	s8 =	simm.s32 @!p0 $0x1BF5;
	p2 =	por !p2, p0  }
0x20: {  	[sflag:s8] =	ssyncset.s32 @!p0 $0xFFFFF086;
	s6 =	sadd.s32 @!p0 s3, s7;
	s7 =	simm.s32 @!p0 $0x108  }
0x21: {  	s3 =	sadd.s32 s3, s9;
	s6 =	sadd.s32 @!p0 $0x88, s6;
	s7 =	simm.s32 @p2 $0x1082  }
0x22: {  	[simem:s7], [sflag:s8] =	dma.local @!p0 [hbm:s6], $0xF7A  }
0x23: {  	s9 =	sor.u32 $0xD0000000, s2;
	s6 =	simm.s32 $0x108;
	_ =	swait.ge @!p0 [sflag:s8], $0x0  }
0x24: {  	s3 =	sadd.s32 $0x88, s3;
	s6 =	simm.s32 @!p1 $0x1082;
	[sflag:s4] =	ssyncset.s32 $0xFFFFF086  }
0x25: {  	[simem:s6], [sflag:s4] =	dma.local [hbm:s3], $0xF7A  }
0x26: {  	[smem:$0x3F9D] =	sst s1;
	(tag) =	ssettag s2;
	_ =	strace s9  }
0x27: {  	s1 =	sld [smem:$0x3FAD]  }
0x28: {  	s2 =	sld [smem:$0x3FAE]  }
0x29: {  	s4 =	sld [smem:$0x3FB0]  }
0x2a: {  	p0 =	seq.s32 s5, $0x0;
	s5 =	sld [smem:$0x3FB1]  }
0x2b: {  	s6 =	sld [smem:$0x3FB2]  }
0x2c: {  	s7 =	sld [smem:$0x3FB3]  }
0x2d: {  	s3 =	simm.s32 $0x108;
	s8 =	sld [smem:$0x3FB4]  }
0x2e: {  	s3 =	simm.s32 @!p0 $0x1082;
	s9 =	sld [smem:$0x3FB5]  }
0x2f: {  	lr =	sadd.s32 s0, s3;
	s0 =	sld [smem:$0x3FAC]  }
0x30: {  	s3 =	sld [smem:$0x3FAF]  }
0x31: {  	[smem:$0x3FB8] =	sst s10  }
0x32: {  	s10 =	sld [smem:$0x3FB6];
	_ =	sdelay $0x3  }
0x33: {  	p0 =	seq.s32 s10, $0x1;
	s10 =	sld [smem:$0x3FB8];
	_ =	sdelay $0x3  }
0x34: {  	[smem:$0x3FB8] =	sst s10  }
0x35: {  	s10 =	sld [smem:$0x3FB7];
	_ =	sdelay $0x3  }
0x36: {  	p1 =	seq.s32 s10, $0x1;
	s10 =	sld [smem:$0x3FB8];
	_ =	sdelay $0x3  }
0x37: {  	[smem:$0x3FB8] =	sst s10  }
0x38: {  	s10 =	sld [smem:$0x3FB9]  }
0x39: {  	_ = 	snop;
	(pc) =	sbr.ind lr, $3  }
0x3a: {  	_ = 	snop  }
0x3b: {  	_ = 	snop  }
0x3c: {  	p2 =	seq.s32 s10, $0x1;
	s10 =	sld [smem:$0x3FB8]  }
0x3d: {  	_ =	shalt  }
0x3e: {  	_ =	shalt  }
0x3f: {  	_ =	shalt  }
0x40: {  	_ =	shalt  }
0x41: {  	_ =	shalt  }
0x42: {  	_ =	shalt  }
0x43: {  	_ =	shalt  }
0x44: {  	_ =	shalt  }
0x45: {  	_ =	shalt  }
0x46: {  	_ =	shalt  }
0x47: {  	_ =	shalt  }
0x48: {  	_ =	shalt  }
0x49: {  	_ =	shalt  }
0x4a: {  	_ =	shalt  }
0x4b: {  	_ =	shalt  }
0x4c: {  	_ =	shalt  }
0x4d: {  	_ =	shalt  }
0x4e: {  	_ =	shalt  }
0x4f: {  	_ =	shalt  }
0x50: {  	_ =	shalt  }
0x51: {  	_ =	shalt  }
0x52: {  	_ =	shalt  }
0x53: {  	_ =	shalt  }
0x54: {  	_ =	shalt  }
0x55: {  	_ =	shalt  }
0x56: {  	_ =	shalt  }
0x57: {  	_ =	shalt  }
0x58: {  	_ =	shalt  }
0x59: {  	_ =	shalt  }
0x5a: {  	_ =	shalt  }
0x5b: {  	_ =	shalt  }
0x5c: {  	_ =	shalt  }
0x5d: {  	_ =	shalt  }
0x5e: {  	_ =	shalt  }
0x5f: {  	_ =	shalt  }
0x60: {  	_ =	shalt  }
0x61: {  	_ =	shalt  }
0x62: {  	_ =	shalt  }
0x63: {  	_ =	shalt  }
0x64: {  	_ =	shalt  }
0x65: {  	_ =	shalt  }
0x66: {  	_ =	shalt  }
0x67: {  	_ =	shalt  }
0x68: {  	_ =	shalt  }
0x69: {  	_ =	shalt  }
0x6a: {  	_ =	shalt  }
0x6b: {  	_ =	shalt  }
0x6c: {  	_ =	shalt  }
0x6d: {  	_ =	shalt  }
0x6e: {  	_ =	shalt  }
0x6f: {  	_ =	shalt  }
0x70: {  	_ =	shalt  }
0x71: {  	_ =	shalt  }
0x72: {  	_ =	shalt  }
0x73: {  	_ =	shalt  }
0x74: {  	_ =	shalt  }
0x75: {  	_ =	shalt  }
0x76: {  	_ =	shalt  }
0x77: {  	_ =	shalt  }
0x78: {  	_ =	shalt  }
0x79: {  	_ =	shalt  }
0x7a: {  	_ =	shalt  }
0x7b: {  	_ =	shalt  }
0x7c: {  	_ =	shalt  }
0x7d: {  	_ =	shalt  }
0x7e: {  	_ =	shalt  }
0x7f: {  	_ =	shalt  }
0x80: {  	_ =	shalt  }
0x81: {  	_ =	shalt  }
0x82: {  	_ =	shalt  }
0x83: {  	_ =	shalt  }
0x84: {  	_ =	shalt  }
0x85: {  	_ =	shalt  }
0x86: {  	_ =	shalt  }
0x87: {  	_ =	shalt  }
.Lfunc_end0:
.L_simem_size_0:
called_computation_lowered:
.L_overlay_start_0:
0x88: {  	s2 =	sld [smem:$0x3FD9]  }
0x89: {  	s3 =	sld [smem:$0x3FFE];
	_ =	sdelay $0x1  }
0x8a: {  	s1 =	srdreg.scid  }
0x8b: {  	s0 =	sand.u32 $0x1, s1  }
0x8c: {  	s17 =	sshll.u32 s0, $0xA;
	s2 =	sadd.s32 s3, s2  }
0x8d: {  	s2 =	sadd.s32 s2, s17  }
0x8e: {  	[smem:$0x3FC4] =	sst s2  }
0x8f: {  	_ = 	snop  }
0x90: {  	s2 =	sld [smem:$0x3FC7]  }
0x91: {  	s18 =	sld [smem:$0x3FD0];
	(tm) =	ssettm $0x1  }
0x92: {  	s4 =	sld [smem:$0x3FFB];
	_ =	sdelay $0x3  }
0x93: {  	_ =	strace s4  }
0x94: {  	s4 =	sld [smem:$0x3FFC];
	_ =	sdelay $0x3  }
0x95: {  	_ =	strace s4  }
0x96: {  	s4 =	sld [smem:$0x3FFD];
	_ =	sdelay $0x3  }
0x97: {  	_ =	strace s4  }
0x98: {  	_ =	strace $0x8FFFFFFF  }
0x99: {  	s19 =	sld [smem:$0x3FDB];
	_ =	sdelay $0x1  }
0x9a: {  	s5 =	simm.s32 $_scs_section_size  }
0x9b: {  	s6 =	simm.s32 $_size__tile_overlayer_lowered;
	s7 =	simm.s32 $_tile_overlayer_lowered  }
0x9c: {  	s22 =	simm.s32 $0x1BFF;
	s21 =	sshll.u32 s7, $0x1;
	s4 =	sadd.s32 s5, s19  }
0x9d: {  	s8 =	simm.s32 $0x0;
	s20 =	sshll.u32 s6, $0x1;
	s6 =	sadd.s32 s21, s4  }
0x9e: {  	[timem:s8], [sflag:s22] =	dma.local [hbm:s6], s20  }
0x9f: {  	_ =	swait.ge [sflag:s22], s20  }
0xa0: {  	s5 =	ssub.s32 $0x0, s20;
	[sflag:s22] =	ssyncset.done $0x0  }
0xa1: {  	[sflag:s22] =	ssyncadd.s32 s5;
	_ =	sdelay $0x1  }
0xa2: {  	s23 =	simm.s32 $0x1B8B  }
0xa3: {  	_ =	swait.ge [sflag:s23], $0x1  }
0xa4: {  	[sflag:s23] =	ssyncset.done $0x0  }
0xa5: {  	s25 =	simm.s32 $0x1B8E;
	s24 =	sld [smem:$0x3FFE];
	[sflag:s23] =	ssyncadd.s32 $0xFFFFFFFF  }
0xa6: {  	s26 =	simm.s32 $execute0_lowered;
	[smem:$0x3FD2] =	sst s25  }
0xa7: {  	s6 =	sshll.u32 s26, $0x1;
	_ =	strace $0x80000046;
	[dreg:$0x1] =	wrdreg $0xFFFFFFFF  }
0xa8: {  	s28 =	simm.s32 $_size_execute0_lowered;
	s4 =	sadd.s32 s4, s6;
	[dreg:$0x0] =	wrdreg $0x0  }
0xa9: {  	s6 =	sshll.u32 s28, $0x1;
	[dreg:$0x2] =	wrdreg s4  }
0xaa: {  	[dreg:$0x3] =	wrdreg s6  }
0xab: {  	[dreg:$0x4] =	wrdreg $0xC0  }
0xac: {  	_ =	task [dreg:s8], $0x5FFFF  }
0xad: {  	[dreg:$0x1] =	wrdreg $0xFFFFFFFF  }
0xae: {  	[dreg:$0x0] =	wrdreg $0x60  }
0xaf: {  	[dreg:$0x2] =	wrdreg s24  }
0xb0: {  	[dreg:$0x3] =	wrdreg s2  }
0xb1: {  	[dreg:$0x4] =	wrdreg s18  }
0xb2: {  	[dreg:$0x5] =	wrdreg $0x9  }
0xb3: {  	_ =	task.clear_ibuf [dreg:s8], $0x6FFFF;
	_ =	strace $0x90000046  }
0xb4: {  	s29 =	simm.s32 $0x9;
	_ =	strace $0x80000048  }
0xb5: {  	_ =	swait.ge [sflag:s29], $0x1  }
0xb6: {  	[sflag:s29] =	ssyncadd.s32 $0xFFFFFFFF  }
0xb7: {  	_ =	strace $0x90000048  }
0xb8: {  	_ =	sfence  }
0xb9: {  	s30 =	sld [smem:$0x0];
	_ =	sdelay $0x2  }
0xba: {  	s31 =	sshll.u32 s1, $0xD;
	s1 =	sshrl.u32 s1, $0x2  }
0xbb: {  	s3 =	sand.u32 $0x4000, s31;
	s1 =	sadd.s32 s1, s30  }
0xbc: {  	s0 =	sor.u32 s3, s0;
	s1 =	sshll.u32 s1, $0x11  }
0xbd: {  	s0 =	sor.u32 s1, s0  }
0xbe: {  	s0 =	sadd.s32 $0x8F2B, s0  }
0xbf: {  	[sflag:s0] =	ssyncadd.remote.s32 $0x1  }
0xc0: {  	_ =	sfence.sel $0xFFFF  }
0xc1: {  	[dreg:$0x0] =	wrdreg $0xFFFFFFFF;
	(pc) =	sbr.abs _section_cstart, $3  }
0xc2: {  	[dreg:$0x1] =	wrdreg $0xFFFFFFFF  }
0xc3: {  	_ =	task.clear_ibuf [dreg:s8], $0x2FFFF;
	_ =	strace $0x9FFFFFFF  }
0xc4: {  	(tm) =	ssettm $0x7FFFFFFF  }
0xc5: {  	_ =	shalt  }
tec
execute0_lowered:
.L_overlay_start_1:
0x0: {  	(tag) =	ssettag $0x1  }
0x1: {  	s5 =	rddreg [dreg:$0x0]  }
0x2: {  	s7 =	rddreg [dreg:$0x1];
	s1 =	srdreg.scid  }
0x3: {  	s0 =	stileid.u32;
	s8 =	rddreg [dreg:$0x2]  }
0x4: {  	s2 =	simm.s32 $0x0;
	s12 =	simm.s32 $0x4E20;
	s13 =	simm.s32 $0x50  }
0x5: {  	s14 =	simm.s32 $0x7530;
	s15 =	simm.s32 $0x8930;
	s16 =	simm.s32 $0x9D30  }
0x6: {  	s17 =	simm.s32 $0x1;
	s18 =	simm.s32 $0xED30;
	s19 =	simm.s32 $0x2  }
0x7: {  	v0 =	vlaneseq.u32;
	s20 =	simm.s32 $0xEE40;
	s4 =	sand.u32 $0x1, s1;
	s3 =	sshll.u32 s0, $0x1  }
0x8: {  	s21 =	simm.s32 $0x0;
	[smem:$0x7FF] =	sst s2;
	v0 =	vmul.u32 $0x11, v0;
	s3 =	sor.u32 s4, s3  }
0x9: {  	s1 =	rddreg [dreg:$0x3];
	_ =	strace $0x80000047;
	s6 =	smul.u32 $0x2710, s3  }
.Ltmp0:
0xa: {  	s30 =	ssub.s32 $0x2, s4;
	s4 =	sadd.s32 $0x14600, s5;
	v1 =	vadd.s32 $0x1, v0;
	v2 =	vadd.s32 $0x2, v0;
	v3 =	vadd.s32 $0x3, v0;
	(pc) =	sbr.rel .LBB2_1-.Ltmp0, $4  }
0xb: {  	s3 =	sadd.s32 $0xC00, s5;
	s31 =	sshrl.u32 s30, $0x1;
	v4 =	vadd.s32 $0x4, v0;
	v5 =	vadd.s32 $0x5, v0;
	v6 =	vadd.s32 $0x6, v0;
	s9 =	sshrl.u32 s6, $0x3  }
0xc: {  	v7 =	vadd.s32 $0x7, v0;
	v8 =	vadd.s32 $0x8, v0;
	v9 =	vadd.s32 $0x9, v0;
	s11 =	ssub.s32 s30, s31;
	s10 =	sadd.s32 s9, s5;
	s7 =	sadd.s32 s7, s9  }
0xd: {  	v10 =	vadd.s32 $0xA, v0;
	v11 =	vadd.s32 $0xB, v0;
	v12 =	vadd.s32 $0xC, v0;
	s8 =	sadd.s32 s8, s9;
	s9 =	smax.u32 s11, $0x1;
	s11 =	simm.s32 $0x2710  }
0xe: {  	v13 =	vadd.s32 $0xD, v0;
	v14 =	vadd.s32 $0xE, v0;
	v15 =	vadd.s32 $0xF, v0;
	s5 =	sadd.s32 $0x16600, s10;
	s6 =	sadd.s32 $0x20240, s10;
	s10 =	simm.s32 $0x3  }
.LBB2_8:
0xf: {  	s21 =	sadd.s32 $0x1, s21  }
0x10: {  	p0 =	sne.s32 s21, s9  }
.Ltmp1:
0x11: {  	_ = 	snop;
	(pc) =	sbr.rel @!p0 .LBB2_9-.Ltmp1, $4  }
0x12: {  	[hbm4b:s8+s2] =	stream.linear.scatter [tilespmem:s20], [sflag:$0x3], $0x2710, $0x38;
	[tilespmem:$0x11550] =	vst v63  }
0x13: {  	_ =	swait.ge [sflag:s10], $0x2710  }
0x14: {  	[sflag:s10] =	ssyncset.done $0x0  }
0x15: {  	[sflag:s10] =	ssyncadd.s32 $0xFFFFD8F0  }
.LBB2_1:
0x16: {  	[tilespmem:s2], [sflag:$0x3] =	stream.linear.gather [hbm4b:s5+s2], $0x2710, $0x38;
	[tilespmem:$0x11550] =	vst v63  }
0x17: {  	_ =	swait.ge [sflag:s10], $0x2710  }
0x18: {  	[sflag:s10] =	ssyncset.done $0x0  }
0x19: {  	[sflag:s10] =	ssyncadd.s32 $0xFFFFD8F0  }
0x1a: {  	[tilespmem:s11], [sflag:$0x3] =	stream.linear.gather [hbm4b:s6+s2], $0x2710, $0x38;
	[tilespmem:$0x11550] =	vst v63  }
0x1b: {  	_ =	swait.ge [sflag:s10], $0x2710  }
0x1c: {  	[sflag:s10] =	ssyncset.done $0x0  }
0x1d: {  	[sflag:s10] =	ssyncadd.s32 $0xFFFFD8F0  }
0x1e: {  	[tilespmem:s12], [sflag:$0x3] =	stream.linear.gather [hbm4b:s7+s2], $0x2710, $0x38;
	[tilespmem:$0x11550] =	vst v63  }
0x1f: {  	_ =	swait.ge [sflag:s10], $0x2710  }
0x20: {  	[sflag:s10] =	ssyncset.done $0x0  }
0x21: {  	[sflag:s10] =	ssyncadd.s32 $0xFFFFD8F0  }
0x22: {  	[tilespmem:s14], [sflag:$0x1] =	stream.indirect.gather [hbm4b:s3+s13], $0x40, s2, s13, $0xb8;
	[tilespmem:$0x11550] =	vst v63  }
.Ltmp2:
0x23: {  	_ = 	snop;
	(pc) =	sbr.rel .LBB2_2-.Ltmp2, $4  }
0x24: {  	_ = 	snop  }
0x25: {  	[tilespmem:s15], [sflag:$0x1] =	stream.indirect.gather [hbm4b:s3+s13], $0x40, s11, s13, $0xb8;
	[tilespmem:$0x11550] =	vst v63  }
0x26: {  	s22 =	simm.s32 $0xEE90;
	s23 =	simm.s32 $0xEE40;
	s24 =	simm.s32 $0x0  }
0x27: {  	[tilespmem:s16], [sflag:$0x1] =	stream.indirect.gather [hbm4b:s4+s13], $0x40, s12, s13, $0xb8;
	[tilespmem:$0x11550] =	vst v63  }
.LBB2_7:
0x28: {  	s24 =	sadd.s32 $0x1, s24  }
0x29: {  	p0 =	sne.s32 s24, $0x3F  }
.Ltmp3:
0x2a: {  	_ = 	snop;
	(pc) =	sbr.rel @!p0 .LBB2_8-.Ltmp3, $2  }
0x2b: {  	_ =	sdelay $0x2  }
0x2c: {  	s23 =	sadd.s32 $0xA0, s23;
	s22 =	sadd.s32 $0xA0, s22  }
.LBB2_2:
0x2d: {  	s25 =	sshllo.u32 s24, $0x1  }
0x2e: {  	p0 =	sgt.u32 s25, $0x7C  }
0x2f: {  	s25 =	smul.u32 @!p0 $0x50, s25  }
0x30: {  	s26 =	simm.s32 @!p0 $0x50;
	s28 =	simm.s32 @!p0 $0xB130  }
0x31: {  	[tilespmem:s28], [sflag:$0x2] =	stream.indirect.gather @!p0 [hbm4b:s3+s26], $0x40, s25, s26, $0xb8;
	[tilespmem:$0x11550] =	vst v63  }
0x32: {  	s29 =	simm.s32 @!p0 $0xC530;
	s28 =	sadd.s32 @!p0 $0x2710, s25  }
0x33: {  	[tilespmem:s29], [sflag:$0x2] =	stream.indirect.gather @!p0 [hbm4b:s3+s26], $0x40, s28, s26, $0xb8;
	[tilespmem:$0x11550] =	vst v63  }
0x34: {  	s25 =	sadd.s32 @!p0 $0x4E20, s25;
	s28 =	simm.s32 @!p0 $0xD930  }
0x35: {  	[tilespmem:s28], [sflag:$0x2] =	stream.indirect.gather @!p0 [hbm4b:s4+s26], $0x40, s25, s26, $0xb8;
	[tilespmem:$0x11550] =	vst v63  }
0x36: {  	_ =	swait.ge [sflag:s17], $0x1400  }
0x37: {  	[sflag:s17] =	ssyncset.done $0x0  }
0x38: {  	[sflag:s17] =	ssyncadd.s32 $0xFFFFEC00  }
0x39: {  	_ =	swait.ge [sflag:s17], $0x1400  }
0x3a: {  	[sflag:s17] =	ssyncset.done $0x0  }
0x3b: {  	[sflag:s17] =	ssyncadd.s32 $0xFFFFEC00  }
0x3c: {  	_ =	swait.ge [sflag:s17], $0x1400  }
0x3d: {  	[sflag:s17] =	ssyncset.done $0x0  }
0x3e: {  	s25 =	simm.s32 $0xFC0;
	s26 =	smov.u32 s23;
	[sflag:s17] =	ssyncadd.s32 $0xFFFFEC00  }
.LBB2_3:
0x3f: {  	s28 =	sshra.s32 s25, $0x2  }
0x40: {  	v16 =	vld [tilespmem:s28+$0x7140]  }
0x41: {  	v17 =	vld [tilespmem:s28+$0x8540]  }
0x42: {  	v18 =	vld [tilespmem:s28+$0x9940]  }
0x43: {  	v19 =	vld [tilespmem:s28+$0x7150]  }
0x44: {  	v20 =	vld [tilespmem:s28+$0x8550]  }
0x45: {  	v21 =	vld [tilespmem:s28+$0x9950]  }
0x46: {  	v22 =	vld [tilespmem:s28+$0x7160]  }
0x47: {  	v23 =	vld [tilespmem:s28+$0x8560]  }
0x48: {  	v24 =	vld [tilespmem:s28+$0x9960]  }
0x49: {  	v25 =	vld [tilespmem:s28+$0x7170]  }
0x4a: {  	v60 =	vld [tilespmem:s28+$0x8570]  }
0x4b: {  	v16 =	vmul.bf16 v17, v16  }
0x4c: {  	v17 =	vmul.bf16 v20, v19  }
0x4d: {  	v61 =	vld [tilespmem:s28+$0x9970];
	v62 =	vmul.bf16 v23, v22;
	v16 =	vmul.bf16 v18, v16  }
0x4e: {  	v17 =	vmul.bf16 v21, v17  }
0x4f: {  	v19 =	vmul.bf16 v60, v25;
	v20 =	vmul.bf16 v24, v62;
	v63 =	vunpack.i.u.bf16.f32 v16  }
0x50: {  	v16 =	vunpack.i.l.bf16.f32 v16;
	v26 =	vunpack.i.u.bf16.f32 v17;
	v17 =	vunpack.i.l.bf16.f32 v17  }
0x51: {  	v16 =	vadd.f32 v16, v63;
	v17 =	vadd.f32 v17, v26  }
0x52: {  	v18 =	vmul.bf16 v61, v19;
	v27 =	vunpack.i.u.bf16.f32 v20;
	v20 =	vunpack.i.l.bf16.f32 v20  }
0x53: {  	v16 =	vadd.f32 v17, v16;
	v17 =	vadd.f32 v20, v27  }
0x54: {  	v19 =	vunpack.i.u.bf16.f32 v18;
	v18 =	vunpack.i.l.bf16.f32 v18  }
0x55: {  	v16 =	vadd.f32 v17, v16;
	v17 =	vadd.f32 v18, v19;
	_ =	sdelay $0x1  }
0x56: {  	v16 =	vadd.f32 v17, v16;
	_ =	sdelay $0x1  }
0x57: {  	[tilespmem:$0xED30] =	vst v16  }
0x58: {  	v16 =	vld [tilespmem:s28+$0x7180]  }
0x59: {  	v17 =	vld [tilespmem:s28+$0x8580]  }
0x5a: {  	v28 =	vld [tilespmem:s28+$0x9980]  }
0x5b: {  	v29 =	vld [tilespmem:s28+$0x7190]  }
0x5c: {  	v30 =	vld [tilespmem:s28+$0x8590]  }
0x5d: {  	v31 =	vld [tilespmem:s28+$0x9990]  }
0x5e: {  	v32 =	vld [tilespmem:s28+$0x71A0]  }
0x5f: {  	v33 =	vld [tilespmem:s28+$0x85A0]  }
0x60: {  	v34 =	vld [tilespmem:s28+$0x99A0]  }
0x61: {  	v35 =	vld [tilespmem:s28+$0x71B0]  }
0x62: {  	v36 =	vld [tilespmem:s28+$0x85B0]  }
0x63: {  	v16 =	vmul.bf16 v17, v16  }
0x64: {  	v17 =	vmul.bf16 v30, v29  }
0x65: {  	v37 =	vld [tilespmem:s28+$0x99B0];
	v38 =	vmul.bf16 v33, v32;
	v16 =	vmul.bf16 v28, v16  }
0x66: {  	v17 =	vmul.bf16 v31, v17  }
0x67: {  	v19 =	vmul.bf16 v36, v35;
	v20 =	vmul.bf16 v34, v38;
	v39 =	vunpack.i.u.bf16.f32 v16  }
0x68: {  	v16 =	vunpack.i.l.bf16.f32 v16;
	v40 =	vunpack.i.u.bf16.f32 v17;
	v17 =	vunpack.i.l.bf16.f32 v17  }
0x69: {  	v16 =	vadd.f32 v16, v39;
	v17 =	vadd.f32 v17, v40  }
0x6a: {  	v18 =	vmul.bf16 v37, v19;
	v41 =	vunpack.i.u.bf16.f32 v20;
	v20 =	vunpack.i.l.bf16.f32 v20  }
0x6b: {  	v16 =	vadd.f32 v17, v16;
	v17 =	vadd.f32 v20, v41  }
0x6c: {  	v19 =	vunpack.i.u.bf16.f32 v18;
	v18 =	vunpack.i.l.bf16.f32 v18  }
0x6d: {  	v16 =	vadd.f32 v17, v16;
	v17 =	vadd.f32 v18, v19;
	_ =	sdelay $0x1  }
0x6e: {  	v16 =	vadd.f32 v17, v16;
	_ =	sdelay $0x1  }
0x6f: {  	[tilespmem:$0xED41] =	vst v16  }
0x70: {  	v16 =	vld [tilespmem:s28+$0x71C0]  }
0x71: {  	v17 =	vld [tilespmem:s28+$0x85C0]  }
0x72: {  	v42 =	vld [tilespmem:s28+$0x99C0]  }
0x73: {  	v43 =	vld [tilespmem:s28+$0x71D0]  }
0x74: {  	v44 =	vld [tilespmem:s28+$0x85D0]  }
0x75: {  	v45 =	vld [tilespmem:s28+$0x99D0]  }
0x76: {  	v46 =	vld [tilespmem:s28+$0x71E0]  }
0x77: {  	v47 =	vld [tilespmem:s28+$0x85E0]  }
0x78: {  	v48 =	vld [tilespmem:s28+$0x99E0]  }
0x79: {  	v49 =	vld [tilespmem:s28+$0x71F0]  }
0x7a: {  	v50 =	vld [tilespmem:s28+$0x85F0]  }
0x7b: {  	v16 =	vmul.bf16 v17, v16  }
0x7c: {  	v17 =	vmul.bf16 v44, v43  }
0x7d: {  	v51 =	vld [tilespmem:s28+$0x99F0];
	v52 =	vmul.bf16 v47, v46;
	v16 =	vmul.bf16 v42, v16  }
0x7e: {  	v17 =	vmul.bf16 v45, v17  }
0x7f: {  	v19 =	vmul.bf16 v50, v49;
	v20 =	vmul.bf16 v48, v52;
	v53 =	vunpack.i.u.bf16.f32 v16  }
0x80: {  	v16 =	vunpack.i.l.bf16.f32 v16;
	v54 =	vunpack.i.u.bf16.f32 v17;
	v17 =	vunpack.i.l.bf16.f32 v17  }
0x81: {  	v16 =	vadd.f32 v16, v53;
	v17 =	vadd.f32 v17, v54  }
0x82: {  	v18 =	vmul.bf16 v51, v19;
	v55 =	vunpack.i.u.bf16.f32 v20;
	v20 =	vunpack.i.l.bf16.f32 v20  }
0x83: {  	v16 =	vadd.f32 v17, v16;
	v17 =	vadd.f32 v20, v55  }
0x84: {  	v19 =	vunpack.i.u.bf16.f32 v18;
	v18 =	vunpack.i.l.bf16.f32 v18  }
0x85: {  	v16 =	vadd.f32 v17, v16;
	v17 =	vadd.f32 v18, v19;
	_ =	sdelay $0x1  }
0x86: {  	v16 =	vadd.f32 v17, v16;
	_ =	sdelay $0x1  }
0x87: {  	[tilespmem:$0xED52] =	vst v16  }
0x88: {  	v16 =	vld [tilespmem:s28+$0x7200]  }
0x89: {  	v17 =	vld [tilespmem:s28+$0x8600]  }
0x8a: {  	v56 =	vld [tilespmem:s28+$0x9A00]  }
0x8b: {  	v57 =	vld [tilespmem:s28+$0x7210]  }
0x8c: {  	v58 =	vld [tilespmem:s28+$0x8610]  }
0x8d: {  	v59 =	vld [tilespmem:s28+$0x9A10]  }
0x8e: {  	v60 =	vld [tilespmem:s28+$0x7220]  }
0x8f: {  	v61 =	vld [tilespmem:s28+$0x8620]  }
0x90: {  	v62 =	vld [tilespmem:s28+$0x9A20]  }
0x91: {  	v63 =	vld [tilespmem:s28+$0x7230]  }
0x92: {  	v26 =	vld [tilespmem:s28+$0x8630]  }
0x93: {  	v16 =	vmul.bf16 v17, v16  }
0x94: {  	v17 =	vmul.bf16 v58, v57  }
0x95: {  	v27 =	vld [tilespmem:s28+$0x9A30];
	v28 =	vmul.bf16 v61, v60;
	v16 =	vmul.bf16 v56, v16  }
0x96: {  	v17 =	vmul.bf16 v59, v17  }
0x97: {  	v19 =	vmul.bf16 v26, v63;
	v20 =	vmul.bf16 v62, v28;
	v29 =	vunpack.i.u.bf16.f32 v16  }
0x98: {  	v16 =	vunpack.i.l.bf16.f32 v16;
	v30 =	vunpack.i.u.bf16.f32 v17;
	v17 =	vunpack.i.l.bf16.f32 v17  }
0x99: {  	v16 =	vadd.f32 v16, v29;
	v17 =	vadd.f32 v17, v30  }
0x9a: {  	v18 =	vmul.bf16 v27, v19;
	v31 =	vunpack.i.u.bf16.f32 v20;
	v20 =	vunpack.i.l.bf16.f32 v20  }
0x9b: {  	v16 =	vadd.f32 v17, v16;
	v17 =	vadd.f32 v20, v31  }
0x9c: {  	v19 =	vunpack.i.u.bf16.f32 v18;
	v18 =	vunpack.i.l.bf16.f32 v18  }
0x9d: {  	v16 =	vadd.f32 v17, v16;
	v17 =	vadd.f32 v18, v19;
	_ =	sdelay $0x1  }
0x9e: {  	v16 =	vadd.f32 v17, v16;
	_ =	sdelay $0x1  }
0x9f: {  	[tilespmem:$0xED63] =	vst v16  }
0xa0: {  	v16 =	vld [tilespmem:s28+$0x7240]  }
0xa1: {  	v17 =	vld [tilespmem:s28+$0x8640]  }
0xa2: {  	v32 =	vld [tilespmem:s28+$0x9A40]  }
0xa3: {  	v33 =	vld [tilespmem:s28+$0x7250]  }
0xa4: {  	v34 =	vld [tilespmem:s28+$0x8650]  }
0xa5: {  	v35 =	vld [tilespmem:s28+$0x9A50]  }
0xa6: {  	v36 =	vld [tilespmem:s28+$0x7260]  }
0xa7: {  	v37 =	vld [tilespmem:s28+$0x8660]  }
0xa8: {  	v38 =	vld [tilespmem:s28+$0x9A60]  }
0xa9: {  	v39 =	vld [tilespmem:s28+$0x7270]  }
0xaa: {  	v40 =	vld [tilespmem:s28+$0x8670]  }
0xab: {  	v16 =	vmul.bf16 v17, v16  }
0xac: {  	v17 =	vmul.bf16 v34, v33  }
0xad: {  	v41 =	vld [tilespmem:s28+$0x9A70];
	v42 =	vmul.bf16 v37, v36;
	v16 =	vmul.bf16 v32, v16  }
0xae: {  	v17 =	vmul.bf16 v35, v17  }
0xaf: {  	v19 =	vmul.bf16 v40, v39;
	v20 =	vmul.bf16 v38, v42;
	v43 =	vunpack.i.u.bf16.f32 v16  }
0xb0: {  	v16 =	vunpack.i.l.bf16.f32 v16;
	v44 =	vunpack.i.u.bf16.f32 v17;
	v17 =	vunpack.i.l.bf16.f32 v17  }
0xb1: {  	v16 =	vadd.f32 v16, v43;
	v17 =	vadd.f32 v17, v44  }
0xb2: {  	v18 =	vmul.bf16 v41, v19;
	v45 =	vunpack.i.u.bf16.f32 v20;
	v20 =	vunpack.i.l.bf16.f32 v20  }
0xb3: {  	v16 =	vadd.f32 v17, v16;
	v17 =	vadd.f32 v20, v45  }
0xb4: {  	v19 =	vunpack.i.u.bf16.f32 v18;
	v18 =	vunpack.i.l.bf16.f32 v18  }
0xb5: {  	v16 =	vadd.f32 v17, v16;
	v17 =	vadd.f32 v18, v19;
	_ =	sdelay $0x1  }
0xb6: {  	v16 =	vadd.f32 v17, v16;
	_ =	sdelay $0x1  }
0xb7: {  	[tilespmem:$0xED74] =	vst v16  }
0xb8: {  	v16 =	vld [tilespmem:s28+$0x7280]  }
0xb9: {  	v17 =	vld [tilespmem:s28+$0x8680]  }
0xba: {  	v46 =	vld [tilespmem:s28+$0x9A80]  }
0xbb: {  	v47 =	vld [tilespmem:s28+$0x7290]  }
0xbc: {  	v48 =	vld [tilespmem:s28+$0x8690]  }
0xbd: {  	v49 =	vld [tilespmem:s28+$0x9A90]  }
0xbe: {  	v50 =	vld [tilespmem:s28+$0x72A0]  }
0xbf: {  	v51 =	vld [tilespmem:s28+$0x86A0]  }
0xc0: {  	v52 =	vld [tilespmem:s28+$0x9AA0]  }
0xc1: {  	v53 =	vld [tilespmem:s28+$0x72B0]  }
0xc2: {  	v54 =	vld [tilespmem:s28+$0x86B0]  }
0xc3: {  	v16 =	vmul.bf16 v17, v16  }
0xc4: {  	v17 =	vmul.bf16 v48, v47  }
0xc5: {  	v55 =	vld [tilespmem:s28+$0x9AB0];
	v56 =	vmul.bf16 v51, v50;
	v16 =	vmul.bf16 v46, v16  }
0xc6: {  	v17 =	vmul.bf16 v49, v17  }
0xc7: {  	v19 =	vmul.bf16 v54, v53;
	v20 =	vmul.bf16 v52, v56;
	v57 =	vunpack.i.u.bf16.f32 v16  }
0xc8: {  	v16 =	vunpack.i.l.bf16.f32 v16;
	v58 =	vunpack.i.u.bf16.f32 v17;
	v17 =	vunpack.i.l.bf16.f32 v17  }
0xc9: {  	v16 =	vadd.f32 v16, v57;
	v17 =	vadd.f32 v17, v58  }
0xca: {  	v18 =	vmul.bf16 v55, v19;
	v59 =	vunpack.i.u.bf16.f32 v20;
	v20 =	vunpack.i.l.bf16.f32 v20  }
0xcb: {  	v16 =	vadd.f32 v17, v16;
	v17 =	vadd.f32 v20, v59  }
0xcc: {  	v19 =	vunpack.i.u.bf16.f32 v18;
	v18 =	vunpack.i.l.bf16.f32 v18  }
0xcd: {  	v16 =	vadd.f32 v17, v16;
	v17 =	vadd.f32 v18, v19;
	_ =	sdelay $0x1  }
0xce: {  	v16 =	vadd.f32 v17, v16;
	_ =	sdelay $0x1  }
0xcf: {  	[tilespmem:$0xED85] =	vst v16  }
0xd0: {  	v16 =	vld [tilespmem:s28+$0x72C0]  }
0xd1: {  	v17 =	vld [tilespmem:s28+$0x86C0]  }
0xd2: {  	v60 =	vld [tilespmem:s28+$0x9AC0]  }
0xd3: {  	v61 =	vld [tilespmem:s28+$0x72D0]  }
0xd4: {  	v62 =	vld [tilespmem:s28+$0x86D0]  }
0xd5: {  	v63 =	vld [tilespmem:s28+$0x9AD0]  }
0xd6: {  	v28 =	vld [tilespmem:s28+$0x72E0]  }
0xd7: {  	v29 =	vld [tilespmem:s28+$0x86E0]  }
0xd8: {  	v30 =	vld [tilespmem:s28+$0x9AE0]  }
0xd9: {  	v31 =	vld [tilespmem:s28+$0x72F0]  }
0xda: {  	v32 =	vld [tilespmem:s28+$0x86F0]  }
0xdb: {  	v16 =	vmul.bf16 v17, v16  }
0xdc: {  	v17 =	vmul.bf16 v62, v61  }
0xdd: {  	v33 =	vld [tilespmem:s28+$0x9AF0];
	v34 =	vmul.bf16 v29, v28;
	v16 =	vmul.bf16 v60, v16  }
0xde: {  	v17 =	vmul.bf16 v63, v17  }
0xdf: {  	v19 =	vmul.bf16 v32, v31;
	v20 =	vmul.bf16 v30, v34;
	v35 =	vunpack.i.u.bf16.f32 v16  }
0xe0: {  	v16 =	vunpack.i.l.bf16.f32 v16;
	v36 =	vunpack.i.u.bf16.f32 v17;
	v17 =	vunpack.i.l.bf16.f32 v17  }
0xe1: {  	v16 =	vadd.f32 v16, v35;
	v17 =	vadd.f32 v17, v36  }
0xe2: {  	v18 =	vmul.bf16 v33, v19;
	v37 =	vunpack.i.u.bf16.f32 v20;
	v20 =	vunpack.i.l.bf16.f32 v20  }
0xe3: {  	v16 =	vadd.f32 v17, v16;
	v17 =	vadd.f32 v20, v37  }
0xe4: {  	v19 =	vunpack.i.u.bf16.f32 v18;
	v18 =	vunpack.i.l.bf16.f32 v18  }
0xe5: {  	v16 =	vadd.f32 v17, v16;
	v17 =	vadd.f32 v18, v19;
	_ =	sdelay $0x1  }
0xe6: {  	v16 =	vadd.f32 v17, v16;
	_ =	sdelay $0x1  }
0xe7: {  	[tilespmem:$0xED96] =	vst v16  }
0xe8: {  	v16 =	vld [tilespmem:s28+$0x7300]  }
0xe9: {  	v17 =	vld [tilespmem:s28+$0x8700]  }
0xea: {  	v38 =	vld [tilespmem:s28+$0x9B00]  }
0xeb: {  	v39 =	vld [tilespmem:s28+$0x7310]  }
0xec: {  	v40 =	vld [tilespmem:s28+$0x8710]  }
0xed: {  	v41 =	vld [tilespmem:s28+$0x9B10]  }
0xee: {  	v42 =	vld [tilespmem:s28+$0x7320]  }
0xef: {  	v43 =	vld [tilespmem:s28+$0x8720]  }
0xf0: {  	v44 =	vld [tilespmem:s28+$0x9B20]  }
0xf1: {  	v45 =	vld [tilespmem:s28+$0x7330]  }
0xf2: {  	v46 =	vld [tilespmem:s28+$0x8730]  }
0xf3: {  	v16 =	vmul.bf16 v17, v16  }
0xf4: {  	v17 =	vmul.bf16 v40, v39  }
0xf5: {  	v47 =	vld [tilespmem:s28+$0x9B30];
	v48 =	vmul.bf16 v43, v42;
	v16 =	vmul.bf16 v38, v16  }
0xf6: {  	v17 =	vmul.bf16 v41, v17  }
0xf7: {  	v19 =	vmul.bf16 v46, v45;
	v20 =	vmul.bf16 v44, v48;
	v49 =	vunpack.i.u.bf16.f32 v16  }
0xf8: {  	v16 =	vunpack.i.l.bf16.f32 v16;
	v50 =	vunpack.i.u.bf16.f32 v17;
	v17 =	vunpack.i.l.bf16.f32 v17  }
0xf9: {  	v16 =	vadd.f32 v16, v49;
	v17 =	vadd.f32 v17, v50  }
0xfa: {  	v18 =	vmul.bf16 v47, v19;
	v51 =	vunpack.i.u.bf16.f32 v20;
	v20 =	vunpack.i.l.bf16.f32 v20  }
0xfb: {  	v16 =	vadd.f32 v17, v16;
	v17 =	vadd.f32 v20, v51  }
0xfc: {  	v19 =	vunpack.i.u.bf16.f32 v18;
	v18 =	vunpack.i.l.bf16.f32 v18  }
0xfd: {  	v16 =	vadd.f32 v17, v16;
	v17 =	vadd.f32 v18, v19;
	_ =	sdelay $0x1  }
0xfe: {  	v16 =	vadd.f32 v17, v16;
	_ =	sdelay $0x1  }
0xff: {  	[tilespmem:$0xEDA7] =	vst v16  }
0x100: {  	v16 =	vld [tilespmem:s28+$0x7340]  }
0x101: {  	v17 =	vld [tilespmem:s28+$0x8740]  }
0x102: {  	v52 =	vld [tilespmem:s28+$0x9B40]  }
0x103: {  	v53 =	vld [tilespmem:s28+$0x7350]  }
0x104: {  	v54 =	vld [tilespmem:s28+$0x8750]  }
0x105: {  	v55 =	vld [tilespmem:s28+$0x9B50]  }
0x106: {  	v56 =	vld [tilespmem:s28+$0x7360]  }
0x107: {  	v57 =	vld [tilespmem:s28+$0x8760]  }
0x108: {  	v58 =	vld [tilespmem:s28+$0x9B60]  }
0x109: {  	v59 =	vld [tilespmem:s28+$0x7370]  }
0x10a: {  	v60 =	vld [tilespmem:s28+$0x8770]  }
0x10b: {  	v16 =	vmul.bf16 v17, v16  }
0x10c: {  	v17 =	vmul.bf16 v54, v53  }
0x10d: {  	v61 =	vld [tilespmem:s28+$0x9B70];
	v62 =	vmul.bf16 v57, v56;
	v16 =	vmul.bf16 v52, v16  }
0x10e: {  	v17 =	vmul.bf16 v55, v17  }
0x10f: {  	v19 =	vmul.bf16 v60, v59;
	v20 =	vmul.bf16 v58, v62;
	v63 =	vunpack.i.u.bf16.f32 v16  }
0x110: {  	v16 =	vunpack.i.l.bf16.f32 v16;
	v26 =	vunpack.i.u.bf16.f32 v17;
	v17 =	vunpack.i.l.bf16.f32 v17  }
0x111: {  	v16 =	vadd.f32 v16, v63;
	v17 =	vadd.f32 v17, v26  }
0x112: {  	v18 =	vmul.bf16 v61, v19;
	v27 =	vunpack.i.u.bf16.f32 v20;
	v20 =	vunpack.i.l.bf16.f32 v20  }
0x113: {  	v16 =	vadd.f32 v17, v16;
	v17 =	vadd.f32 v20, v27  }
0x114: {  	v19 =	vunpack.i.u.bf16.f32 v18;
	v18 =	vunpack.i.l.bf16.f32 v18  }
0x115: {  	v16 =	vadd.f32 v17, v16;
	v17 =	vadd.f32 v18, v19;
	_ =	sdelay $0x1  }
0x116: {  	v16 =	vadd.f32 v17, v16;
	_ =	sdelay $0x1  }
0x117: {  	[tilespmem:$0xEDB8] =	vst v16  }
0x118: {  	v16 =	vld [tilespmem:s28+$0x7380]  }
0x119: {  	v17 =	vld [tilespmem:s28+$0x8780]  }
0x11a: {  	v28 =	vld [tilespmem:s28+$0x9B80]  }
0x11b: {  	v29 =	vld [tilespmem:s28+$0x7390]  }
0x11c: {  	v30 =	vld [tilespmem:s28+$0x8790]  }
0x11d: {  	v31 =	vld [tilespmem:s28+$0x9B90]  }
0x11e: {  	v32 =	vld [tilespmem:s28+$0x73A0]  }
0x11f: {  	v33 =	vld [tilespmem:s28+$0x87A0]  }
0x120: {  	v34 =	vld [tilespmem:s28+$0x9BA0]  }
0x121: {  	v35 =	vld [tilespmem:s28+$0x73B0]  }
0x122: {  	v36 =	vld [tilespmem:s28+$0x87B0]  }
0x123: {  	v16 =	vmul.bf16 v17, v16  }
0x124: {  	v17 =	vmul.bf16 v30, v29  }
0x125: {  	v37 =	vld [tilespmem:s28+$0x9BB0];
	v38 =	vmul.bf16 v33, v32;
	v16 =	vmul.bf16 v28, v16  }
0x126: {  	v17 =	vmul.bf16 v31, v17  }
0x127: {  	v19 =	vmul.bf16 v36, v35;
	v20 =	vmul.bf16 v34, v38;
	v39 =	vunpack.i.u.bf16.f32 v16  }
0x128: {  	v16 =	vunpack.i.l.bf16.f32 v16;
	v40 =	vunpack.i.u.bf16.f32 v17;
	v17 =	vunpack.i.l.bf16.f32 v17  }
0x129: {  	v16 =	vadd.f32 v16, v39;
	v17 =	vadd.f32 v17, v40  }
0x12a: {  	v18 =	vmul.bf16 v37, v19;
	v41 =	vunpack.i.u.bf16.f32 v20;
	v20 =	vunpack.i.l.bf16.f32 v20  }
0x12b: {  	v16 =	vadd.f32 v17, v16;
	v17 =	vadd.f32 v20, v41  }
0x12c: {  	v19 =	vunpack.i.u.bf16.f32 v18;
	v18 =	vunpack.i.l.bf16.f32 v18  }
0x12d: {  	v16 =	vadd.f32 v17, v16;
	v17 =	vadd.f32 v18, v19;
	_ =	sdelay $0x1  }
0x12e: {  	v16 =	vadd.f32 v17, v16;
	_ =	sdelay $0x1  }
0x12f: {  	[tilespmem:$0xEDC9] =	vst v16  }
0x130: {  	v16 =	vld [tilespmem:s28+$0x73C0]  }
0x131: {  	v17 =	vld [tilespmem:s28+$0x87C0]  }
0x132: {  	v42 =	vld [tilespmem:s28+$0x9BC0]  }
0x133: {  	v43 =	vld [tilespmem:s28+$0x73D0]  }
0x134: {  	v44 =	vld [tilespmem:s28+$0x87D0]  }
0x135: {  	v45 =	vld [tilespmem:s28+$0x9BD0]  }
0x136: {  	v46 =	vld [tilespmem:s28+$0x73E0]  }
0x137: {  	v47 =	vld [tilespmem:s28+$0x87E0]  }
0x138: {  	v48 =	vld [tilespmem:s28+$0x9BE0]  }
0x139: {  	v49 =	vld [tilespmem:s28+$0x73F0]  }
0x13a: {  	v50 =	vld [tilespmem:s28+$0x87F0]  }
0x13b: {  	v16 =	vmul.bf16 v17, v16  }
0x13c: {  	v17 =	vmul.bf16 v44, v43  }
0x13d: {  	v51 =	vld [tilespmem:s28+$0x9BF0];
	v52 =	vmul.bf16 v47, v46;
	v16 =	vmul.bf16 v42, v16  }
0x13e: {  	v17 =	vmul.bf16 v45, v17  }
0x13f: {  	v19 =	vmul.bf16 v50, v49;
	v20 =	vmul.bf16 v48, v52;
	v53 =	vunpack.i.u.bf16.f32 v16  }
0x140: {  	v16 =	vunpack.i.l.bf16.f32 v16;
	v54 =	vunpack.i.u.bf16.f32 v17;
	v17 =	vunpack.i.l.bf16.f32 v17  }
0x141: {  	v16 =	vadd.f32 v16, v53;
	v17 =	vadd.f32 v17, v54  }
0x142: {  	v18 =	vmul.bf16 v51, v19;
	v55 =	vunpack.i.u.bf16.f32 v20;
	v20 =	vunpack.i.l.bf16.f32 v20  }
0x143: {  	v16 =	vadd.f32 v17, v16;
	v17 =	vadd.f32 v20, v55  }
0x144: {  	v19 =	vunpack.i.u.bf16.f32 v18;
	v18 =	vunpack.i.l.bf16.f32 v18  }
0x145: {  	v16 =	vadd.f32 v17, v16;
	v17 =	vadd.f32 v18, v19;
	_ =	sdelay $0x1  }
0x146: {  	v16 =	vadd.f32 v17, v16;
	_ =	sdelay $0x1  }
0x147: {  	[tilespmem:$0xEDDA] =	vst v16  }
0x148: {  	v16 =	vld [tilespmem:s28+$0x7400]  }
0x149: {  	v17 =	vld [tilespmem:s28+$0x8800]  }
0x14a: {  	v56 =	vld [tilespmem:s28+$0x9C00]  }
0x14b: {  	v57 =	vld [tilespmem:s28+$0x7410]  }
0x14c: {  	v58 =	vld [tilespmem:s28+$0x8810]  }
0x14d: {  	v59 =	vld [tilespmem:s28+$0x9C10]  }
0x14e: {  	v60 =	vld [tilespmem:s28+$0x7420]  }
0x14f: {  	v61 =	vld [tilespmem:s28+$0x8820]  }
0x150: {  	v62 =	vld [tilespmem:s28+$0x9C20]  }
0x151: {  	v63 =	vld [tilespmem:s28+$0x7430]  }
0x152: {  	v28 =	vld [tilespmem:s28+$0x8830]  }
0x153: {  	v16 =	vmul.bf16 v17, v16  }
0x154: {  	v17 =	vmul.bf16 v58, v57  }
0x155: {  	v29 =	vld [tilespmem:s28+$0x9C30];
	v30 =	vmul.bf16 v61, v60;
	v16 =	vmul.bf16 v56, v16  }
0x156: {  	v17 =	vmul.bf16 v59, v17  }
0x157: {  	v19 =	vmul.bf16 v28, v63;
	v20 =	vmul.bf16 v62, v30;
	v31 =	vunpack.i.u.bf16.f32 v16  }
0x158: {  	v16 =	vunpack.i.l.bf16.f32 v16;
	v32 =	vunpack.i.u.bf16.f32 v17;
	v17 =	vunpack.i.l.bf16.f32 v17  }
0x159: {  	v16 =	vadd.f32 v16, v31;
	v17 =	vadd.f32 v17, v32  }
0x15a: {  	v18 =	vmul.bf16 v29, v19;
	v33 =	vunpack.i.u.bf16.f32 v20;
	v20 =	vunpack.i.l.bf16.f32 v20  }
0x15b: {  	v16 =	vadd.f32 v17, v16;
	v17 =	vadd.f32 v20, v33  }
0x15c: {  	v19 =	vunpack.i.u.bf16.f32 v18;
	v18 =	vunpack.i.l.bf16.f32 v18  }
0x15d: {  	v16 =	vadd.f32 v17, v16;
	v17 =	vadd.f32 v18, v19;
	_ =	sdelay $0x1  }
0x15e: {  	v16 =	vadd.f32 v17, v16;
	_ =	sdelay $0x1  }
0x15f: {  	[tilespmem:$0xEDEB] =	vst v16  }
0x160: {  	v16 =	vld [tilespmem:s28+$0x7440]  }
0x161: {  	v17 =	vld [tilespmem:s28+$0x8840]  }
0x162: {  	v34 =	vld [tilespmem:s28+$0x9C40]  }
0x163: {  	v35 =	vld [tilespmem:s28+$0x7450]  }
0x164: {  	v36 =	vld [tilespmem:s28+$0x8850]  }
0x165: {  	v37 =	vld [tilespmem:s28+$0x9C50]  }
0x166: {  	v38 =	vld [tilespmem:s28+$0x7460]  }
0x167: {  	v39 =	vld [tilespmem:s28+$0x8860]  }
0x168: {  	v40 =	vld [tilespmem:s28+$0x9C60]  }
0x169: {  	v41 =	vld [tilespmem:s28+$0x7470]  }
0x16a: {  	v42 =	vld [tilespmem:s28+$0x8870]  }
0x16b: {  	v16 =	vmul.bf16 v17, v16  }
0x16c: {  	v17 =	vmul.bf16 v36, v35  }
0x16d: {  	v43 =	vld [tilespmem:s28+$0x9C70];
	v44 =	vmul.bf16 v39, v38;
	v16 =	vmul.bf16 v34, v16  }
0x16e: {  	v17 =	vmul.bf16 v37, v17  }
0x16f: {  	v19 =	vmul.bf16 v42, v41;
	v20 =	vmul.bf16 v40, v44;
	v45 =	vunpack.i.u.bf16.f32 v16  }
0x170: {  	v16 =	vunpack.i.l.bf16.f32 v16;
	v46 =	vunpack.i.u.bf16.f32 v17;
	v17 =	vunpack.i.l.bf16.f32 v17  }
0x171: {  	v16 =	vadd.f32 v16, v45;
	v17 =	vadd.f32 v17, v46  }
0x172: {  	v18 =	vmul.bf16 v43, v19;
	v47 =	vunpack.i.u.bf16.f32 v20;
	v20 =	vunpack.i.l.bf16.f32 v20  }
0x173: {  	v16 =	vadd.f32 v17, v16;
	v17 =	vadd.f32 v20, v47  }
0x174: {  	v19 =	vunpack.i.u.bf16.f32 v18;
	v18 =	vunpack.i.l.bf16.f32 v18  }
0x175: {  	v16 =	vadd.f32 v17, v16;
	v17 =	vadd.f32 v18, v19;
	_ =	sdelay $0x1  }
0x176: {  	v16 =	vadd.f32 v17, v16;
	_ =	sdelay $0x1  }
0x177: {  	[tilespmem:$0xEDFC] =	vst v16  }
0x178: {  	v16 =	vld [tilespmem:s28+$0x7480]  }
0x179: {  	v17 =	vld [tilespmem:s28+$0x8880]  }
0x17a: {  	v48 =	vld [tilespmem:s28+$0x9C80]  }
0x17b: {  	v49 =	vld [tilespmem:s28+$0x7490]  }
0x17c: {  	v50 =	vld [tilespmem:s28+$0x8890]  }
0x17d: {  	v51 =	vld [tilespmem:s28+$0x9C90]  }
0x17e: {  	v52 =	vld [tilespmem:s28+$0x74A0]  }
0x17f: {  	v53 =	vld [tilespmem:s28+$0x88A0]  }
0x180: {  	v54 =	vld [tilespmem:s28+$0x9CA0]  }
0x181: {  	v55 =	vld [tilespmem:s28+$0x74B0]  }
0x182: {  	v56 =	vld [tilespmem:s28+$0x88B0]  }
0x183: {  	v16 =	vmul.bf16 v17, v16  }
0x184: {  	v17 =	vmul.bf16 v50, v49  }
0x185: {  	v57 =	vld [tilespmem:s28+$0x9CB0];
	v58 =	vmul.bf16 v53, v52;
	v16 =	vmul.bf16 v48, v16  }
0x186: {  	v17 =	vmul.bf16 v51, v17  }
0x187: {  	v19 =	vmul.bf16 v56, v55;
	v20 =	vmul.bf16 v54, v58;
	v59 =	vunpack.i.u.bf16.f32 v16  }
0x188: {  	v16 =	vunpack.i.l.bf16.f32 v16;
	v60 =	vunpack.i.u.bf16.f32 v17;
	v17 =	vunpack.i.l.bf16.f32 v17  }
0x189: {  	v16 =	vadd.f32 v16, v59;
	v17 =	vadd.f32 v17, v60  }
0x18a: {  	v18 =	vmul.bf16 v57, v19;
	v61 =	vunpack.i.u.bf16.f32 v20;
	v20 =	vunpack.i.l.bf16.f32 v20  }
0x18b: {  	v16 =	vadd.f32 v17, v16;
	v17 =	vadd.f32 v20, v61  }
0x18c: {  	v19 =	vunpack.i.u.bf16.f32 v18;
	v18 =	vunpack.i.l.bf16.f32 v18  }
0x18d: {  	v16 =	vadd.f32 v17, v16;
	v17 =	vadd.f32 v18, v19;
	_ =	sdelay $0x1  }
0x18e: {  	v16 =	vadd.f32 v17, v16;
	_ =	sdelay $0x1  }
0x18f: {  	[tilespmem:$0xEE0D] =	vst v16  }
0x190: {  	v16 =	vld [tilespmem:s28+$0x74C0]  }
0x191: {  	v17 =	vld [tilespmem:s28+$0x88C0]  }
0x192: {  	v62 =	vld [tilespmem:s28+$0x9CC0]  }
0x193: {  	v63 =	vld [tilespmem:s28+$0x74D0]  }
0x194: {  	v28 =	vld [tilespmem:s28+$0x88D0]  }
0x195: {  	v29 =	vld [tilespmem:s28+$0x9CD0]  }
0x196: {  	v30 =	vld [tilespmem:s28+$0x74E0]  }
0x197: {  	v31 =	vld [tilespmem:s28+$0x88E0]  }
0x198: {  	v32 =	vld [tilespmem:s28+$0x9CE0]  }
0x199: {  	v33 =	vld [tilespmem:s28+$0x74F0]  }
0x19a: {  	v34 =	vld [tilespmem:s28+$0x88F0]  }
0x19b: {  	v16 =	vmul.bf16 v17, v16  }
0x19c: {  	v17 =	vmul.bf16 v28, v63  }
0x19d: {  	v35 =	vld [tilespmem:s28+$0x9CF0];
	v36 =	vmul.bf16 v31, v30;
	v16 =	vmul.bf16 v62, v16  }
0x19e: {  	v17 =	vmul.bf16 v29, v17  }
0x19f: {  	v19 =	vmul.bf16 v34, v33;
	v20 =	vmul.bf16 v32, v36;
	v37 =	vunpack.i.u.bf16.f32 v16  }
0x1a0: {  	v16 =	vunpack.i.l.bf16.f32 v16;
	v38 =	vunpack.i.u.bf16.f32 v17;
	v17 =	vunpack.i.l.bf16.f32 v17  }
0x1a1: {  	v16 =	vadd.f32 v16, v37;
	v17 =	vadd.f32 v17, v38  }
0x1a2: {  	v18 =	vmul.bf16 v35, v19;
	v39 =	vunpack.i.u.bf16.f32 v20;
	v20 =	vunpack.i.l.bf16.f32 v20  }
0x1a3: {  	v16 =	vadd.f32 v17, v16;
	v17 =	vadd.f32 v20, v39  }
0x1a4: {  	v19 =	vunpack.i.u.bf16.f32 v18;
	v18 =	vunpack.i.l.bf16.f32 v18  }
0x1a5: {  	v16 =	vadd.f32 v17, v16;
	v17 =	vadd.f32 v18, v19;
	_ =	sdelay $0x1  }
0x1a6: {  	v16 =	vadd.f32 v17, v16;
	_ =	sdelay $0x1  }
0x1a7: {  	[tilespmem:$0xEE1E] =	vst v16  }
0x1a8: {  	v16 =	vld [tilespmem:s28+$0x7500]  }
0x1a9: {  	v17 =	vld [tilespmem:s28+$0x8900]  }
0x1aa: {  	v40 =	vld [tilespmem:s28+$0x9D00]  }
0x1ab: {  	v41 =	vld [tilespmem:s28+$0x7510]  }
0x1ac: {  	v42 =	vld [tilespmem:s28+$0x8910]  }
0x1ad: {  	v43 =	vld [tilespmem:s28+$0x9D10]  }
0x1ae: {  	v44 =	vld [tilespmem:s28+$0x7520]  }
0x1af: {  	v45 =	vld [tilespmem:s28+$0x8920]  }
0x1b0: {  	v46 =	vld [tilespmem:s28+$0x9D20]  }
0x1b1: {  	v47 =	vld [tilespmem:s28+$0x7530]  }
0x1b2: {  	v16 =	vmul.bf16 v17, v16;
	v17 =	vld [tilespmem:s28+$0x8930]  }
0x1b3: {  	v19 =	vmul.bf16 v42, v41  }
0x1b4: {  	v49 =	vld [tilespmem:s28+$0x9D30];
	v48 =	vmul.bf16 v45, v44;
	v16 =	vmul.bf16 v40, v16  }
0x1b5: {  	v19 =	vmul.bf16 v43, v19  }
0x1b6: {  	v18 =	vmul.bf16 v46, v48;
	v50 =	vunpack.i.u.bf16.f32 v16;
	v16 =	vunpack.i.l.bf16.f32 v16  }
0x1b7: {  	v51 =	vunpack.i.u.bf16.f32 v19;
	v19 =	vunpack.i.l.bf16.f32 v19;
	v17 =	vmul.bf16 v17, v47  }
0x1b8: {  	v16 =	vadd.f32 v16, v50;
	v19 =	vadd.f32 v19, v51  }
0x1b9: {  	v52 =	vunpack.i.u.bf16.f32 v18;
	v18 =	vunpack.i.l.bf16.f32 v18;
	v17 =	vmul.bf16 v49, v17  }
0x1ba: {  	v18 =	vadd.f32 v18, v52;
	v16 =	vadd.f32 v19, v16  }
0x1bb: {  	v53 =	vunpack.i.u.bf16.f32 v17;
	v17 =	vunpack.i.l.bf16.f32 v17  }
0x1bc: {  	v16 =	vadd.f32 v18, v16;
	v17 =	vadd.f32 v17, v53;
	_ =	sdelay $0x1  }
0x1bd: {  	v16 =	vadd.f32 v17, v16;
	_ =	sdelay $0x1  }
0x1be: {  	[tilespmem:$0xEE2F] =	vst v16  }
0x1bf: {  	v16 =	vld.idx.msk [tilespmem:v0+s18+$0x0], $0xffff  }
0x1c0: {  	v17 =	vld.idx.msk [tilespmem:v1+s18+$0x0], $0xffff;
	_ =	sdelay $0x1  }
0x1c1: {  	v54 =	vld.idx.msk [tilespmem:v2+s18+$0x0], $0xffff;
	_ =	sdelay $0x1  }
0x1c2: {  	v55 =	vld.idx.msk [tilespmem:v3+s18+$0x0], $0xffff  }
0x1c3: {  	v16 =	vadd.f32 v17, v16  }
0x1c4: {  	v17 =	vld.idx.msk [tilespmem:v4+s18+$0x0], $0xffff  }
0x1c5: {  	v16 =	vadd.f32 v54, v16  }
0x1c6: {  	v56 =	vld.idx.msk [tilespmem:v5+s18+$0x0], $0xffff  }
0x1c7: {  	v16 =	vadd.f32 v55, v16  }
0x1c8: {  	v57 =	vld.idx.msk [tilespmem:v6+s18+$0x0], $0xffff  }
0x1c9: {  	v16 =	vadd.f32 v17, v16  }
0x1ca: {  	v17 =	vld.idx.msk [tilespmem:v7+s18+$0x0], $0xffff  }
0x1cb: {  	v16 =	vadd.f32 v56, v16  }
0x1cc: {  	v58 =	vld.idx.msk [tilespmem:v8+s18+$0x0], $0xffff  }
0x1cd: {  	v16 =	vadd.f32 v57, v16  }
0x1ce: {  	v59 =	vld.idx.msk [tilespmem:v9+s18+$0x0], $0xffff  }
0x1cf: {  	v16 =	vadd.f32 v17, v16  }
0x1d0: {  	v17 =	vld.idx.msk [tilespmem:v10+s18+$0x0], $0xffff  }
0x1d1: {  	v16 =	vadd.f32 v58, v16  }
0x1d2: {  	v60 =	vld.idx.msk [tilespmem:v11+s18+$0x0], $0xffff  }
0x1d3: {  	v16 =	vadd.f32 v59, v16  }
0x1d4: {  	v61 =	vld.idx.msk [tilespmem:v12+s18+$0x0], $0xffff  }
0x1d5: {  	v16 =	vadd.f32 v17, v16  }
0x1d6: {  	v17 =	vld.idx.msk [tilespmem:v13+s18+$0x0], $0xffff  }
0x1d7: {  	v16 =	vadd.f32 v60, v16  }
0x1d8: {  	v62 =	vld.idx.msk [tilespmem:v14+s18+$0x0], $0xffff  }
0x1d9: {  	v16 =	vadd.f32 v61, v16  }
0x1da: {  	v63 =	vld.idx.msk [tilespmem:v15+s18+$0x0], $0xffff  }
0x1db: {  	v16 =	vadd.f32 v17, v16  }
0x1dc: {  	p1 =	sne.s32 s25, $0x4FC0  }
.Ltmp4:
0x1dd: {  	v16 =	vadd.f32 v62, v16;
	(pc) =	sbr.rel @p1 .LBB2_3-.Ltmp4, $3  }
0x1de: {  	_ = 	snop  }
0x1df: {  	v16 =	vadd.f32 v63, v16;
	_ =	sdelay $0x1  }
0x1e0: {  	s25 =	sadd.s32 $0x1000, s25;
	[tilespmem:s26+$0x0] =	vst v16;
	s26 =	sadd.s32 $0x10, s26  }
.Ltmp5:
0x1e1: {  	(pc) =	sbr.rel @p0 .LBB2_7-.Ltmp5, $1  }
0x1e2: {  	_ =	sdelay $0x3  }
0x1e3: {  	s25 =	smul.u32 $0xA0, s24;
	_ =	sdelay $0x1  }
0x1e4: {  	s26 =	sadd.s32 $0xA0, s25  }
0x1e5: {  	[tilespmem:s14], [sflag:$0x1] =	stream.indirect.gather [hbm4b:s3+s13], $0x40, s26, s13, $0xb8;
	[tilespmem:$0x11550] =	vst v63  }
0x1e6: {  	s31 =	sadd.s32 $0x27B0, s25  }
0x1e7: {  	[tilespmem:s15], [sflag:$0x1] =	stream.indirect.gather [hbm4b:s3+s13], $0x40, s31, s13, $0xb8;
	[tilespmem:$0x11550] =	vst v63  }
0x1e8: {  	s25 =	sadd.s32 $0x4EC0, s25  }
0x1e9: {  	[tilespmem:s16], [sflag:$0x1] =	stream.indirect.gather [hbm4b:s4+s13], $0x40, s25, s13, $0xb8;
	[tilespmem:$0x11550] =	vst v63  }
0x1ea: {  	_ =	swait.ge [sflag:s19], $0x1400  }
0x1eb: {  	[sflag:s19] =	ssyncset.done $0x0  }
0x1ec: {  	[sflag:s19] =	ssyncadd.s32 $0xFFFFEC00  }
0x1ed: {  	_ =	swait.ge [sflag:s19], $0x1400  }
0x1ee: {  	[sflag:s19] =	ssyncset.done $0x0  }
0x1ef: {  	[sflag:s19] =	ssyncadd.s32 $0xFFFFEC00  }
0x1f0: {  	_ =	swait.ge [sflag:s19], $0x1400  }
0x1f1: {  	[sflag:s19] =	ssyncset.done $0x0  }
0x1f2: {  	s26 =	smov.u32 s22;
	s25 =	simm.s32 $0xFC0;
	[sflag:s19] =	ssyncadd.s32 $0xFFFFEC00  }
.LBB2_6:
0x1f3: {  	s28 =	sshra.s32 s25, $0x2  }
0x1f4: {  	v16 =	vld [tilespmem:s28+$0xAD40]  }
0x1f5: {  	v17 =	vld [tilespmem:s28+$0xC140]  }
0x1f6: {  	v18 =	vld [tilespmem:s28+$0xD540]  }
0x1f7: {  	v19 =	vld [tilespmem:s28+$0xAD50]  }
0x1f8: {  	v20 =	vld [tilespmem:s28+$0xC150]  }
0x1f9: {  	v21 =	vld [tilespmem:s28+$0xD550]  }
0x1fa: {  	v22 =	vld [tilespmem:s28+$0xAD60]  }
0x1fb: {  	v23 =	vld [tilespmem:s28+$0xC160]  }
0x1fc: {  	v24 =	vld [tilespmem:s28+$0xD560]  }
0x1fd: {  	v25 =	vld [tilespmem:s28+$0xAD70]  }
0x1fe: {  	v60 =	vld [tilespmem:s28+$0xC170]  }
0x1ff: {  	v16 =	vmul.bf16 v17, v16  }
0x200: {  	v17 =	vmul.bf16 v20, v19  }
0x201: {  	v61 =	vld [tilespmem:s28+$0xD570];
	v62 =	vmul.bf16 v23, v22;
	v16 =	vmul.bf16 v18, v16  }
0x202: {  	v17 =	vmul.bf16 v21, v17  }
0x203: {  	v19 =	vmul.bf16 v60, v25;
	v20 =	vmul.bf16 v24, v62;
	v63 =	vunpack.i.u.bf16.f32 v16  }
0x204: {  	v16 =	vunpack.i.l.bf16.f32 v16;
	v26 =	vunpack.i.u.bf16.f32 v17;
	v17 =	vunpack.i.l.bf16.f32 v17  }
0x205: {  	v16 =	vadd.f32 v16, v63;
	v17 =	vadd.f32 v17, v26  }
0x206: {  	v18 =	vmul.bf16 v61, v19;
	v27 =	vunpack.i.u.bf16.f32 v20;
	v20 =	vunpack.i.l.bf16.f32 v20  }
0x207: {  	v16 =	vadd.f32 v17, v16;
	v17 =	vadd.f32 v20, v27  }
0x208: {  	v19 =	vunpack.i.u.bf16.f32 v18;
	v18 =	vunpack.i.l.bf16.f32 v18  }
0x209: {  	v16 =	vadd.f32 v17, v16;
	v17 =	vadd.f32 v18, v19;
	_ =	sdelay $0x1  }
0x20a: {  	v16 =	vadd.f32 v17, v16;
	_ =	sdelay $0x1  }
0x20b: {  	[tilespmem:$0xED30] =	vst v16  }
0x20c: {  	v16 =	vld [tilespmem:s28+$0xAD80]  }
0x20d: {  	v17 =	vld [tilespmem:s28+$0xC180]  }
0x20e: {  	v28 =	vld [tilespmem:s28+$0xD580]  }
0x20f: {  	v29 =	vld [tilespmem:s28+$0xAD90]  }
0x210: {  	v30 =	vld [tilespmem:s28+$0xC190]  }
0x211: {  	v31 =	vld [tilespmem:s28+$0xD590]  }
0x212: {  	v32 =	vld [tilespmem:s28+$0xADA0]  }
0x213: {  	v33 =	vld [tilespmem:s28+$0xC1A0]  }
0x214: {  	v34 =	vld [tilespmem:s28+$0xD5A0]  }
0x215: {  	v35 =	vld [tilespmem:s28+$0xADB0]  }
0x216: {  	v36 =	vld [tilespmem:s28+$0xC1B0]  }
0x217: {  	v16 =	vmul.bf16 v17, v16  }
0x218: {  	v17 =	vmul.bf16 v30, v29  }
0x219: {  	v37 =	vld [tilespmem:s28+$0xD5B0];
	v38 =	vmul.bf16 v33, v32;
	v16 =	vmul.bf16 v28, v16  }
0x21a: {  	v17 =	vmul.bf16 v31, v17  }
0x21b: {  	v19 =	vmul.bf16 v36, v35;
	v20 =	vmul.bf16 v34, v38;
	v39 =	vunpack.i.u.bf16.f32 v16  }
0x21c: {  	v16 =	vunpack.i.l.bf16.f32 v16;
	v40 =	vunpack.i.u.bf16.f32 v17;
	v17 =	vunpack.i.l.bf16.f32 v17  }
0x21d: {  	v16 =	vadd.f32 v16, v39;
	v17 =	vadd.f32 v17, v40  }
0x21e: {  	v18 =	vmul.bf16 v37, v19;
	v41 =	vunpack.i.u.bf16.f32 v20;
	v20 =	vunpack.i.l.bf16.f32 v20  }
0x21f: {  	v16 =	vadd.f32 v17, v16;
	v17 =	vadd.f32 v20, v41  }
0x220: {  	v19 =	vunpack.i.u.bf16.f32 v18;
	v18 =	vunpack.i.l.bf16.f32 v18  }
0x221: {  	v16 =	vadd.f32 v17, v16;
	v17 =	vadd.f32 v18, v19;
	_ =	sdelay $0x1  }
0x222: {  	v16 =	vadd.f32 v17, v16;
	_ =	sdelay $0x1  }
0x223: {  	[tilespmem:$0xED41] =	vst v16  }
0x224: {  	v16 =	vld [tilespmem:s28+$0xADC0]  }
0x225: {  	v17 =	vld [tilespmem:s28+$0xC1C0]  }
0x226: {  	v42 =	vld [tilespmem:s28+$0xD5C0]  }
0x227: {  	v43 =	vld [tilespmem:s28+$0xADD0]  }
0x228: {  	v44 =	vld [tilespmem:s28+$0xC1D0]  }
0x229: {  	v45 =	vld [tilespmem:s28+$0xD5D0]  }
0x22a: {  	v46 =	vld [tilespmem:s28+$0xADE0]  }
0x22b: {  	v47 =	vld [tilespmem:s28+$0xC1E0]  }
0x22c: {  	v48 =	vld [tilespmem:s28+$0xD5E0]  }
0x22d: {  	v49 =	vld [tilespmem:s28+$0xADF0]  }
0x22e: {  	v50 =	vld [tilespmem:s28+$0xC1F0]  }
0x22f: {  	v16 =	vmul.bf16 v17, v16  }
0x230: {  	v17 =	vmul.bf16 v44, v43  }
0x231: {  	v51 =	vld [tilespmem:s28+$0xD5F0];
	v52 =	vmul.bf16 v47, v46;
	v16 =	vmul.bf16 v42, v16  }
0x232: {  	v17 =	vmul.bf16 v45, v17  }
0x233: {  	v19 =	vmul.bf16 v50, v49;
	v20 =	vmul.bf16 v48, v52;
	v53 =	vunpack.i.u.bf16.f32 v16  }
0x234: {  	v16 =	vunpack.i.l.bf16.f32 v16;
	v54 =	vunpack.i.u.bf16.f32 v17;
	v17 =	vunpack.i.l.bf16.f32 v17  }
0x235: {  	v16 =	vadd.f32 v16, v53;
	v17 =	vadd.f32 v17, v54  }
0x236: {  	v18 =	vmul.bf16 v51, v19;
	v55 =	vunpack.i.u.bf16.f32 v20;
	v20 =	vunpack.i.l.bf16.f32 v20  }
0x237: {  	v16 =	vadd.f32 v17, v16;
	v17 =	vadd.f32 v20, v55  }
0x238: {  	v19 =	vunpack.i.u.bf16.f32 v18;
	v18 =	vunpack.i.l.bf16.f32 v18  }
0x239: {  	v16 =	vadd.f32 v17, v16;
	v17 =	vadd.f32 v18, v19;
	_ =	sdelay $0x1  }
0x23a: {  	v16 =	vadd.f32 v17, v16;
	_ =	sdelay $0x1  }
0x23b: {  	[tilespmem:$0xED52] =	vst v16  }
0x23c: {  	v16 =	vld [tilespmem:s28+$0xAE00]  }
0x23d: {  	v17 =	vld [tilespmem:s28+$0xC200]  }
0x23e: {  	v56 =	vld [tilespmem:s28+$0xD600]  }
0x23f: {  	v57 =	vld [tilespmem:s28+$0xAE10]  }
0x240: {  	v58 =	vld [tilespmem:s28+$0xC210]  }
0x241: {  	v59 =	vld [tilespmem:s28+$0xD610]  }
0x242: {  	v60 =	vld [tilespmem:s28+$0xAE20]  }
0x243: {  	v61 =	vld [tilespmem:s28+$0xC220]  }
0x244: {  	v62 =	vld [tilespmem:s28+$0xD620]  }
0x245: {  	v63 =	vld [tilespmem:s28+$0xAE30]  }
0x246: {  	v26 =	vld [tilespmem:s28+$0xC230]  }
0x247: {  	v16 =	vmul.bf16 v17, v16  }
0x248: {  	v17 =	vmul.bf16 v58, v57  }
0x249: {  	v27 =	vld [tilespmem:s28+$0xD630];
	v28 =	vmul.bf16 v61, v60;
	v16 =	vmul.bf16 v56, v16  }
0x24a: {  	v17 =	vmul.bf16 v59, v17  }
0x24b: {  	v19 =	vmul.bf16 v26, v63;
	v20 =	vmul.bf16 v62, v28;
	v29 =	vunpack.i.u.bf16.f32 v16  }
0x24c: {  	v16 =	vunpack.i.l.bf16.f32 v16;
	v30 =	vunpack.i.u.bf16.f32 v17;
	v17 =	vunpack.i.l.bf16.f32 v17  }
0x24d: {  	v16 =	vadd.f32 v16, v29;
	v17 =	vadd.f32 v17, v30  }
0x24e: {  	v18 =	vmul.bf16 v27, v19;
	v31 =	vunpack.i.u.bf16.f32 v20;
	v20 =	vunpack.i.l.bf16.f32 v20  }
0x24f: {  	v16 =	vadd.f32 v17, v16;
	v17 =	vadd.f32 v20, v31  }
0x250: {  	v19 =	vunpack.i.u.bf16.f32 v18;
	v18 =	vunpack.i.l.bf16.f32 v18  }
0x251: {  	v16 =	vadd.f32 v17, v16;
	v17 =	vadd.f32 v18, v19;
	_ =	sdelay $0x1  }
0x252: {  	v16 =	vadd.f32 v17, v16;
	_ =	sdelay $0x1  }
0x253: {  	[tilespmem:$0xED63] =	vst v16  }
0x254: {  	v16 =	vld [tilespmem:s28+$0xAE40]  }
0x255: {  	v17 =	vld [tilespmem:s28+$0xC240]  }
0x256: {  	v32 =	vld [tilespmem:s28+$0xD640]  }
0x257: {  	v33 =	vld [tilespmem:s28+$0xAE50]  }
0x258: {  	v34 =	vld [tilespmem:s28+$0xC250]  }
0x259: {  	v35 =	vld [tilespmem:s28+$0xD650]  }
0x25a: {  	v36 =	vld [tilespmem:s28+$0xAE60]  }
0x25b: {  	v37 =	vld [tilespmem:s28+$0xC260]  }
0x25c: {  	v38 =	vld [tilespmem:s28+$0xD660]  }
0x25d: {  	v39 =	vld [tilespmem:s28+$0xAE70]  }
0x25e: {  	v40 =	vld [tilespmem:s28+$0xC270]  }
0x25f: {  	v16 =	vmul.bf16 v17, v16  }
0x260: {  	v17 =	vmul.bf16 v34, v33  }
0x261: {  	v41 =	vld [tilespmem:s28+$0xD670];
	v42 =	vmul.bf16 v37, v36;
	v16 =	vmul.bf16 v32, v16  }
0x262: {  	v17 =	vmul.bf16 v35, v17  }
0x263: {  	v19 =	vmul.bf16 v40, v39;
	v20 =	vmul.bf16 v38, v42;
	v43 =	vunpack.i.u.bf16.f32 v16  }
0x264: {  	v16 =	vunpack.i.l.bf16.f32 v16;
	v44 =	vunpack.i.u.bf16.f32 v17;
	v17 =	vunpack.i.l.bf16.f32 v17  }
0x265: {  	v16 =	vadd.f32 v16, v43;
	v17 =	vadd.f32 v17, v44  }
0x266: {  	v18 =	vmul.bf16 v41, v19;
	v45 =	vunpack.i.u.bf16.f32 v20;
	v20 =	vunpack.i.l.bf16.f32 v20  }
0x267: {  	v16 =	vadd.f32 v17, v16;
	v17 =	vadd.f32 v20, v45  }
0x268: {  	v19 =	vunpack.i.u.bf16.f32 v18;
	v18 =	vunpack.i.l.bf16.f32 v18  }
0x269: {  	v16 =	vadd.f32 v17, v16;
	v17 =	vadd.f32 v18, v19;
	_ =	sdelay $0x1  }
0x26a: {  	v16 =	vadd.f32 v17, v16;
	_ =	sdelay $0x1  }
0x26b: {  	[tilespmem:$0xED74] =	vst v16  }
0x26c: {  	v16 =	vld [tilespmem:s28+$0xAE80]  }
0x26d: {  	v17 =	vld [tilespmem:s28+$0xC280]  }
0x26e: {  	v46 =	vld [tilespmem:s28+$0xD680]  }
0x26f: {  	v47 =	vld [tilespmem:s28+$0xAE90]  }
0x270: {  	v48 =	vld [tilespmem:s28+$0xC290]  }
0x271: {  	v49 =	vld [tilespmem:s28+$0xD690]  }
0x272: {  	v50 =	vld [tilespmem:s28+$0xAEA0]  }
0x273: {  	v51 =	vld [tilespmem:s28+$0xC2A0]  }
0x274: {  	v52 =	vld [tilespmem:s28+$0xD6A0]  }
0x275: {  	v53 =	vld [tilespmem:s28+$0xAEB0]  }
0x276: {  	v54 =	vld [tilespmem:s28+$0xC2B0]  }
0x277: {  	v16 =	vmul.bf16 v17, v16  }
0x278: {  	v17 =	vmul.bf16 v48, v47  }
0x279: {  	v55 =	vld [tilespmem:s28+$0xD6B0];
	v56 =	vmul.bf16 v51, v50;
	v16 =	vmul.bf16 v46, v16  }
0x27a: {  	v17 =	vmul.bf16 v49, v17  }
0x27b: {  	v19 =	vmul.bf16 v54, v53;
	v20 =	vmul.bf16 v52, v56;
	v57 =	vunpack.i.u.bf16.f32 v16  }
0x27c: {  	v16 =	vunpack.i.l.bf16.f32 v16;
	v58 =	vunpack.i.u.bf16.f32 v17;
	v17 =	vunpack.i.l.bf16.f32 v17  }
0x27d: {  	v16 =	vadd.f32 v16, v57;
	v17 =	vadd.f32 v17, v58  }
0x27e: {  	v18 =	vmul.bf16 v55, v19;
	v59 =	vunpack.i.u.bf16.f32 v20;
	v20 =	vunpack.i.l.bf16.f32 v20  }
0x27f: {  	v16 =	vadd.f32 v17, v16;
	v17 =	vadd.f32 v20, v59  }
0x280: {  	v19 =	vunpack.i.u.bf16.f32 v18;
	v18 =	vunpack.i.l.bf16.f32 v18  }
0x281: {  	v16 =	vadd.f32 v17, v16;
	v17 =	vadd.f32 v18, v19;
	_ =	sdelay $0x1  }
0x282: {  	v16 =	vadd.f32 v17, v16;
	_ =	sdelay $0x1  }
0x283: {  	[tilespmem:$0xED85] =	vst v16  }
0x284: {  	v16 =	vld [tilespmem:s28+$0xAEC0]  }
0x285: {  	v17 =	vld [tilespmem:s28+$0xC2C0]  }
0x286: {  	v60 =	vld [tilespmem:s28+$0xD6C0]  }
0x287: {  	v61 =	vld [tilespmem:s28+$0xAED0]  }
0x288: {  	v62 =	vld [tilespmem:s28+$0xC2D0]  }
0x289: {  	v63 =	vld [tilespmem:s28+$0xD6D0]  }
0x28a: {  	v28 =	vld [tilespmem:s28+$0xAEE0]  }
0x28b: {  	v29 =	vld [tilespmem:s28+$0xC2E0]  }
0x28c: {  	v30 =	vld [tilespmem:s28+$0xD6E0]  }
0x28d: {  	v31 =	vld [tilespmem:s28+$0xAEF0]  }
0x28e: {  	v32 =	vld [tilespmem:s28+$0xC2F0]  }
0x28f: {  	v16 =	vmul.bf16 v17, v16  }
0x290: {  	v17 =	vmul.bf16 v62, v61  }
0x291: {  	v33 =	vld [tilespmem:s28+$0xD6F0];
	v34 =	vmul.bf16 v29, v28;
	v16 =	vmul.bf16 v60, v16  }
0x292: {  	v17 =	vmul.bf16 v63, v17  }
0x293: {  	v19 =	vmul.bf16 v32, v31;
	v20 =	vmul.bf16 v30, v34;
	v35 =	vunpack.i.u.bf16.f32 v16  }
0x294: {  	v16 =	vunpack.i.l.bf16.f32 v16;
	v36 =	vunpack.i.u.bf16.f32 v17;
	v17 =	vunpack.i.l.bf16.f32 v17  }
0x295: {  	v16 =	vadd.f32 v16, v35;
	v17 =	vadd.f32 v17, v36  }
0x296: {  	v18 =	vmul.bf16 v33, v19;
	v37 =	vunpack.i.u.bf16.f32 v20;
	v20 =	vunpack.i.l.bf16.f32 v20  }
0x297: {  	v16 =	vadd.f32 v17, v16;
	v17 =	vadd.f32 v20, v37  }
0x298: {  	v19 =	vunpack.i.u.bf16.f32 v18;
	v18 =	vunpack.i.l.bf16.f32 v18  }
0x299: {  	v16 =	vadd.f32 v17, v16;
	v17 =	vadd.f32 v18, v19;
	_ =	sdelay $0x1  }
0x29a: {  	v16 =	vadd.f32 v17, v16;
	_ =	sdelay $0x1  }
0x29b: {  	[tilespmem:$0xED96] =	vst v16  }
0x29c: {  	v16 =	vld [tilespmem:s28+$0xAF00]  }
0x29d: {  	v17 =	vld [tilespmem:s28+$0xC300]  }
0x29e: {  	v38 =	vld [tilespmem:s28+$0xD700]  }
0x29f: {  	v39 =	vld [tilespmem:s28+$0xAF10]  }
0x2a0: {  	v40 =	vld [tilespmem:s28+$0xC310]  }
0x2a1: {  	v41 =	vld [tilespmem:s28+$0xD710]  }
0x2a2: {  	v42 =	vld [tilespmem:s28+$0xAF20]  }
0x2a3: {  	v43 =	vld [tilespmem:s28+$0xC320]  }
0x2a4: {  	v44 =	vld [tilespmem:s28+$0xD720]  }
0x2a5: {  	v45 =	vld [tilespmem:s28+$0xAF30]  }
0x2a6: {  	v46 =	vld [tilespmem:s28+$0xC330]  }
0x2a7: {  	v16 =	vmul.bf16 v17, v16  }
0x2a8: {  	v17 =	vmul.bf16 v40, v39  }
0x2a9: {  	v47 =	vld [tilespmem:s28+$0xD730];
	v48 =	vmul.bf16 v43, v42;
	v16 =	vmul.bf16 v38, v16  }
0x2aa: {  	v17 =	vmul.bf16 v41, v17  }
0x2ab: {  	v19 =	vmul.bf16 v46, v45;
	v20 =	vmul.bf16 v44, v48;
	v49 =	vunpack.i.u.bf16.f32 v16  }
0x2ac: {  	v16 =	vunpack.i.l.bf16.f32 v16;
	v50 =	vunpack.i.u.bf16.f32 v17;
	v17 =	vunpack.i.l.bf16.f32 v17  }
0x2ad: {  	v16 =	vadd.f32 v16, v49;
	v17 =	vadd.f32 v17, v50  }
0x2ae: {  	v18 =	vmul.bf16 v47, v19;
	v51 =	vunpack.i.u.bf16.f32 v20;
	v20 =	vunpack.i.l.bf16.f32 v20  }
0x2af: {  	v16 =	vadd.f32 v17, v16;
	v17 =	vadd.f32 v20, v51  }
0x2b0: {  	v19 =	vunpack.i.u.bf16.f32 v18;
	v18 =	vunpack.i.l.bf16.f32 v18  }
0x2b1: {  	v16 =	vadd.f32 v17, v16;
	v17 =	vadd.f32 v18, v19;
	_ =	sdelay $0x1  }
0x2b2: {  	v16 =	vadd.f32 v17, v16;
	_ =	sdelay $0x1  }
0x2b3: {  	[tilespmem:$0xEDA7] =	vst v16  }
0x2b4: {  	v16 =	vld [tilespmem:s28+$0xAF40]  }
0x2b5: {  	v17 =	vld [tilespmem:s28+$0xC340]  }
0x2b6: {  	v52 =	vld [tilespmem:s28+$0xD740]  }
0x2b7: {  	v53 =	vld [tilespmem:s28+$0xAF50]  }
0x2b8: {  	v54 =	vld [tilespmem:s28+$0xC350]  }
0x2b9: {  	v55 =	vld [tilespmem:s28+$0xD750]  }
0x2ba: {  	v56 =	vld [tilespmem:s28+$0xAF60]  }
0x2bb: {  	v57 =	vld [tilespmem:s28+$0xC360]  }
0x2bc: {  	v58 =	vld [tilespmem:s28+$0xD760]  }
0x2bd: {  	v59 =	vld [tilespmem:s28+$0xAF70]  }
0x2be: {  	v60 =	vld [tilespmem:s28+$0xC370]  }
0x2bf: {  	v16 =	vmul.bf16 v17, v16  }
0x2c0: {  	v17 =	vmul.bf16 v54, v53  }
0x2c1: {  	v61 =	vld [tilespmem:s28+$0xD770];
	v62 =	vmul.bf16 v57, v56;
	v16 =	vmul.bf16 v52, v16  }
0x2c2: {  	v17 =	vmul.bf16 v55, v17  }
0x2c3: {  	v19 =	vmul.bf16 v60, v59;
	v20 =	vmul.bf16 v58, v62;
	v63 =	vunpack.i.u.bf16.f32 v16  }
0x2c4: {  	v16 =	vunpack.i.l.bf16.f32 v16;
	v26 =	vunpack.i.u.bf16.f32 v17;
	v17 =	vunpack.i.l.bf16.f32 v17  }
0x2c5: {  	v16 =	vadd.f32 v16, v63;
	v17 =	vadd.f32 v17, v26  }
0x2c6: {  	v18 =	vmul.bf16 v61, v19;
	v27 =	vunpack.i.u.bf16.f32 v20;
	v20 =	vunpack.i.l.bf16.f32 v20  }
0x2c7: {  	v16 =	vadd.f32 v17, v16;
	v17 =	vadd.f32 v20, v27  }
0x2c8: {  	v19 =	vunpack.i.u.bf16.f32 v18;
	v18 =	vunpack.i.l.bf16.f32 v18  }
0x2c9: {  	v16 =	vadd.f32 v17, v16;
	v17 =	vadd.f32 v18, v19;
	_ =	sdelay $0x1  }
0x2ca: {  	v16 =	vadd.f32 v17, v16;
	_ =	sdelay $0x1  }
0x2cb: {  	[tilespmem:$0xEDB8] =	vst v16  }
0x2cc: {  	v16 =	vld [tilespmem:s28+$0xAF80]  }
0x2cd: {  	v17 =	vld [tilespmem:s28+$0xC380]  }
0x2ce: {  	v28 =	vld [tilespmem:s28+$0xD780]  }
0x2cf: {  	v29 =	vld [tilespmem:s28+$0xAF90]  }
0x2d0: {  	v30 =	vld [tilespmem:s28+$0xC390]  }
0x2d1: {  	v31 =	vld [tilespmem:s28+$0xD790]  }
0x2d2: {  	v32 =	vld [tilespmem:s28+$0xAFA0]  }
0x2d3: {  	v33 =	vld [tilespmem:s28+$0xC3A0]  }
0x2d4: {  	v34 =	vld [tilespmem:s28+$0xD7A0]  }
0x2d5: {  	v35 =	vld [tilespmem:s28+$0xAFB0]  }
0x2d6: {  	v36 =	vld [tilespmem:s28+$0xC3B0]  }
0x2d7: {  	v16 =	vmul.bf16 v17, v16  }
0x2d8: {  	v17 =	vmul.bf16 v30, v29  }
0x2d9: {  	v37 =	vld [tilespmem:s28+$0xD7B0];
	v38 =	vmul.bf16 v33, v32;
	v16 =	vmul.bf16 v28, v16  }
0x2da: {  	v17 =	vmul.bf16 v31, v17  }
0x2db: {  	v19 =	vmul.bf16 v36, v35;
	v20 =	vmul.bf16 v34, v38;
	v39 =	vunpack.i.u.bf16.f32 v16  }
0x2dc: {  	v16 =	vunpack.i.l.bf16.f32 v16;
	v40 =	vunpack.i.u.bf16.f32 v17;
	v17 =	vunpack.i.l.bf16.f32 v17  }
0x2dd: {  	v16 =	vadd.f32 v16, v39;
	v17 =	vadd.f32 v17, v40  }
0x2de: {  	v18 =	vmul.bf16 v37, v19;
	v41 =	vunpack.i.u.bf16.f32 v20;
	v20 =	vunpack.i.l.bf16.f32 v20  }
0x2df: {  	v16 =	vadd.f32 v17, v16;
	v17 =	vadd.f32 v20, v41  }
0x2e0: {  	v19 =	vunpack.i.u.bf16.f32 v18;
	v18 =	vunpack.i.l.bf16.f32 v18  }
0x2e1: {  	v16 =	vadd.f32 v17, v16;
	v17 =	vadd.f32 v18, v19;
	_ =	sdelay $0x1  }
0x2e2: {  	v16 =	vadd.f32 v17, v16;
	_ =	sdelay $0x1  }
0x2e3: {  	[tilespmem:$0xEDC9] =	vst v16  }
0x2e4: {  	v16 =	vld [tilespmem:s28+$0xAFC0]  }
0x2e5: {  	v17 =	vld [tilespmem:s28+$0xC3C0]  }
0x2e6: {  	v42 =	vld [tilespmem:s28+$0xD7C0]  }
0x2e7: {  	v43 =	vld [tilespmem:s28+$0xAFD0]  }
0x2e8: {  	v44 =	vld [tilespmem:s28+$0xC3D0]  }
0x2e9: {  	v45 =	vld [tilespmem:s28+$0xD7D0]  }
0x2ea: {  	v46 =	vld [tilespmem:s28+$0xAFE0]  }
0x2eb: {  	v47 =	vld [tilespmem:s28+$0xC3E0]  }
0x2ec: {  	v48 =	vld [tilespmem:s28+$0xD7E0]  }
0x2ed: {  	v49 =	vld [tilespmem:s28+$0xAFF0]  }
0x2ee: {  	v50 =	vld [tilespmem:s28+$0xC3F0]  }
0x2ef: {  	v16 =	vmul.bf16 v17, v16  }
0x2f0: {  	v17 =	vmul.bf16 v44, v43  }
0x2f1: {  	v51 =	vld [tilespmem:s28+$0xD7F0];
	v52 =	vmul.bf16 v47, v46;
	v16 =	vmul.bf16 v42, v16  }
0x2f2: {  	v17 =	vmul.bf16 v45, v17  }
0x2f3: {  	v19 =	vmul.bf16 v50, v49;
	v20 =	vmul.bf16 v48, v52;
	v53 =	vunpack.i.u.bf16.f32 v16  }
0x2f4: {  	v16 =	vunpack.i.l.bf16.f32 v16;
	v54 =	vunpack.i.u.bf16.f32 v17;
	v17 =	vunpack.i.l.bf16.f32 v17  }
0x2f5: {  	v16 =	vadd.f32 v16, v53;
	v17 =	vadd.f32 v17, v54  }
0x2f6: {  	v18 =	vmul.bf16 v51, v19;
	v55 =	vunpack.i.u.bf16.f32 v20;
	v20 =	vunpack.i.l.bf16.f32 v20  }
0x2f7: {  	v16 =	vadd.f32 v17, v16;
	v17 =	vadd.f32 v20, v55  }
0x2f8: {  	v19 =	vunpack.i.u.bf16.f32 v18;
	v18 =	vunpack.i.l.bf16.f32 v18  }
0x2f9: {  	v16 =	vadd.f32 v17, v16;
	v17 =	vadd.f32 v18, v19;
	_ =	sdelay $0x1  }
0x2fa: {  	v16 =	vadd.f32 v17, v16;
	_ =	sdelay $0x1  }
0x2fb: {  	[tilespmem:$0xEDDA] =	vst v16  }
0x2fc: {  	v16 =	vld [tilespmem:s28+$0xB000]  }
0x2fd: {  	v17 =	vld [tilespmem:s28+$0xC400]  }
0x2fe: {  	v56 =	vld [tilespmem:s28+$0xD800]  }
0x2ff: {  	v57 =	vld [tilespmem:s28+$0xB010]  }
0x300: {  	v58 =	vld [tilespmem:s28+$0xC410]  }
0x301: {  	v59 =	vld [tilespmem:s28+$0xD810]  }
0x302: {  	v60 =	vld [tilespmem:s28+$0xB020]  }
0x303: {  	v61 =	vld [tilespmem:s28+$0xC420]  }
0x304: {  	v62 =	vld [tilespmem:s28+$0xD820]  }
0x305: {  	v63 =	vld [tilespmem:s28+$0xB030]  }
0x306: {  	v28 =	vld [tilespmem:s28+$0xC430]  }
0x307: {  	v16 =	vmul.bf16 v17, v16  }
0x308: {  	v17 =	vmul.bf16 v58, v57  }
0x309: {  	v29 =	vld [tilespmem:s28+$0xD830];
	v30 =	vmul.bf16 v61, v60;
	v16 =	vmul.bf16 v56, v16  }
0x30a: {  	v17 =	vmul.bf16 v59, v17  }
0x30b: {  	v19 =	vmul.bf16 v28, v63;
	v20 =	vmul.bf16 v62, v30;
	v31 =	vunpack.i.u.bf16.f32 v16  }
0x30c: {  	v16 =	vunpack.i.l.bf16.f32 v16;
	v32 =	vunpack.i.u.bf16.f32 v17;
	v17 =	vunpack.i.l.bf16.f32 v17  }
0x30d: {  	v16 =	vadd.f32 v16, v31;
	v17 =	vadd.f32 v17, v32  }
0x30e: {  	v18 =	vmul.bf16 v29, v19;
	v33 =	vunpack.i.u.bf16.f32 v20;
	v20 =	vunpack.i.l.bf16.f32 v20  }
0x30f: {  	v16 =	vadd.f32 v17, v16;
	v17 =	vadd.f32 v20, v33  }
0x310: {  	v19 =	vunpack.i.u.bf16.f32 v18;
	v18 =	vunpack.i.l.bf16.f32 v18  }
0x311: {  	v16 =	vadd.f32 v17, v16;
	v17 =	vadd.f32 v18, v19;
	_ =	sdelay $0x1  }
0x312: {  	v16 =	vadd.f32 v17, v16;
	_ =	sdelay $0x1  }
0x313: {  	[tilespmem:$0xEDEB] =	vst v16  }
0x314: {  	v16 =	vld [tilespmem:s28+$0xB040]  }
0x315: {  	v17 =	vld [tilespmem:s28+$0xC440]  }
0x316: {  	v34 =	vld [tilespmem:s28+$0xD840]  }
0x317: {  	v35 =	vld [tilespmem:s28+$0xB050]  }
0x318: {  	v36 =	vld [tilespmem:s28+$0xC450]  }
0x319: {  	v37 =	vld [tilespmem:s28+$0xD850]  }
0x31a: {  	v38 =	vld [tilespmem:s28+$0xB060]  }
0x31b: {  	v39 =	vld [tilespmem:s28+$0xC460]  }
0x31c: {  	v40 =	vld [tilespmem:s28+$0xD860]  }
0x31d: {  	v41 =	vld [tilespmem:s28+$0xB070]  }
0x31e: {  	v42 =	vld [tilespmem:s28+$0xC470]  }
0x31f: {  	v16 =	vmul.bf16 v17, v16  }
0x320: {  	v17 =	vmul.bf16 v36, v35  }
0x321: {  	v43 =	vld [tilespmem:s28+$0xD870];
	v44 =	vmul.bf16 v39, v38;
	v16 =	vmul.bf16 v34, v16  }
0x322: {  	v17 =	vmul.bf16 v37, v17  }
0x323: {  	v19 =	vmul.bf16 v42, v41;
	v20 =	vmul.bf16 v40, v44;
	v45 =	vunpack.i.u.bf16.f32 v16  }
0x324: {  	v16 =	vunpack.i.l.bf16.f32 v16;
	v46 =	vunpack.i.u.bf16.f32 v17;
	v17 =	vunpack.i.l.bf16.f32 v17  }
0x325: {  	v16 =	vadd.f32 v16, v45;
	v17 =	vadd.f32 v17, v46  }
0x326: {  	v18 =	vmul.bf16 v43, v19;
	v47 =	vunpack.i.u.bf16.f32 v20;
	v20 =	vunpack.i.l.bf16.f32 v20  }
0x327: {  	v16 =	vadd.f32 v17, v16;
	v17 =	vadd.f32 v20, v47  }
0x328: {  	v19 =	vunpack.i.u.bf16.f32 v18;
	v18 =	vunpack.i.l.bf16.f32 v18  }
0x329: {  	v16 =	vadd.f32 v17, v16;
	v17 =	vadd.f32 v18, v19;
	_ =	sdelay $0x1  }
0x32a: {  	v16 =	vadd.f32 v17, v16;
	_ =	sdelay $0x1  }
0x32b: {  	[tilespmem:$0xEDFC] =	vst v16  }
0x32c: {  	v16 =	vld [tilespmem:s28+$0xB080]  }
0x32d: {  	v17 =	vld [tilespmem:s28+$0xC480]  }
0x32e: {  	v48 =	vld [tilespmem:s28+$0xD880]  }
0x32f: {  	v49 =	vld [tilespmem:s28+$0xB090]  }
0x330: {  	v50 =	vld [tilespmem:s28+$0xC490]  }
0x331: {  	v51 =	vld [tilespmem:s28+$0xD890]  }
0x332: {  	v52 =	vld [tilespmem:s28+$0xB0A0]  }
0x333: {  	v53 =	vld [tilespmem:s28+$0xC4A0]  }
0x334: {  	v54 =	vld [tilespmem:s28+$0xD8A0]  }
0x335: {  	v55 =	vld [tilespmem:s28+$0xB0B0]  }
0x336: {  	v56 =	vld [tilespmem:s28+$0xC4B0]  }
0x337: {  	v16 =	vmul.bf16 v17, v16  }
0x338: {  	v17 =	vmul.bf16 v50, v49  }
0x339: {  	v57 =	vld [tilespmem:s28+$0xD8B0];
	v58 =	vmul.bf16 v53, v52;
	v16 =	vmul.bf16 v48, v16  }
0x33a: {  	v17 =	vmul.bf16 v51, v17  }
0x33b: {  	v19 =	vmul.bf16 v56, v55;
	v20 =	vmul.bf16 v54, v58;
	v59 =	vunpack.i.u.bf16.f32 v16  }
0x33c: {  	v16 =	vunpack.i.l.bf16.f32 v16;
	v60 =	vunpack.i.u.bf16.f32 v17;
	v17 =	vunpack.i.l.bf16.f32 v17  }
0x33d: {  	v16 =	vadd.f32 v16, v59;
	v17 =	vadd.f32 v17, v60  }
0x33e: {  	v18 =	vmul.bf16 v57, v19;
	v61 =	vunpack.i.u.bf16.f32 v20;
	v20 =	vunpack.i.l.bf16.f32 v20  }
0x33f: {  	v16 =	vadd.f32 v17, v16;
	v17 =	vadd.f32 v20, v61  }
0x340: {  	v19 =	vunpack.i.u.bf16.f32 v18;
	v18 =	vunpack.i.l.bf16.f32 v18  }
0x341: {  	v16 =	vadd.f32 v17, v16;
	v17 =	vadd.f32 v18, v19;
	_ =	sdelay $0x1  }
0x342: {  	v16 =	vadd.f32 v17, v16;
	_ =	sdelay $0x1  }
0x343: {  	[tilespmem:$0xEE0D] =	vst v16  }
0x344: {  	v16 =	vld [tilespmem:s28+$0xB0C0]  }
0x345: {  	v17 =	vld [tilespmem:s28+$0xC4C0]  }
0x346: {  	v62 =	vld [tilespmem:s28+$0xD8C0]  }
0x347: {  	v63 =	vld [tilespmem:s28+$0xB0D0]  }
0x348: {  	v28 =	vld [tilespmem:s28+$0xC4D0]  }
0x349: {  	v29 =	vld [tilespmem:s28+$0xD8D0]  }
0x34a: {  	v30 =	vld [tilespmem:s28+$0xB0E0]  }
0x34b: {  	v31 =	vld [tilespmem:s28+$0xC4E0]  }
0x34c: {  	v32 =	vld [tilespmem:s28+$0xD8E0]  }
0x34d: {  	v33 =	vld [tilespmem:s28+$0xB0F0]  }
0x34e: {  	v34 =	vld [tilespmem:s28+$0xC4F0]  }
0x34f: {  	v16 =	vmul.bf16 v17, v16  }
0x350: {  	v17 =	vmul.bf16 v28, v63  }
0x351: {  	v35 =	vld [tilespmem:s28+$0xD8F0];
	v36 =	vmul.bf16 v31, v30;
	v16 =	vmul.bf16 v62, v16  }
0x352: {  	v17 =	vmul.bf16 v29, v17  }
0x353: {  	v19 =	vmul.bf16 v34, v33;
	v20 =	vmul.bf16 v32, v36;
	v37 =	vunpack.i.u.bf16.f32 v16  }
0x354: {  	v16 =	vunpack.i.l.bf16.f32 v16;
	v38 =	vunpack.i.u.bf16.f32 v17;
	v17 =	vunpack.i.l.bf16.f32 v17  }
0x355: {  	v16 =	vadd.f32 v16, v37;
	v17 =	vadd.f32 v17, v38  }
0x356: {  	v18 =	vmul.bf16 v35, v19;
	v39 =	vunpack.i.u.bf16.f32 v20;
	v20 =	vunpack.i.l.bf16.f32 v20  }
0x357: {  	v16 =	vadd.f32 v17, v16;
	v17 =	vadd.f32 v20, v39  }
0x358: {  	v19 =	vunpack.i.u.bf16.f32 v18;
	v18 =	vunpack.i.l.bf16.f32 v18  }
0x359: {  	v16 =	vadd.f32 v17, v16;
	v17 =	vadd.f32 v18, v19;
	_ =	sdelay $0x1  }
0x35a: {  	v16 =	vadd.f32 v17, v16;
	_ =	sdelay $0x1  }
0x35b: {  	[tilespmem:$0xEE1E] =	vst v16  }
0x35c: {  	v16 =	vld [tilespmem:s28+$0xB100]  }
0x35d: {  	v17 =	vld [tilespmem:s28+$0xC500]  }
0x35e: {  	v40 =	vld [tilespmem:s28+$0xD900]  }
0x35f: {  	v41 =	vld [tilespmem:s28+$0xB110]  }
0x360: {  	v42 =	vld [tilespmem:s28+$0xC510]  }
0x361: {  	v43 =	vld [tilespmem:s28+$0xD910]  }
0x362: {  	v44 =	vld [tilespmem:s28+$0xB120]  }
0x363: {  	v45 =	vld [tilespmem:s28+$0xC520]  }
0x364: {  	v46 =	vld [tilespmem:s28+$0xD920]  }
0x365: {  	v47 =	vld [tilespmem:s28+$0xB130]  }
0x366: {  	v16 =	vmul.bf16 v17, v16;
	v17 =	vld [tilespmem:s28+$0xC530]  }
0x367: {  	v19 =	vmul.bf16 v42, v41  }
0x368: {  	v49 =	vld [tilespmem:s28+$0xD930];
	v48 =	vmul.bf16 v45, v44;
	v16 =	vmul.bf16 v40, v16  }
0x369: {  	v19 =	vmul.bf16 v43, v19  }
0x36a: {  	v18 =	vmul.bf16 v46, v48;
	v50 =	vunpack.i.u.bf16.f32 v16;
	v16 =	vunpack.i.l.bf16.f32 v16  }
0x36b: {  	v51 =	vunpack.i.u.bf16.f32 v19;
	v19 =	vunpack.i.l.bf16.f32 v19;
	v17 =	vmul.bf16 v17, v47  }
0x36c: {  	v16 =	vadd.f32 v16, v50;
	v19 =	vadd.f32 v19, v51  }
0x36d: {  	v52 =	vunpack.i.u.bf16.f32 v18;
	v18 =	vunpack.i.l.bf16.f32 v18;
	v17 =	vmul.bf16 v49, v17  }
0x36e: {  	v18 =	vadd.f32 v18, v52;
	v16 =	vadd.f32 v19, v16  }
0x36f: {  	v53 =	vunpack.i.u.bf16.f32 v17;
	v17 =	vunpack.i.l.bf16.f32 v17  }
0x370: {  	v16 =	vadd.f32 v18, v16;
	v17 =	vadd.f32 v17, v53;
	_ =	sdelay $0x1  }
0x371: {  	v16 =	vadd.f32 v17, v16;
	_ =	sdelay $0x1  }
0x372: {  	[tilespmem:$0xEE2F] =	vst v16  }
0x373: {  	v16 =	vld.idx.msk [tilespmem:v0+s18+$0x0], $0xffff  }
0x374: {  	v17 =	vld.idx.msk [tilespmem:v1+s18+$0x0], $0xffff;
	_ =	sdelay $0x1  }
0x375: {  	v54 =	vld.idx.msk [tilespmem:v2+s18+$0x0], $0xffff;
	_ =	sdelay $0x1  }
0x376: {  	v55 =	vld.idx.msk [tilespmem:v3+s18+$0x0], $0xffff  }
0x377: {  	v16 =	vadd.f32 v17, v16  }
0x378: {  	v17 =	vld.idx.msk [tilespmem:v4+s18+$0x0], $0xffff  }
0x379: {  	v16 =	vadd.f32 v54, v16  }
0x37a: {  	v56 =	vld.idx.msk [tilespmem:v5+s18+$0x0], $0xffff  }
0x37b: {  	v16 =	vadd.f32 v55, v16  }
0x37c: {  	v57 =	vld.idx.msk [tilespmem:v6+s18+$0x0], $0xffff  }
0x37d: {  	v16 =	vadd.f32 v17, v16  }
0x37e: {  	v17 =	vld.idx.msk [tilespmem:v7+s18+$0x0], $0xffff  }
0x37f: {  	v16 =	vadd.f32 v56, v16  }
0x380: {  	v58 =	vld.idx.msk [tilespmem:v8+s18+$0x0], $0xffff  }
0x381: {  	v16 =	vadd.f32 v57, v16  }
0x382: {  	v59 =	vld.idx.msk [tilespmem:v9+s18+$0x0], $0xffff  }
0x383: {  	v16 =	vadd.f32 v17, v16  }
0x384: {  	v17 =	vld.idx.msk [tilespmem:v10+s18+$0x0], $0xffff  }
0x385: {  	v16 =	vadd.f32 v58, v16  }
0x386: {  	v60 =	vld.idx.msk [tilespmem:v11+s18+$0x0], $0xffff  }
0x387: {  	v16 =	vadd.f32 v59, v16  }
0x388: {  	v61 =	vld.idx.msk [tilespmem:v12+s18+$0x0], $0xffff  }
0x389: {  	v16 =	vadd.f32 v17, v16  }
0x38a: {  	v17 =	vld.idx.msk [tilespmem:v13+s18+$0x0], $0xffff  }
0x38b: {  	v16 =	vadd.f32 v60, v16  }
0x38c: {  	v62 =	vld.idx.msk [tilespmem:v14+s18+$0x0], $0xffff  }
0x38d: {  	v16 =	vadd.f32 v61, v16  }
0x38e: {  	v63 =	vld.idx.msk [tilespmem:v15+s18+$0x0], $0xffff  }
0x38f: {  	v16 =	vadd.f32 v17, v16  }
0x390: {  	p0 =	sne.s32 s25, $0x4FC0  }
.Ltmp6:
0x391: {  	v16 =	vadd.f32 v62, v16;
	(pc) =	sbr.rel @p0 .LBB2_6-.Ltmp6, $3  }
0x392: {  	_ = 	snop  }
0x393: {  	v16 =	vadd.f32 v63, v16;
	_ =	sdelay $0x1  }
0x394: {  	s25 =	sadd.s32 $0x1000, s25;
	[tilespmem:s26+$0x0] =	vst v16;
	s26 =	sadd.s32 $0x10, s26  }
.Ltmp7:
0x395: {  	_ = 	snop;
	(pc) =	sbr.rel .LBB2_7-.Ltmp7, $1  }
0x396: {  	_ =	sdelay $0x3  }
.LBB2_9:
0x397: {  	_ =	sfence.sel $0x180000  }
0x398: {  	[bflag:$0x0] =	sbarrier.arrive $0xFFFF  }
0x399: {  	p0 =	sne.s32 s0, $0x0;
	_ =	strace $0x90000047  }
0x39a: {  	s0 =	sadd.s32 @!p0 $0x100000, s1;
	[bflag:$0x2] =	sbarrier.arrive $0xFFFF  }
0x39b: {  	[sflag:s0] =	ssyncadd.tile.s32 @!p0 $0x1;
	_ =	shalt  }
.Lfunc_end2:
_tile_overlayer_lowered:
.L_overlay_start_2:
0x39c: {  	(tag) =	ssettag $0x2  }
0x39d: {  	s0 =	rddreg [dreg:$0x0];
	s2 =	stileid.u32  }
0x39e: {  	s1 =	rddreg [dreg:$0x1];
	p0 =	sne.s32 s2, $0x0  }
0x39f: {  	s3 =	rddreg [dreg:$0x2];
	[bflag:$0x3] =	sbarrier.arrive $0xFFFF;
	s2 =	simm.s32 @!p0 $0x1C03  }
0x3a0: {  	[timem:s3], [sflag:s2] =	dma.local @!p0 [hbm:s0], s1  }
0x3a1: {  	s0 =	simm.s32 @!p0 $0x3  }
0x3a2: {  	_ =	swait.ge @!p0 [sflag:s0], s1  }
0x3a3: {  	s1 =	ssub.s32 @!p0 $0x0, s1;
	[sflag:s0] =	ssyncset.done @!p0 $0x0  }
0x3a4: {  	[sflag:s0] =	ssyncadd.s32 @!p0 s1  }
0x3a5: {  	[bflag:$0x3] =	sbarrier.arrive $0xFFFF  }
0x3a6: {  	_ =	shalt  }

</sc_bundles>
